<compile_context>
chip_gen: v7x
topology: tpu7x:2x2x1
jax: 0.10.2.dev20260603
libtpu: 0.0.44.dev20260713+nightly
codegen_flags: <defaults>
</compile_context>

<pallas_src>
import jax
import jax.numpy as jnp
from jax import lax
from jax.experimental import pallas as pl
from jax.experimental.pallas import tpu as pltpu
from jax.experimental.pallas import tpu_sc as plsc

N = 10000
E = 320000
D = 128
C = 64

NC = 2
NS = 16
NW = NC * NS
K = 80
EPT = E // NW
NCHUNK = EPT // K
ZR = 80
NZCH = N // ZR
ZITER = (NZCH + NS - 1) // NS
LANES = 16


def _zero_rows(ref, nrows):
  zv = jnp.zeros((LANES,), jnp.float32)

  def zr(i, c):
    for j in range(D // LANES):
      ref[i, pl.ds(j * LANES, LANES)] = zv
    return c
  lax.fori_loop(0, nrows, zr, 0)


def _zero_shared(sid, zsrc, acc_sh):
  def zs(t, carry):
    ch = t * NS + sid

    @pl.when(ch < NZCH)
    def _():
      pltpu.sync_copy(zsrc, acc_sh.at[pl.ds(ch * ZR, ZR), :])
    return carry
  lax.fori_loop(0, ZITER, zs, 0)


def _writeback(cid, sid, acc_sh, bounce_v, acc_out):
  def wb(t, carry):
    ch = t * NS + sid

    @pl.when(ch < NZCH)
    def _():
      r = ch * ZR
      pltpu.sync_copy(acc_sh.at[pl.ds(r, ZR), :], bounce_v)
      pltpu.sync_copy(bounce_v, acc_out.at[cid, pl.ds(r, ZR), :])
    return carry
  lax.fori_loop(0, ZITER, wb, 0)


QITER = (NCHUNK + 3) // 4 + 1


def _sc_layer_body(feat, src, dst, xe, acc_out, src_v0, src_v1, src_v2,
                   src_v3, dst_v0, dst_v1, dst_v2, dst_v3, rows0, rows1,
                   xe0, xe1, acc_sh, sem_i0, sem_i1, sem_g0, sem_g1,
                   sem_x0, sem_x1, sem_s0, sem_s1):
  cid = lax.axis_index("c")
  sid = lax.axis_index("s")
  wid = cid * NS + sid
  src_v = (src_v0, src_v1, src_v2, src_v3)
  dst_v = (dst_v0, dst_v1, dst_v2, dst_v3)
  rows_v = (rows0, rows1)
  xe_v = (xe0, xe1)
  sem_i = (sem_i0, sem_i1)
  sem_g = (sem_g0, sem_g1)
  sem_x = (sem_x0, sem_x1)
  sem_s = (sem_s0, sem_s1)

  _zero_rows(rows0, ZR)
  _zero_shared(sid, rows0, acc_sh)
  plsc.subcore_barrier()

  ebase = wid * EPT

  def iss_idx(c, b4):
    @pl.when(c < NCHUNK)
    def _():
      base = ebase + c * K
      pltpu.async_copy(src.at[pl.ds(base, K)], src_v[b4], sem_i[b4 % 2])
      pltpu.async_copy(dst.at[pl.ds(base, K)], dst_v[b4], sem_i[b4 % 2])

  def wait_idx(c, b4):
    @pl.when(c < NCHUNK)
    def _():
      base = ebase + c * K
      pltpu.make_async_copy(src.at[pl.ds(base, K)], src_v[b4],
                            sem_i[b4 % 2]).wait()
      pltpu.make_async_copy(dst.at[pl.ds(base, K)], dst_v[b4],
                            sem_i[b4 % 2]).wait()

  def iss_gather(c, b4, b2):
    @pl.when(c < NCHUNK)
    def _():
      pltpu.async_copy(feat.at[src_v[b4]], rows_v[b2], sem_g[b2])

  def iss_xe(c, b2):
    @pl.when(c < NCHUNK)
    def _():
      base = ebase + c * K
      pltpu.async_copy(xe.at[pl.ds(base, K), :], xe_v[b2], sem_x[b2])

  iss_idx(0, 0)
  iss_idx(1, 1)
  wait_idx(0, 0)
  iss_gather(0, 0, 0)
  iss_xe(0, 0)

  def quad(q, carry):
    for b4 in (0, 1, 2, 3):
      c = 4 * q + b4
      b2 = b4 % 2
      n2 = 1 - b2
      wait_idx(c + 1, (b4 + 1) % 4)
      iss_gather(c + 1, (b4 + 1) % 4, n2)

      @pl.when(c < NCHUNK)
      def _():
        base = ebase + c * K
        pltpu.make_async_copy(feat.at[src_v[b4]], rows_v[b2],
                              sem_g[b2]).wait()
        pltpu.make_async_copy(xe.at[pl.ds(base, K), :], xe_v[b2],
                              sem_x[b2]).wait()

        @plsc.parallel_loop(0, K, unroll=4)
        def _pl(i):
          for j in range(D // LANES):
            s = pl.ds(j * LANES, LANES)
            xe_v[b2][i, s] = jnp.maximum(rows_v[b2][i, s] + xe_v[b2][i, s],
                                         0.0)

        pltpu.async_copy(xe_v[b2], acc_sh.at[dst_v[b4]], sem_s[b2],
                         add=True)

      @pl.when((c >= 1) & (c <= NCHUNK))
      def _():
        pltpu.make_async_copy(xe_v[n2], acc_sh.at[dst_v[(b4 + 3) % 4]],
                              sem_s[n2]).wait()

      iss_xe(c + 1, n2)
      iss_idx(c + 2, (b4 + 2) % 4)
    return carry
  lax.fori_loop(0, QITER, quad, 0)

  plsc.subcore_barrier()
  _writeback(cid, sid, acc_sh, rows0, acc_out)


CW = 128


def _sc_cnt_body(dst, cnt_out, dst_v0, dst_v1, dst_v2, dst_v3, ones_v,
                 cnt_sh, sem_i0, sem_i1, sem_s0, sem_s1):
  cid = lax.axis_index("c")
  sid = lax.axis_index("s")
  wid = cid * NS + sid
  dst_v = (dst_v0, dst_v1, dst_v2, dst_v3)
  sem_i = (sem_i0, sem_i1)
  sem_s = (sem_s0, sem_s1)

  zv = jnp.zeros((LANES,), jnp.float32)

  def zr(i, c):
    for j in range(CW // LANES):
      ones_v[i, pl.ds(j * LANES, LANES)] = zv
    return c
  lax.fori_loop(0, ZR, zr, 0)
  _zero_shared(sid, ones_v, cnt_sh)

  lane = lax.iota(jnp.int32, LANES)
  one_row = jnp.where(lane == 0, 1.0, 0.0).astype(jnp.float32)

  def init_ones(i, carry):
    ones_v[i, pl.ds(0, LANES)] = one_row
    return carry
  lax.fori_loop(0, K, init_ones, 0)

  plsc.subcore_barrier()

  ebase = wid * EPT

  def iss_idx(c, b4):
    @pl.when(c < NCHUNK)
    def _():
      base = ebase + c * K
      pltpu.async_copy(dst.at[pl.ds(base, K)], dst_v[b4], sem_i[b4 % 2])

  iss_idx(0, 0)
  iss_idx(1, 1)

  def quad(q, carry):
    for b4 in (0, 1, 2, 3):
      c = 4 * q + b4

      @pl.when(c < NCHUNK)
      def _():
        base = ebase + c * K
        pltpu.make_async_copy(dst.at[pl.ds(base, K)], dst_v[b4],
                              sem_i[b4 % 2]).wait()
        pltpu.async_copy(ones_v, cnt_sh.at[dst_v[b4]], sem_s[b4 % 2],
                         add=True)

      @pl.when((c >= 1) & (c <= NCHUNK))
      def _():
        pltpu.make_async_copy(ones_v, cnt_sh.at[dst_v[(b4 + 3) % 4]],
                              sem_s[(b4 + 1) % 2]).wait()

      iss_idx(c + 2, (b4 + 2) % 4)
    return carry
  lax.fori_loop(0, QITER, quad, 0)

  plsc.subcore_barrier()

  def wb(t, carry):
    ch = t * NS + sid

    @pl.when(ch < NZCH)
    def _():
      r = ch * ZR
      pltpu.sync_copy(cnt_sh.at[pl.ds(r, ZR), :], ones_v)
      pltpu.sync_copy(ones_v, cnt_out.at[cid, pl.ds(r, ZR), :])
    return carry
  lax.fori_loop(0, ZITER, wb, 0)


_MESH = plsc.VectorSubcoreMesh(core_axis_name="c", subcore_axis_name="s",
                               num_cores=NC, num_subcores=NS)

_sc_layer = pl.kernel(
    _sc_layer_body,
    out_type=jax.ShapeDtypeStruct((NC, N, D), jnp.float32),
    mesh=_MESH,
    scratch_types=[
        pltpu.VMEM((K,), jnp.int32),
        pltpu.VMEM((K,), jnp.int32),
        pltpu.VMEM((K,), jnp.int32),
        pltpu.VMEM((K,), jnp.int32),
        pltpu.VMEM((K,), jnp.int32),
        pltpu.VMEM((K,), jnp.int32),
        pltpu.VMEM((K,), jnp.int32),
        pltpu.VMEM((K,), jnp.int32),
        pltpu.VMEM((K, D), jnp.float32),
        pltpu.VMEM((K, D), jnp.float32),
        pltpu.VMEM((K, D), jnp.float32),
        pltpu.VMEM((K, D), jnp.float32),
        pltpu.VMEM_SHARED((N, D), jnp.float32),
        pltpu.SemaphoreType.DMA,
        pltpu.SemaphoreType.DMA,
        pltpu.SemaphoreType.DMA,
        pltpu.SemaphoreType.DMA,
        pltpu.SemaphoreType.DMA,
        pltpu.SemaphoreType.DMA,
        pltpu.SemaphoreType.DMA,
        pltpu.SemaphoreType.DMA,
    ],
)

_sc_cnt = pl.kernel(
    _sc_cnt_body,
    out_type=jax.ShapeDtypeStruct((NC, N, CW), jnp.float32),
    mesh=_MESH,
    scratch_types=[
        pltpu.VMEM((K,), jnp.int32),
        pltpu.VMEM((K,), jnp.int32),
        pltpu.VMEM((K,), jnp.int32),
        pltpu.VMEM((K,), jnp.int32),
        pltpu.VMEM((ZR, CW), jnp.float32),
        pltpu.VMEM_SHARED((N, CW), jnp.float32),
        pltpu.SemaphoreType.DMA,
        pltpu.SemaphoreType.DMA,
        pltpu.SemaphoreType.DMA,
        pltpu.SemaphoreType.DMA,
    ],
)

BT = 2000


def _tc1_body(acc_ref, cnt_ref, x_ref, wl_ref, bl_ref, wr_ref, o_ref):
  a = acc_ref[...]
  s = a[0] + a[1]
  cc = cnt_ref[...]
  c = cc[0][:, 0:1] + cc[1][:, 0:1]
  agg = s / jnp.maximum(c, 1.0)
  h = (jnp.dot(agg, wl_ref[...], preferred_element_type=jnp.float32)
       + bl_ref[...]
       + jnp.dot(x_ref[...], wr_ref[...], preferred_element_type=jnp.float32))
  o_ref[...] = jnp.maximum(h, 0.0)


_tc1 = pl.pallas_call(
    _tc1_body,
    grid=(N // BT,),
    in_specs=[
        pl.BlockSpec((NC, BT, D), lambda i: (0, i, 0)),
        pl.BlockSpec((NC, BT, CW), lambda i: (0, i, 0)),
        pl.BlockSpec((BT, D), lambda i: (i, 0)),
        pl.BlockSpec((D, D), lambda i: (0, 0)),
        pl.BlockSpec((1, D), lambda i: (0, 0)),
        pl.BlockSpec((D, D), lambda i: (0, 0)),
    ],
    out_specs=pl.BlockSpec((BT, D), lambda i: (i, 0)),
    out_shape=jax.ShapeDtypeStruct((N, D), jnp.float32),
)


def _tc2_body(acc_ref, cnt_ref, h_ref, wl_ref, bl_ref, wr_ref, wp_ref,
              bp_ref, o_ref, g_ref):
  i = pl.program_id(0)
  a = acc_ref[...]
  s = a[0] + a[1]
  cc = cnt_ref[...]
  c = cc[0][:, 0:1] + cc[1][:, 0:1]
  agg = s / jnp.maximum(c, 1.0)
  h2 = (jnp.dot(agg, wl_ref[...], preferred_element_type=jnp.float32)
        + bl_ref[...]
        + jnp.dot(h_ref[...], wr_ref[...], preferred_element_type=jnp.float32))
  o_ref[...] = (jnp.dot(jnp.maximum(h2, 0.0), wp_ref[...],
                        preferred_element_type=jnp.float32) + bp_ref[...])
  part = jnp.sum(h2, axis=0, keepdims=True) * (1.0 / N)

  @pl.when(i == 0)
  def _():
    g_ref[...] = part

  @pl.when(i != 0)
  def _():
    g_ref[...] = g_ref[...] + part


_tc2 = pl.pallas_call(
    _tc2_body,
    grid=(N // BT,),
    in_specs=[
        pl.BlockSpec((NC, BT, D), lambda i: (0, i, 0)),
        pl.BlockSpec((NC, BT, CW), lambda i: (0, i, 0)),
        pl.BlockSpec((BT, D), lambda i: (i, 0)),
        pl.BlockSpec((D, D), lambda i: (0, 0)),
        pl.BlockSpec((1, D), lambda i: (0, 0)),
        pl.BlockSpec((D, D), lambda i: (0, 0)),
        pl.BlockSpec((D, C), lambda i: (0, 0)),
        pl.BlockSpec((1, C), lambda i: (0, 0)),
    ],
    out_specs=[
        pl.BlockSpec((BT, C), lambda i: (i, 0)),
        pl.BlockSpec((1, D), lambda i: (0, 0)),
    ],
    out_shape=[
        jax.ShapeDtypeStruct((N, C), jnp.float32),
        jax.ShapeDtypeStruct((1, D), jnp.float32),
    ],
)


def kernel(x, edge_index, xe, W_l0, b_l0, W_r0, W_l1, b_l1, W_r1, W_proj,
           b_proj):
  src = edge_index[0]
  dst = edge_index[1]
  cnt = _sc_cnt(dst)
  acc0 = _sc_layer(x, src, dst, xe)
  h = _tc1(acc0, cnt, x, W_l0, b_l0.reshape(1, D), W_r0)
  acc1 = _sc_layer(h, src, dst, xe)
  h_out, g = _tc2(acc1, cnt, h, W_l1, b_l1.reshape(1, D), W_r1, W_proj,
                  b_proj.reshape(1, C))
  return (h_out, g)

# --- scband reference (transcript-rebuilt; emitter-appended) ---
"""Pipeline reference for scband-backbone-gnn-17549236371683 (READ-ONLY COPY).

The authoritative reference and input builder live on the scoring server;
editing this copy changes nothing except your own understanding.
"""

import jax, jax.numpy as jnp
import numpy as np

N = 10000
E = 320000
D = 128
C = 64

def setup_inputs(seed: int = 0):
    key = jax.random.key(seed)
    ks = jax.random.split(key, 12)
    s = 1.0 / np.sqrt(D)
    x = jax.random.normal(ks[0], (N, D), dtype=jnp.float32)
    edge_index = jax.random.randint(ks[1], (2, E), 0, N, dtype=jnp.int32)
    xe = jax.random.normal(ks[2], (E, D), dtype=jnp.float32)
    W_l0 = jax.random.normal(ks[3], (D, D), dtype=jnp.float32) * s
    b_l0 = jnp.zeros((D,), dtype=jnp.float32)
    W_r0 = jax.random.normal(ks[4], (D, D), dtype=jnp.float32) * s
    W_l1 = jax.random.normal(ks[5], (D, D), dtype=jnp.float32) * s
    b_l1 = jnp.zeros((D,), dtype=jnp.float32)
    W_r1 = jax.random.normal(ks[6], (D, D), dtype=jnp.float32) * s
    W_proj = jax.random.normal(ks[7], (D, C), dtype=jnp.float32) * s
    b_proj = jnp.zeros((C,), dtype=jnp.float32)
    return {"x": x, "edge_index": edge_index, "xe": xe, "W_l0": W_l0, "b_l0": b_l0, "W_r0": W_r0, "W_l1": W_l1, "b_l1": b_l1, "W_r1": W_r1, "W_proj": W_proj, "b_proj": b_proj}

def _sage_conv(x, edge_index, xe, W_l, b_l, W_r):
    # MySAGEConv: message = relu(x_j + xe); aggr='mean' over dst nodes;
    # out = lin_l(agg) + lin_r(x) (root_weight=True, normalize=False, project=False)
    src = edge_index[0]
    dst = edge_index[1]
    msg = jax.nn.relu(x[src] + xe)
    summed = jax.ops.segment_sum(msg, dst, num_segments=x.shape[0])
    cnt = jax.ops.segment_sum(jnp.ones((edge_index.shape[1],), x.dtype), dst, num_segments=x.shape[0])
    agg = summed / jnp.clip(cnt, 1.0, None)[:, None]
    return agg @ W_l + b_l + x @ W_r

def reference(x, edge_index, xe, W_l0, b_l0, W_r0, W_l1, b_l1, W_r1, W_proj, b_proj):
    # BackboneGNN.encode with n_layers=2, use_bn=False: relu between layers, not after last
    h = _sage_conv(x, edge_index, xe, W_l0, b_l0, W_r0)
    h = jax.nn.relu(h)
    h = _sage_conv(h, edge_index, xe, W_l1, b_l1, W_r1)
    # global_mean_pool with a single-graph batch vector (all zeros)
    g = jnp.mean(h, axis=0, keepdims=True)
    # readout_proj=True branch: h = proj(relu(h))
    h_out = jax.nn.relu(h) @ W_proj + b_proj
    return (h_out, g)

if __name__ == "__main__":
    import jax
    _d = setup_inputs()
    print(jax.jit(kernel)(*tuple(_d.values())))

</pallas_src>

<mosaic_0001>
#map = affine_map<(d0, d1) -> (0, 0)>
#map1 = affine_map<(d0, d1) -> (0)>
#map2 = affine_map<(d0, d1) -> (0, 0, 0)>
module attributes {stable_mosaic.version = 14 : i64} {
  func.func @_sc_layer_body(%arg0: i32, %arg1: i32, %arg2: memref<10000x128xf32, #tpu.memory_space<hbm>>, %arg3: memref<320000xi32, #tpu.memory_space<hbm>>, %arg4: memref<320000xi32, #tpu.memory_space<hbm>>, %arg5: memref<320000x128xf32, #tpu.memory_space<hbm>>, %arg6: memref<2x10000x128xf32, #tpu.memory_space<hbm>>, %arg7: memref<80xi32, #tpu.memory_space<vmem>>, %arg8: memref<80xi32, #tpu.memory_space<vmem>>, %arg9: memref<80xi32, #tpu.memory_space<vmem>>, %arg10: memref<80xi32, #tpu.memory_space<vmem>>, %arg11: memref<80xi32, #tpu.memory_space<vmem>>, %arg12: memref<80xi32, #tpu.memory_space<vmem>>, %arg13: memref<80xi32, #tpu.memory_space<vmem>>, %arg14: memref<80xi32, #tpu.memory_space<vmem>>, %arg15: memref<80x128xf32, #tpu.memory_space<vmem>>, %arg16: memref<80x128xf32, #tpu.memory_space<vmem>>, %arg17: memref<80x128xf32, #tpu.memory_space<vmem>>, %arg18: memref<80x128xf32, #tpu.memory_space<vmem>>, %arg19: memref<10000x128xf32, #tpu.memory_space<vmem_shared>>, %arg20: memref<!tpu.dma_semaphore, #tpu.memory_space<semaphore_mem>>, %arg21: memref<!tpu.dma_semaphore, #tpu.memory_space<semaphore_mem>>, %arg22: memref<!tpu.dma_semaphore, #tpu.memory_space<semaphore_mem>>, %arg23: memref<!tpu.dma_semaphore, #tpu.memory_space<semaphore_mem>>, %arg24: memref<!tpu.dma_semaphore, #tpu.memory_space<semaphore_mem>>, %arg25: memref<!tpu.dma_semaphore, #tpu.memory_space<semaphore_mem>>, %arg26: memref<!tpu.dma_semaphore, #tpu.memory_space<semaphore_mem>>, %arg27: memref<!tpu.dma_semaphore, #tpu.memory_space<semaphore_mem>>) attributes {dimension_semantics = [#tpu.dimension_semantics<core_parallel>, #tpu.dimension_semantics<subcore_parallel>], iteration_bounds = array<i64: 2, 16>, scalar_prefetch = 0 : i64, scratch_operands = 21 : i64, tpu.core_type = #tpu.core_type<sc_vector_subcore>, window_params = [{transform_indices = #map}, {transform_indices = #map1}, {transform_indices = #map1}, {transform_indices = #map}, {transform_indices = #map2}]} {
    %mul3A = arith.constant 16 : i32
    %mul3A_0 = arith.muli %arg0, %mul3A : i32
    %add3A = arith.addi %mul3A_0, %arg1 : i32
    %broadcast_in_dim3A = arith.constant 0.000000e+00 : f32
    %broadcast_in_dim3A_1 = vector.broadcast %broadcast_in_dim3A : f32 to vector<16xf32>
    %scan3A = arith.constant 0 : i32
    %scan3A_2 = arith.constant 0 : i32
    %scan3A_3 = arith.constant 80 : i32
    %scan3A_4 = arith.addi %scan3A_2, %scan3A_3 : i32
    %scan3A_5 = arith.constant 1 : i32
    scf.for %scan3A_53 = %scan3A_2 to %scan3A_4 step %scan3A_5  : i32 {
      %swap3A = arith.index_cast %scan3A_53 : i32 to index
      %swap3A_54 = arith.constant 0 : index
      %swap3A_55 = tpu.vector_load %arg15[%swap3A, %swap3A_54] {strides = array<i32>} : memref<80x128xf32, #tpu.memory_space<vmem>>, vector<1x16xf32>,
      %swap3A_56 = vector.shape_cast %swap3A_55 : vector<1x16xf32> to vector<16xf32>
      %swap3A_57 = vector.shape_cast %broadcast_in_dim3A_1 : vector<16xf32> to vector<1x16xf32>
      tpu.vector_store %arg15[%swap3A, %swap3A_54], %swap3A_57 {strides = array<i32>} : memref<80x128xf32, #tpu.memory_space<vmem>>, vector<1x16xf32>,
      %swap3A_58 = arith.index_cast %scan3A_53 : i32 to index
      %swap3A_59 = arith.constant 16 : index
      %swap3A_60 = tpu.vector_load %arg15[%swap3A_58, %swap3A_59] {strides = array<i32>} : memref<80x128xf32, #tpu.memory_space<vmem>>, vector<1x16xf32>,
      %swap3A_61 = vector.shape_cast %swap3A_60 : vector<1x16xf32> to vector<16xf32>
      %swap3A_62 = vector.shape_cast %broadcast_in_dim3A_1 : vector<16xf32> to vector<1x16xf32>
      tpu.vector_store %arg15[%swap3A_58, %swap3A_59], %swap3A_62 {strides = array<i32>} : memref<80x128xf32, #tpu.memory_space<vmem>>, vector<1x16xf32>,
      %swap3A_63 = arith.index_cast %scan3A_53 : i32 to index
      %swap3A_64 = arith.constant 32 : index
      %swap3A_65 = tpu.vector_load %arg15[%swap3A_63, %swap3A_64] {strides = array<i32>} : memref<80x128xf32, #tpu.memory_space<vmem>>, vector<1x16xf32>,
      %swap3A_66 = vector.shape_cast %swap3A_65 : vector<1x16xf32> to vector<16xf32>
      %swap3A_67 = vector.shape_cast %broadcast_in_dim3A_1 : vector<16xf32> to vector<1x16xf32>
      tpu.vector_store %arg15[%swap3A_63, %swap3A_64], %swap3A_67 {strides = array<i32>} : memref<80x128xf32, #tpu.memory_space<vmem>>, vector<1x16xf32>,
      %swap3A_68 = arith.index_cast %scan3A_53 : i32 to index
      %swap3A_69 = arith.constant 48 : index
      %swap3A_70 = tpu.vector_load %arg15[%swap3A_68, %swap3A_69] {strides = array<i32>} : memref<80x128xf32, #tpu.memory_space<vmem>>, vector<1x16xf32>,
      %swap3A_71 = vector.shape_cast %swap3A_70 : vector<1x16xf32> to vector<16xf32>
      %swap3A_72 = vector.shape_cast %broadcast_in_dim3A_1 : vector<16xf32> to vector<1x16xf32>
      tpu.vector_store %arg15[%swap3A_68, %swap3A_69], %swap3A_72 {strides = array<i32>} : memref<80x128xf32, #tpu.memory_space<vmem>>, vector<1x16xf32>,
      %swap3A_73 = arith.index_cast %scan3A_53 : i32 to index
      %swap3A_74 = arith.constant 64 : index
      %swap3A_75 = tpu.vector_load %arg15[%swap3A_73, %swap3A_74] {strides = array<i32>} : memref<80x128xf32, #tpu.memory_space<vmem>>, vector<1x16xf32>,
      %swap3A_76 = vector.shape_cast %swap3A_75 : vector<1x16xf32> to vector<16xf32>
      %swap3A_77 = vector.shape_cast %broadcast_in_dim3A_1 : vector<16xf32> to vector<1x16xf32>
      tpu.vector_store %arg15[%swap3A_73, %swap3A_74], %swap3A_77 {strides = array<i32>} : memref<80x128xf32, #tpu.memory_space<vmem>>, vector<1x16xf32>,
      %swap3A_78 = arith.index_cast %scan3A_53 : i32 to index
      %swap3A_79 = arith.constant 80 : index
      %swap3A_80 = tpu.vector_load %arg15[%swap3A_78, %swap3A_79] {strides = array<i32>} : memref<80x128xf32, #tpu.memory_space<vmem>>, vector<1x16xf32>,
      %swap3A_81 = vector.shape_cast %swap3A_80 : vector<1x16xf32> to vector<16xf32>
      %swap3A_82 = vector.shape_cast %broadcast_in_dim3A_1 : vector<16xf32> to vector<1x16xf32>
      tpu.vector_store %arg15[%swap3A_78, %swap3A_79], %swap3A_82 {strides = array<i32>} : memref<80x128xf32, #tpu.memory_space<vmem>>, vector<1x16xf32>,
      %swap3A_83 = arith.index_cast %scan3A_53 : i32 to index
      %swap3A_84 = arith.constant 96 : index
      %swap3A_85 = tpu.vector_load %arg15[%swap3A_83, %swap3A_84] {strides = array<i32>} : memref<80x128xf32, #tpu.memory_space<vmem>>, vector<1x16xf32>,
      %swap3A_86 = vector.shape_cast %swap3A_85 : vector<1x16xf32> to vector<16xf32>
      %swap3A_87 = vector.shape_cast %broadcast_in_dim3A_1 : vector<16xf32> to vector<1x16xf32>
      tpu.vector_store %arg15[%swap3A_83, %swap3A_84], %swap3A_87 {strides = array<i32>} : memref<80x128xf32, #tpu.memory_space<vmem>>, vector<1x16xf32>,
      %swap3A_88 = arith.index_cast %scan3A_53 : i32 to index
      %swap3A_89 = arith.constant 112 : index
      %swap3A_90 = tpu.vector_load %arg15[%swap3A_88, %swap3A_89] {strides = array<i32>} : memref<80x128xf32, #tpu.memory_space<vmem>>, vector<1x16xf32>,
      %swap3A_91 = vector.shape_cast %swap3A_90 : vector<1x16xf32> to vector<16xf32>
      %swap3A_92 = vector.shape_cast %broadcast_in_dim3A_1 : vector<16xf32> to vector<1x16xf32>
      tpu.vector_store %arg15[%swap3A_88, %swap3A_89], %swap3A_92 {strides = array<i32>} : memref<80x128xf32, #tpu.memory_space<vmem>>, vector<1x16xf32>,
    }
    %scan3A_6 = arith.constant 80 : i32
    %scan3A_7 = arith.constant 0 : i32
    %scan3A_8 = arith.constant 0 : i32
    %scan3A_9 = arith.constant 8 : i32
    %scan3A_10 = arith.addi %scan3A_8, %scan3A_9 : i32
    %scan3A_11 = arith.constant 1 : i32
    scf.for %scan3A_53 = %scan3A_8 to %scan3A_10 step %scan3A_11  : i32 {
      %mul3A_54 = arith.constant 16 : i32
      %mul3A_55 = arith.muli %scan3A_53, %mul3A_54 : i32
      %add3A_56 = arith.addi %mul3A_55, %arg1 : i32
      %lt3A = arith.constant 125 : i32
      %lt3A_57 = arith.cmpi slt, %add3A_56, %lt3A : i32
      %convert_element_type3A = arith.extui %lt3A_57 : i1 to i32
      %cond3A = arith.constant 0 : i32
      %cond3A_58 = arith.cmpi ne, %convert_element_type3A, %cond3A : i32
      scf.if %cond3A_58 {
        %mul3A_59 = arith.constant 80 : i32
        %mul3A_60 = arith.muli %add3A_56, %mul3A_59 : i32
        "tpu.region"() ({
          %run_scoped3A = tpu.sem_alloc : memref<!tpu.dma_semaphore, #tpu.memory_space<semaphore_mem>>
          %dma_start3A_61 = arith.constant 0 : i32
          %dma_start3A_62 = tpu.memref_slice %arg19[%mul3A_60, %dma_start3A_61] : memref<10000x128xf32, #tpu.memory_space<vmem_shared>> -> memref<80x128xf32, #tpu.memory_space<vmem_shared>>
          %dma_start3A_63 = arith.constant 0 : i32
          %dma_start3A_64 = tpu.memref_slice %arg19[%mul3A_60, %dma_start3A_63] : memref<10000x128xf32, #tpu.memory_space<vmem_shared>> -> memref<80x128xf32, #tpu.memory_space<vmem_shared>>
          tpu.enqueue_dma source(%arg15 : memref<80x128xf32, #tpu.memory_space<vmem>>) target(%dma_start3A_64 : memref<80x128xf32, #tpu.memory_space<vmem_shared>>) target_semaphore(%run_scoped3A : memref<!tpu.dma_semaphore, #tpu.memory_space<semaphore_mem>>)
          %dma_wait3A_65 = arith.constant 0 : i32
          %dma_wait3A_66 = tpu.memref_slice %arg19[%mul3A_60, %dma_wait3A_65] : memref<10000x128xf32, #tpu.memory_space<vmem_shared>> -> memref<80x128xf32, #tpu.memory_space<vmem_shared>>
          %dma_wait3A_67 = arith.constant 0 : i32
          %dma_wait3A_68 = tpu.memref_slice %arg19[%mul3A_60, %dma_wait3A_67] : memref<10000x128xf32, #tpu.memory_space<vmem_shared>> -> memref<80x128xf32, #tpu.memory_space<vmem_shared>>
          tpu.wait_dma2 semaphore(%run_scoped3A : memref<!tpu.dma_semaphore, #tpu.memory_space<semaphore_mem>>) src(%arg15 : memref<80x128xf32, #tpu.memory_space<vmem>>) dst(%dma_wait3A_68 : memref<80x128xf32, #tpu.memory_space<vmem_shared>>)
          tpu.yield
        }) : () -> ()
      } else {
      }
    }
    %scan3A_12 = arith.constant 8 : i32
    %barrier3A = arith.constant 0 : index
    tpu.barrier barrier_id(%barrier3A)
    %mul3A_13 = arith.constant 10000 : i32
    %mul3A_14 = arith.muli %add3A, %mul3A_13 : i32
    %add3A_15 = arith.constant 0 : i32
    %add3A_16 = arith.addi %mul3A_14, %add3A_15 : i32
    %dma_start3A = tpu.memref_slice %arg3[%add3A_16] : memref<320000xi32, #tpu.memory_space<hbm>> -> memref<80xi32, #tpu.memory_space<hbm>>
    %dma_start3A_17 = tpu.memref_slice %arg3[%add3A_16] : memref<320000xi32, #tpu.memory_space<hbm>> -> memref<80xi32, #tpu.memory_space<hbm>>
    tpu.enqueue_dma source(%dma_start3A_17 : memref<80xi32, #tpu.memory_space<hbm>>) target(%arg7 : memref<80xi32, #tpu.memory_space<vmem>>) target_semaphore(%arg20 : memref<!tpu.dma_semaphore, #tpu.memory_space<semaphore_mem>>)
    %dma_start3A_18 = tpu.memref_slice %arg4[%add3A_16] : memref<320000xi32, #tpu.memory_space<hbm>> -> memref<80xi32, #tpu.memory_space<hbm>>
    %dma_start3A_19 = tpu.memref_slice %arg4[%add3A_16] : memref<320000xi32, #tpu.memory_space<hbm>> -> memref<80xi32, #tpu.memory_space<hbm>>
    tpu.enqueue_dma source(%dma_start3A_19 : memref<80xi32, #tpu.memory_space<hbm>>) target(%arg11 : memref<80xi32, #tpu.memory_space<vmem>>) target_semaphore(%arg20 : memref<!tpu.dma_semaphore, #tpu.memory_space<semaphore_mem>>)
    %add3A_20 = arith.constant 80 : i32
    %add3A_21 = arith.addi %mul3A_14, %add3A_20 : i32
    %dma_start3A_22 = tpu.memref_slice %arg3[%add3A_21] : memref<320000xi32, #tpu.memory_space<hbm>> -> memref<80xi32, #tpu.memory_space<hbm>>
    %dma_start3A_23 = tpu.memref_slice %arg3[%add3A_21] : memref<320000xi32, #tpu.memory_space<hbm>> -> memref<80xi32, #tpu.memory_space<hbm>>
    tpu.enqueue_dma source(%dma_start3A_23 : memref<80xi32, #tpu.memory_space<hbm>>) target(%arg8 : memref<80xi32, #tpu.memory_space<vmem>>) target_semaphore(%arg21 : memref<!tpu.dma_semaphore, #tpu.memory_space<semaphore_mem>>)
    %dma_start3A_24 = tpu.memref_slice %arg4[%add3A_21] : memref<320000xi32, #tpu.memory_space<hbm>> -> memref<80xi32, #tpu.memory_space<hbm>>
    %dma_start3A_25 = tpu.memref_slice %arg4[%add3A_21] : memref<320000xi32, #tpu.memory_space<hbm>> -> memref<80xi32, #tpu.memory_space<hbm>>
    tpu.enqueue_dma source(%dma_start3A_25 : memref<80xi32, #tpu.memory_space<hbm>>) target(%arg12 : memref<80xi32, #tpu.memory_space<vmem>>) target_semaphore(%arg21 : memref<!tpu.dma_semaphore, #tpu.memory_space<semaphore_mem>>)
    %add3A_26 = arith.constant 0 : i32
    %add3A_27 = arith.addi %mul3A_14, %add3A_26 : i32
    %dma_wait3A = tpu.memref_slice %arg3[%add3A_27] : memref<320000xi32, #tpu.memory_space<hbm>> -> memref<80xi32, #tpu.memory_space<hbm>>
    %dma_wait3A_28 = tpu.memref_slice %arg3[%add3A_27] : memref<320000xi32, #tpu.memory_space<hbm>> -> memref<80xi32, #tpu.memory_space<hbm>>
    tpu.wait_dma2 semaphore(%arg20 : memref<!tpu.dma_semaphore, #tpu.memory_space<semaphore_mem>>) src(%dma_wait3A_28 : memref<80xi32, #tpu.memory_space<hbm>>) dst(%arg7 : memref<80xi32, #tpu.memory_space<vmem>>)
    %dma_wait3A_29 = tpu.memref_slice %arg4[%add3A_27] : memref<320000xi32, #tpu.memory_space<hbm>> -> memref<80xi32, #tpu.memory_space<hbm>>
    %dma_wait3A_30 = tpu.memref_slice %arg4[%add3A_27] : memref<320000xi32, #tpu.memory_space<hbm>> -> memref<80xi32, #tpu.memory_space<hbm>>
    tpu.wait_dma2 semaphore(%arg20 : memref<!tpu.dma_semaphore, #tpu.memory_space<semaphore_mem>>) src(%dma_wait3A_30 : memref<80xi32, #tpu.memory_space<hbm>>) dst(%arg11 : memref<80xi32, #tpu.memory_space<vmem>>)
    %dma_start3A_31 = arith.constant 0 : i32
    %dma_start3A_32 = arith.constant 0 : i32
    %dma_start3A_33 = tpu.memref_slice %arg2[%dma_start3A_31, %dma_start3A_32] : memref<10000x128xf32, #tpu.memory_space<hbm>> -> memref<10000x128xf32, #tpu.memory_space<hbm>>
    tpu.enqueue_indirect_dma source(%dma_start3A_33 : memref<10000x128xf32, #tpu.memory_space<hbm>>) target(%arg15 : memref<80x128xf32, #tpu.memory_space<vmem>>) offsets(%arg7 : memref<80xi32, #tpu.memory_space<vmem>>) semaphore(%arg22 : memref<!tpu.dma_semaphore, #tpu.memory_space<semaphore_mem>>)
    %add3A_34 = arith.constant 0 : i32
    %add3A_35 = arith.addi %mul3A_14, %add3A_34 : i32
    %dma_start3A_36 = arith.constant 0 : i32
    %dma_start3A_37 = tpu.memref_slice %arg5[%add3A_35, %dma_start3A_36] : memref<320000x128xf32, #tpu.memory_space<hbm>> -> memref<80x128xf32, #tpu.memory_space<hbm>>
    %dma_start3A_38 = arith.constant 0 : i32
    %dma_start3A_39 = tpu.memref_slice %arg5[%add3A_35, %dma_start3A_38] : memref<320000x128xf32, #tpu.memory_space<hbm>> -> memref<80x128xf32, #tpu.memory_space<hbm>>
    tpu.enqueue_dma source(%dma_start3A_39 : memref<80x128xf32, #tpu.memory_space<hbm>>) target(%arg17 : memref<80x128xf32, #tpu.memory_space<vmem>>) target_semaphore(%arg24 : memref<!tpu.dma_semaphore, #tpu.memory_space<semaphore_mem>>)
    %scan3A_40 = arith.constant 0 : i32
    %scan3A_41 = arith.constant 0 : i32
    %scan3A_42 = arith.constant 33 : i32
    %scan3A_43 = arith.addi %scan3A_41, %scan3A_42 : i32
    %scan3A_44 = arith.constant 1 : i32
    scf.for %scan3A_53 = %scan3A_41 to %scan3A_43 step %scan3A_44  : i32 {
      %mul3A_54 = arith.constant 4 : i32
      %mul3A_55 = arith.muli %mul3A_54, %scan3A_53 : i32
      %add3A_56 = arith.constant 0 : i32
      %add3A_57 = arith.addi %mul3A_55, %add3A_56 : i32
      %add3A_58 = arith.constant 1 : i32
      %add3A_59 = arith.addi %add3A_57, %add3A_58 : i32
      %lt3A = arith.constant 125 : i32
      %lt3A_60 = arith.cmpi slt, %add3A_59, %lt3A : i32
      %convert_element_type3A = arith.extui %lt3A_60 : i1 to i32
      %cond3A = arith.constant 0 : i32
      %cond3A_61 = arith.cmpi ne, %convert_element_type3A, %cond3A : i32
      scf.if %cond3A_61 {
        %mul3A_228 = arith.constant 80 : i32
        %mul3A_229 = arith.muli %add3A_59, %mul3A_228 : i32
        %add3A_230 = arith.addi %mul3A_14, %mul3A_229 : i32
        %dma_wait3A_231 = tpu.memref_slice %arg3[%add3A_230] : memref<320000xi32, #tpu.memory_space<hbm>> -> memref<80xi32, #tpu.memory_space<hbm>>
        %dma_wait3A_232 = tpu.memref_slice %arg3[%add3A_230] : memref<320000xi32, #tpu.memory_space<hbm>> -> memref<80xi32, #tpu.memory_space<hbm>>
        tpu.wait_dma2 semaphore(%arg21 : memref<!tpu.dma_semaphore, #tpu.memory_space<semaphore_mem>>) src(%dma_wait3A_232 : memref<80xi32, #tpu.memory_space<hbm>>) dst(%arg8 : memref<80xi32, #tpu.memory_space<vmem>>)
        %dma_wait3A_233 = tpu.memref_slice %arg4[%add3A_230] : memref<320000xi32, #tpu.memory_space<hbm>> -> memref<80xi32, #tpu.memory_space<hbm>>
        %dma_wait3A_234 = tpu.memref_slice %arg4[%add3A_230] : memref<320000xi32, #tpu.memory_space<hbm>> -> memref<80xi32, #tpu.memory_space<hbm>>
        tpu.wait_dma2 semaphore(%arg21 : memref<!tpu.dma_semaphore, #tpu.memory_space<semaphore_mem>>) src(%dma_wait3A_234 : memref<80xi32, #tpu.memory_space<hbm>>) dst(%arg12 : memref<80xi32, #tpu.memory_space<vmem>>)
      } else {
      }
      %add3A_62 = arith.constant 1 : i32
      %add3A_63 = arith.addi %add3A_57, %add3A_62 : i32
      %lt3A_64 = arith.constant 125 : i32
      %lt3A_65 = arith.cmpi slt, %add3A_63, %lt3A_64 : i32
      %convert_element_type3A_66 = arith.extui %lt3A_65 : i1 to i32
      %cond3A_67 = arith.constant 0 : i32
      %cond3A_68 = arith.cmpi ne, %convert_element_type3A_66, %cond3A_67 : i32
      scf.if %cond3A_68 {
        %dma_start3A_228 = arith.constant 0 : i32
        %dma_start3A_229 = arith.constant 0 : i32
        %dma_start3A_230 = tpu.memref_slice %arg2[%dma_start3A_228, %dma_start3A_229] : memref<10000x128xf32, #tpu.memory_space<hbm>> -> memref<10000x128xf32, #tpu.memory_space<hbm>>
        tpu.enqueue_indirect_dma source(%dma_start3A_230 : memref<10000x128xf32, #tpu.memory_space<hbm>>) target(%arg16 : memref<80x128xf32, #tpu.memory_space<vmem>>) offsets(%arg8 : memref<80xi32, #tpu.memory_space<vmem>>) semaphore(%arg23 : memref<!tpu.dma_semaphore, #tpu.memory_space<semaphore_mem>>)
      } else {
      }
      %lt3A_69 = arith.constant 125 : i32
      %lt3A_70 = arith.cmpi slt, %add3A_57, %lt3A_69 : i32
      %convert_element_type3A_71 = arith.extui %lt3A_70 : i1 to i32
      %cond3A_72 = arith.constant 0 : i32
      %cond3A_73 = arith.cmpi ne, %convert_element_type3A_71, %cond3A_72 : i32
      scf.if %cond3A_73 {
        %mul3A_228 = arith.constant 80 : i32
        %mul3A_229 = arith.muli %add3A_57, %mul3A_228 : i32
        %add3A_230 = arith.addi %mul3A_14, %mul3A_229 : i32
        %dma_wait3A_231 = arith.constant 0 : i32
        %dma_wait3A_232 = arith.constant 0 : i32
        %dma_wait3A_233 = tpu.memref_slice %arg2[%dma_wait3A_231, %dma_wait3A_232] : memref<10000x128xf32, #tpu.memory_space<hbm>> -> memref<10000x128xf32, #tpu.memory_space<hbm>>
        tpu.wait_indirect_dma semaphore(%arg22 : memref<!tpu.dma_semaphore, #tpu.memory_space<semaphore_mem>>) src(%dma_wait3A_233 : memref<10000x128xf32, #tpu.memory_space<hbm>>) dst(%arg15 : memref<80x128xf32, #tpu.memory_space<vmem>>)
        %dma_wait3A_234 = arith.constant 0 : i32
        %dma_wait3A_235 = tpu.memref_slice %arg5[%add3A_230, %dma_wait3A_234] : memref<320000x128xf32, #tpu.memory_space<hbm>> -> memref<80x128xf32, #tpu.memory_space<hbm>>
        %dma_wait3A_236 = arith.constant 0 : i32
        %dma_wait3A_237 = tpu.memref_slice %arg5[%add3A_230, %dma_wait3A_236] : memref<320000x128xf32, #tpu.memory_space<hbm>> -> memref<80x128xf32, #tpu.memory_space<hbm>>
        tpu.wait_dma2 semaphore(%arg24 : memref<!tpu.dma_semaphore, #tpu.memory_space<semaphore_mem>>) src(%dma_wait3A_237 : memref<80x128xf32, #tpu.memory_space<hbm>>) dst(%arg17 : memref<80x128xf32, #tpu.memory_space<vmem>>)
        %parallel_loop3A = arith.constant 0 : i32
        %parallel_loop3A_238 = arith.constant 80 : i32
        %parallel_loop3A_239 = arith.constant 1 : i32
        scf.for %parallel_loop3A_243 = %parallel_loop3A to %parallel_loop3A_238 step %parallel_loop3A_239  : i32 {
          %parallel_loop3A_244 = arith.index_cast %parallel_loop3A_243 : i32 to index
          %parallel_loop3A_245 = arith.constant 0 : index
          %parallel_loop3A_246 = tpu.vector_load %arg15[%parallel_loop3A_244, %parallel_loop3A_245] {strides = array<i32>} : memref<80x128xf32, #tpu.memory_space<vmem>>, vector<1x16xf32>,
          %parallel_loop3A_247 = vector.shape_cast %parallel_loop3A_246 : vector<1x16xf32> to vector<16xf32>
          %parallel_loop3A_248 = arith.index_cast %parallel_loop3A_243 : i32 to index
          %parallel_loop3A_249 = arith.constant 0 : index
          %parallel_loop3A_250 = tpu.vector_load %arg17[%parallel_loop3A_248, %parallel_loop3A_249] {strides = array<i32>} : memref<80x128xf32, #tpu.memory_space<vmem>>, vector<1x16xf32>,
          %parallel_loop3A_251 = vector.shape_cast %parallel_loop3A_250 : vector<1x16xf32> to vector<16xf32>
          %parallel_loop3A_252 = arith.addf %parallel_loop3A_247, %parallel_loop3A_251 : vector<16xf32>
          %parallel_loop3A_253 = arith.constant 0.000000e+00 : f32
          %parallel_loop3A_254 = vector.broadcast %parallel_loop3A_253 : f32 to vector<16xf32>
          %parallel_loop3A_255 = arith.maximumf %parallel_loop3A_252, %parallel_loop3A_254 : vector<16xf32>
          %parallel_loop3A_256 = arith.index_cast %parallel_loop3A_243 : i32 to index
          %parallel_loop3A_257 = arith.constant 0 : index
          %parallel_loop3A_258 = tpu.vector_load %arg17[%parallel_loop3A_256, %parallel_loop3A_257] {strides = array<i32>} : memref<80x128xf32, #tpu.memory_space<vmem>>, vector<1x16xf32>,
          %parallel_loop3A_259 = vector.shape_cast %parallel_loop3A_258 : vector<1x16xf32> to vector<16xf32>
          %parallel_loop3A_260 = vector.shape_cast %parallel_loop3A_255 : vector<16xf32> to vector<1x16xf32>
          tpu.vector_store %arg17[%parallel_loop3A_256, %parallel_loop3A_257], %parallel_loop3A_260 {strides = array<i32>} : memref<80x128xf32, #tpu.memory_space<vmem>>, vector<1x16xf32>,
          %parallel_loop3A_261 = arith.index_cast %parallel_loop3A_243 : i32 to index
          %parallel_loop3A_262 = arith.constant 16 : index
          %parallel_loop3A_263 = tpu.vector_load %arg15[%parallel_loop3A_261, %parallel_loop3A_262] {strides = array<i32>} : memref<80x128xf32, #tpu.memory_space<vmem>>, vector<1x16xf32>,
          %parallel_loop3A_264 = vector.shape_cast %parallel_loop3A_263 : vector<1x16xf32> to vector<16xf32>
          %parallel_loop3A_265 = arith.index_cast %parallel_loop3A_243 : i32 to index
          %parallel_loop3A_266 = arith.constant 16 : index
          %parallel_loop3A_267 = tpu.vector_load %arg17[%parallel_loop3A_265, %parallel_loop3A_266] {strides = array<i32>} : memref<80x128xf32, #tpu.memory_space<vmem>>, vector<1x16xf32>,
          %parallel_loop3A_268 = vector.shape_cast %parallel_loop3A_267 : vector<1x16xf32> to vector<16xf32>
          %parallel_loop3A_269 = arith.addf %parallel_loop3A_264, %parallel_loop3A_268 : vector<16xf32>
          %parallel_loop3A_270 = arith.constant 0.000000e+00 : f32
          %parallel_loop3A_271 = vector.broadcast %parallel_loop3A_270 : f32 to vector<16xf32>
          %parallel_loop3A_272 = arith.maximumf %parallel_loop3A_269, %parallel_loop3A_271 : vector<16xf32>
          %parallel_loop3A_273 = arith.index_cast %parallel_loop3A_243 : i32 to index
          %parallel_loop3A_274 = arith.constant 16 : index
          %parallel_loop3A_275 = tpu.vector_load %arg17[%parallel_loop3A_273, %parallel_loop3A_274] {strides = array<i32>} : memref<80x128xf32, #tpu.memory_space<vmem>>, vector<1x16xf32>,
          %parallel_loop3A_276 = vector.shape_cast %parallel_loop3A_275 : vector<1x16xf32> to vector<16xf32>
          %parallel_loop3A_277 = vector.shape_cast %parallel_loop3A_272 : vector<16xf32> to vector<1x16xf32>
          tpu.vector_store %arg17[%parallel_loop3A_273, %parallel_loop3A_274], %parallel_loop3A_277 {strides = array<i32>} : memref<80x128xf32, #tpu.memory_space<vmem>>, vector<1x16xf32>,
          %parallel_loop3A_278 = arith.index_cast %parallel_loop3A_243 : i32 to index
          %parallel_loop3A_279 = arith.constant 32 : index
          %parallel_loop3A_280 = tpu.vector_load %arg15[%parallel_loop3A_278, %parallel_loop3A_279] {strides = array<i32>} : memref<80x128xf32, #tpu.memory_space<vmem>>, vector<1x16xf32>,
          %parallel_loop3A_281 = vector.shape_cast %parallel_loop3A_280 : vector<1x16xf32> to vector<16xf32>
          %parallel_loop3A_282 = arith.index_cast %parallel_loop3A_243 : i32 to index
          %parallel_loop3A_283 = arith.constant 32 : index
          %parallel_loop3A_284 = tpu.vector_load %arg17[%parallel_loop3A_282, %parallel_loop3A_283] {strides = array<i32>} : memref<80x128xf32, #tpu.memory_space<vmem>>, vector<1x16xf32>,
          %parallel_loop3A_285 = vector.shape_cast %parallel_loop3A_284 : vector<1x16xf32> to vector<16xf32>
          %parallel_loop3A_286 = arith.addf %parallel_loop3A_281, %parallel_loop3A_285 : vector<16xf32>
          %parallel_loop3A_287 = arith.constant 0.000000e+00 : f32
          %parallel_loop3A_288 = vector.broadcast %parallel_loop3A_287 : f32 to vector<16xf32>
          %parallel_loop3A_289 = arith.maximumf %parallel_loop3A_286, %parallel_loop3A_288 : vector<16xf32>
          %parallel_loop3A_290 = arith.index_cast %parallel_loop3A_243 : i32 to index
          %parallel_loop3A_291 = arith.constant 32 : index
          %parallel_loop3A_292 = tpu.vector_load %arg17[%parallel_loop3A_290, %parallel_loop3A_291] {strides = array<i32>} : memref<80x128xf32, #tpu.memory_space<vmem>>, vector<1x16xf32>,
          %parallel_loop3A_293 = vector.shape_cast %parallel_loop3A_292 : vector<1x16xf32> to vector<16xf32>
          %parallel_loop3A_294 = vector.shape_cast %parallel_loop3A_289 : vector<16xf32> to vector<1x16xf32>
          tpu.vector_store %arg17[%parallel_loop3A_290, %parallel_loop3A_291], %parallel_loop3A_294 {strides = array<i32>} : memref<80x128xf32, #tpu.memory_space<vmem>>, vector<1x16xf32>,
          %parallel_loop3A_295 = arith.index_cast %parallel_loop3A_243 : i32 to index
          %parallel_loop3A_296 = arith.constant 48 : index
          %parallel_loop3A_297 = tpu.vector_load %arg15[%parallel_loop3A_295, %parallel_loop3A_296] {strides = array<i32>} : memref<80x128xf32, #tpu.memory_space<vmem>>, vector<1x16xf32>,
          %parallel_loop3A_298 = vector.shape_cast %parallel_loop3A_297 : vector<1x16xf32> to vector<16xf32>
          %parallel_loop3A_299 = arith.index_cast %parallel_loop3A_243 : i32 to index
          %parallel_loop3A_300 = arith.constant 48 : index
          %parallel_loop3A_301 = tpu.vector_load %arg17[%parallel_loop3A_299, %parallel_loop3A_300] {strides = array<i32>} : memref<80x128xf32, #tpu.memory_space<vmem>>, vector<1x16xf32>,
          %parallel_loop3A_302 = vector.shape_cast %parallel_loop3A_301 : vector<1x16xf32> to vector<16xf32>
          %parallel_loop3A_303 = arith.addf %parallel_loop3A_298, %parallel_loop3A_302 : vector<16xf32>
          %parallel_loop3A_304 = arith.constant 0.000000e+00 : f32
          %parallel_loop3A_305 = vector.broadcast %parallel_loop3A_304 : f32 to vector<16xf32>
          %parallel_loop3A_306 = arith.maximumf %parallel_loop3A_303, %parallel_loop3A_305 : vector<16xf32>
          %parallel_loop3A_307 = arith.index_cast %parallel_loop3A_243 : i32 to index
          %parallel_loop3A_308 = arith.constant 48 : index
          %parallel_loop3A_309 = tpu.vector_load %arg17[%parallel_loop3A_307, %parallel_loop3A_308] {strides = array<i32>} : memref<80x128xf32, #tpu.memory_space<vmem>>, vector<1x16xf32>,
          %parallel_loop3A_310 = vector.shape_cast %parallel_loop3A_309 : vector<1x16xf32> to vector<16xf32>
          %parallel_loop3A_311 = vector.shape_cast %parallel_loop3A_306 : vector<16xf32> to vector<1x16xf32>
          tpu.vector_store %arg17[%parallel_loop3A_307, %parallel_loop3A_308], %parallel_loop3A_311 {strides = array<i32>} : memref<80x128xf32, #tpu.memory_space<vmem>>, vector<1x16xf32>,
          %parallel_loop3A_312 = arith.index_cast %parallel_loop3A_243 : i32 to index
          %parallel_loop3A_313 = arith.constant 64 : index
          %parallel_loop3A_314 = tpu.vector_load %arg15[%parallel_loop3A_312, %parallel_loop3A_313] {strides = array<i32>} : memref<80x128xf32, #tpu.memory_space<vmem>>, vector<1x16xf32>,
          %parallel_loop3A_315 = vector.shape_cast %parallel_loop3A_314 : vector<1x16xf32> to vector<16xf32>
          %parallel_loop3A_316 = arith.index_cast %parallel_loop3A_243 : i32 to index
          %parallel_loop3A_317 = arith.constant 64 : index
          %parallel_loop3A_318 = tpu.vector_load %arg17[%parallel_loop3A_316, %parallel_loop3A_317] {strides = array<i32>} : memref<80x128xf32, #tpu.memory_space<vmem>>, vector<1x16xf32>,
          %parallel_loop3A_319 = vector.shape_cast %parallel_loop3A_318 : vector<1x16xf32> to vector<16xf32>
          %parallel_loop3A_320 = arith.addf %parallel_loop3A_315, %parallel_loop3A_319 : vector<16xf32>
          %parallel_loop3A_321 = arith.constant 0.000000e+00 : f32
          %parallel_loop3A_322 = vector.broadcast %parallel_loop3A_321 : f32 to vector<16xf32>
          %parallel_loop3A_323 = arith.maximumf %parallel_loop3A_320, %parallel_loop3A_322 : vector<16xf32>
          %parallel_loop3A_324 = arith.index_cast %parallel_loop3A_243 : i32 to index
          %parallel_loop3A_325 = arith.constant 64 : index
          %parallel_loop3A_326 = tpu.vector_load %arg17[%parallel_loop3A_324, %parallel_loop3A_325] {strides = array<i32>} : memref<80x128xf32, #tpu.memory_space<vmem>>, vector<1x16xf32>,
          %parallel_loop3A_327 = vector.shape_cast %parallel_loop3A_326 : vector<1x16xf32> to vector<16xf32>
          %parallel_loop3A_328 = vector.shape_cast %parallel_loop3A_323 : vector<16xf32> to vector<1x16xf32>
          tpu.vector_store %arg17[%parallel_loop3A_324, %parallel_loop3A_325], %parallel_loop3A_328 {strides = array<i32>} : memref<80x128xf32, #tpu.memory_space<vmem>>, vector<1x16xf32>,
          %parallel_loop3A_329 = arith.index_cast %parallel_loop3A_243 : i32 to index
          %parallel_loop3A_330 = arith.constant 80 : index
          %parallel_loop3A_331 = tpu.vector_load %arg15[%parallel_loop3A_329, %parallel_loop3A_330] {strides = array<i32>} : memref<80x128xf32, #tpu.memory_space<vmem>>, vector<1x16xf32>,
          %parallel_loop3A_332 = vector.shape_cast %parallel_loop3A_331 : vector<1x16xf32> to vector<16xf32>
          %parallel_loop3A_333 = arith.index_cast %parallel_loop3A_243 : i32 to index
          %parallel_loop3A_334 = arith.constant 80 : index
          %parallel_loop3A_335 = tpu.vector_load %arg17[%parallel_loop3A_333, %parallel_loop3A_334] {strides = array<i32>} : memref<80x128xf32, #tpu.memory_space<vmem>>, vector<1x16xf32>,
          %parallel_loop3A_336 = vector.shape_cast %parallel_loop3A_335 : vector<1x16xf32> to vector<16xf32>
          %parallel_loop3A_337 = arith.addf %parallel_loop3A_332, %parallel_loop3A_336 : vector<16xf32>
          %parallel_loop3A_338 = arith.constant 0.000000e+00 : f32
          %parallel_loop3A_339 = vector.broadcast %parallel_loop3A_338 : f32 to vector<16xf32>
          %parallel_loop3A_340 = arith.maximumf %parallel_loop3A_337, %parallel_loop3A_339 : vector<16xf32>
          %parallel_loop3A_341 = arith.index_cast %parallel_loop3A_243 : i32 to index
          %parallel_loop3A_342 = arith.constant 80 : index
          %parallel_loop3A_343 = tpu.vector_load %arg17[%parallel_loop3A_341, %parallel_loop3A_342] {strides = array<i32>} : memref<80x128xf32, #tpu.memory_space<vmem>>, vector<1x16xf32>,
          %parallel_loop3A_344 = vector.shape_cast %parallel_loop3A_343 : vector<1x16xf32> to vector<16xf32>
          %parallel_loop3A_345 = vector.shape_cast %parallel_loop3A_340 : vector<16xf32> to vector<1x16xf32>
          tpu.vector_store %arg17[%parallel_loop3A_341, %parallel_loop3A_342], %parallel_loop3A_345 {strides = array<i32>} : memref<80x128xf32, #tpu.memory_space<vmem>>, vector<1x16xf32>,
          %parallel_loop3A_346 = arith.index_cast %parallel_loop3A_243 : i32 to index
          %parallel_loop3A_347 = arith.constant 96 : index
          %parallel_loop3A_348 = tpu.vector_load %arg15[%parallel_loop3A_346, %parallel_loop3A_347] {strides = array<i32>} : memref<80x128xf32, #tpu.memory_space<vmem>>, vector<1x16xf32>,
          %parallel_loop3A_349 = vector.shape_cast %parallel_loop3A_348 : vector<1x16xf32> to vector<16xf32>
          %parallel_loop3A_350 = arith.index_cast %parallel_loop3A_243 : i32 to index
          %parallel_loop3A_351 = arith.constant 96 : index
          %parallel_loop3A_352 = tpu.vector_load %arg17[%parallel_loop3A_350, %parallel_loop3A_351] {strides = array<i32>} : memref<80x128xf32, #tpu.memory_space<vmem>>, vector<1x16xf32>,
          %parallel_loop3A_353 = vector.shape_cast %parallel_loop3A_352 : vector<1x16xf32> to vector<16xf32>
          %parallel_loop3A_354 = arith.addf %parallel_loop3A_349, %parallel_loop3A_353 : vector<16xf32>
          %parallel_loop3A_355 = arith.constant 0.000000e+00 : f32
          %parallel_loop3A_356 = vector.broadcast %parallel_loop3A_355 : f32 to vector<16xf32>
          %parallel_loop3A_357 = arith.maximumf %parallel_loop3A_354, %parallel_loop3A_356 : vector<16xf32>
          %parallel_loop3A_358 = arith.index_cast %parallel_loop3A_243 : i32 to index
          %parallel_loop3A_359 = arith.constant 96 : index
          %parallel_loop3A_360 = tpu.vector_load %arg17[%parallel_loop3A_358, %parallel_loop3A_359] {strides = array<i32>} : memref<80x128xf32, #tpu.memory_space<vmem>>, vector<1x16xf32>,
          %parallel_loop3A_361 = vector.shape_cast %parallel_loop3A_360 : vector<1x16xf32> to vector<16xf32>
          %parallel_loop3A_362 = vector.shape_cast %parallel_loop3A_357 : vector<16xf32> to vector<1x16xf32>
          tpu.vector_store %arg17[%parallel_loop3A_358, %parallel_loop3A_359], %parallel_loop3A_362 {strides = array<i32>} : memref<80x128xf32, #tpu.memory_space<vmem>>, vector<1x16xf32>,
          %parallel_loop3A_363 = arith.index_cast %parallel_loop3A_243 : i32 to index
          %parallel_loop3A_364 = arith.constant 112 : index
          %parallel_loop3A_365 = tpu.vector_load %arg15[%parallel_loop3A_363, %parallel_loop3A_364] {strides = array<i32>} : memref<80x128xf32, #tpu.memory_space<vmem>>, vector<1x16xf32>,
          %parallel_loop3A_366 = vector.shape_cast %parallel_loop3A_365 : vector<1x16xf32> to vector<16xf32>
          %parallel_loop3A_367 = arith.index_cast %parallel_loop3A_243 : i32 to index
          %parallel_loop3A_368 = arith.constant 112 : index
          %parallel_loop3A_369 = tpu.vector_load %arg17[%parallel_loop3A_367, %parallel_loop3A_368] {strides = array<i32>} : memref<80x128xf32, #tpu.memory_space<vmem>>, vector<1x16xf32>,
          %parallel_loop3A_370 = vector.shape_cast %parallel_loop3A_369 : vector<1x16xf32> to vector<16xf32>
          %parallel_loop3A_371 = arith.addf %parallel_loop3A_366, %parallel_loop3A_370 : vector<16xf32>
          %parallel_loop3A_372 = arith.constant 0.000000e+00 : f32
          %parallel_loop3A_373 = vector.broadcast %parallel_loop3A_372 : f32 to vector<16xf32>
          %parallel_loop3A_374 = arith.maximumf %parallel_loop3A_371, %parallel_loop3A_373 : vector<16xf32>
          %parallel_loop3A_375 = arith.index_cast %parallel_loop3A_243 : i32 to index
          %parallel_loop3A_376 = arith.constant 112 : index
          %parallel_loop3A_377 = tpu.vector_load %arg17[%parallel_loop3A_375, %parallel_loop3A_376] {strides = array<i32>} : memref<80x128xf32, #tpu.memory_space<vmem>>, vector<1x16xf32>,
          %parallel_loop3A_378 = vector.shape_cast %parallel_loop3A_377 : vector<1x16xf32> to vector<16xf32>
          %parallel_loop3A_379 = vector.shape_cast %parallel_loop3A_374 : vector<16xf32> to vector<1x16xf32>
          tpu.vector_store %arg17[%parallel_loop3A_375, %parallel_loop3A_376], %parallel_loop3A_379 {strides = array<i32>} : memref<80x128xf32, #tpu.memory_space<vmem>>, vector<1x16xf32>,
        } {sc.loop_unroll_factor = 4 : i64, sc.parallel_access}
        %dma_start3A_240 = arith.constant 0 : i32
        %dma_start3A_241 = arith.constant 0 : i32
        %dma_start3A_242 = tpu.memref_slice %arg19[%dma_start3A_240, %dma_start3A_241] : memref<10000x128xf32, #tpu.memory_space<vmem_shared>> -> memref<10000x128xf32, #tpu.memory_space<vmem_shared>>
        tpu.enqueue_indirect_dma source(%arg17 : memref<80x128xf32, #tpu.memory_space<vmem>>) target(%dma_start3A_242 : memref<10000x128xf32, #tpu.memory_space<vmem_shared>>) offsets(%arg11 : memref<80xi32, #tpu.memory_space<vmem>>) semaphore(%arg26 : memref<!tpu.dma_semaphore, #tpu.memory_space<semaphore_mem>>) {add = true}
      } else {
      }
      %ge3A = arith.constant 1 : i32
      %ge3A_74 = arith.cmpi sge, %add3A_57, %ge3A : i32
      %le3A = arith.constant 125 : i32
      %le3A_75 = arith.cmpi sle, %add3A_57, %le3A : i32
      %and3A = arith.andi %ge3A_74, %le3A_75 : i1
      %convert_element_type3A_76 = arith.extui %and3A : i1 to i32
      %cond3A_77 = arith.constant 0 : i32
      %cond3A_78 = arith.cmpi ne, %convert_element_type3A_76, %cond3A_77 : i32
      scf.if %cond3A_78 {
        %dma_wait3A_228 = arith.constant 0 : i32
        %dma_wait3A_229 = arith.constant 0 : i32
        %dma_wait3A_230 = tpu.memref_slice %arg19[%dma_wait3A_228, %dma_wait3A_229] : memref<10000x128xf32, #tpu.memory_space<vmem_shared>> -> memref<10000x128xf32, #tpu.memory_space<vmem_shared>>
        tpu.wait_indirect_dma semaphore(%arg27 : memref<!tpu.dma_semaphore, #tpu.memory_space<semaphore_mem>>) src(%arg18 : memref<80x128xf32, #tpu.memory_space<vmem>>) dst(%dma_wait3A_230 : memref<10000x128xf32, #tpu.memory_space<vmem_shared>>)
      } else {
      }
      %add3A_79 = arith.constant 1 : i32
      %add3A_80 = arith.addi %add3A_57, %add3A_79 : i32
      %lt3A_81 = arith.constant 125 : i32
      %lt3A_82 = arith.cmpi slt, %add3A_80, %lt3A_81 : i32
      %convert_element_type3A_83 = arith.extui %lt3A_82 : i1 to i32
      %cond3A_84 = arith.constant 0 : i32
      %cond3A_85 = arith.cmpi ne, %convert_element_type3A_83, %cond3A_84 : i32
      scf.if %cond3A_85 {
        %mul3A_228 = arith.constant 80 : i32
        %mul3A_229 = arith.muli %add3A_80, %mul3A_228 : i32
        %add3A_230 = arith.addi %mul3A_14, %mul3A_229 : i32
        %dma_start3A_231 = arith.constant 0 : i32
        %dma_start3A_232 = tpu.memref_slice %arg5[%add3A_230, %dma_start3A_231] : memref<320000x128xf32, #tpu.memory_space<hbm>> -> memref<80x128xf32, #tpu.memory_space<hbm>>
        %dma_start3A_233 = arith.constant 0 : i32
        %dma_start3A_234 = tpu.memref_slice %arg5[%add3A_230, %dma_start3A_233] : memref<320000x128xf32, #tpu.memory_space<hbm>> -> memref<80x128xf32, #tpu.memory_space<hbm>>
        tpu.enqueue_dma source(%dma_start3A_234 : memref<80x128xf32, #tpu.memory_space<hbm>>) target(%arg18 : memref<80x128xf32, #tpu.memory_space<vmem>>) target_semaphore(%arg25 : memref<!tpu.dma_semaphore, #tpu.memory_space<semaphore_mem>>)
      } else {
      }
      %add3A_86 = arith.constant 2 : i32
      %add3A_87 = arith.addi %add3A_57, %add3A_86 : i32
      %lt3A_88 = arith.constant 125 : i32
      %lt3A_89 = arith.cmpi slt, %add3A_87, %lt3A_88 : i32
      %convert_element_type3A_90 = arith.extui %lt3A_89 : i1 to i32
      %cond3A_91 = arith.constant 0 : i32
      %cond3A_92 = arith.cmpi ne, %convert_element_type3A_90, %cond3A_91 : i32
      scf.if %cond3A_92 {
        %mul3A_228 = arith.constant 80 : i32
        %mul3A_229 = arith.muli %add3A_87, %mul3A_228 : i32
        %add3A_230 = arith.addi %mul3A_14, %mul3A_229 : i32
        %dma_start3A_231 = tpu.memref_slice %arg3[%add3A_230] : memref<320000xi32, #tpu.memory_space<hbm>> -> memref<80xi32, #tpu.memory_space<hbm>>
        %dma_start3A_232 = tpu.memref_slice %arg3[%add3A_230] : memref<320000xi32, #tpu.memory_space<hbm>> -> memref<80xi32, #tpu.memory_space<hbm>>
        tpu.enqueue_dma source(%dma_start3A_232 : memref<80xi32, #tpu.memory_space<hbm>>) target(%arg9 : memref<80xi32, #tpu.memory_space<vmem>>) target_semaphore(%arg20 : memref<!tpu.dma_semaphore, #tpu.memory_space<semaphore_mem>>)
        %dma_start3A_233 = tpu.memref_slice %arg4[%add3A_230] : memref<320000xi32, #tpu.memory_space<hbm>> -> memref<80xi32, #tpu.memory_space<hbm>>
        %dma_start3A_234 = tpu.memref_slice %arg4[%add3A_230] : memref<320000xi32, #tpu.memory_space<hbm>> -> memref<80xi32, #tpu.memory_space<hbm>>
        tpu.enqueue_dma source(%dma_start3A_234 : memref<80xi32, #tpu.memory_space<hbm>>) target(%arg13 : memref<80xi32, #tpu.memory_space<vmem>>) target_semaphore(%arg20 : memref<!tpu.dma_semaphore, #tpu.memory_space<semaphore_mem>>)
      } else {
      }
      %mul3A_93 = arith.constant 4 : i32
      %mul3A_94 = arith.muli %mul3A_93, %scan3A_53 : i32
      %add3A_95 = arith.constant 1 : i32
      %add3A_96 = arith.addi %mul3A_94, %add3A_95 : i32
      %add3A_97 = arith.constant 1 : i32
      %add3A_98 = arith.addi %add3A_96, %add3A_97 : i32
      %lt3A_99 = arith.constant 125 : i32
      %lt3A_100 = arith.cmpi slt, %add3A_98, %lt3A_99 : i32
      %convert_element_type3A_101 = arith.extui %lt3A_100 : i1 to i32
      %cond3A_102 = arith.constant 0 : i32
      %cond3A_103 = arith.cmpi ne, %convert_element_type3A_101, %cond3A_102 : i32
      scf.if %cond3A_103 {
        %mul3A_228 = arith.constant 80 : i32
        %mul3A_229 = arith.muli %add3A_98, %mul3A_228 : i32
        %add3A_230 = arith.addi %mul3A_14, %mul3A_229 : i32
        %dma_wait3A_231 = tpu.memref_slice %arg3[%add3A_230] : memref<320000xi32, #tpu.memory_space<hbm>> -> memref<80xi32, #tpu.memory_space<hbm>>
        %dma_wait3A_232 = tpu.memref_slice %arg3[%add3A_230] : memref<320000xi32, #tpu.memory_space<hbm>> -> memref<80xi32, #tpu.memory_space<hbm>>
        tpu.wait_dma2 semaphore(%arg20 : memref<!tpu.dma_semaphore, #tpu.memory_space<semaphore_mem>>) src(%dma_wait3A_232 : memref<80xi32, #tpu.memory_space<hbm>>) dst(%arg9 : memref<80xi32, #tpu.memory_space<vmem>>)
        %dma_wait3A_233 = tpu.memref_slice %arg4[%add3A_230] : memref<320000xi32, #tpu.memory_space<hbm>> -> memref<80xi32, #tpu.memory_space<hbm>>
        %dma_wait3A_234 = tpu.memref_slice %arg4[%add3A_230] : memref<320000xi32, #tpu.memory_space<hbm>> -> memref<80xi32, #tpu.memory_space<hbm>>
        tpu.wait_dma2 semaphore(%arg20 : memref<!tpu.dma_semaphore, #tpu.memory_space<semaphore_mem>>) src(%dma_wait3A_234 : memref<80xi32, #tpu.memory_space<hbm>>) dst(%arg13 : memref<80xi32, #tpu.memory_space<vmem>>)
      } else {
      }
      %add3A_104 = arith.constant 1 : i32
      %add3A_105 = arith.addi %add3A_96, %add3A_104 : i32
      %lt3A_106 = arith.constant 125 : i32
      %lt3A_107 = arith.cmpi slt, %add3A_105, %lt3A_106 : i32
      %convert_element_type3A_108 = arith.extui %lt3A_107 : i1 to i32
      %cond3A_109 = arith.constant 0 : i32
      %cond3A_110 = arith.cmpi ne, %convert_element_type3A_108, %cond3A_109 : i32
      scf.if %cond3A_110 {
        %dma_start3A_228 = arith.constant 0 : i32
        %dma_start3A_229 = arith.constant 0 : i32
        %dma_start3A_230 = tpu.memref_slice %arg2[%dma_start3A_228, %dma_start3A_229] : memref<10000x128xf32, #tpu.memory_space<hbm>> -> memref<10000x128xf32, #tpu.memory_space<hbm>>
        tpu.enqueue_indirect_dma source(%dma_start3A_230 : memref<10000x128xf32, #tpu.memory_space<hbm>>) target(%arg15 : memref<80x128xf32, #tpu.memory_space<vmem>>) offsets(%arg9 : memref<80xi32, #tpu.memory_space<vmem>>) semaphore(%arg22 : memref<!tpu.dma_semaphore, #tpu.memory_space<semaphore_mem>>)
      } else {
      }
      %lt3A_111 = arith.constant 125 : i32
      %lt3A_112 = arith.cmpi slt, %add3A_96, %lt3A_111 : i32
      %convert_element_type3A_113 = arith.extui %lt3A_112 : i1 to i32
      %cond3A_114 = arith.constant 0 : i32
      %cond3A_115 = arith.cmpi ne, %convert_element_type3A_113, %cond3A_114 : i32
      scf.if %cond3A_115 {
        %mul3A_228 = arith.constant 80 : i32
        %mul3A_229 = arith.muli %add3A_96, %mul3A_228 : i32
        %add3A_230 = arith.addi %mul3A_14, %mul3A_229 : i32
        %dma_wait3A_231 = arith.constant 0 : i32
        %dma_wait3A_232 = arith.constant 0 : i32
        %dma_wait3A_233 = tpu.memref_slice %arg2[%dma_wait3A_231, %dma_wait3A_232] : memref<10000x128xf32, #tpu.memory_space<hbm>> -> memref<10000x128xf32, #tpu.memory_space<hbm>>
        tpu.wait_indirect_dma semaphore(%arg23 : memref<!tpu.dma_semaphore, #tpu.memory_space<semaphore_mem>>) src(%dma_wait3A_233 : memref<10000x128xf32, #tpu.memory_space<hbm>>) dst(%arg16 : memref<80x128xf32, #tpu.memory_space<vmem>>)
        %dma_wait3A_234 = arith.constant 0 : i32
        %dma_wait3A_235 = tpu.memref_slice %arg5[%add3A_230, %dma_wait3A_234] : memref<320000x128xf32, #tpu.memory_space<hbm>> -> memref<80x128xf32, #tpu.memory_space<hbm>>
        %dma_wait3A_236 = arith.constant 0 : i32
        %dma_wait3A_237 = tpu.memref_slice %arg5[%add3A_230, %dma_wait3A_236] : memref<320000x128xf32, #tpu.memory_space<hbm>> -> memref<80x128xf32, #tpu.memory_space<hbm>>
        tpu.wait_dma2 semaphore(%arg25 : memref<!tpu.dma_semaphore, #tpu.memory_space<semaphore_mem>>) src(%dma_wait3A_237 : memref<80x128xf32, #tpu.memory_space<hbm>>) dst(%arg18 : memref<80x128xf32, #tpu.memory_space<vmem>>)
        %parallel_loop3A = arith.constant 0 : i32
        %parallel_loop3A_238 = arith.constant 80 : i32
        %parallel_loop3A_239 = arith.constant 1 : i32
        scf.for %parallel_loop3A_243 = %parallel_loop3A to %parallel_loop3A_238 step %parallel_loop3A_239  : i32 {
          %parallel_loop3A_244 = arith.index_cast %parallel_loop3A_243 : i32 to index
          %parallel_loop3A_245 = arith.constant 0 : index
          %parallel_loop3A_246 = tpu.vector_load %arg16[%parallel_loop3A_244, %parallel_loop3A_245] {strides = array<i32>} : memref<80x128xf32, #tpu.memory_space<vmem>>, vector<1x16xf32>,
          %parallel_loop3A_247 = vector.shape_cast %parallel_loop3A_246 : vector<1x16xf32> to vector<16xf32>
          %parallel_loop3A_248 = arith.index_cast %parallel_loop3A_243 : i32 to index
          %parallel_loop3A_249 = arith.constant 0 : index
          %parallel_loop3A_250 = tpu.vector_load %arg18[%parallel_loop3A_248, %parallel_loop3A_249] {strides = array<i32>} : memref<80x128xf32, #tpu.memory_space<vmem>>, vector<1x16xf32>,
          %parallel_loop3A_251 = vector.shape_cast %parallel_loop3A_250 : vector<1x16xf32> to vector<16xf32>
          %parallel_loop3A_252 = arith.addf %parallel_loop3A_247, %parallel_loop3A_251 : vector<16xf32>
          %parallel_loop3A_253 = arith.constant 0.000000e+00 : f32
          %parallel_loop3A_254 = vector.broadcast %parallel_loop3A_253 : f32 to vector<16xf32>
          %parallel_loop3A_255 = arith.maximumf %parallel_loop3A_252, %parallel_loop3A_254 : vector<16xf32>
          %parallel_loop3A_256 = arith.index_cast %parallel_loop3A_243 : i32 to index
          %parallel_loop3A_257 = arith.constant 0 : index
          %parallel_loop3A_258 = tpu.vector_load %arg18[%parallel_loop3A_256, %parallel_loop3A_257] {strides = array<i32>} : memref<80x128xf32, #tpu.memory_space<vmem>>, vector<1x16xf32>,
          %parallel_loop3A_259 = vector.shape_cast %parallel_loop3A_258 : vector<1x16xf32> to vector<16xf32>
          %parallel_loop3A_260 = vector.shape_cast %parallel_loop3A_255 : vector<16xf32> to vector<1x16xf32>
          tpu.vector_store %arg18[%parallel_loop3A_256, %parallel_loop3A_257], %parallel_loop3A_260 {strides = array<i32>} : memref<80x128xf32, #tpu.memory_space<vmem>>, vector<1x16xf32>,
          %parallel_loop3A_261 = arith.index_cast %parallel_loop3A_243 : i32 to index
          %parallel_loop3A_262 = arith.constant 16 : index
          %parallel_loop3A_263 = tpu.vector_load %arg16[%parallel_loop3A_261, %parallel_loop3A_262] {strides = array<i32>} : memref<80x128xf32, #tpu.memory_space<vmem>>, vector<1x16xf32>,
          %parallel_loop3A_264 = vector.shape_cast %parallel_loop3A_263 : vector<1x16xf32> to vector<16xf32>
          %parallel_loop3A_265 = arith.index_cast %parallel_loop3A_243 : i32 to index
          %parallel_loop3A_266 = arith.constant 16 : index
          %parallel_loop3A_267 = tpu.vector_load %arg18[%parallel_loop3A_265, %parallel_loop3A_266] {strides = array<i32>} : memref<80x128xf32, #tpu.memory_space<vmem>>, vector<1x16xf32>,
          %parallel_loop3A_268 = vector.shape_cast %parallel_loop3A_267 : vector<1x16xf32> to vector<16xf32>
          %parallel_loop3A_269 = arith.addf %parallel_loop3A_264, %parallel_loop3A_268 : vector<16xf32>
          %parallel_loop3A_270 = arith.constant 0.000000e+00 : f32
          %parallel_loop3A_271 = vector.broadcast %parallel_loop3A_270 : f32 to vector<16xf32>
          %parallel_loop3A_272 = arith.maximumf %parallel_loop3A_269, %parallel_loop3A_271 : vector<16xf32>
          %parallel_loop3A_273 = arith.index_cast %parallel_loop3A_243 : i32 to index
          %parallel_loop3A_274 = arith.constant 16 : index
          %parallel_loop3A_275 = tpu.vector_load %arg18[%parallel_loop3A_273, %parallel_loop3A_274] {strides = array<i32>} : memref<80x128xf32, #tpu.memory_space<vmem>>, vector<1x16xf32>,
          %parallel_loop3A_276 = vector.shape_cast %parallel_loop3A_275 : vector<1x16xf32> to vector<16xf32>
          %parallel_loop3A_277 = vector.shape_cast %parallel_loop3A_272 : vector<16xf32> to vector<1x16xf32>
          tpu.vector_store %arg18[%parallel_loop3A_273, %parallel_loop3A_274], %parallel_loop3A_277 {strides = array<i32>} : memref<80x128xf32, #tpu.memory_space<vmem>>, vector<1x16xf32>,
          %parallel_loop3A_278 = arith.index_cast %parallel_loop3A_243 : i32 to index
          %parallel_loop3A_279 = arith.constant 32 : index
          %parallel_loop3A_280 = tpu.vector_load %arg16[%parallel_loop3A_278, %parallel_loop3A_279] {strides = array<i32>} : memref<80x128xf32, #tpu.memory_space<vmem>>, vector<1x16xf32>,
          %parallel_loop3A_281 = vector.shape_cast %parallel_loop3A_280 : vector<1x16xf32> to vector<16xf32>
          %parallel_loop3A_282 = arith.index_cast %parallel_loop3A_243 : i32 to index
          %parallel_loop3A_283 = arith.constant 32 : index
          %parallel_loop3A_284 = tpu.vector_load %arg18[%parallel_loop3A_282, %parallel_loop3A_283] {strides = array<i32>} : memref<80x128xf32, #tpu.memory_space<vmem>>, vector<1x16xf32>,
          %parallel_loop3A_285 = vector.shape_cast %parallel_loop3A_284 : vector<1x16xf32> to vector<16xf32>
          %parallel_loop3A_286 = arith.addf %parallel_loop3A_281, %parallel_loop3A_285 : vector<16xf32>
          %parallel_loop3A_287 = arith.constant 0.000000e+00 : f32
          %parallel_loop3A_288 = vector.broadcast %parallel_loop3A_287 : f32 to vector<16xf32>
          %parallel_loop3A_289 = arith.maximumf %parallel_loop3A_286, %parallel_loop3A_288 : vector<16xf32>
          %parallel_loop3A_290 = arith.index_cast %parallel_loop3A_243 : i32 to index
          %parallel_loop3A_291 = arith.constant 32 : index
          %parallel_loop3A_292 = tpu.vector_load %arg18[%parallel_loop3A_290, %parallel_loop3A_291] {strides = array<i32>} : memref<80x128xf32, #tpu.memory_space<vmem>>, vector<1x16xf32>,
          %parallel_loop3A_293 = vector.shape_cast %parallel_loop3A_292 : vector<1x16xf32> to vector<16xf32>
          %parallel_loop3A_294 = vector.shape_cast %parallel_loop3A_289 : vector<16xf32> to vector<1x16xf32>
          tpu.vector_store %arg18[%parallel_loop3A_290, %parallel_loop3A_291], %parallel_loop3A_294 {strides = array<i32>} : memref<80x128xf32, #tpu.memory_space<vmem>>, vector<1x16xf32>,
          %parallel_loop3A_295 = arith.index_cast %parallel_loop3A_243 : i32 to index
          %parallel_loop3A_296 = arith.constant 48 : index
          %parallel_loop3A_297 = tpu.vector_load %arg16[%parallel_loop3A_295, %parallel_loop3A_296] {strides = array<i32>} : memref<80x128xf32, #tpu.memory_space<vmem>>, vector<1x16xf32>,
          %parallel_loop3A_298 = vector.shape_cast %parallel_loop3A_297 : vector<1x16xf32> to vector<16xf32>
          %parallel_loop3A_299 = arith.index_cast %parallel_loop3A_243 : i32 to index
          %parallel_loop3A_300 = arith.constant 48 : index
          %parallel_loop3A_301 = tpu.vector_load %arg18[%parallel_loop3A_299, %parallel_loop3A_300] {strides = array<i32>} : memref<80x128xf32, #tpu.memory_space<vmem>>, vector<1x16xf32>,
          %parallel_loop3A_302 = vector.shape_cast %parallel_loop3A_301 : vector<1x16xf32> to vector<16xf32>
          %parallel_loop3A_303 = arith.addf %parallel_loop3A_298, %parallel_loop3A_302 : vector<16xf32>
          %parallel_loop3A_304 = arith.constant 0.000000e+00 : f32
          %parallel_loop3A_305 = vector.broadcast %parallel_loop3A_304 : f32 to vector<16xf32>
          %parallel_loop3A_306 = arith.maximumf %parallel_loop3A_303, %parallel_loop3A_305 : vector<16xf32>
          %parallel_loop3A_307 = arith.index_cast %parallel_loop3A_243 : i32 to index
          %parallel_loop3A_308 = arith.constant 48 : index
          %parallel_loop3A_309 = tpu.vector_load %arg18[%parallel_loop3A_307, %parallel_loop3A_308] {strides = array<i32>} : memref<80x128xf32, #tpu.memory_space<vmem>>, vector<1x16xf32>,
          %parallel_loop3A_310 = vector.shape_cast %parallel_loop3A_309 : vector<1x16xf32> to vector<16xf32>
          %parallel_loop3A_311 = vector.shape_cast %parallel_loop3A_306 : vector<16xf32> to vector<1x16xf32>
          tpu.vector_store %arg18[%parallel_loop3A_307, %parallel_loop3A_308], %parallel_loop3A_311 {strides = array<i32>} : memref<80x128xf32, #tpu.memory_space<vmem>>, vector<1x16xf32>,
          %parallel_loop3A_312 = arith.index_cast %parallel_loop3A_243 : i32 to index
          %parallel_loop3A_313 = arith.constant 64 : index
          %parallel_loop3A_314 = tpu.vector_load %arg16[%parallel_loop3A_312, %parallel_loop3A_313] {strides = array<i32>} : memref<80x128xf32, #tpu.memory_space<vmem>>, vector<1x16xf32>,
          %parallel_loop3A_315 = vector.shape_cast %parallel_loop3A_314 : vector<1x16xf32> to vector<16xf32>
          %parallel_loop3A_316 = arith.index_cast %parallel_loop3A_243 : i32 to index
          %parallel_loop3A_317 = arith.constant 64 : index
          %parallel_loop3A_318 = tpu.vector_load %arg18[%parallel_loop3A_316, %parallel_loop3A_317] {strides = array<i32>} : memref<80x128xf32, #tpu.memory_space<vmem>>, vector<1x16xf32>,
          %parallel_loop3A_319 = vector.shape_cast %parallel_loop3A_318 : vector<1x16xf32> to vector<16xf32>
          %parallel_loop3A_320 = arith.addf %parallel_loop3A_315, %parallel_loop3A_319 : vector<16xf32>
          %parallel_loop3A_321 = arith.constant 0.000000e+00 : f32
          %parallel_loop3A_322 = vector.broadcast %parallel_loop3A_321 : f32 to vector<16xf32>
          %parallel_loop3A_323 = arith.maximumf %parallel_loop3A_320, %parallel_loop3A_322 : vector<16xf32>
          %parallel_loop3A_324 = arith.index_cast %parallel_loop3A_243 : i32 to index
          %parallel_loop3A_325 = arith.constant 64 : index
          %parallel_loop3A_326 = tpu.vector_load %arg18[%parallel_loop3A_324, %parallel_loop3A_325] {strides = array<i32>} : memref<80x128xf32, #tpu.memory_space<vmem>>, vector<1x16xf32>,
          %parallel_loop3A_327 = vector.shape_cast %parallel_loop3A_326 : vector<1x16xf32> to vector<16xf32>
          %parallel_loop3A_328 = vector.shape_cast %parallel_loop3A_323 : vector<16xf32> to vector<1x16xf32>
          tpu.vector_store %arg18[%parallel_loop3A_324, %parallel_loop3A_325], %parallel_loop3A_328 {strides = array<i32>} : memref<80x128xf32, #tpu.memory_space<vmem>>, vector<1x16xf32>,
          %parallel_loop3A_329 = arith.index_cast %parallel_loop3A_243 : i32 to index
          %parallel_loop3A_330 = arith.constant 80 : index
          %parallel_loop3A_331 = tpu.vector_load %arg16[%parallel_loop3A_329, %parallel_loop3A_330] {strides = array<i32>} : memref<80x128xf32, #tpu.memory_space<vmem>>, vector<1x16xf32>,
          %parallel_loop3A_332 = vector.shape_cast %parallel_loop3A_331 : vector<1x16xf32> to vector<16xf32>
          %parallel_loop3A_333 = arith.index_cast %parallel_loop3A_243 : i32 to index
          %parallel_loop3A_334 = arith.constant 80 : index
          %parallel_loop3A_335 = tpu.vector_load %arg18[%parallel_loop3A_333, %parallel_loop3A_334] {strides = array<i32>} : memref<80x128xf32, #tpu.memory_space<vmem>>, vector<1x16xf32>,
          %parallel_loop3A_336 = vector.shape_cast %parallel_loop3A_335 : vector<1x16xf32> to vector<16xf32>
          %parallel_loop3A_337 = arith.addf %parallel_loop3A_332, %parallel_loop3A_336 : vector<16xf32>
          %parallel_loop3A_338 = arith.constant 0.000000e+00 : f32
          %parallel_loop3A_339 = vector.broadcast %parallel_loop3A_338 : f32 to vector<16xf32>
          %parallel_loop3A_340 = arith.maximumf %parallel_loop3A_337, %parallel_loop3A_339 : vector<16xf32>
          %parallel_loop3A_341 = arith.index_cast %parallel_loop3A_243 : i32 to index
          %parallel_loop3A_342 = arith.constant 80 : index
          %parallel_loop3A_343 = tpu.vector_load %arg18[%parallel_loop3A_341, %parallel_loop3A_342] {strides = array<i32>} : memref<80x128xf32, #tpu.memory_space<vmem>>, vector<1x16xf32>,
          %parallel_loop3A_344 = vector.shape_cast %parallel_loop3A_343 : vector<1x16xf32> to vector<16xf32>
          %parallel_loop3A_345 = vector.shape_cast %parallel_loop3A_340 : vector<16xf32> to vector<1x16xf32>
          tpu.vector_store %arg18[%parallel_loop3A_341, %parallel_loop3A_342], %parallel_loop3A_345 {strides = array<i32>} : memref<80x128xf32, #tpu.memory_space<vmem>>, vector<1x16xf32>,
          %parallel_loop3A_346 = arith.index_cast %parallel_loop3A_243 : i32 to index
          %parallel_loop3A_347 = arith.constant 96 : index
          %parallel_loop3A_348 = tpu.vector_load %arg16[%parallel_loop3A_346, %parallel_loop3A_347] {strides = array<i32>} : memref<80x128xf32, #tpu.memory_space<vmem>>, vector<1x16xf32>,
          %parallel_loop3A_349 = vector.shape_cast %parallel_loop3A_348 : vector<1x16xf32> to vector<16xf32>
          %parallel_loop3A_350 = arith.index_cast %parallel_loop3A_243 : i32 to index
          %parallel_loop3A_351 = arith.constant 96 : index
          %parallel_loop3A_352 = tpu.vector_load %arg18[%parallel_loop3A_350, %parallel_loop3A_351] {strides = array<i32>} : memref<80x128xf32, #tpu.memory_space<vmem>>, vector<1x16xf32>,
          %parallel_loop3A_353 = vector.shape_cast %parallel_loop3A_352 : vector<1x16xf32> to vector<16xf32>
          %parallel_loop3A_354 = arith.addf %parallel_loop3A_349, %parallel_loop3A_353 : vector<16xf32>
          %parallel_loop3A_355 = arith.constant 0.000000e+00 : f32
          %parallel_loop3A_356 = vector.broadcast %parallel_loop3A_355 : f32 to vector<16xf32>
          %parallel_loop3A_357 = arith.maximumf %parallel_loop3A_354, %parallel_loop3A_356 : vector<16xf32>
          %parallel_loop3A_358 = arith.index_cast %parallel_loop3A_243 : i32 to index
          %parallel_loop3A_359 = arith.constant 96 : index
          %parallel_loop3A_360 = tpu.vector_load %arg18[%parallel_loop3A_358, %parallel_loop3A_359] {strides = array<i32>} : memref<80x128xf32, #tpu.memory_space<vmem>>, vector<1x16xf32>,
          %parallel_loop3A_361 = vector.shape_cast %parallel_loop3A_360 : vector<1x16xf32> to vector<16xf32>
          %parallel_loop3A_362 = vector.shape_cast %parallel_loop3A_357 : vector<16xf32> to vector<1x16xf32>
          tpu.vector_store %arg18[%parallel_loop3A_358, %parallel_loop3A_359], %parallel_loop3A_362 {strides = array<i32>} : memref<80x128xf32, #tpu.memory_space<vmem>>, vector<1x16xf32>,
          %parallel_loop3A_363 = arith.index_cast %parallel_loop3A_243 : i32 to index
          %parallel_loop3A_364 = arith.constant 112 : index
          %parallel_loop3A_365 = tpu.vector_load %arg16[%parallel_loop3A_363, %parallel_loop3A_364] {strides = array<i32>} : memref<80x128xf32, #tpu.memory_space<vmem>>, vector<1x16xf32>,
          %parallel_loop3A_366 = vector.shape_cast %parallel_loop3A_365 : vector<1x16xf32> to vector<16xf32>
          %parallel_loop3A_367 = arith.index_cast %parallel_loop3A_243 : i32 to index
          %parallel_loop3A_368 = arith.constant 112 : index
          %parallel_loop3A_369 = tpu.vector_load %arg18[%parallel_loop3A_367, %parallel_loop3A_368] {strides = array<i32>} : memref<80x128xf32, #tpu.memory_space<vmem>>, vector<1x16xf32>,
          %parallel_loop3A_370 = vector.shape_cast %parallel_loop3A_369 : vector<1x16xf32> to vector<16xf32>
          %parallel_loop3A_371 = arith.addf %parallel_loop3A_366, %parallel_loop3A_370 : vector<16xf32>
          %parallel_loop3A_372 = arith.constant 0.000000e+00 : f32
          %parallel_loop3A_373 = vector.broadcast %parallel_loop3A_372 : f32 to vector<16xf32>
          %parallel_loop3A_374 = arith.maximumf %parallel_loop3A_371, %parallel_loop3A_373 : vector<16xf32>
          %parallel_loop3A_375 = arith.index_cast %parallel_loop3A_243 : i32 to index
          %parallel_loop3A_376 = arith.constant 112 : index
          %parallel_loop3A_377 = tpu.vector_load %arg18[%parallel_loop3A_375, %parallel_loop3A_376] {strides = array<i32>} : memref<80x128xf32, #tpu.memory_space<vmem>>, vector<1x16xf32>,
          %parallel_loop3A_378 = vector.shape_cast %parallel_loop3A_377 : vector<1x16xf32> to vector<16xf32>
          %parallel_loop3A_379 = vector.shape_cast %parallel_loop3A_374 : vector<16xf32> to vector<1x16xf32>
          tpu.vector_store %arg18[%parallel_loop3A_375, %parallel_loop3A_376], %parallel_loop3A_379 {strides = array<i32>} : memref<80x128xf32, #tpu.memory_space<vmem>>, vector<1x16xf32>,
        } {sc.loop_unroll_factor = 4 : i64, sc.parallel_access}
        %dma_start3A_240 = arith.constant 0 : i32
        %dma_start3A_241 = arith.constant 0 : i32
        %dma_start3A_242 = tpu.memref_slice %arg19[%dma_start3A_240, %dma_start3A_241] : memref<10000x128xf32, #tpu.memory_space<vmem_shared>> -> memref<10000x128xf32, #tpu.memory_space<vmem_shared>>
        tpu.enqueue_indirect_dma source(%arg18 : memref<80x128xf32, #tpu.memory_space<vmem>>) target(%dma_start3A_242 : memref<10000x128xf32, #tpu.memory_space<vmem_shared>>) offsets(%arg12 : memref<80xi32, #tpu.memory_space<vmem>>) semaphore(%arg27 : memref<!tpu.dma_semaphore, #tpu.memory_space<semaphore_mem>>) {add = true}
      } else {
      }
      %ge3A_116 = arith.constant 1 : i32
      %ge3A_117 = arith.cmpi sge, %add3A_96, %ge3A_116 : i32
      %le3A_118 = arith.constant 125 : i32
      %le3A_119 = arith.cmpi sle, %add3A_96, %le3A_118 : i32
      %and3A_120 = arith.andi %ge3A_117, %le3A_119 : i1
      %convert_element_type3A_121 = arith.extui %and3A_120 : i1 to i32
      %cond3A_122 = arith.constant 0 : i32
      %cond3A_123 = arith.cmpi ne, %convert_element_type3A_121, %cond3A_122 : i32
      scf.if %cond3A_123 {
        %dma_wait3A_228 = arith.constant 0 : i32
        %dma_wait3A_229 = arith.constant 0 : i32
        %dma_wait3A_230 = tpu.memref_slice %arg19[%dma_wait3A_228, %dma_wait3A_229] : memref<10000x128xf32, #tpu.memory_space<vmem_shared>> -> memref<10000x128xf32, #tpu.memory_space<vmem_shared>>
        tpu.wait_indirect_dma semaphore(%arg26 : memref<!tpu.dma_semaphore, #tpu.memory_space<semaphore_mem>>) src(%arg17 : memref<80x128xf32, #tpu.memory_space<vmem>>) dst(%dma_wait3A_230 : memref<10000x128xf32, #tpu.memory_space<vmem_shared>>)
      } else {
      }
      %add3A_124 = arith.constant 1 : i32
      %add3A_125 = arith.addi %add3A_96, %add3A_124 : i32
      %lt3A_126 = arith.constant 125 : i32
      %lt3A_127 = arith.cmpi slt, %add3A_125, %lt3A_126 : i32
      %convert_element_type3A_128 = arith.extui %lt3A_127 : i1 to i32
      %cond3A_129 = arith.constant 0 : i32
      %cond3A_130 = arith.cmpi ne, %convert_element_type3A_128, %cond3A_129 : i32
      scf.if %cond3A_130 {
        %mul3A_228 = arith.constant 80 : i32
        %mul3A_229 = arith.muli %add3A_125, %mul3A_228 : i32
        %add3A_230 = arith.addi %mul3A_14, %mul3A_229 : i32
        %dma_start3A_231 = arith.constant 0 : i32
        %dma_start3A_232 = tpu.memref_slice %arg5[%add3A_230, %dma_start3A_231] : memref<320000x128xf32, #tpu.memory_space<hbm>> -> memref<80x128xf32, #tpu.memory_space<hbm>>
        %dma_start3A_233 = arith.constant 0 : i32
        %dma_start3A_234 = tpu.memref_slice %arg5[%add3A_230, %dma_start3A_233] : memref<320000x128xf32, #tpu.memory_space<hbm>> -> memref<80x128xf32, #tpu.memory_space<hbm>>
        tpu.enqueue_dma source(%dma_start3A_234 : memref<80x128xf32, #tpu.memory_space<hbm>>) target(%arg17 : memref<80x128xf32, #tpu.memory_space<vmem>>) target_semaphore(%arg24 : memref<!tpu.dma_semaphore, #tpu.memory_space<semaphore_mem>>)
      } else {
      }
      %add3A_131 = arith.constant 2 : i32
      %add3A_132 = arith.addi %add3A_96, %add3A_131 : i32
      %lt3A_133 = arith.constant 125 : i32
      %lt3A_134 = arith.cmpi slt, %add3A_132, %lt3A_133 : i32
      %convert_element_type3A_135 = arith.extui %lt3A_134 : i1 to i32
      %cond3A_136 = arith.constant 0 : i32
      %cond3A_137 = arith.cmpi ne, %convert_element_type3A_135, %cond3A_136 : i32
      scf.if %cond3A_137 {
        %mul3A_228 = arith.constant 80 : i32
        %mul3A_229 = arith.muli %add3A_132, %mul3A_228 : i32
        %add3A_230 = arith.addi %mul3A_14, %mul3A_229 : i32
        %dma_start3A_231 = tpu.memref_slice %arg3[%add3A_230] : memref<320000xi32, #tpu.memory_space<hbm>> -> memref<80xi32, #tpu.memory_space<hbm>>
        %dma_start3A_232 = tpu.memref_slice %arg3[%add3A_230] : memref<320000xi32, #tpu.memory_space<hbm>> -> memref<80xi32, #tpu.memory_space<hbm>>
        tpu.enqueue_dma source(%dma_start3A_232 : memref<80xi32, #tpu.memory_space<hbm>>) target(%arg10 : memref<80xi32, #tpu.memory_space<vmem>>) target_semaphore(%arg21 : memref<!tpu.dma_semaphore, #tpu.memory_space<semaphore_mem>>)
        %dma_start3A_233 = tpu.memref_slice %arg4[%add3A_230] : memref<320000xi32, #tpu.memory_space<hbm>> -> memref<80xi32, #tpu.memory_space<hbm>>
        %dma_start3A_234 = tpu.memref_slice %arg4[%add3A_230] : memref<320000xi32, #tpu.memory_space<hbm>> -> memref<80xi32, #tpu.memory_space<hbm>>
        tpu.enqueue_dma source(%dma_start3A_234 : memref<80xi32, #tpu.memory_space<hbm>>) target(%arg14 : memref<80xi32, #tpu.memory_space<vmem>>) target_semaphore(%arg21 : memref<!tpu.dma_semaphore, #tpu.memory_space<semaphore_mem>>)
      } else {
      }
      %mul3A_138 = arith.constant 4 : i32
      %mul3A_139 = arith.muli %mul3A_138, %scan3A_53 : i32
      %add3A_140 = arith.constant 2 : i32
      %add3A_141 = arith.addi %mul3A_139, %add3A_140 : i32
      %add3A_142 = arith.constant 1 : i32
      %add3A_143 = arith.addi %add3A_141, %add3A_142 : i32
      %lt3A_144 = arith.constant 125 : i32
      %lt3A_145 = arith.cmpi slt, %add3A_143, %lt3A_144 : i32
      %convert_element_type3A_146 = arith.extui %lt3A_145 : i1 to i32
      %cond3A_147 = arith.constant 0 : i32
      %cond3A_148 = arith.cmpi ne, %convert_element_type3A_146, %cond3A_147 : i32
      scf.if %cond3A_148 {
        %mul3A_228 = arith.constant 80 : i32
        %mul3A_229 = arith.muli %add3A_143, %mul3A_228 : i32
        %add3A_230 = arith.addi %mul3A_14, %mul3A_229 : i32
        %dma_wait3A_231 = tpu.memref_slice %arg3[%add3A_230] : memref<320000xi32, #tpu.memory_space<hbm>> -> memref<80xi32, #tpu.memory_space<hbm>>
        %dma_wait3A_232 = tpu.memref_slice %arg3[%add3A_230] : memref<320000xi32, #tpu.memory_space<hbm>> -> memref<80xi32, #tpu.memory_space<hbm>>
        tpu.wait_dma2 semaphore(%arg21 : memref<!tpu.dma_semaphore, #tpu.memory_space<semaphore_mem>>) src(%dma_wait3A_232 : memref<80xi32, #tpu.memory_space<hbm>>) dst(%arg10 : memref<80xi32, #tpu.memory_space<vmem>>)
        %dma_wait3A_233 = tpu.memref_slice %arg4[%add3A_230] : memref<320000xi32, #tpu.memory_space<hbm>> -> memref<80xi32, #tpu.memory_space<hbm>>
        %dma_wait3A_234 = tpu.memref_slice %arg4[%add3A_230] : memref<320000xi32, #tpu.memory_space<hbm>> -> memref<80xi32, #tpu.memory_space<hbm>>
        tpu.wait_dma2 semaphore(%arg21 : memref<!tpu.dma_semaphore, #tpu.memory_space<semaphore_mem>>) src(%dma_wait3A_234 : memref<80xi32, #tpu.memory_space<hbm>>) dst(%arg14 : memref<80xi32, #tpu.memory_space<vmem>>)
      } else {
      }
      %add3A_149 = arith.constant 1 : i32
      %add3A_150 = arith.addi %add3A_141, %add3A_149 : i32
      %lt3A_151 = arith.constant 125 : i32
      %lt3A_152 = arith.cmpi slt, %add3A_150, %lt3A_151 : i32
      %convert_element_type3A_153 = arith.extui %lt3A_152 : i1 to i32
      %cond3A_154 = arith.constant 0 : i32
      %cond3A_155 = arith.cmpi ne, %convert_element_type3A_153, %cond3A_154 : i32
      scf.if %cond3A_155 {
        %dma_start3A_228 = arith.constant 0 : i32
        %dma_start3A_229 = arith.constant 0 : i32
        %dma_start3A_230 = tpu.memref_slice %arg2[%dma_start3A_228, %dma_start3A_229] : memref<10000x128xf32, #tpu.memory_space<hbm>> -> memref<10000x128xf32, #tpu.memory_space<hbm>>
        tpu.enqueue_indirect_dma source(%dma_start3A_230 : memref<10000x128xf32, #tpu.memory_space<hbm>>) target(%arg16 : memref<80x128xf32, #tpu.memory_space<vmem>>) offsets(%arg10 : memref<80xi32, #tpu.memory_space<vmem>>) semaphore(%arg23 : memref<!tpu.dma_semaphore, #tpu.memory_space<semaphore_mem>>)
      } else {
      }
      %lt3A_156 = arith.constant 125 : i32
      %lt3A_157 = arith.cmpi slt, %add3A_141, %lt3A_156 : i32
      %convert_element_type3A_158 = arith.extui %lt3A_157 : i1 to i32
      %cond3A_159 = arith.constant 0 : i32
      %cond3A_160 = arith.cmpi ne, %convert_element_type3A_158, %cond3A_159 : i32
      scf.if %cond3A_160 {
        %mul3A_228 = arith.constant 80 : i32
        %mul3A_229 = arith.muli %add3A_141, %mul3A_228 : i32
        %add3A_230 = arith.addi %mul3A_14, %mul3A_229 : i32
        %dma_wait3A_231 = arith.constant 0 : i32
        %dma_wait3A_232 = arith.constant 0 : i32
        %dma_wait3A_233 = tpu.memref_slice %arg2[%dma_wait3A_231, %dma_wait3A_232] : memref<10000x128xf32, #tpu.memory_space<hbm>> -> memref<10000x128xf32, #tpu.memory_space<hbm>>
        tpu.wait_indirect_dma semaphore(%arg22 : memref<!tpu.dma_semaphore, #tpu.memory_space<semaphore_mem>>) src(%dma_wait3A_233 : memref<10000x128xf32, #tpu.memory_space<hbm>>) dst(%arg15 : memref<80x128xf32, #tpu.memory_space<vmem>>)
        %dma_wait3A_234 = arith.constant 0 : i32
        %dma_wait3A_235 = tpu.memref_slice %arg5[%add3A_230, %dma_wait3A_234] : memref<320000x128xf32, #tpu.memory_space<hbm>> -> memref<80x128xf32, #tpu.memory_space<hbm>>
        %dma_wait3A_236 = arith.constant 0 : i32
        %dma_wait3A_237 = tpu.memref_slice %arg5[%add3A_230, %dma_wait3A_236] : memref<320000x128xf32, #tpu.memory_space<hbm>> -> memref<80x128xf32, #tpu.memory_space<hbm>>
        tpu.wait_dma2 semaphore(%arg24 : memref<!tpu.dma_semaphore, #tpu.memory_space<semaphore_mem>>) src(%dma_wait3A_237 : memref<80x128xf32, #tpu.memory_space<hbm>>) dst(%arg17 : memref<80x128xf32, #tpu.memory_space<vmem>>)
        %parallel_loop3A = arith.constant 0 : i32
        %parallel_loop3A_238 = arith.constant 80 : i32
        %parallel_loop3A_239 = arith.constant 1 : i32
        scf.for %parallel_loop3A_243 = %parallel_loop3A to %parallel_loop3A_238 step %parallel_loop3A_239  : i32 {
          %parallel_loop3A_244 = arith.index_cast %parallel_loop3A_243 : i32 to index
          %parallel_loop3A_245 = arith.constant 0 : index
          %parallel_loop3A_246 = tpu.vector_load %arg15[%parallel_loop3A_244, %parallel_loop3A_245] {strides = array<i32>} : memref<80x128xf32, #tpu.memory_space<vmem>>, vector<1x16xf32>,
          %parallel_loop3A_247 = vector.shape_cast %parallel_loop3A_246 : vector<1x16xf32> to vector<16xf32>
          %parallel_loop3A_248 = arith.index_cast %parallel_loop3A_243 : i32 to index
          %parallel_loop3A_249 = arith.constant 0 : index
          %parallel_loop3A_250 = tpu.vector_load %arg17[%parallel_loop3A_248, %parallel_loop3A_249] {strides = array<i32>} : memref<80x128xf32, #tpu.memory_space<vmem>>, vector<1x16xf32>,
          %parallel_loop3A_251 = vector.shape_cast %parallel_loop3A_250 : vector<1x16xf32> to vector<16xf32>
          %parallel_loop3A_252 = arith.addf %parallel_loop3A_247, %parallel_loop3A_251 : vector<16xf32>
          %parallel_loop3A_253 = arith.constant 0.000000e+00 : f32
          %parallel_loop3A_254 = vector.broadcast %parallel_loop3A_253 : f32 to vector<16xf32>
          %parallel_loop3A_255 = arith.maximumf %parallel_loop3A_252, %parallel_loop3A_254 : vector<16xf32>
          %parallel_loop3A_256 = arith.index_cast %parallel_loop3A_243 : i32 to index
          %parallel_loop3A_257 = arith.constant 0 : index
          %parallel_loop3A_258 = tpu.vector_load %arg17[%parallel_loop3A_256, %parallel_loop3A_257] {strides = array<i32>} : memref<80x128xf32, #tpu.memory_space<vmem>>, vector<1x16xf32>,
          %parallel_loop3A_259 = vector.shape_cast %parallel_loop3A_258 : vector<1x16xf32> to vector<16xf32>
          %parallel_loop3A_260 = vector.shape_cast %parallel_loop3A_255 : vector<16xf32> to vector<1x16xf32>
          tpu.vector_store %arg17[%parallel_loop3A_256, %parallel_loop3A_257], %parallel_loop3A_260 {strides = array<i32>} : memref<80x128xf32, #tpu.memory_space<vmem>>, vector<1x16xf32>,
          %parallel_loop3A_261 = arith.index_cast %parallel_loop3A_243 : i32 to index
          %parallel_loop3A_262 = arith.constant 16 : index
          %parallel_loop3A_263 = tpu.vector_load %arg15[%parallel_loop3A_261, %parallel_loop3A_262] {strides = array<i32>} : memref<80x128xf32, #tpu.memory_space<vmem>>, vector<1x16xf32>,
          %parallel_loop3A_264 = vector.shape_cast %parallel_loop3A_263 : vector<1x16xf32> to vector<16xf32>
          %parallel_loop3A_265 = arith.index_cast %parallel_loop3A_243 : i32 to index
          %parallel_loop3A_266 = arith.constant 16 : index
          %parallel_loop3A_267 = tpu.vector_load %arg17[%parallel_loop3A_265, %parallel_loop3A_266] {strides = array<i32>} : memref<80x128xf32, #tpu.memory_space<vmem>>, vector<1x16xf32>,
          %parallel_loop3A_268 = vector.shape_cast %parallel_loop3A_267 : vector<1x16xf32> to vector<16xf32>
          %parallel_loop3A_269 = arith.addf %parallel_loop3A_264, %parallel_loop3A_268 : vector<16xf32>
          %parallel_loop3A_270 = arith.constant 0.000000e+00 : f32
          %parallel_loop3A_271 = vector.broadcast %parallel_loop3A_270 : f32 to vector<16xf32>
          %parallel_loop3A_272 = arith.maximumf %parallel_loop3A_269, %parallel_loop3A_271 : vector<16xf32>
          %parallel_loop3A_273 = arith.index_cast %parallel_loop3A_243 : i32 to index
          %parallel_loop3A_274 = arith.constant 16 : index
          %parallel_loop3A_275 = tpu.vector_load %arg17[%parallel_loop3A_273, %parallel_loop3A_274] {strides = array<i32>} : memref<80x128xf32, #tpu.memory_space<vmem>>, vector<1x16xf32>,
          %parallel_loop3A_276 = vector.shape_cast %parallel_loop3A_275 : vector<1x16xf32> to vector<16xf32>
          %parallel_loop3A_277 = vector.shape_cast %parallel_loop3A_272 : vector<16xf32> to vector<1x16xf32>
          tpu.vector_store %arg17[%parallel_loop3A_273, %parallel_loop3A_274], %parallel_loop3A_277 {strides = array<i32>} : memref<80x128xf32, #tpu.memory_space<vmem>>, vector<1x16xf32>,
          %parallel_loop3A_278 = arith.index_cast %parallel_loop3A_243 : i32 to index
          %parallel_loop3A_279 = arith.constant 32 : index
          %parallel_loop3A_280 = tpu.vector_load %arg15[%parallel_loop3A_278, %parallel_loop3A_279] {strides = array<i32>} : memref<80x128xf32, #tpu.memory_space<vmem>>, vector<1x16xf32>,
          %parallel_loop3A_281 = vector.shape_cast %parallel_loop3A_280 : vector<1x16xf32> to vector<16xf32>
          %parallel_loop3A_282 = arith.index_cast %parallel_loop3A_243 : i32 to index
          %parallel_loop3A_283 = arith.constant 32 : index
          %parallel_loop3A_284 = tpu.vector_load %arg17[%parallel_loop3A_282, %parallel_loop3A_283] {strides = array<i32>} : memref<80x128xf32, #tpu.memory_space<vmem>>, vector<1x16xf32>,
          %parallel_loop3A_285 = vector.shape_cast %parallel_loop3A_284 : vector<1x16xf32> to vector<16xf32>
          %parallel_loop3A_286 = arith.addf %parallel_loop3A_281, %parallel_loop3A_285 : vector<16xf32>
          %parallel_loop3A_287 = arith.constant 0.000000e+00 : f32
          %parallel_loop3A_288 = vector.broadcast %parallel_loop3A_287 : f32 to vector<16xf32>
          %parallel_loop3A_289 = arith.maximumf %parallel_loop3A_286, %parallel_loop3A_288 : vector<16xf32>
          %parallel_loop3A_290 = arith.index_cast %parallel_loop3A_243 : i32 to index
          %parallel_loop3A_291 = arith.constant 32 : index
          %parallel_loop3A_292 = tpu.vector_load %arg17[%parallel_loop3A_290, %parallel_loop3A_291] {strides = array<i32>} : memref<80x128xf32, #tpu.memory_space<vmem>>, vector<1x16xf32>,
          %parallel_loop3A_293 = vector.shape_cast %parallel_loop3A_292 : vector<1x16xf32> to vector<16xf32>
          %parallel_loop3A_294 = vector.shape_cast %parallel_loop3A_289 : vector<16xf32> to vector<1x16xf32>
          tpu.vector_store %arg17[%parallel_loop3A_290, %parallel_loop3A_291], %parallel_loop3A_294 {strides = array<i32>} : memref<80x128xf32, #tpu.memory_space<vmem>>, vector<1x16xf32>,
          %parallel_loop3A_295 = arith.index_cast %parallel_loop3A_243 : i32 to index
          %parallel_loop3A_296 = arith.constant 48 : index
          %parallel_loop3A_297 = tpu.vector_load %arg15[%parallel_loop3A_295, %parallel_loop3A_296] {strides = array<i32>} : memref<80x128xf32, #tpu.memory_space<vmem>>, vector<1x16xf32>,
          %parallel_loop3A_298 = vector.shape_cast %parallel_loop3A_297 : vector<1x16xf32> to vector<16xf32>
          %parallel_loop3A_299 = arith.index_cast %parallel_loop3A_243 : i32 to index
          %parallel_loop3A_300 = arith.constant 48 : index
          %parallel_loop3A_301 = tpu.vector_load %arg17[%parallel_loop3A_299, %parallel_loop3A_300] {strides = array<i32>} : memref<80x128xf32, #tpu.memory_space<vmem>>, vector<1x16xf32>,
          %parallel_loop3A_302 = vector.shape_cast %parallel_loop3A_301 : vector<1x16xf32> to vector<16xf32>
          %parallel_loop3A_303 = arith.addf %parallel_loop3A_298, %parallel_loop3A_302 : vector<16xf32>
          %parallel_loop3A_304 = arith.constant 0.000000e+00 : f32
          %parallel_loop3A_305 = vector.broadcast %parallel_loop3A_304 : f32 to vector<16xf32>
          %parallel_loop3A_306 = arith.maximumf %parallel_loop3A_303, %parallel_loop3A_305 : vector<16xf32>
          %parallel_loop3A_307 = arith.index_cast %parallel_loop3A_243 : i32 to index
          %parallel_loop3A_308 = arith.constant 48 : index
          %parallel_loop3A_309 = tpu.vector_load %arg17[%parallel_loop3A_307, %parallel_loop3A_308] {strides = array<i32>} : memref<80x128xf32, #tpu.memory_space<vmem>>, vector<1x16xf32>,
          %parallel_loop3A_310 = vector.shape_cast %parallel_loop3A_309 : vector<1x16xf32> to vector<16xf32>
          %parallel_loop3A_311 = vector.shape_cast %parallel_loop3A_306 : vector<16xf32> to vector<1x16xf32>
          tpu.vector_store %arg17[%parallel_loop3A_307, %parallel_loop3A_308], %parallel_loop3A_311 {strides = array<i32>} : memref<80x128xf32, #tpu.memory_space<vmem>>, vector<1x16xf32>,
          %parallel_loop3A_312 = arith.index_cast %parallel_loop3A_243 : i32 to index
          %parallel_loop3A_313 = arith.constant 64 : index
          %parallel_loop3A_314 = tpu.vector_load %arg15[%parallel_loop3A_312, %parallel_loop3A_313] {strides = array<i32>} : memref<80x128xf32, #tpu.memory_space<vmem>>, vector<1x16xf32>,
          %parallel_loop3A_315 = vector.shape_cast %parallel_loop3A_314 : vector<1x16xf32> to vector<16xf32>
          %parallel_loop3A_316 = arith.index_cast %parallel_loop3A_243 : i32 to index
          %parallel_loop3A_317 = arith.constant 64 : index
          %parallel_loop3A_318 = tpu.vector_load %arg17[%parallel_loop3A_316, %parallel_loop3A_317] {strides = array<i32>} : memref<80x128xf32, #tpu.memory_space<vmem>>, vector<1x16xf32>,
          %parallel_loop3A_319 = vector.shape_cast %parallel_loop3A_318 : vector<1x16xf32> to vector<16xf32>
          %parallel_loop3A_320 = arith.addf %parallel_loop3A_315, %parallel_loop3A_319 : vector<16xf32>
          %parallel_loop3A_321 = arith.constant 0.000000e+00 : f32
          %parallel_loop3A_322 = vector.broadcast %parallel_loop3A_321 : f32 to vector<16xf32>
          %parallel_loop3A_323 = arith.maximumf %parallel_loop3A_320, %parallel_loop3A_322 : vector<16xf32>
          %parallel_loop3A_324 = arith.index_cast %parallel_loop3A_243 : i32 to index
          %parallel_loop3A_325 = arith.constant 64 : index
          %parallel_loop3A_326 = tpu.vector_load %arg17[%parallel_loop3A_324, %parallel_loop3A_325] {strides = array<i32>} : memref<80x128xf32, #tpu.memory_space<vmem>>, vector<1x16xf32>,
          %parallel_loop3A_327 = vector.shape_cast %parallel_loop3A_326 : vector<1x16xf32> to vector<16xf32>
          %parallel_loop3A_328 = vector.shape_cast %parallel_loop3A_323 : vector<16xf32> to vector<1x16xf32>
          tpu.vector_store %arg17[%parallel_loop3A_324, %parallel_loop3A_325], %parallel_loop3A_328 {strides = array<i32>} : memref<80x128xf32, #tpu.memory_space<vmem>>, vector<1x16xf32>,
          %parallel_loop3A_329 = arith.index_cast %parallel_loop3A_243 : i32 to index
          %parallel_loop3A_330 = arith.constant 80 : index
          %parallel_loop3A_331 = tpu.vector_load %arg15[%parallel_loop3A_329, %parallel_loop3A_330] {strides = array<i32>} : memref<80x128xf32, #tpu.memory_space<vmem>>, vector<1x16xf32>,
          %parallel_loop3A_332 = vector.shape_cast %parallel_loop3A_331 : vector<1x16xf32> to vector<16xf32>
          %parallel_loop3A_333 = arith.index_cast %parallel_loop3A_243 : i32 to index
          %parallel_loop3A_334 = arith.constant 80 : index
          %parallel_loop3A_335 = tpu.vector_load %arg17[%parallel_loop3A_333, %parallel_loop3A_334] {strides = array<i32>} : memref<80x128xf32, #tpu.memory_space<vmem>>, vector<1x16xf32>,
          %parallel_loop3A_336 = vector.shape_cast %parallel_loop3A_335 : vector<1x16xf32> to vector<16xf32>
          %parallel_loop3A_337 = arith.addf %parallel_loop3A_332, %parallel_loop3A_336 : vector<16xf32>
          %parallel_loop3A_338 = arith.constant 0.000000e+00 : f32
          %parallel_loop3A_339 = vector.broadcast %parallel_loop3A_338 : f32 to vector<16xf32>
          %parallel_loop3A_340 = arith.maximumf %parallel_loop3A_337, %parallel_loop3A_339 : vector<16xf32>
          %parallel_loop3A_341 = arith.index_cast %parallel_loop3A_243 : i32 to index
          %parallel_loop3A_342 = arith.constant 80 : index
          %parallel_loop3A_343 = tpu.vector_load %arg17[%parallel_loop3A_341, %parallel_loop3A_342] {strides = array<i32>} : memref<80x128xf32, #tpu.memory_space<vmem>>, vector<1x16xf32>,
          %parallel_loop3A_344 = vector.shape_cast %parallel_loop3A_343 : vector<1x16xf32> to vector<16xf32>
          %parallel_loop3A_345 = vector.shape_cast %parallel_loop3A_340 : vector<16xf32> to vector<1x16xf32>
          tpu.vector_store %arg17[%parallel_loop3A_341, %parallel_loop3A_342], %parallel_loop3A_345 {strides = array<i32>} : memref<80x128xf32, #tpu.memory_space<vmem>>, vector<1x16xf32>,
          %parallel_loop3A_346 = arith.index_cast %parallel_loop3A_243 : i32 to index
          %parallel_loop3A_347 = arith.constant 96 : index
          %parallel_loop3A_348 = tpu.vector_load %arg15[%parallel_loop3A_346, %parallel_loop3A_347] {strides = array<i32>} : memref<80x128xf32, #tpu.memory_space<vmem>>, vector<1x16xf32>,
          %parallel_loop3A_349 = vector.shape_cast %parallel_loop3A_348 : vector<1x16xf32> to vector<16xf32>
          %parallel_loop3A_350 = arith.index_cast %parallel_loop3A_243 : i32 to index
          %parallel_loop3A_351 = arith.constant 96 : index
          %parallel_loop3A_352 = tpu.vector_load %arg17[%parallel_loop3A_350, %parallel_loop3A_351] {strides = array<i32>} : memref<80x128xf32, #tpu.memory_space<vmem>>, vector<1x16xf32>,
          %parallel_loop3A_353 = vector.shape_cast %parallel_loop3A_352 : vector<1x16xf32> to vector<16xf32>
          %parallel_loop3A_354 = arith.addf %parallel_loop3A_349, %parallel_loop3A_353 : vector<16xf32>
          %parallel_loop3A_355 = arith.constant 0.000000e+00 : f32
          %parallel_loop3A_356 = vector.broadcast %parallel_loop3A_355 : f32 to vector<16xf32>
          %parallel_loop3A_357 = arith.maximumf %parallel_loop3A_354, %parallel_loop3A_356 : vector<16xf32>
          %parallel_loop3A_358 = arith.index_cast %parallel_loop3A_243 : i32 to index
          %parallel_loop3A_359 = arith.constant 96 : index
          %parallel_loop3A_360 = tpu.vector_load %arg17[%parallel_loop3A_358, %parallel_loop3A_359] {strides = array<i32>} : memref<80x128xf32, #tpu.memory_space<vmem>>, vector<1x16xf32>,
          %parallel_loop3A_361 = vector.shape_cast %parallel_loop3A_360 : vector<1x16xf32> to vector<16xf32>
          %parallel_loop3A_362 = vector.shape_cast %parallel_loop3A_357 : vector<16xf32> to vector<1x16xf32>
          tpu.vector_store %arg17[%parallel_loop3A_358, %parallel_loop3A_359], %parallel_loop3A_362 {strides = array<i32>} : memref<80x128xf32, #tpu.memory_space<vmem>>, vector<1x16xf32>,
          %parallel_loop3A_363 = arith.index_cast %parallel_loop3A_243 : i32 to index
          %parallel_loop3A_364 = arith.constant 112 : index
          %parallel_loop3A_365 = tpu.vector_load %arg15[%parallel_loop3A_363, %parallel_loop3A_364] {strides = array<i32>} : memref<80x128xf32, #tpu.memory_space<vmem>>, vector<1x16xf32>,
          %parallel_loop3A_366 = vector.shape_cast %parallel_loop3A_365 : vector<1x16xf32> to vector<16xf32>
          %parallel_loop3A_367 = arith.index_cast %parallel_loop3A_243 : i32 to index
          %parallel_loop3A_368 = arith.constant 112 : index
          %parallel_loop3A_369 = tpu.vector_load %arg17[%parallel_loop3A_367, %parallel_loop3A_368] {strides = array<i32>} : memref<80x128xf32, #tpu.memory_space<vmem>>, vector<1x16xf32>,
          %parallel_loop3A_370 = vector.shape_cast %parallel_loop3A_369 : vector<1x16xf32> to vector<16xf32>
          %parallel_loop3A_371 = arith.addf %parallel_loop3A_366, %parallel_loop3A_370 : vector<16xf32>
          %parallel_loop3A_372 = arith.constant 0.000000e+00 : f32
          %parallel_loop3A_373 = vector.broadcast %parallel_loop3A_372 : f32 to vector<16xf32>
          %parallel_loop3A_374 = arith.maximumf %parallel_loop3A_371, %parallel_loop3A_373 : vector<16xf32>
          %parallel_loop3A_375 = arith.index_cast %parallel_loop3A_243 : i32 to index
          %parallel_loop3A_376 = arith.constant 112 : index
          %parallel_loop3A_377 = tpu.vector_load %arg17[%parallel_loop3A_375, %parallel_loop3A_376] {strides = array<i32>} : memref<80x128xf32, #tpu.memory_space<vmem>>, vector<1x16xf32>,
          %parallel_loop3A_378 = vector.shape_cast %parallel_loop3A_377 : vector<1x16xf32> to vector<16xf32>
          %parallel_loop3A_379 = vector.shape_cast %parallel_loop3A_374 : vector<16xf32> to vector<1x16xf32>
          tpu.vector_store %arg17[%parallel_loop3A_375, %parallel_loop3A_376], %parallel_loop3A_379 {strides = array<i32>} : memref<80x128xf32, #tpu.memory_space<vmem>>, vector<1x16xf32>,
        } {sc.loop_unroll_factor = 4 : i64, sc.parallel_access}
        %dma_start3A_240 = arith.constant 0 : i32
        %dma_start3A_241 = arith.constant 0 : i32
        %dma_start3A_242 = tpu.memref_slice %arg19[%dma_start3A_240, %dma_start3A_241] : memref<10000x128xf32, #tpu.memory_space<vmem_shared>> -> memref<10000x128xf32, #tpu.memory_space<vmem_shared>>
        tpu.enqueue_indirect_dma source(%arg17 : memref<80x128xf32, #tpu.memory_space<vmem>>) target(%dma_start3A_242 : memref<10000x128xf32, #tpu.memory_space<vmem_shared>>) offsets(%arg13 : memref<80xi32, #tpu.memory_space<vmem>>) semaphore(%arg26 : memref<!tpu.dma_semaphore, #tpu.memory_space<semaphore_mem>>) {add = true}
      } else {
      }
      %ge3A_161 = arith.constant 1 : i32
      %ge3A_162 = arith.cmpi sge, %add3A_141, %ge3A_161 : i32
      %le3A_163 = arith.constant 125 : i32
      %le3A_164 = arith.cmpi sle, %add3A_141, %le3A_163 : i32
      %and3A_165 = arith.andi %ge3A_162, %le3A_164 : i1
      %convert_element_type3A_166 = arith.extui %and3A_165 : i1 to i32
      %cond3A_167 = arith.constant 0 : i32
      %cond3A_168 = arith.cmpi ne, %convert_element_type3A_166, %cond3A_167 : i32
      scf.if %cond3A_168 {
        %dma_wait3A_228 = arith.constant 0 : i32
        %dma_wait3A_229 = arith.constant 0 : i32
        %dma_wait3A_230 = tpu.memref_slice %arg19[%dma_wait3A_228, %dma_wait3A_229] : memref<10000x128xf32, #tpu.memory_space<vmem_shared>> -> memref<10000x128xf32, #tpu.memory_space<vmem_shared>>
        tpu.wait_indirect_dma semaphore(%arg27 : memref<!tpu.dma_semaphore, #tpu.memory_space<semaphore_mem>>) src(%arg18 : memref<80x128xf32, #tpu.memory_space<vmem>>) dst(%dma_wait3A_230 : memref<10000x128xf32, #tpu.memory_space<vmem_shared>>)
      } else {
      }
      %add3A_169 = arith.constant 1 : i32
      %add3A_170 = arith.addi %add3A_141, %add3A_169 : i32
      %lt3A_171 = arith.constant 125 : i32
      %lt3A_172 = arith.cmpi slt, %add3A_170, %lt3A_171 : i32
      %convert_element_type3A_173 = arith.extui %lt3A_172 : i1 to i32
      %cond3A_174 = arith.constant 0 : i32
      %cond3A_175 = arith.cmpi ne, %convert_element_type3A_173, %cond3A_174 : i32
      scf.if %cond3A_175 {
        %mul3A_228 = arith.constant 80 : i32
        %mul3A_229 = arith.muli %add3A_170, %mul3A_228 : i32
        %add3A_230 = arith.addi %mul3A_14, %mul3A_229 : i32
        %dma_start3A_231 = arith.constant 0 : i32
        %dma_start3A_232 = tpu.memref_slice %arg5[%add3A_230, %dma_start3A_231] : memref<320000x128xf32, #tpu.memory_space<hbm>> -> memref<80x128xf32, #tpu.memory_space<hbm>>
        %dma_start3A_233 = arith.constant 0 : i32
        %dma_start3A_234 = tpu.memref_slice %arg5[%add3A_230, %dma_start3A_233] : memref<320000x128xf32, #tpu.memory_space<hbm>> -> memref<80x128xf32, #tpu.memory_space<hbm>>
        tpu.enqueue_dma source(%dma_start3A_234 : memref<80x128xf32, #tpu.memory_space<hbm>>) target(%arg18 : memref<80x128xf32, #tpu.memory_space<vmem>>) target_semaphore(%arg25 : memref<!tpu.dma_semaphore, #tpu.memory_space<semaphore_mem>>)
      } else {
      }
      %add3A_176 = arith.constant 2 : i32
      %add3A_177 = arith.addi %add3A_141, %add3A_176 : i32
      %lt3A_178 = arith.constant 125 : i32
      %lt3A_179 = arith.cmpi slt, %add3A_177, %lt3A_178 : i32
      %convert_element_type3A_180 = arith.extui %lt3A_179 : i1 to i32
      %cond3A_181 = arith.constant 0 : i32
      %cond3A_182 = arith.cmpi ne, %convert_element_type3A_180, %cond3A_181 : i32
      scf.if %cond3A_182 {
        %mul3A_228 = arith.constant 80 : i32
        %mul3A_229 = arith.muli %add3A_177, %mul3A_228 : i32
        %add3A_230 = arith.addi %mul3A_14, %mul3A_229 : i32
        %dma_start3A_231 = tpu.memref_slice %arg3[%add3A_230] : memref<320000xi32, #tpu.memory_space<hbm>> -> memref<80xi32, #tpu.memory_space<hbm>>
        %dma_start3A_232 = tpu.memref_slice %arg3[%add3A_230] : memref<320000xi32, #tpu.memory_space<hbm>> -> memref<80xi32, #tpu.memory_space<hbm>>
        tpu.enqueue_dma source(%dma_start3A_232 : memref<80xi32, #tpu.memory_space<hbm>>) target(%arg7 : memref<80xi32, #tpu.memory_space<vmem>>) target_semaphore(%arg20 : memref<!tpu.dma_semaphore, #tpu.memory_space<semaphore_mem>>)
        %dma_start3A_233 = tpu.memref_slice %arg4[%add3A_230] : memref<320000xi32, #tpu.memory_space<hbm>> -> memref<80xi32, #tpu.memory_space<hbm>>
        %dma_start3A_234 = tpu.memref_slice %arg4[%add3A_230] : memref<320000xi32, #tpu.memory_space<hbm>> -> memref<80xi32, #tpu.memory_space<hbm>>
        tpu.enqueue_dma source(%dma_start3A_234 : memref<80xi32, #tpu.memory_space<hbm>>) target(%arg11 : memref<80xi32, #tpu.memory_space<vmem>>) target_semaphore(%arg20 : memref<!tpu.dma_semaphore, #tpu.memory_space<semaphore_mem>>)
      } else {
      }
      %mul3A_183 = arith.constant 4 : i32
      %mul3A_184 = arith.muli %mul3A_183, %scan3A_53 : i32
      %add3A_185 = arith.constant 3 : i32
      %add3A_186 = arith.addi %mul3A_184, %add3A_185 : i32
      %add3A_187 = arith.constant 1 : i32
      %add3A_188 = arith.addi %add3A_186, %add3A_187 : i32
      %lt3A_189 = arith.constant 125 : i32
      %lt3A_190 = arith.cmpi slt, %add3A_188, %lt3A_189 : i32
      %convert_element_type3A_191 = arith.extui %lt3A_190 : i1 to i32
      %cond3A_192 = arith.constant 0 : i32
      %cond3A_193 = arith.cmpi ne, %convert_element_type3A_191, %cond3A_192 : i32
      scf.if %cond3A_193 {
        %mul3A_228 = arith.constant 80 : i32
        %mul3A_229 = arith.muli %add3A_188, %mul3A_228 : i32
        %add3A_230 = arith.addi %mul3A_14, %mul3A_229 : i32
        %dma_wait3A_231 = tpu.memref_slice %arg3[%add3A_230] : memref<320000xi32, #tpu.memory_space<hbm>> -> memref<80xi32, #tpu.memory_space<hbm>>
        %dma_wait3A_232 = tpu.memref_slice %arg3[%add3A_230] : memref<320000xi32, #tpu.memory_space<hbm>> -> memref<80xi32, #tpu.memory_space<hbm>>
        tpu.wait_dma2 semaphore(%arg20 : memref<!tpu.dma_semaphore, #tpu.memory_space<semaphore_mem>>) src(%dma_wait3A_232 : memref<80xi32, #tpu.memory_space<hbm>>) dst(%arg7 : memref<80xi32, #tpu.memory_space<vmem>>)
        %dma_wait3A_233 = tpu.memref_slice %arg4[%add3A_230] : memref<320000xi32, #tpu.memory_space<hbm>> -> memref<80xi32, #tpu.memory_space<hbm>>
        %dma_wait3A_234 = tpu.memref_slice %arg4[%add3A_230] : memref<320000xi32, #tpu.memory_space<hbm>> -> memref<80xi32, #tpu.memory_space<hbm>>
        tpu.wait_dma2 semaphore(%arg20 : memref<!tpu.dma_semaphore, #tpu.memory_space<semaphore_mem>>) src(%dma_wait3A_234 : memref<80xi32, #tpu.memory_space<hbm>>) dst(%arg11 : memref<80xi32, #tpu.memory_space<vmem>>)
      } else {
      }
      %add3A_194 = arith.constant 1 : i32
      %add3A_195 = arith.addi %add3A_186, %add3A_194 : i32
      %lt3A_196 = arith.constant 125 : i32
      %lt3A_197 = arith.cmpi slt, %add3A_195, %lt3A_196 : i32
      %convert_element_type3A_198 = arith.extui %lt3A_197 : i1 to i32
      %cond3A_199 = arith.constant 0 : i32
      %cond3A_200 = arith.cmpi ne, %convert_element_type3A_198, %cond3A_199 : i32
      scf.if %cond3A_200 {
        %dma_start3A_228 = arith.constant 0 : i32
        %dma_start3A_229 = arith.constant 0 : i32
        %dma_start3A_230 = tpu.memref_slice %arg2[%dma_start3A_228, %dma_start3A_229] : memref<10000x128xf32, #tpu.memory_space<hbm>> -> memref<10000x128xf32, #tpu.memory_space<hbm>>
        tpu.enqueue_indirect_dma source(%dma_start3A_230 : memref<10000x128xf32, #tpu.memory_space<hbm>>) target(%arg15 : memref<80x128xf32, #tpu.memory_space<vmem>>) offsets(%arg7 : memref<80xi32, #tpu.memory_space<vmem>>) semaphore(%arg22 : memref<!tpu.dma_semaphore, #tpu.memory_space<semaphore_mem>>)
      } else {
      }
      %lt3A_201 = arith.constant 125 : i32
      %lt3A_202 = arith.cmpi slt, %add3A_186, %lt3A_201 : i32
      %convert_element_type3A_203 = arith.extui %lt3A_202 : i1 to i32
      %cond3A_204 = arith.constant 0 : i32
      %cond3A_205 = arith.cmpi ne, %convert_element_type3A_203, %cond3A_204 : i32
      scf.if %cond3A_205 {
        %mul3A_228 = arith.constant 80 : i32
        %mul3A_229 = arith.muli %add3A_186, %mul3A_228 : i32
        %add3A_230 = arith.addi %mul3A_14, %mul3A_229 : i32
        %dma_wait3A_231 = arith.constant 0 : i32
        %dma_wait3A_232 = arith.constant 0 : i32
        %dma_wait3A_233 = tpu.memref_slice %arg2[%dma_wait3A_231, %dma_wait3A_232] : memref<10000x128xf32, #tpu.memory_space<hbm>> -> memref<10000x128xf32, #tpu.memory_space<hbm>>
        tpu.wait_indirect_dma semaphore(%arg23 : memref<!tpu.dma_semaphore, #tpu.memory_space<semaphore_mem>>) src(%dma_wait3A_233 : memref<10000x128xf32, #tpu.memory_space<hbm>>) dst(%arg16 : memref<80x128xf32, #tpu.memory_space<vmem>>)
        %dma_wait3A_234 = arith.constant 0 : i32
        %dma_wait3A_235 = tpu.memref_slice %arg5[%add3A_230, %dma_wait3A_234] : memref<320000x128xf32, #tpu.memory_space<hbm>> -> memref<80x128xf32, #tpu.memory_space<hbm>>
        %dma_wait3A_236 = arith.constant 0 : i32
        %dma_wait3A_237 = tpu.memref_slice %arg5[%add3A_230, %dma_wait3A_236] : memref<320000x128xf32, #tpu.memory_space<hbm>> -> memref<80x128xf32, #tpu.memory_space<hbm>>
        tpu.wait_dma2 semaphore(%arg25 : memref<!tpu.dma_semaphore, #tpu.memory_space<semaphore_mem>>) src(%dma_wait3A_237 : memref<80x128xf32, #tpu.memory_space<hbm>>) dst(%arg18 : memref<80x128xf32, #tpu.memory_space<vmem>>)
        %parallel_loop3A = arith.constant 0 : i32
        %parallel_loop3A_238 = arith.constant 80 : i32
        %parallel_loop3A_239 = arith.constant 1 : i32
        scf.for %parallel_loop3A_243 = %parallel_loop3A to %parallel_loop3A_238 step %parallel_loop3A_239  : i32 {
          %parallel_loop3A_244 = arith.index_cast %parallel_loop3A_243 : i32 to index
          %parallel_loop3A_245 = arith.constant 0 : index
          %parallel_loop3A_246 = tpu.vector_load %arg16[%parallel_loop3A_244, %parallel_loop3A_245] {strides = array<i32>} : memref<80x128xf32, #tpu.memory_space<vmem>>, vector<1x16xf32>,
          %parallel_loop3A_247 = vector.shape_cast %parallel_loop3A_246 : vector<1x16xf32> to vector<16xf32>
          %parallel_loop3A_248 = arith.index_cast %parallel_loop3A_243 : i32 to index
          %parallel_loop3A_249 = arith.constant 0 : index
          %parallel_loop3A_250 = tpu.vector_load %arg18[%parallel_loop3A_248, %parallel_loop3A_249] {strides = array<i32>} : memref<80x128xf32, #tpu.memory_space<vmem>>, vector<1x16xf32>,
          %parallel_loop3A_251 = vector.shape_cast %parallel_loop3A_250 : vector<1x16xf32> to vector<16xf32>
          %parallel_loop3A_252 = arith.addf %parallel_loop3A_247, %parallel_loop3A_251 : vector<16xf32>
          %parallel_loop3A_253 = arith.constant 0.000000e+00 : f32
          %parallel_loop3A_254 = vector.broadcast %parallel_loop3A_253 : f32 to vector<16xf32>
          %parallel_loop3A_255 = arith.maximumf %parallel_loop3A_252, %parallel_loop3A_254 : vector<16xf32>
          %parallel_loop3A_256 = arith.index_cast %parallel_loop3A_243 : i32 to index
          %parallel_loop3A_257 = arith.constant 0 : index
          %parallel_loop3A_258 = tpu.vector_load %arg18[%parallel_loop3A_256, %parallel_loop3A_257] {strides = array<i32>} : memref<80x128xf32, #tpu.memory_space<vmem>>, vector<1x16xf32>,
          %parallel_loop3A_259 = vector.shape_cast %parallel_loop3A_258 : vector<1x16xf32> to vector<16xf32>
          %parallel_loop3A_260 = vector.shape_cast %parallel_loop3A_255 : vector<16xf32> to vector<1x16xf32>
          tpu.vector_store %arg18[%parallel_loop3A_256, %parallel_loop3A_257], %parallel_loop3A_260 {strides = array<i32>} : memref<80x128xf32, #tpu.memory_space<vmem>>, vector<1x16xf32>,
          %parallel_loop3A_261 = arith.index_cast %parallel_loop3A_243 : i32 to index
          %parallel_loop3A_262 = arith.constant 16 : index
          %parallel_loop3A_263 = tpu.vector_load %arg16[%parallel_loop3A_261, %parallel_loop3A_262] {strides = array<i32>} : memref<80x128xf32, #tpu.memory_space<vmem>>, vector<1x16xf32>,
          %parallel_loop3A_264 = vector.shape_cast %parallel_loop3A_263 : vector<1x16xf32> to vector<16xf32>
          %parallel_loop3A_265 = arith.index_cast %parallel_loop3A_243 : i32 to index
          %parallel_loop3A_266 = arith.constant 16 : index
          %parallel_loop3A_267 = tpu.vector_load %arg18[%parallel_loop3A_265, %parallel_loop3A_266] {strides = array<i32>} : memref<80x128xf32, #tpu.memory_space<vmem>>, vector<1x16xf32>,
          %parallel_loop3A_268 = vector.shape_cast %parallel_loop3A_267 : vector<1x16xf32> to vector<16xf32>
          %parallel_loop3A_269 = arith.addf %parallel_loop3A_264, %parallel_loop3A_268 : vector<16xf32>
          %parallel_loop3A_270 = arith.constant 0.000000e+00 : f32
          %parallel_loop3A_271 = vector.broadcast %parallel_loop3A_270 : f32 to vector<16xf32>
          %parallel_loop3A_272 = arith.maximumf %parallel_loop3A_269, %parallel_loop3A_271 : vector<16xf32>
          %parallel_loop3A_273 = arith.index_cast %parallel_loop3A_243 : i32 to index
          %parallel_loop3A_274 = arith.constant 16 : index
          %parallel_loop3A_275 = tpu.vector_load %arg18[%parallel_loop3A_273, %parallel_loop3A_274] {strides = array<i32>} : memref<80x128xf32, #tpu.memory_space<vmem>>, vector<1x16xf32>,
          %parallel_loop3A_276 = vector.shape_cast %parallel_loop3A_275 : vector<1x16xf32> to vector<16xf32>
          %parallel_loop3A_277 = vector.shape_cast %parallel_loop3A_272 : vector<16xf32> to vector<1x16xf32>
          tpu.vector_store %arg18[%parallel_loop3A_273, %parallel_loop3A_274], %parallel_loop3A_277 {strides = array<i32>} : memref<80x128xf32, #tpu.memory_space<vmem>>, vector<1x16xf32>,
          %parallel_loop3A_278 = arith.index_cast %parallel_loop3A_243 : i32 to index
          %parallel_loop3A_279 = arith.constant 32 : index
          %parallel_loop3A_280 = tpu.vector_load %arg16[%parallel_loop3A_278, %parallel_loop3A_279] {strides = array<i32>} : memref<80x128xf32, #tpu.memory_space<vmem>>, vector<1x16xf32>,
          %parallel_loop3A_281 = vector.shape_cast %parallel_loop3A_280 : vector<1x16xf32> to vector<16xf32>
          %parallel_loop3A_282 = arith.index_cast %parallel_loop3A_243 : i32 to index
          %parallel_loop3A_283 = arith.constant 32 : index
          %parallel_loop3A_284 = tpu.vector_load %arg18[%parallel_loop3A_282, %parallel_loop3A_283] {strides = array<i32>} : memref<80x128xf32, #tpu.memory_space<vmem>>, vector<1x16xf32>,
          %parallel_loop3A_285 = vector.shape_cast %parallel_loop3A_284 : vector<1x16xf32> to vector<16xf32>
          %parallel_loop3A_286 = arith.addf %parallel_loop3A_281, %parallel_loop3A_285 : vector<16xf32>
          %parallel_loop3A_287 = arith.constant 0.000000e+00 : f32
          %parallel_loop3A_288 = vector.broadcast %parallel_loop3A_287 : f32 to vector<16xf32>
          %parallel_loop3A_289 = arith.maximumf %parallel_loop3A_286, %parallel_loop3A_288 : vector<16xf32>
          %parallel_loop3A_290 = arith.index_cast %parallel_loop3A_243 : i32 to index
          %parallel_loop3A_291 = arith.constant 32 : index
          %parallel_loop3A_292 = tpu.vector_load %arg18[%parallel_loop3A_290, %parallel_loop3A_291] {strides = array<i32>} : memref<80x128xf32, #tpu.memory_space<vmem>>, vector<1x16xf32>,
          %parallel_loop3A_293 = vector.shape_cast %parallel_loop3A_292 : vector<1x16xf32> to vector<16xf32>
          %parallel_loop3A_294 = vector.shape_cast %parallel_loop3A_289 : vector<16xf32> to vector<1x16xf32>
          tpu.vector_store %arg18[%parallel_loop3A_290, %parallel_loop3A_291], %parallel_loop3A_294 {strides = array<i32>} : memref<80x128xf32, #tpu.memory_space<vmem>>, vector<1x16xf32>,
          %parallel_loop3A_295 = arith.index_cast %parallel_loop3A_243 : i32 to index
          %parallel_loop3A_296 = arith.constant 48 : index
          %parallel_loop3A_297 = tpu.vector_load %arg16[%parallel_loop3A_295, %parallel_loop3A_296] {strides = array<i32>} : memref<80x128xf32, #tpu.memory_space<vmem>>, vector<1x16xf32>,
          %parallel_loop3A_298 = vector.shape_cast %parallel_loop3A_297 : vector<1x16xf32> to vector<16xf32>
          %parallel_loop3A_299 = arith.index_cast %parallel_loop3A_243 : i32 to index
          %parallel_loop3A_300 = arith.constant 48 : index
          %parallel_loop3A_301 = tpu.vector_load %arg18[%parallel_loop3A_299, %parallel_loop3A_300] {strides = array<i32>} : memref<80x128xf32, #tpu.memory_space<vmem>>, vector<1x16xf32>,
          %parallel_loop3A_302 = vector.shape_cast %parallel_loop3A_301 : vector<1x16xf32> to vector<16xf32>
          %parallel_loop3A_303 = arith.addf %parallel_loop3A_298, %parallel_loop3A_302 : vector<16xf32>
          %parallel_loop3A_304 = arith.constant 0.000000e+00 : f32
          %parallel_loop3A_305 = vector.broadcast %parallel_loop3A_304 : f32 to vector<16xf32>
          %parallel_loop3A_306 = arith.maximumf %parallel_loop3A_303, %parallel_loop3A_305 : vector<16xf32>
          %parallel_loop3A_307 = arith.index_cast %parallel_loop3A_243 : i32 to index
          %parallel_loop3A_308 = arith.constant 48 : index
          %parallel_loop3A_309 = tpu.vector_load %arg18[%parallel_loop3A_307, %parallel_loop3A_308] {strides = array<i32>} : memref<80x128xf32, #tpu.memory_space<vmem>>, vector<1x16xf32>,
          %parallel_loop3A_310 = vector.shape_cast %parallel_loop3A_309 : vector<1x16xf32> to vector<16xf32>
          %parallel_loop3A_311 = vector.shape_cast %parallel_loop3A_306 : vector<16xf32> to vector<1x16xf32>
          tpu.vector_store %arg18[%parallel_loop3A_307, %parallel_loop3A_308], %parallel_loop3A_311 {strides = array<i32>} : memref<80x128xf32, #tpu.memory_space<vmem>>, vector<1x16xf32>,
          %parallel_loop3A_312 = arith.index_cast %parallel_loop3A_243 : i32 to index
          %parallel_loop3A_313 = arith.constant 64 : index
          %parallel_loop3A_314 = tpu.vector_load %arg16[%parallel_loop3A_312, %parallel_loop3A_313] {strides = array<i32>} : memref<80x128xf32, #tpu.memory_space<vmem>>, vector<1x16xf32>,
          %parallel_loop3A_315 = vector.shape_cast %parallel_loop3A_314 : vector<1x16xf32> to vector<16xf32>
          %parallel_loop3A_316 = arith.index_cast %parallel_loop3A_243 : i32 to index
          %parallel_loop3A_317 = arith.constant 64 : index
          %parallel_loop3A_318 = tpu.vector_load %arg18[%parallel_loop3A_316, %parallel_loop3A_317] {strides = array<i32>} : memref<80x128xf32, #tpu.memory_space<vmem>>, vector<1x16xf32>,
          %parallel_loop3A_319 = vector.shape_cast %parallel_loop3A_318 : vector<1x16xf32> to vector<16xf32>
          %parallel_loop3A_320 = arith.addf %parallel_loop3A_315, %parallel_loop3A_319 : vector<16xf32>
          %parallel_loop3A_321 = arith.constant 0.000000e+00 : f32
          %parallel_loop3A_322 = vector.broadcast %parallel_loop3A_321 : f32 to vector<16xf32>
          %parallel_loop3A_323 = arith.maximumf %parallel_loop3A_320, %parallel_loop3A_322 : vector<16xf32>
          %parallel_loop3A_324 = arith.index_cast %parallel_loop3A_243 : i32 to index
          %parallel_loop3A_325 = arith.constant 64 : index
          %parallel_loop3A_326 = tpu.vector_load %arg18[%parallel_loop3A_324, %parallel_loop3A_325] {strides = array<i32>} : memref<80x128xf32, #tpu.memory_space<vmem>>, vector<1x16xf32>,
          %parallel_loop3A_327 = vector.shape_cast %parallel_loop3A_326 : vector<1x16xf32> to vector<16xf32>
          %parallel_loop3A_328 = vector.shape_cast %parallel_loop3A_323 : vector<16xf32> to vector<1x16xf32>
          tpu.vector_store %arg18[%parallel_loop3A_324, %parallel_loop3A_325], %parallel_loop3A_328 {strides = array<i32>} : memref<80x128xf32, #tpu.memory_space<vmem>>, vector<1x16xf32>,
          %parallel_loop3A_329 = arith.index_cast %parallel_loop3A_243 : i32 to index
          %parallel_loop3A_330 = arith.constant 80 : index
          %parallel_loop3A_331 = tpu.vector_load %arg16[%parallel_loop3A_329, %parallel_loop3A_330] {strides = array<i32>} : memref<80x128xf32, #tpu.memory_space<vmem>>, vector<1x16xf32>,
          %parallel_loop3A_332 = vector.shape_cast %parallel_loop3A_331 : vector<1x16xf32> to vector<16xf32>
          %parallel_loop3A_333 = arith.index_cast %parallel_loop3A_243 : i32 to index
          %parallel_loop3A_334 = arith.constant 80 : index
          %parallel_loop3A_335 = tpu.vector_load %arg18[%parallel_loop3A_333, %parallel_loop3A_334] {strides = array<i32>} : memref<80x128xf32, #tpu.memory_space<vmem>>, vector<1x16xf32>,
          %parallel_loop3A_336 = vector.shape_cast %parallel_loop3A_335 : vector<1x16xf32> to vector<16xf32>
          %parallel_loop3A_337 = arith.addf %parallel_loop3A_332, %parallel_loop3A_336 : vector<16xf32>
          %parallel_loop3A_338 = arith.constant 0.000000e+00 : f32
          %parallel_loop3A_339 = vector.broadcast %parallel_loop3A_338 : f32 to vector<16xf32>
          %parallel_loop3A_340 = arith.maximumf %parallel_loop3A_337, %parallel_loop3A_339 : vector<16xf32>
          %parallel_loop3A_341 = arith.index_cast %parallel_loop3A_243 : i32 to index
          %parallel_loop3A_342 = arith.constant 80 : index
          %parallel_loop3A_343 = tpu.vector_load %arg18[%parallel_loop3A_341, %parallel_loop3A_342] {strides = array<i32>} : memref<80x128xf32, #tpu.memory_space<vmem>>, vector<1x16xf32>,
          %parallel_loop3A_344 = vector.shape_cast %parallel_loop3A_343 : vector<1x16xf32> to vector<16xf32>
          %parallel_loop3A_345 = vector.shape_cast %parallel_loop3A_340 : vector<16xf32> to vector<1x16xf32>
          tpu.vector_store %arg18[%parallel_loop3A_341, %parallel_loop3A_342], %parallel_loop3A_345 {strides = array<i32>} : memref<80x128xf32, #tpu.memory_space<vmem>>, vector<1x16xf32>,
          %parallel_loop3A_346 = arith.index_cast %parallel_loop3A_243 : i32 to index
          %parallel_loop3A_347 = arith.constant 96 : index
          %parallel_loop3A_348 = tpu.vector_load %arg16[%parallel_loop3A_346, %parallel_loop3A_347] {strides = array<i32>} : memref<80x128xf32, #tpu.memory_space<vmem>>, vector<1x16xf32>,
          %parallel_loop3A_349 = vector.shape_cast %parallel_loop3A_348 : vector<1x16xf32> to vector<16xf32>
          %parallel_loop3A_350 = arith.index_cast %parallel_loop3A_243 : i32 to index
          %parallel_loop3A_351 = arith.constant 96 : index
          %parallel_loop3A_352 = tpu.vector_load %arg18[%parallel_loop3A_350, %parallel_loop3A_351] {strides = array<i32>} : memref<80x128xf32, #tpu.memory_space<vmem>>, vector<1x16xf32>,
          %parallel_loop3A_353 = vector.shape_cast %parallel_loop3A_352 : vector<1x16xf32> to vector<16xf32>
          %parallel_loop3A_354 = arith.addf %parallel_loop3A_349, %parallel_loop3A_353 : vector<16xf32>
          %parallel_loop3A_355 = arith.constant 0.000000e+00 : f32
          %parallel_loop3A_356 = vector.broadcast %parallel_loop3A_355 : f32 to vector<16xf32>
          %parallel_loop3A_357 = arith.maximumf %parallel_loop3A_354, %parallel_loop3A_356 : vector<16xf32>
          %parallel_loop3A_358 = arith.index_cast %parallel_loop3A_243 : i32 to index
          %parallel_loop3A_359 = arith.constant 96 : index
          %parallel_loop3A_360 = tpu.vector_load %arg18[%parallel_loop3A_358, %parallel_loop3A_359] {strides = array<i32>} : memref<80x128xf32, #tpu.memory_space<vmem>>, vector<1x16xf32>,
          %parallel_loop3A_361 = vector.shape_cast %parallel_loop3A_360 : vector<1x16xf32> to vector<16xf32>
          %parallel_loop3A_362 = vector.shape_cast %parallel_loop3A_357 : vector<16xf32> to vector<1x16xf32>
          tpu.vector_store %arg18[%parallel_loop3A_358, %parallel_loop3A_359], %parallel_loop3A_362 {strides = array<i32>} : memref<80x128xf32, #tpu.memory_space<vmem>>, vector<1x16xf32>,
          %parallel_loop3A_363 = arith.index_cast %parallel_loop3A_243 : i32 to index
          %parallel_loop3A_364 = arith.constant 112 : index
          %parallel_loop3A_365 = tpu.vector_load %arg16[%parallel_loop3A_363, %parallel_loop3A_364] {strides = array<i32>} : memref<80x128xf32, #tpu.memory_space<vmem>>, vector<1x16xf32>,
          %parallel_loop3A_366 = vector.shape_cast %parallel_loop3A_365 : vector<1x16xf32> to vector<16xf32>
          %parallel_loop3A_367 = arith.index_cast %parallel_loop3A_243 : i32 to index
          %parallel_loop3A_368 = arith.constant 112 : index
          %parallel_loop3A_369 = tpu.vector_load %arg18[%parallel_loop3A_367, %parallel_loop3A_368] {strides = array<i32>} : memref<80x128xf32, #tpu.memory_space<vmem>>, vector<1x16xf32>,
          %parallel_loop3A_370 = vector.shape_cast %parallel_loop3A_369 : vector<1x16xf32> to vector<16xf32>
          %parallel_loop3A_371 = arith.addf %parallel_loop3A_366, %parallel_loop3A_370 : vector<16xf32>
          %parallel_loop3A_372 = arith.constant 0.000000e+00 : f32
          %parallel_loop3A_373 = vector.broadcast %parallel_loop3A_372 : f32 to vector<16xf32>
          %parallel_loop3A_374 = arith.maximumf %parallel_loop3A_371, %parallel_loop3A_373 : vector<16xf32>
          %parallel_loop3A_375 = arith.index_cast %parallel_loop3A_243 : i32 to index
          %parallel_loop3A_376 = arith.constant 112 : index
          %parallel_loop3A_377 = tpu.vector_load %arg18[%parallel_loop3A_375, %parallel_loop3A_376] {strides = array<i32>} : memref<80x128xf32, #tpu.memory_space<vmem>>, vector<1x16xf32>,
          %parallel_loop3A_378 = vector.shape_cast %parallel_loop3A_377 : vector<1x16xf32> to vector<16xf32>
          %parallel_loop3A_379 = vector.shape_cast %parallel_loop3A_374 : vector<16xf32> to vector<1x16xf32>
          tpu.vector_store %arg18[%parallel_loop3A_375, %parallel_loop3A_376], %parallel_loop3A_379 {strides = array<i32>} : memref<80x128xf32, #tpu.memory_space<vmem>>, vector<1x16xf32>,
        } {sc.loop_unroll_factor = 4 : i64, sc.parallel_access}
        %dma_start3A_240 = arith.constant 0 : i32
        %dma_start3A_241 = arith.constant 0 : i32
        %dma_start3A_242 = tpu.memref_slice %arg19[%dma_start3A_240, %dma_start3A_241] : memref<10000x128xf32, #tpu.memory_space<vmem_shared>> -> memref<10000x128xf32, #tpu.memory_space<vmem_shared>>
        tpu.enqueue_indirect_dma source(%arg18 : memref<80x128xf32, #tpu.memory_space<vmem>>) target(%dma_start3A_242 : memref<10000x128xf32, #tpu.memory_space<vmem_shared>>) offsets(%arg14 : memref<80xi32, #tpu.memory_space<vmem>>) semaphore(%arg27 : memref<!tpu.dma_semaphore, #tpu.memory_space<semaphore_mem>>) {add = true}
      } else {
      }
      %ge3A_206 = arith.constant 1 : i32
      %ge3A_207 = arith.cmpi sge, %add3A_186, %ge3A_206 : i32
      %le3A_208 = arith.constant 125 : i32
      %le3A_209 = arith.cmpi sle, %add3A_186, %le3A_208 : i32
      %and3A_210 = arith.andi %ge3A_207, %le3A_209 : i1
      %convert_element_type3A_211 = arith.extui %and3A_210 : i1 to i32
      %cond3A_212 = arith.constant 0 : i32
      %cond3A_213 = arith.cmpi ne, %convert_element_type3A_211, %cond3A_212 : i32
      scf.if %cond3A_213 {
        %dma_wait3A_228 = arith.constant 0 : i32
        %dma_wait3A_229 = arith.constant 0 : i32
        %dma_wait3A_230 = tpu.memref_slice %arg19[%dma_wait3A_228, %dma_wait3A_229] : memref<10000x128xf32, #tpu.memory_space<vmem_shared>> -> memref<10000x128xf32, #tpu.memory_space<vmem_shared>>
        tpu.wait_indirect_dma semaphore(%arg26 : memref<!tpu.dma_semaphore, #tpu.memory_space<semaphore_mem>>) src(%arg17 : memref<80x128xf32, #tpu.memory_space<vmem>>) dst(%dma_wait3A_230 : memref<10000x128xf32, #tpu.memory_space<vmem_shared>>)
      } else {
      }
      %add3A_214 = arith.constant 1 : i32
      %add3A_215 = arith.addi %add3A_186, %add3A_214 : i32
      %lt3A_216 = arith.constant 125 : i32
      %lt3A_217 = arith.cmpi slt, %add3A_215, %lt3A_216 : i32
      %convert_element_type3A_218 = arith.extui %lt3A_217 : i1 to i32
      %cond3A_219 = arith.constant 0 : i32
      %cond3A_220 = arith.cmpi ne, %convert_element_type3A_218, %cond3A_219 : i32
      scf.if %cond3A_220 {
        %mul3A_228 = arith.constant 80 : i32
        %mul3A_229 = arith.muli %add3A_215, %mul3A_228 : i32
        %add3A_230 = arith.addi %mul3A_14, %mul3A_229 : i32
        %dma_start3A_231 = arith.constant 0 : i32
        %dma_start3A_232 = tpu.memref_slice %arg5[%add3A_230, %dma_start3A_231] : memref<320000x128xf32, #tpu.memory_space<hbm>> -> memref<80x128xf32, #tpu.memory_space<hbm>>
        %dma_start3A_233 = arith.constant 0 : i32
        %dma_start3A_234 = tpu.memref_slice %arg5[%add3A_230, %dma_start3A_233] : memref<320000x128xf32, #tpu.memory_space<hbm>> -> memref<80x128xf32, #tpu.memory_space<hbm>>
        tpu.enqueue_dma source(%dma_start3A_234 : memref<80x128xf32, #tpu.memory_space<hbm>>) target(%arg17 : memref<80x128xf32, #tpu.memory_space<vmem>>) target_semaphore(%arg24 : memref<!tpu.dma_semaphore, #tpu.memory_space<semaphore_mem>>)
      } else {
      }
      %add3A_221 = arith.constant 2 : i32
      %add3A_222 = arith.addi %add3A_186, %add3A_221 : i32
      %lt3A_223 = arith.constant 125 : i32
      %lt3A_224 = arith.cmpi slt, %add3A_222, %lt3A_223 : i32
      %convert_element_type3A_225 = arith.extui %lt3A_224 : i1 to i32
      %cond3A_226 = arith.constant 0 : i32
      %cond3A_227 = arith.cmpi ne, %convert_element_type3A_225, %cond3A_226 : i32
      scf.if %cond3A_227 {
        %mul3A_228 = arith.constant 80 : i32
        %mul3A_229 = arith.muli %add3A_222, %mul3A_228 : i32
        %add3A_230 = arith.addi %mul3A_14, %mul3A_229 : i32
        %dma_start3A_231 = tpu.memref_slice %arg3[%add3A_230] : memref<320000xi32, #tpu.memory_space<hbm>> -> memref<80xi32, #tpu.memory_space<hbm>>
        %dma_start3A_232 = tpu.memref_slice %arg3[%add3A_230] : memref<320000xi32, #tpu.memory_space<hbm>> -> memref<80xi32, #tpu.memory_space<hbm>>
        tpu.enqueue_dma source(%dma_start3A_232 : memref<80xi32, #tpu.memory_space<hbm>>) target(%arg8 : memref<80xi32, #tpu.memory_space<vmem>>) target_semaphore(%arg21 : memref<!tpu.dma_semaphore, #tpu.memory_space<semaphore_mem>>)
        %dma_start3A_233 = tpu.memref_slice %arg4[%add3A_230] : memref<320000xi32, #tpu.memory_space<hbm>> -> memref<80xi32, #tpu.memory_space<hbm>>
        %dma_start3A_234 = tpu.memref_slice %arg4[%add3A_230] : memref<320000xi32, #tpu.memory_space<hbm>> -> memref<80xi32, #tpu.memory_space<hbm>>
        tpu.enqueue_dma source(%dma_start3A_234 : memref<80xi32, #tpu.memory_space<hbm>>) target(%arg12 : memref<80xi32, #tpu.memory_space<vmem>>) target_semaphore(%arg21 : memref<!tpu.dma_semaphore, #tpu.memory_space<semaphore_mem>>)
      } else {
      }
    }
    %scan3A_45 = arith.constant 33 : i32
    %barrier3A_46 = arith.constant 0 : index
    tpu.barrier barrier_id(%barrier3A_46)
    %scan3A_47 = arith.constant 0 : i32
    %scan3A_48 = arith.constant 0 : i32
    %scan3A_49 = arith.constant 8 : i32
    %scan3A_50 = arith.addi %scan3A_48, %scan3A_49 : i32
    %scan3A_51 = arith.constant 1 : i32
    scf.for %scan3A_53 = %scan3A_48 to %scan3A_50 step %scan3A_51  : i32 {
      %mul3A_54 = arith.constant 16 : i32
      %mul3A_55 = arith.muli %scan3A_53, %mul3A_54 : i32
      %add3A_56 = arith.addi %mul3A_55, %arg1 : i32
      %lt3A = arith.constant 125 : i32
      %lt3A_57 = arith.cmpi slt, %add3A_56, %lt3A : i32
      %convert_element_type3A = arith.extui %lt3A_57 : i1 to i32
      %cond3A = arith.constant 0 : i32
      %cond3A_58 = arith.cmpi ne, %convert_element_type3A, %cond3A : i32
      scf.if %cond3A_58 {
        %mul3A_59 = arith.constant 80 : i32
        %mul3A_60 = arith.muli %add3A_56, %mul3A_59 : i32
        "tpu.region"() ({
          %run_scoped3A = tpu.sem_alloc : memref<!tpu.dma_semaphore, #tpu.memory_space<semaphore_mem>>
          %dma_start3A_61 = arith.constant 0 : i32
          %dma_start3A_62 = tpu.memref_slice %arg19[%mul3A_60, %dma_start3A_61] : memref<10000x128xf32, #tpu.memory_space<vmem_shared>> -> memref<80x128xf32, #tpu.memory_space<vmem_shared>>
          %dma_start3A_63 = arith.constant 0 : i32
          %dma_start3A_64 = tpu.memref_slice %arg19[%mul3A_60, %dma_start3A_63] : memref<10000x128xf32, #tpu.memory_space<vmem_shared>> -> memref<80x128xf32, #tpu.memory_space<vmem_shared>>
          tpu.enqueue_dma source(%dma_start3A_64 : memref<80x128xf32, #tpu.memory_space<vmem_shared>>) target(%arg15 : memref<80x128xf32, #tpu.memory_space<vmem>>) target_semaphore(%run_scoped3A : memref<!tpu.dma_semaphore, #tpu.memory_space<semaphore_mem>>)
          %dma_wait3A_65 = arith.constant 0 : i32
          %dma_wait3A_66 = tpu.memref_slice %arg19[%mul3A_60, %dma_wait3A_65] : memref<10000x128xf32, #tpu.memory_space<vmem_shared>> -> memref<80x128xf32, #tpu.memory_space<vmem_shared>>
          %dma_wait3A_67 = arith.constant 0 : i32
          %dma_wait3A_68 = tpu.memref_slice %arg19[%mul3A_60, %dma_wait3A_67] : memref<10000x128xf32, #tpu.memory_space<vmem_shared>> -> memref<80x128xf32, #tpu.memory_space<vmem_shared>>
          tpu.wait_dma2 semaphore(%run_scoped3A : memref<!tpu.dma_semaphore, #tpu.memory_space<semaphore_mem>>) src(%dma_wait3A_68 : memref<80x128xf32, #tpu.memory_space<vmem_shared>>) dst(%arg15 : memref<80x128xf32, #tpu.memory_space<vmem>>)
          tpu.yield
        }) : () -> ()
        "tpu.region"() ({
          %run_scoped3A = tpu.sem_alloc : memref<!tpu.dma_semaphore, #tpu.memory_space<semaphore_mem>>
          %dma_start3A_61 = arith.constant 0 : i32
          %dma_start3A_62 = tpu.memref_slice %arg6[%arg0, %mul3A_60, %dma_start3A_61] : memref<2x10000x128xf32, #tpu.memory_space<hbm>> -> memref<1x80x128xf32, #tpu.memory_space<hbm>>
          %dma_start3A_63 = tpu.memref_squeeze %dma_start3A_62 : memref<1x80x128xf32, #tpu.memory_space<hbm>> -> memref<80x128xf32, #tpu.memory_space<hbm>>
          %dma_start3A_64 = arith.constant 0 : i32
          %dma_start3A_65 = tpu.memref_slice %arg6[%arg0, %mul3A_60, %dma_start3A_64] : memref<2x10000x128xf32, #tpu.memory_space<hbm>> -> memref<1x80x128xf32, #tpu.memory_space<hbm>>
          %dma_start3A_66 = tpu.memref_squeeze %dma_start3A_65 : memref<1x80x128xf32, #tpu.memory_space<hbm>> -> memref<80x128xf32, #tpu.memory_space<hbm>>
          tpu.enqueue_dma source(%arg15 : memref<80x128xf32, #tpu.memory_space<vmem>>) target(%dma_start3A_66 : memref<80x128xf32, #tpu.memory_space<hbm>>) target_semaphore(%run_scoped3A : memref<!tpu.dma_semaphore, #tpu.memory_space<semaphore_mem>>)
          %dma_wait3A_67 = arith.constant 0 : i32
          %dma_wait3A_68 = tpu.memref_slice %arg6[%arg0, %mul3A_60, %dma_wait3A_67] : memref<2x10000x128xf32, #tpu.memory_space<hbm>> -> memref<1x80x128xf32, #tpu.memory_space<hbm>>
          %dma_wait3A_69 = tpu.memref_squeeze %dma_wait3A_68 : memref<1x80x128xf32, #tpu.memory_space<hbm>> -> memref<80x128xf32, #tpu.memory_space<hbm>>
          %dma_wait3A_70 = arith.constant 0 : i32
          %dma_wait3A_71 = tpu.memref_slice %arg6[%arg0, %mul3A_60, %dma_wait3A_70] : memref<2x10000x128xf32, #tpu.memory_space<hbm>> -> memref<1x80x128xf32, #tpu.memory_space<hbm>>
          %dma_wait3A_72 = tpu.memref_squeeze %dma_wait3A_71 : memref<1x80x128xf32, #tpu.memory_space<hbm>> -> memref<80x128xf32, #tpu.memory_space<hbm>>
          tpu.wait_dma2 semaphore(%run_scoped3A : memref<!tpu.dma_semaphore, #tpu.memory_space<semaphore_mem>>) src(%arg15 : memref<80x128xf32, #tpu.memory_space<vmem>>) dst(%dma_wait3A_72 : memref<80x128xf32, #tpu.memory_space<hbm>>)
          tpu.yield
        }) : () -> ()
      } else {
      }
    }
    %scan3A_52 = arith.constant 8 : i32
    return
  }
}

#map = affine_map<(d0, d1) -> (0, 0)>
#map1 = affine_map<(d0, d1) -> (0)>
#map2 = affine_map<(d0, d1) -> (0, 0, 0)>
module attributes {stable_mosaic.version = 14 : i64} {
  func.func @_sc_layer_body(%arg0: i32, %arg1: i32, %arg2: memref<10000x128xf32, #tpu.memory_space<hbm>>, %arg3: memref<320000xi32, #tpu.memory_space<hbm>>, %arg4: memref<320000xi32, #tpu.memory_space<hbm>>, %arg5: memref<320000x128xf32, #tpu.memory_space<hbm>>, %arg6: memref<2x10000x128xf32, #tpu.memory_space<hbm>>, %arg7: memref<80xi32, #tpu.memory_space<vmem>>, %arg8: memref<80xi32, #tpu.memory_space<vmem>>, %arg9: memref<80xi32, #tpu.memory_space<vmem>>, %arg10: memref<80xi32, #tpu.memory_space<vmem>>, %arg11: memref<80xi32, #tpu.memory_space<vmem>>, %arg12: memref<80xi32, #tpu.memory_space<vmem>>, %arg13: memref<80xi32, #tpu.memory_space<vmem>>, %arg14: memref<80xi32, #tpu.memory_space<vmem>>, %arg15: memref<80x128xf32, #tpu.memory_space<vmem>>, %arg16: memref<80x128xf32, #tpu.memory_space<vmem>>, %arg17: memref<80x128xf32, #tpu.memory_space<vmem>>, %arg18: memref<80x128xf32, #tpu.memory_space<vmem>>, %arg19: memref<10000x128xf32, #tpu.memory_space<vmem_shared>>, %arg20: memref<!tpu.dma_semaphore, #tpu.memory_space<semaphore_mem>>, %arg21: memref<!tpu.dma_semaphore, #tpu.memory_space<semaphore_mem>>, %arg22: memref<!tpu.dma_semaphore, #tpu.memory_space<semaphore_mem>>, %arg23: memref<!tpu.dma_semaphore, #tpu.memory_space<semaphore_mem>>, %arg24: memref<!tpu.dma_semaphore, #tpu.memory_space<semaphore_mem>>, %arg25: memref<!tpu.dma_semaphore, #tpu.memory_space<semaphore_mem>>, %arg26: memref<!tpu.dma_semaphore, #tpu.memory_space<semaphore_mem>>, %arg27: memref<!tpu.dma_semaphore, #tpu.memory_space<semaphore_mem>>) attributes {dimension_semantics = [#tpu.dimension_semantics<core_parallel>, #tpu.dimension_semantics<subcore_parallel>], iteration_bounds = array<i64: 2, 16>, scalar_prefetch = 0 : i64, scratch_operands = 21 : i64, tpu.core_type = #tpu.core_type<sc_vector_subcore>, window_params = [{transform_indices = #map}, {transform_indices = #map1}, {transform_indices = #map1}, {transform_indices = #map}, {transform_indices = #map2}]} {
    %mul3A = arith.constant 16 : i32
    %mul3A_0 = arith.muli %arg0, %mul3A : i32
    %add3A = arith.addi %mul3A_0, %arg1 : i32
    %broadcast_in_dim3A = arith.constant 0.000000e+00 : f32
    %broadcast_in_dim3A_1 = vector.broadcast %broadcast_in_dim3A : f32 to vector<16xf32>
    %scan3A = arith.constant 0 : i32
    %scan3A_2 = arith.constant 0 : i32
    %scan3A_3 = arith.constant 80 : i32
    %scan3A_4 = arith.addi %scan3A_2, %scan3A_3 : i32
    %scan3A_5 = arith.constant 1 : i32
    scf.for %scan3A_53 = %scan3A_2 to %scan3A_4 step %scan3A_5  : i32 {
      %swap3A = arith.index_cast %scan3A_53 : i32 to index
      %swap3A_54 = arith.constant 0 : index
      %swap3A_55 = tpu.vector_load %arg15[%swap3A, %swap3A_54] {strides = array<i32>} : memref<80x128xf32, #tpu.memory_space<vmem>>, vector<1x16xf32>,
      %swap3A_56 = vector.shape_cast %swap3A_55 : vector<1x16xf32> to vector<16xf32>
      %swap3A_57 = vector.shape_cast %broadcast_in_dim3A_1 : vector<16xf32> to vector<1x16xf32>
      tpu.vector_store %arg15[%swap3A, %swap3A_54], %swap3A_57 {strides = array<i32>} : memref<80x128xf32, #tpu.memory_space<vmem>>, vector<1x16xf32>,
      %swap3A_58 = arith.index_cast %scan3A_53 : i32 to index
      %swap3A_59 = arith.constant 16 : index
      %swap3A_60 = tpu.vector_load %arg15[%swap3A_58, %swap3A_59] {strides = array<i32>} : memref<80x128xf32, #tpu.memory_space<vmem>>, vector<1x16xf32>,
      %swap3A_61 = vector.shape_cast %swap3A_60 : vector<1x16xf32> to vector<16xf32>
      %swap3A_62 = vector.shape_cast %broadcast_in_dim3A_1 : vector<16xf32> to vector<1x16xf32>
      tpu.vector_store %arg15[%swap3A_58, %swap3A_59], %swap3A_62 {strides = array<i32>} : memref<80x128xf32, #tpu.memory_space<vmem>>, vector<1x16xf32>,
      %swap3A_63 = arith.index_cast %scan3A_53 : i32 to index
      %swap3A_64 = arith.constant 32 : index
      %swap3A_65 = tpu.vector_load %arg15[%swap3A_63, %swap3A_64] {strides = array<i32>} : memref<80x128xf32, #tpu.memory_space<vmem>>, vector<1x16xf32>,
      %swap3A_66 = vector.shape_cast %swap3A_65 : vector<1x16xf32> to vector<16xf32>
      %swap3A_67 = vector.shape_cast %broadcast_in_dim3A_1 : vector<16xf32> to vector<1x16xf32>
      tpu.vector_store %arg15[%swap3A_63, %swap3A_64], %swap3A_67 {strides = array<i32>} : memref<80x128xf32, #tpu.memory_space<vmem>>, vector<1x16xf32>,
      %swap3A_68 = arith.index_cast %scan3A_53 : i32 to index
      %swap3A_69 = arith.constant 48 : index
      %swap3A_70 = tpu.vector_load %arg15[%swap3A_68, %swap3A_69] {strides = array<i32>} : memref<80x128xf32, #tpu.memory_space<vmem>>, vector<1x16xf32>,
      %swap3A_71 = vector.shape_cast %swap3A_70 : vector<1x16xf32> to vector<16xf32>
      %swap3A_72 = vector.shape_cast %broadcast_in_dim3A_1 : vector<16xf32> to vector<1x16xf32>
      tpu.vector_store %arg15[%swap3A_68, %swap3A_69], %swap3A_72 {strides = array<i32>} : memref<80x128xf32, #tpu.memory_space<vmem>>, vector<1x16xf32>,
      %swap3A_73 = arith.index_cast %scan3A_53 : i32 to index
      %swap3A_74 = arith.constant 64 : index
      %swap3A_75 = tpu.vector_load %arg15[%swap3A_73, %swap3A_74] {strides = array<i32>} : memref<80x128xf32, #tpu.memory_space<vmem>>, vector<1x16xf32>,
      %swap3A_76 = vector.shape_cast %swap3A_75 : vector<1x16xf32> to vector<16xf32>
      %swap3A_77 = vector.shape_cast %broadcast_in_dim3A_1 : vector<16xf32> to vector<1x16xf32>
      tpu.vector_store %arg15[%swap3A_73, %swap3A_74], %swap3A_77 {strides = array<i32>} : memref<80x128xf32, #tpu.memory_space<vmem>>, vector<1x16xf32>,
      %swap3A_78 = arith.index_cast %scan3A_53 : i32 to index
      %swap3A_79 = arith.constant 80 : index
      %swap3A_80 = tpu.vector_load %arg15[%swap3A_78, %swap3A_79] {strides = array<i32>} : memref<80x128xf32, #tpu.memory_space<vmem>>, vector<1x16xf32>,
      %swap3A_81 = vector.shape_cast %swap3A_80 : vector<1x16xf32> to vector<16xf32>
      %swap3A_82 = vector.shape_cast %broadcast_in_dim3A_1 : vector<16xf32> to vector<1x16xf32>
      tpu.vector_store %arg15[%swap3A_78, %swap3A_79], %swap3A_82 {strides = array<i32>} : memref<80x128xf32, #tpu.memory_space<vmem>>, vector<1x16xf32>,
      %swap3A_83 = arith.index_cast %scan3A_53 : i32 to index
      %swap3A_84 = arith.constant 96 : index
      %swap3A_85 = tpu.vector_load %arg15[%swap3A_83, %swap3A_84] {strides = array<i32>} : memref<80x128xf32, #tpu.memory_space<vmem>>, vector<1x16xf32>,
      %swap3A_86 = vector.shape_cast %swap3A_85 : vector<1x16xf32> to vector<16xf32>
      %swap3A_87 = vector.shape_cast %broadcast_in_dim3A_1 : vector<16xf32> to vector<1x16xf32>
      tpu.vector_store %arg15[%swap3A_83, %swap3A_84], %swap3A_87 {strides = array<i32>} : memref<80x128xf32, #tpu.memory_space<vmem>>, vector<1x16xf32>,
      %swap3A_88 = arith.index_cast %scan3A_53 : i32 to index
      %swap3A_89 = arith.constant 112 : index
      %swap3A_90 = tpu.vector_load %arg15[%swap3A_88, %swap3A_89] {strides = array<i32>} : memref<80x128xf32, #tpu.memory_space<vmem>>, vector<1x16xf32>,
      %swap3A_91 = vector.shape_cast %swap3A_90 : vector<1x16xf32> to vector<16xf32>
      %swap3A_92 = vector.shape_cast %broadcast_in_dim3A_1 : vector<16xf32> to vector<1x16xf32>
      tpu.vector_store %arg15[%swap3A_88, %swap3A_89], %swap3A_92 {strides = array<i32>} : memref<80x128xf32, #tpu.memory_space<vmem>>, vector<1x16xf32>,
    }
    %scan3A_6 = arith.constant 80 : i32
    %scan3A_7 = arith.constant 0 : i32
    %scan3A_8 = arith.constant 0 : i32
    %scan3A_9 = arith.constant 8 : i32
    %scan3A_10 = arith.addi %scan3A_8, %scan3A_9 : i32
    %scan3A_11 = arith.constant 1 : i32
    scf.for %scan3A_53 = %scan3A_8 to %scan3A_10 step %scan3A_11  : i32 {
      %mul3A_54 = arith.constant 16 : i32
      %mul3A_55 = arith.muli %scan3A_53, %mul3A_54 : i32
      %add3A_56 = arith.addi %mul3A_55, %arg1 : i32
      %lt3A = arith.constant 125 : i32
      %lt3A_57 = arith.cmpi slt, %add3A_56, %lt3A : i32
      %convert_element_type3A = arith.extui %lt3A_57 : i1 to i32
      %cond3A = arith.constant 0 : i32
      %cond3A_58 = arith.cmpi ne, %convert_element_type3A, %cond3A : i32
      scf.if %cond3A_58 {
        %mul3A_59 = arith.constant 80 : i32
        %mul3A_60 = arith.muli %add3A_56, %mul3A_59 : i32
        "tpu.region"() ({
          %run_scoped3A = tpu.sem_alloc : memref<!tpu.dma_semaphore, #tpu.memory_space<semaphore_mem>>
          %dma_start3A_61 = arith.constant 0 : i32
          %dma_start3A_62 = tpu.memref_slice %arg19[%mul3A_60, %dma_start3A_61] : memref<10000x128xf32, #tpu.memory_space<vmem_shared>> -> memref<80x128xf32, #tpu.memory_space<vmem_shared>>
          %dma_start3A_63 = arith.constant 0 : i32
          %dma_start3A_64 = tpu.memref_slice %arg19[%mul3A_60, %dma_start3A_63] : memref<10000x128xf32, #tpu.memory_space<vmem_shared>> -> memref<80x128xf32, #tpu.memory_space<vmem_shared>>
          tpu.enqueue_dma source(%arg15 : memref<80x128xf32, #tpu.memory_space<vmem>>) target(%dma_start3A_64 : memref<80x128xf32, #tpu.memory_space<vmem_shared>>) target_semaphore(%run_scoped3A : memref<!tpu.dma_semaphore, #tpu.memory_space<semaphore_mem>>)
          %dma_wait3A_65 = arith.constant 0 : i32
          %dma_wait3A_66 = tpu.memref_slice %arg19[%mul3A_60, %dma_wait3A_65] : memref<10000x128xf32, #tpu.memory_space<vmem_shared>> -> memref<80x128xf32, #tpu.memory_space<vmem_shared>>
          %dma_wait3A_67 = arith.constant 0 : i32
          %dma_wait3A_68 = tpu.memref_slice %arg19[%mul3A_60, %dma_wait3A_67] : memref<10000x128xf32, #tpu.memory_space<vmem_shared>> -> memref<80x128xf32, #tpu.memory_space<vmem_shared>>
          tpu.wait_dma2 semaphore(%run_scoped3A : memref<!tpu.dma_semaphore, #tpu.memory_space<semaphore_mem>>) src(%arg15 : memref<80x128xf32, #tpu.memory_space<vmem>>) dst(%dma_wait3A_68 : memref<80x128xf32, #tpu.memory_space<vmem_shared>>)
          tpu.yield
        }) : () -> ()
      } else {
      }
    }
    %scan3A_12 = arith.constant 8 : i32
    %barrier3A = arith.constant 0 : index
    tpu.barrier barrier_id(%barrier3A)
    %mul3A_13 = arith.constant 10000 : i32
    %mul3A_14 = arith.muli %add3A, %mul3A_13 : i32
    %add3A_15 = arith.constant 0 : i32
    %add3A_16 = arith.addi %mul3A_14, %add3A_15 : i32
    %dma_start3A = tpu.memref_slice %arg3[%add3A_16] : memref<320000xi32, #tpu.memory_space<hbm>> -> memref<80xi32, #tpu.memory_space<hbm>>
    %dma_start3A_17 = tpu.memref_slice %arg3[%add3A_16] : memref<320000xi32, #tpu.memory_space<hbm>> -> memref<80xi32, #tpu.memory_space<hbm>>
    tpu.enqueue_dma source(%dma_start3A_17 : memref<80xi32, #tpu.memory_space<hbm>>) target(%arg7 : memref<80xi32, #tpu.memory_space<vmem>>) target_semaphore(%arg20 : memref<!tpu.dma_semaphore, #tpu.memory_space<semaphore_mem>>)
    %dma_start3A_18 = tpu.memref_slice %arg4[%add3A_16] : memref<320000xi32, #tpu.memory_space<hbm>> -> memref<80xi32, #tpu.memory_space<hbm>>
    %dma_start3A_19 = tpu.memref_slice %arg4[%add3A_16] : memref<320000xi32, #tpu.memory_space<hbm>> -> memref<80xi32, #tpu.memory_space<hbm>>
    tpu.enqueue_dma source(%dma_start3A_19 : memref<80xi32, #tpu.memory_space<hbm>>) target(%arg11 : memref<80xi32, #tpu.memory_space<vmem>>) target_semaphore(%arg20 : memref<!tpu.dma_semaphore, #tpu.memory_space<semaphore_mem>>)
    %add3A_20 = arith.constant 80 : i32
    %add3A_21 = arith.addi %mul3A_14, %add3A_20 : i32
    %dma_start3A_22 = tpu.memref_slice %arg3[%add3A_21] : memref<320000xi32, #tpu.memory_space<hbm>> -> memref<80xi32, #tpu.memory_space<hbm>>
    %dma_start3A_23 = tpu.memref_slice %arg3[%add3A_21] : memref<320000xi32, #tpu.memory_space<hbm>> -> memref<80xi32, #tpu.memory_space<hbm>>
    tpu.enqueue_dma source(%dma_start3A_23 : memref<80xi32, #tpu.memory_space<hbm>>) target(%arg8 : memref<80xi32, #tpu.memory_space<vmem>>) target_semaphore(%arg21 : memref<!tpu.dma_semaphore, #tpu.memory_space<semaphore_mem>>)
    %dma_start3A_24 = tpu.memref_slice %arg4[%add3A_21] : memref<320000xi32, #tpu.memory_space<hbm>> -> memref<80xi32, #tpu.memory_space<hbm>>
    %dma_start3A_25 = tpu.memref_slice %arg4[%add3A_21] : memref<320000xi32, #tpu.memory_space<hbm>> -> memref<80xi32, #tpu.memory_space<hbm>>
    tpu.enqueue_dma source(%dma_start3A_25 : memref<80xi32, #tpu.memory_space<hbm>>) target(%arg12 : memref<80xi32, #tpu.memory_space<vmem>>) target_semaphore(%arg21 : memref<!tpu.dma_semaphore, #tpu.memory_space<semaphore_mem>>)
    %add3A_26 = arith.constant 0 : i32
    %add3A_27 = arith.addi %mul3A_14, %add3A_26 : i32
    %dma_wait3A = tpu.memref_slice %arg3[%add3A_27] : memref<320000xi32, #tpu.memory_space<hbm>> -> memref<80xi32, #tpu.memory_space<hbm>>
    %dma_wait3A_28 = tpu.memref_slice %arg3[%add3A_27] : memref<320000xi32, #tpu.memory_space<hbm>> -> memref<80xi32, #tpu.memory_space<hbm>>
    tpu.wait_dma2 semaphore(%arg20 : memref<!tpu.dma_semaphore, #tpu.memory_space<semaphore_mem>>) src(%dma_wait3A_28 : memref<80xi32, #tpu.memory_space<hbm>>) dst(%arg7 : memref<80xi32, #tpu.memory_space<vmem>>)
    %dma_wait3A_29 = tpu.memref_slice %arg4[%add3A_27] : memref<320000xi32, #tpu.memory_space<hbm>> -> memref<80xi32, #tpu.memory_space<hbm>>
    %dma_wait3A_30 = tpu.memref_slice %arg4[%add3A_27] : memref<320000xi32, #tpu.memory_space<hbm>> -> memref<80xi32, #tpu.memory_space<hbm>>
    tpu.wait_dma2 semaphore(%arg20 : memref<!tpu.dma_semaphore, #tpu.memory_space<semaphore_mem>>) src(%dma_wait3A_30 : memref<80xi32, #tpu.memory_space<hbm>>) dst(%arg11 : memref<80xi32, #tpu.memory_space<vmem>>)
    %dma_start3A_31 = arith.constant 0 : i32
    %dma_start3A_32 = arith.constant 0 : i32
    %dma_start3A_33 = tpu.memref_slice %arg2[%dma_start3A_31, %dma_start3A_32] : memref<10000x128xf32, #tpu.memory_space<hbm>> -> memref<10000x128xf32, #tpu.memory_space<hbm>>
    tpu.enqueue_indirect_dma source(%dma_start3A_33 : memref<10000x128xf32, #tpu.memory_space<hbm>>) target(%arg15 : memref<80x128xf32, #tpu.memory_space<vmem>>) offsets(%arg7 : memref<80xi32, #tpu.memory_space<vmem>>) semaphore(%arg22 : memref<!tpu.dma_semaphore, #tpu.memory_space<semaphore_mem>>)
    %add3A_34 = arith.constant 0 : i32
    %add3A_35 = arith.addi %mul3A_14, %add3A_34 : i32
    %dma_start3A_36 = arith.constant 0 : i32
    %dma_start3A_37 = tpu.memref_slice %arg5[%add3A_35, %dma_start3A_36] : memref<320000x128xf32, #tpu.memory_space<hbm>> -> memref<80x128xf32, #tpu.memory_space<hbm>>
    %dma_start3A_38 = arith.constant 0 : i32
    %dma_start3A_39 = tpu.memref_slice %arg5[%add3A_35, %dma_start3A_38] : memref<320000x128xf32, #tpu.memory_space<hbm>> -> memref<80x128xf32, #tpu.memory_space<hbm>>
    tpu.enqueue_dma source(%dma_start3A_39 : memref<80x128xf32, #tpu.memory_space<hbm>>) target(%arg17 : memref<80x128xf32, #tpu.memory_space<vmem>>) target_semaphore(%arg24 : memref<!tpu.dma_semaphore, #tpu.memory_space<semaphore_mem>>)
    %scan3A_40 = arith.constant 0 : i32
    %scan3A_41 = arith.constant 0 : i32
    %scan3A_42 = arith.constant 33 : i32
    %scan3A_43 = arith.addi %scan3A_41, %scan3A_42 : i32
    %scan3A_44 = arith.constant 1 : i32
    scf.for %scan3A_53 = %scan3A_41 to %scan3A_43 step %scan3A_44  : i32 {
      %mul3A_54 = arith.constant 4 : i32
      %mul3A_55 = arith.muli %mul3A_54, %scan3A_53 : i32
      %add3A_56 = arith.constant 0 : i32
      %add3A_57 = arith.addi %mul3A_55, %add3A_56 : i32
      %add3A_58 = arith.constant 1 : i32
      %add3A_59 = arith.addi %add3A_57, %add3A_58 : i32
      %lt3A = arith.constant 125 : i32
      %lt3A_60 = arith.cmpi slt, %add3A_59, %lt3A : i32
      %convert_element_type3A = arith.extui %lt3A_60 : i1 to i32
      %cond3A = arith.constant 0 : i32
      %cond3A_61 = arith.cmpi ne, %convert_element_type3A, %cond3A : i32
      scf.if %cond3A_61 {
        %mul3A_228 = arith.constant 80 : i32
        %mul3A_229 = arith.muli %add3A_59, %mul3A_228 : i32
        %add3A_230 = arith.addi %mul3A_14, %mul3A_229 : i32
        %dma_wait3A_231 = tpu.memref_slice %arg3[%add3A_230] : memref<320000xi32, #tpu.memory_space<hbm>> -> memref<80xi32, #tpu.memory_space<hbm>>
        %dma_wait3A_232 = tpu.memref_slice %arg3[%add3A_230] : memref<320000xi32, #tpu.memory_space<hbm>> -> memref<80xi32, #tpu.memory_space<hbm>>
        tpu.wait_dma2 semaphore(%arg21 : memref<!tpu.dma_semaphore, #tpu.memory_space<semaphore_mem>>) src(%dma_wait3A_232 : memref<80xi32, #tpu.memory_space<hbm>>) dst(%arg8 : memref<80xi32, #tpu.memory_space<vmem>>)
        %dma_wait3A_233 = tpu.memref_slice %arg4[%add3A_230] : memref<320000xi32, #tpu.memory_space<hbm>> -> memref<80xi32, #tpu.memory_space<hbm>>
        %dma_wait3A_234 = tpu.memref_slice %arg4[%add3A_230] : memref<320000xi32, #tpu.memory_space<hbm>> -> memref<80xi32, #tpu.memory_space<hbm>>
        tpu.wait_dma2 semaphore(%arg21 : memref<!tpu.dma_semaphore, #tpu.memory_space<semaphore_mem>>) src(%dma_wait3A_234 : memref<80xi32, #tpu.memory_space<hbm>>) dst(%arg12 : memref<80xi32, #tpu.memory_space<vmem>>)
      } else {
      }
      %add3A_62 = arith.constant 1 : i32
      %add3A_63 = arith.addi %add3A_57, %add3A_62 : i32
      %lt3A_64 = arith.constant 125 : i32
      %lt3A_65 = arith.cmpi slt, %add3A_63, %lt3A_64 : i32
      %convert_element_type3A_66 = arith.extui %lt3A_65 : i1 to i32
      %cond3A_67 = arith.constant 0 : i32
      %cond3A_68 = arith.cmpi ne, %convert_element_type3A_66, %cond3A_67 : i32
      scf.if %cond3A_68 {
        %dma_start3A_228 = arith.constant 0 : i32
        %dma_start3A_229 = arith.constant 0 : i32
        %dma_start3A_230 = tpu.memref_slice %arg2[%dma_start3A_228, %dma_start3A_229] : memref<10000x128xf32, #tpu.memory_space<hbm>> -> memref<10000x128xf32, #tpu.memory_space<hbm>>
        tpu.enqueue_indirect_dma source(%dma_start3A_230 : memref<10000x128xf32, #tpu.memory_space<hbm>>) target(%arg16 : memref<80x128xf32, #tpu.memory_space<vmem>>) offsets(%arg8 : memref<80xi32, #tpu.memory_space<vmem>>) semaphore(%arg23 : memref<!tpu.dma_semaphore, #tpu.memory_space<semaphore_mem>>)
      } else {
      }
      %lt3A_69 = arith.constant 125 : i32
      %lt3A_70 = arith.cmpi slt, %add3A_57, %lt3A_69 : i32
      %convert_element_type3A_71 = arith.extui %lt3A_70 : i1 to i32
      %cond3A_72 = arith.constant 0 : i32
      %cond3A_73 = arith.cmpi ne, %convert_element_type3A_71, %cond3A_72 : i32
      scf.if %cond3A_73 {
        %mul3A_228 = arith.constant 80 : i32
        %mul3A_229 = arith.muli %add3A_57, %mul3A_228 : i32
        %add3A_230 = arith.addi %mul3A_14, %mul3A_229 : i32
        %dma_wait3A_231 = arith.constant 0 : i32
        %dma_wait3A_232 = arith.constant 0 : i32
        %dma_wait3A_233 = tpu.memref_slice %arg2[%dma_wait3A_231, %dma_wait3A_232] : memref<10000x128xf32, #tpu.memory_space<hbm>> -> memref<10000x128xf32, #tpu.memory_space<hbm>>
        tpu.wait_indirect_dma semaphore(%arg22 : memref<!tpu.dma_semaphore, #tpu.memory_space<semaphore_mem>>) src(%dma_wait3A_233 : memref<10000x128xf32, #tpu.memory_space<hbm>>) dst(%arg15 : memref<80x128xf32, #tpu.memory_space<vmem>>)
        %dma_wait3A_234 = arith.constant 0 : i32
        %dma_wait3A_235 = tpu.memref_slice %arg5[%add3A_230, %dma_wait3A_234] : memref<320000x128xf32, #tpu.memory_space<hbm>> -> memref<80x128xf32, #tpu.memory_space<hbm>>
        %dma_wait3A_236 = arith.constant 0 : i32
        %dma_wait3A_237 = tpu.memref_slice %arg5[%add3A_230, %dma_wait3A_236] : memref<320000x128xf32, #tpu.memory_space<hbm>> -> memref<80x128xf32, #tpu.memory_space<hbm>>
        tpu.wait_dma2 semaphore(%arg24 : memref<!tpu.dma_semaphore, #tpu.memory_space<semaphore_mem>>) src(%dma_wait3A_237 : memref<80x128xf32, #tpu.memory_space<hbm>>) dst(%arg17 : memref<80x128xf32, #tpu.memory_space<vmem>>)
        %parallel_loop3A = arith.constant 0 : i32
        %parallel_loop3A_238 = arith.constant 80 : i32
        %parallel_loop3A_239 = arith.constant 1 : i32
        scf.for %parallel_loop3A_243 = %parallel_loop3A to %parallel_loop3A_238 step %parallel_loop3A_239  : i32 {
          %parallel_loop3A_244 = arith.index_cast %parallel_loop3A_243 : i32 to index
          %parallel_loop3A_245 = arith.constant 0 : index
          %parallel_loop3A_246 = tpu.vector_load %arg15[%parallel_loop3A_244, %parallel_loop3A_245] {strides = array<i32>} : memref<80x128xf32, #tpu.memory_space<vmem>>, vector<1x16xf32>,
          %parallel_loop3A_247 = vector.shape_cast %parallel_loop3A_246 : vector<1x16xf32> to vector<16xf32>
          %parallel_loop3A_248 = arith.index_cast %parallel_loop3A_243 : i32 to index
          %parallel_loop3A_249 = arith.constant 0 : index
          %parallel_loop3A_250 = tpu.vector_load %arg17[%parallel_loop3A_248, %parallel_loop3A_249] {strides = array<i32>} : memref<80x128xf32, #tpu.memory_space<vmem>>, vector<1x16xf32>,
          %parallel_loop3A_251 = vector.shape_cast %parallel_loop3A_250 : vector<1x16xf32> to vector<16xf32>
          %parallel_loop3A_252 = arith.addf %parallel_loop3A_247, %parallel_loop3A_251 : vector<16xf32>
          %parallel_loop3A_253 = arith.constant 0.000000e+00 : f32
          %parallel_loop3A_254 = vector.broadcast %parallel_loop3A_253 : f32 to vector<16xf32>
          %parallel_loop3A_255 = arith.maximumf %parallel_loop3A_252, %parallel_loop3A_254 : vector<16xf32>
          %parallel_loop3A_256 = arith.index_cast %parallel_loop3A_243 : i32 to index
          %parallel_loop3A_257 = arith.constant 0 : index
          %parallel_loop3A_258 = tpu.vector_load %arg17[%parallel_loop3A_256, %parallel_loop3A_257] {strides = array<i32>} : memref<80x128xf32, #tpu.memory_space<vmem>>, vector<1x16xf32>,
          %parallel_loop3A_259 = vector.shape_cast %parallel_loop3A_258 : vector<1x16xf32> to vector<16xf32>
          %parallel_loop3A_260 = vector.shape_cast %parallel_loop3A_255 : vector<16xf32> to vector<1x16xf32>
          tpu.vector_store %arg17[%parallel_loop3A_256, %parallel_loop3A_257], %parallel_loop3A_260 {strides = array<i32>} : memref<80x128xf32, #tpu.memory_space<vmem>>, vector<1x16xf32>,
          %parallel_loop3A_261 = arith.index_cast %parallel_loop3A_243 : i32 to index
          %parallel_loop3A_262 = arith.constant 16 : index
          %parallel_loop3A_263 = tpu.vector_load %arg15[%parallel_loop3A_261, %parallel_loop3A_262] {strides = array<i32>} : memref<80x128xf32, #tpu.memory_space<vmem>>, vector<1x16xf32>,
          %parallel_loop3A_264 = vector.shape_cast %parallel_loop3A_263 : vector<1x16xf32> to vector<16xf32>
          %parallel_loop3A_265 = arith.index_cast %parallel_loop3A_243 : i32 to index
          %parallel_loop3A_266 = arith.constant 16 : index
          %parallel_loop3A_267 = tpu.vector_load %arg17[%parallel_loop3A_265, %parallel_loop3A_266] {strides = array<i32>} : memref<80x128xf32, #tpu.memory_space<vmem>>, vector<1x16xf32>,
          %parallel_loop3A_268 = vector.shape_cast %parallel_loop3A_267 : vector<1x16xf32> to vector<16xf32>
          %parallel_loop3A_269 = arith.addf %parallel_loop3A_264, %parallel_loop3A_268 : vector<16xf32>
          %parallel_loop3A_270 = arith.constant 0.000000e+00 : f32
          %parallel_loop3A_271 = vector.broadcast %parallel_loop3A_270 : f32 to vector<16xf32>
          %parallel_loop3A_272 = arith.maximumf %parallel_loop3A_269, %parallel_loop3A_271 : vector<16xf32>
          %parallel_loop3A_273 = arith.index_cast %parallel_loop3A_243 : i32 to index
          %parallel_loop3A_274 = arith.constant 16 : index
          %parallel_loop3A_275 = tpu.vector_load %arg17[%parallel_loop3A_273, %parallel_loop3A_274] {strides = array<i32>} : memref<80x128xf32, #tpu.memory_space<vmem>>, vector<1x16xf32>,
          %parallel_loop3A_276 = vector.shape_cast %parallel_loop3A_275 : vector<1x16xf32> to vector<16xf32>
          %parallel_loop3A_277 = vector.shape_cast %parallel_loop3A_272 : vector<16xf32> to vector<1x16xf32>
          tpu.vector_store %arg17[%parallel_loop3A_273, %parallel_loop3A_274], %parallel_loop3A_277 {strides = array<i32>} : memref<80x128xf32, #tpu.memory_space<vmem>>, vector<1x16xf32>,
          %parallel_loop3A_278 = arith.index_cast %parallel_loop3A_243 : i32 to index
          %parallel_loop3A_279 = arith.constant 32 : index
          %parallel_loop3A_280 = tpu.vector_load %arg15[%parallel_loop3A_278, %parallel_loop3A_279] {strides = array<i32>} : memref<80x128xf32, #tpu.memory_space<vmem>>, vector<1x16xf32>,
          %parallel_loop3A_281 = vector.shape_cast %parallel_loop3A_280 : vector<1x16xf32> to vector<16xf32>
          %parallel_loop3A_282 = arith.index_cast %parallel_loop3A_243 : i32 to index
          %parallel_loop3A_283 = arith.constant 32 : index
          %parallel_loop3A_284 = tpu.vector_load %arg17[%parallel_loop3A_282, %parallel_loop3A_283] {strides = array<i32>} : memref<80x128xf32, #tpu.memory_space<vmem>>, vector<1x16xf32>,
          %parallel_loop3A_285 = vector.shape_cast %parallel_loop3A_284 : vector<1x16xf32> to vector<16xf32>
          %parallel_loop3A_286 = arith.addf %parallel_loop3A_281, %parallel_loop3A_285 : vector<16xf32>
          %parallel_loop3A_287 = arith.constant 0.000000e+00 : f32
          %parallel_loop3A_288 = vector.broadcast %parallel_loop3A_287 : f32 to vector<16xf32>
          %parallel_loop3A_289 = arith.maximumf %parallel_loop3A_286, %parallel_loop3A_288 : vector<16xf32>
          %parallel_loop3A_290 = arith.index_cast %parallel_loop3A_243 : i32 to index
          %parallel_loop3A_291 = arith.constant 32 : index
          %parallel_loop3A_292 = tpu.vector_load %arg17[%parallel_loop3A_290, %parallel_loop3A_291] {strides = array<i32>} : memref<80x128xf32, #tpu.memory_space<vmem>>, vector<1x16xf32>,
          %parallel_loop3A_293 = vector.shape_cast %parallel_loop3A_292 : vector<1x16xf32> to vector<16xf32>
          %parallel_loop3A_294 = vector.shape_cast %parallel_loop3A_289 : vector<16xf32> to vector<1x16xf32>
          tpu.vector_store %arg17[%parallel_loop3A_290, %parallel_loop3A_291], %parallel_loop3A_294 {strides = array<i32>} : memref<80x128xf32, #tpu.memory_space<vmem>>, vector<1x16xf32>,
          %parallel_loop3A_295 = arith.index_cast %parallel_loop3A_243 : i32 to index
          %parallel_loop3A_296 = arith.constant 48 : index
          %parallel_loop3A_297 = tpu.vector_load %arg15[%parallel_loop3A_295, %parallel_loop3A_296] {strides = array<i32>} : memref<80x128xf32, #tpu.memory_space<vmem>>, vector<1x16xf32>,
          %parallel_loop3A_298 = vector.shape_cast %parallel_loop3A_297 : vector<1x16xf32> to vector<16xf32>
          %parallel_loop3A_299 = arith.index_cast %parallel_loop3A_243 : i32 to index
          %parallel_loop3A_300 = arith.constant 48 : index
          %parallel_loop3A_301 = tpu.vector_load %arg17[%parallel_loop3A_299, %parallel_loop3A_300] {strides = array<i32>} : memref<80x128xf32, #tpu.memory_space<vmem>>, vector<1x16xf32>,
          %parallel_loop3A_302 = vector.shape_cast %parallel_loop3A_301 : vector<1x16xf32> to vector<16xf32>
          %parallel_loop3A_303 = arith.addf %parallel_loop3A_298, %parallel_loop3A_302 : vector<16xf32>
          %parallel_loop3A_304 = arith.constant 0.000000e+00 : f32
          %parallel_loop3A_305 = vector.broadcast %parallel_loop3A_304 : f32 to vector<16xf32>
          %parallel_loop3A_306 = arith.maximumf %parallel_loop3A_303, %parallel_loop3A_305 : vector<16xf32>
          %parallel_loop3A_307 = arith.index_cast %parallel_loop3A_243 : i32 to index
          %parallel_loop3A_308 = arith.constant 48 : index
          %parallel_loop3A_309 = tpu.vector_load %arg17[%parallel_loop3A_307, %parallel_loop3A_308] {strides = array<i32>} : memref<80x128xf32, #tpu.memory_space<vmem>>, vector<1x16xf32>,
          %parallel_loop3A_310 = vector.shape_cast %parallel_loop3A_309 : vector<1x16xf32> to vector<16xf32>
          %parallel_loop3A_311 = vector.shape_cast %parallel_loop3A_306 : vector<16xf32> to vector<1x16xf32>
          tpu.vector_store %arg17[%parallel_loop3A_307, %parallel_loop3A_308], %parallel_loop3A_311 {strides = array<i32>} : memref<80x128xf32, #tpu.memory_space<vmem>>, vector<1x16xf32>,
          %parallel_loop3A_312 = arith.index_cast %parallel_loop3A_243 : i32 to index
          %parallel_loop3A_313 = arith.constant 64 : index
          %parallel_loop3A_314 = tpu.vector_load %arg15[%parallel_loop3A_312, %parallel_loop3A_313] {strides = array<i32>} : memref<80x128xf32, #tpu.memory_space<vmem>>, vector<1x16xf32>,
          %parallel_loop3A_315 = vector.shape_cast %parallel_loop3A_314 : vector<1x16xf32> to vector<16xf32>
          %parallel_loop3A_316 = arith.index_cast %parallel_loop3A_243 : i32 to index
          %parallel_loop3A_317 = arith.constant 64 : index
          %parallel_loop3A_318 = tpu.vector_load %arg17[%parallel_loop3A_316, %parallel_loop3A_317] {strides = array<i32>} : memref<80x128xf32, #tpu.memory_space<vmem>>, vector<1x16xf32>,
          %parallel_loop3A_319 = vector.shape_cast %parallel_loop3A_318 : vector<1x16xf32> to vector<16xf32>
          %parallel_loop3A_320 = arith.addf %parallel_loop3A_315, %parallel_loop3A_319 : vector<16xf32>
          %parallel_loop3A_321 = arith.constant 0.000000e+00 : f32
          %parallel_loop3A_322 = vector.broadcast %parallel_loop3A_321 : f32 to vector<16xf32>
          %parallel_loop3A_323 = arith.maximumf %parallel_loop3A_320, %parallel_loop3A_322 : vector<16xf32>
          %parallel_loop3A_324 = arith.index_cast %parallel_loop3A_243 : i32 to index
          %parallel_loop3A_325 = arith.constant 64 : index
          %parallel_loop3A_326 = tpu.vector_load %arg17[%parallel_loop3A_324, %parallel_loop3A_325] {strides = array<i32>} : memref<80x128xf32, #tpu.memory_space<vmem>>, vector<1x16xf32>,
          %parallel_loop3A_327 = vector.shape_cast %parallel_loop3A_326 : vector<1x16xf32> to vector<16xf32>
          %parallel_loop3A_328 = vector.shape_cast %parallel_loop3A_323 : vector<16xf32> to vector<1x16xf32>
          tpu.vector_store %arg17[%parallel_loop3A_324, %parallel_loop3A_325], %parallel_loop3A_328 {strides = array<i32>} : memref<80x128xf32, #tpu.memory_space<vmem>>, vector<1x16xf32>,
          %parallel_loop3A_329 = arith.index_cast %parallel_loop3A_243 : i32 to index
          %parallel_loop3A_330 = arith.constant 80 : index
          %parallel_loop3A_331 = tpu.vector_load %arg15[%parallel_loop3A_329, %parallel_loop3A_330] {strides = array<i32>} : memref<80x128xf32, #tpu.memory_space<vmem>>, vector<1x16xf32>,
          %parallel_loop3A_332 = vector.shape_cast %parallel_loop3A_331 : vector<1x16xf32> to vector<16xf32>
          %parallel_loop3A_333 = arith.index_cast %parallel_loop3A_243 : i32 to index
          %parallel_loop3A_334 = arith.constant 80 : index
          %parallel_loop3A_335 = tpu.vector_load %arg17[%parallel_loop3A_333, %parallel_loop3A_334] {strides = array<i32>} : memref<80x128xf32, #tpu.memory_space<vmem>>, vector<1x16xf32>,
          %parallel_loop3A_336 = vector.shape_cast %parallel_loop3A_335 : vector<1x16xf32> to vector<16xf32>
          %parallel_loop3A_337 = arith.addf %parallel_loop3A_332, %parallel_loop3A_336 : vector<16xf32>
          %parallel_loop3A_338 = arith.constant 0.000000e+00 : f32
          %parallel_loop3A_339 = vector.broadcast %parallel_loop3A_338 : f32 to vector<16xf32>
          %parallel_loop3A_340 = arith.maximumf %parallel_loop3A_337, %parallel_loop3A_339 : vector<16xf32>
          %parallel_loop3A_341 = arith.index_cast %parallel_loop3A_243 : i32 to index
          %parallel_loop3A_342 = arith.constant 80 : index
          %parallel_loop3A_343 = tpu.vector_load %arg17[%parallel_loop3A_341, %parallel_loop3A_342] {strides = array<i32>} : memref<80x128xf32, #tpu.memory_space<vmem>>, vector<1x16xf32>,
          %parallel_loop3A_344 = vector.shape_cast %parallel_loop3A_343 : vector<1x16xf32> to vector<16xf32>
          %parallel_loop3A_345 = vector.shape_cast %parallel_loop3A_340 : vector<16xf32> to vector<1x16xf32>
          tpu.vector_store %arg17[%parallel_loop3A_341, %parallel_loop3A_342], %parallel_loop3A_345 {strides = array<i32>} : memref<80x128xf32, #tpu.memory_space<vmem>>, vector<1x16xf32>,
          %parallel_loop3A_346 = arith.index_cast %parallel_loop3A_243 : i32 to index
          %parallel_loop3A_347 = arith.constant 96 : index
          %parallel_loop3A_348 = tpu.vector_load %arg15[%parallel_loop3A_346, %parallel_loop3A_347] {strides = array<i32>} : memref<80x128xf32, #tpu.memory_space<vmem>>, vector<1x16xf32>,
          %parallel_loop3A_349 = vector.shape_cast %parallel_loop3A_348 : vector<1x16xf32> to vector<16xf32>
          %parallel_loop3A_350 = arith.index_cast %parallel_loop3A_243 : i32 to index
          %parallel_loop3A_351 = arith.constant 96 : index
          %parallel_loop3A_352 = tpu.vector_load %arg17[%parallel_loop3A_350, %parallel_loop3A_351] {strides = array<i32>} : memref<80x128xf32, #tpu.memory_space<vmem>>, vector<1x16xf32>,
          %parallel_loop3A_353 = vector.shape_cast %parallel_loop3A_352 : vector<1x16xf32> to vector<16xf32>
          %parallel_loop3A_354 = arith.addf %parallel_loop3A_349, %parallel_loop3A_353 : vector<16xf32>
          %parallel_loop3A_355 = arith.constant 0.000000e+00 : f32
          %parallel_loop3A_356 = vector.broadcast %parallel_loop3A_355 : f32 to vector<16xf32>
          %parallel_loop3A_357 = arith.maximumf %parallel_loop3A_354, %parallel_loop3A_356 : vector<16xf32>
          %parallel_loop3A_358 = arith.index_cast %parallel_loop3A_243 : i32 to index
          %parallel_loop3A_359 = arith.constant 96 : index
          %parallel_loop3A_360 = tpu.vector_load %arg17[%parallel_loop3A_358, %parallel_loop3A_359] {strides = array<i32>} : memref<80x128xf32, #tpu.memory_space<vmem>>, vector<1x16xf32>,
          %parallel_loop3A_361 = vector.shape_cast %parallel_loop3A_360 : vector<1x16xf32> to vector<16xf32>
          %parallel_loop3A_362 = vector.shape_cast %parallel_loop3A_357 : vector<16xf32> to vector<1x16xf32>
          tpu.vector_store %arg17[%parallel_loop3A_358, %parallel_loop3A_359], %parallel_loop3A_362 {strides = array<i32>} : memref<80x128xf32, #tpu.memory_space<vmem>>, vector<1x16xf32>,
          %parallel_loop3A_363 = arith.index_cast %parallel_loop3A_243 : i32 to index
          %parallel_loop3A_364 = arith.constant 112 : index
          %parallel_loop3A_365 = tpu.vector_load %arg15[%parallel_loop3A_363, %parallel_loop3A_364] {strides = array<i32>} : memref<80x128xf32, #tpu.memory_space<vmem>>, vector<1x16xf32>,
          %parallel_loop3A_366 = vector.shape_cast %parallel_loop3A_365 : vector<1x16xf32> to vector<16xf32>
          %parallel_loop3A_367 = arith.index_cast %parallel_loop3A_243 : i32 to index
          %parallel_loop3A_368 = arith.constant 112 : index
          %parallel_loop3A_369 = tpu.vector_load %arg17[%parallel_loop3A_367, %parallel_loop3A_368] {strides = array<i32>} : memref<80x128xf32, #tpu.memory_space<vmem>>, vector<1x16xf32>,
          %parallel_loop3A_370 = vector.shape_cast %parallel_loop3A_369 : vector<1x16xf32> to vector<16xf32>
          %parallel_loop3A_371 = arith.addf %parallel_loop3A_366, %parallel_loop3A_370 : vector<16xf32>
          %parallel_loop3A_372 = arith.constant 0.000000e+00 : f32
          %parallel_loop3A_373 = vector.broadcast %parallel_loop3A_372 : f32 to vector<16xf32>
          %parallel_loop3A_374 = arith.maximumf %parallel_loop3A_371, %parallel_loop3A_373 : vector<16xf32>
          %parallel_loop3A_375 = arith.index_cast %parallel_loop3A_243 : i32 to index
          %parallel_loop3A_376 = arith.constant 112 : index
          %parallel_loop3A_377 = tpu.vector_load %arg17[%parallel_loop3A_375, %parallel_loop3A_376] {strides = array<i32>} : memref<80x128xf32, #tpu.memory_space<vmem>>, vector<1x16xf32>,
          %parallel_loop3A_378 = vector.shape_cast %parallel_loop3A_377 : vector<1x16xf32> to vector<16xf32>
          %parallel_loop3A_379 = vector.shape_cast %parallel_loop3A_374 : vector<16xf32> to vector<1x16xf32>
          tpu.vector_store %arg17[%parallel_loop3A_375, %parallel_loop3A_376], %parallel_loop3A_379 {strides = array<i32>} : memref<80x128xf32, #tpu.memory_space<vmem>>, vector<1x16xf32>,
        } {sc.loop_unroll_factor = 4 : i64, sc.parallel_access}
        %dma_start3A_240 = arith.constant 0 : i32
        %dma_start3A_241 = arith.constant 0 : i32
        %dma_start3A_242 = tpu.memref_slice %arg19[%dma_start3A_240, %dma_start3A_241] : memref<10000x128xf32, #tpu.memory_space<vmem_shared>> -> memref<10000x128xf32, #tpu.memory_space<vmem_shared>>
        tpu.enqueue_indirect_dma source(%arg17 : memref<80x128xf32, #tpu.memory_space<vmem>>) target(%dma_start3A_242 : memref<10000x128xf32, #tpu.memory_space<vmem_shared>>) offsets(%arg11 : memref<80xi32, #tpu.memory_space<vmem>>) semaphore(%arg26 : memref<!tpu.dma_semaphore, #tpu.memory_space<semaphore_mem>>) {add = true}
      } else {
      }
      %ge3A = arith.constant 1 : i32
      %ge3A_74 = arith.cmpi sge, %add3A_57, %ge3A : i32
      %le3A = arith.constant 125 : i32
      %le3A_75 = arith.cmpi sle, %add3A_57, %le3A : i32
      %and3A = arith.andi %ge3A_74, %le3A_75 : i1
      %convert_element_type3A_76 = arith.extui %and3A : i1 to i32
      %cond3A_77 = arith.constant 0 : i32
      %cond3A_78 = arith.cmpi ne, %convert_element_type3A_76, %cond3A_77 : i32
      scf.if %cond3A_78 {
        %dma_wait3A_228 = arith.constant 0 : i32
        %dma_wait3A_229 = arith.constant 0 : i32
        %dma_wait3A_230 = tpu.memref_slice %arg19[%dma_wait3A_228, %dma_wait3A_229] : memref<10000x128xf32, #tpu.memory_space<vmem_shared>> -> memref<10000x128xf32, #tpu.memory_space<vmem_shared>>
        tpu.wait_indirect_dma semaphore(%arg27 : memref<!tpu.dma_semaphore, #tpu.memory_space<semaphore_mem>>) src(%arg18 : memref<80x128xf32, #tpu.memory_space<vmem>>) dst(%dma_wait3A_230 : memref<10000x128xf32, #tpu.memory_space<vmem_shared>>)
      } else {
      }
      %add3A_79 = arith.constant 1 : i32
      %add3A_80 = arith.addi %add3A_57, %add3A_79 : i32
      %lt3A_81 = arith.constant 125 : i32
      %lt3A_82 = arith.cmpi slt, %add3A_80, %lt3A_81 : i32
      %convert_element_type3A_83 = arith.extui %lt3A_82 : i1 to i32
      %cond3A_84 = arith.constant 0 : i32
      %cond3A_85 = arith.cmpi ne, %convert_element_type3A_83, %cond3A_84 : i32
      scf.if %cond3A_85 {
        %mul3A_228 = arith.constant 80 : i32
        %mul3A_229 = arith.muli %add3A_80, %mul3A_228 : i32
        %add3A_230 = arith.addi %mul3A_14, %mul3A_229 : i32
        %dma_start3A_231 = arith.constant 0 : i32
        %dma_start3A_232 = tpu.memref_slice %arg5[%add3A_230, %dma_start3A_231] : memref<320000x128xf32, #tpu.memory_space<hbm>> -> memref<80x128xf32, #tpu.memory_space<hbm>>
        %dma_start3A_233 = arith.constant 0 : i32
        %dma_start3A_234 = tpu.memref_slice %arg5[%add3A_230, %dma_start3A_233] : memref<320000x128xf32, #tpu.memory_space<hbm>> -> memref<80x128xf32, #tpu.memory_space<hbm>>
        tpu.enqueue_dma source(%dma_start3A_234 : memref<80x128xf32, #tpu.memory_space<hbm>>) target(%arg18 : memref<80x128xf32, #tpu.memory_space<vmem>>) target_semaphore(%arg25 : memref<!tpu.dma_semaphore, #tpu.memory_space<semaphore_mem>>)
      } else {
      }
      %add3A_86 = arith.constant 2 : i32
      %add3A_87 = arith.addi %add3A_57, %add3A_86 : i32
      %lt3A_88 = arith.constant 125 : i32
      %lt3A_89 = arith.cmpi slt, %add3A_87, %lt3A_88 : i32
      %convert_element_type3A_90 = arith.extui %lt3A_89 : i1 to i32
      %cond3A_91 = arith.constant 0 : i32
      %cond3A_92 = arith.cmpi ne, %convert_element_type3A_90, %cond3A_91 : i32
      scf.if %cond3A_92 {
        %mul3A_228 = arith.constant 80 : i32
        %mul3A_229 = arith.muli %add3A_87, %mul3A_228 : i32
        %add3A_230 = arith.addi %mul3A_14, %mul3A_229 : i32
        %dma_start3A_231 = tpu.memref_slice %arg3[%add3A_230] : memref<320000xi32, #tpu.memory_space<hbm>> -> memref<80xi32, #tpu.memory_space<hbm>>
        %dma_start3A_232 = tpu.memref_slice %arg3[%add3A_230] : memref<320000xi32, #tpu.memory_space<hbm>> -> memref<80xi32, #tpu.memory_space<hbm>>
        tpu.enqueue_dma source(%dma_start3A_232 : memref<80xi32, #tpu.memory_space<hbm>>) target(%arg9 : memref<80xi32, #tpu.memory_space<vmem>>) target_semaphore(%arg20 : memref<!tpu.dma_semaphore, #tpu.memory_space<semaphore_mem>>)
        %dma_start3A_233 = tpu.memref_slice %arg4[%add3A_230] : memref<320000xi32, #tpu.memory_space<hbm>> -> memref<80xi32, #tpu.memory_space<hbm>>
        %dma_start3A_234 = tpu.memref_slice %arg4[%add3A_230] : memref<320000xi32, #tpu.memory_space<hbm>> -> memref<80xi32, #tpu.memory_space<hbm>>
        tpu.enqueue_dma source(%dma_start3A_234 : memref<80xi32, #tpu.memory_space<hbm>>) target(%arg13 : memref<80xi32, #tpu.memory_space<vmem>>) target_semaphore(%arg20 : memref<!tpu.dma_semaphore, #tpu.memory_space<semaphore_mem>>)
      } else {
      }
      %mul3A_93 = arith.constant 4 : i32
      %mul3A_94 = arith.muli %mul3A_93, %scan3A_53 : i32
      %add3A_95 = arith.constant 1 : i32
      %add3A_96 = arith.addi %mul3A_94, %add3A_95 : i32
      %add3A_97 = arith.constant 1 : i32
      %add3A_98 = arith.addi %add3A_96, %add3A_97 : i32
      %lt3A_99 = arith.constant 125 : i32
      %lt3A_100 = arith.cmpi slt, %add3A_98, %lt3A_99 : i32
      %convert_element_type3A_101 = arith.extui %lt3A_100 : i1 to i32
      %cond3A_102 = arith.constant 0 : i32
      %cond3A_103 = arith.cmpi ne, %convert_element_type3A_101, %cond3A_102 : i32
      scf.if %cond3A_103 {
        %mul3A_228 = arith.constant 80 : i32
        %mul3A_229 = arith.muli %add3A_98, %mul3A_228 : i32
        %add3A_230 = arith.addi %mul3A_14, %mul3A_229 : i32
        %dma_wait3A_231 = tpu.memref_slice %arg3[%add3A_230] : memref<320000xi32, #tpu.memory_space<hbm>> -> memref<80xi32, #tpu.memory_space<hbm>>
        %dma_wait3A_232 = tpu.memref_slice %arg3[%add3A_230] : memref<320000xi32, #tpu.memory_space<hbm>> -> memref<80xi32, #tpu.memory_space<hbm>>
        tpu.wait_dma2 semaphore(%arg20 : memref<!tpu.dma_semaphore, #tpu.memory_space<semaphore_mem>>) src(%dma_wait3A_232 : memref<80xi32, #tpu.memory_space<hbm>>) dst(%arg9 : memref<80xi32, #tpu.memory_space<vmem>>)
        %dma_wait3A_233 = tpu.memref_slice %arg4[%add3A_230] : memref<320000xi32, #tpu.memory_space<hbm>> -> memref<80xi32, #tpu.memory_space<hbm>>
        %dma_wait3A_234 = tpu.memref_slice %arg4[%add3A_230] : memref<320000xi32, #tpu.memory_space<hbm>> -> memref<80xi32, #tpu.memory_space<hbm>>
        tpu.wait_dma2 semaphore(%arg20 : memref<!tpu.dma_semaphore, #tpu.memory_space<semaphore_mem>>) src(%dma_wait3A_234 : memref<80xi32, #tpu.memory_space<hbm>>) dst(%arg13 : memref<80xi32, #tpu.memory_space<vmem>>)
      } else {
      }
      %add3A_104 = arith.constant 1 : i32
      %add3A_105 = arith.addi %add3A_96, %add3A_104 : i32
      %lt3A_106 = arith.constant 125 : i32
      %lt3A_107 = arith.cmpi slt, %add3A_105, %lt3A_106 : i32
      %convert_element_type3A_108 = arith.extui %lt3A_107 : i1 to i32
      %cond3A_109 = arith.constant 0 : i32
      %cond3A_110 = arith.cmpi ne, %convert_element_type3A_108, %cond3A_109 : i32
      scf.if %cond3A_110 {
        %dma_start3A_228 = arith.constant 0 : i32
        %dma_start3A_229 = arith.constant 0 : i32
        %dma_start3A_230 = tpu.memref_slice %arg2[%dma_start3A_228, %dma_start3A_229] : memref<10000x128xf32, #tpu.memory_space<hbm>> -> memref<10000x128xf32, #tpu.memory_space<hbm>>
        tpu.enqueue_indirect_dma source(%dma_start3A_230 : memref<10000x128xf32, #tpu.memory_space<hbm>>) target(%arg15 : memref<80x128xf32, #tpu.memory_space<vmem>>) offsets(%arg9 : memref<80xi32, #tpu.memory_space<vmem>>) semaphore(%arg22 : memref<!tpu.dma_semaphore, #tpu.memory_space<semaphore_mem>>)
      } else {
      }
      %lt3A_111 = arith.constant 125 : i32
      %lt3A_112 = arith.cmpi slt, %add3A_96, %lt3A_111 : i32
      %convert_element_type3A_113 = arith.extui %lt3A_112 : i1 to i32
      %cond3A_114 = arith.constant 0 : i32
      %cond3A_115 = arith.cmpi ne, %convert_element_type3A_113, %cond3A_114 : i32
      scf.if %cond3A_115 {
        %mul3A_228 = arith.constant 80 : i32
        %mul3A_229 = arith.muli %add3A_96, %mul3A_228 : i32
        %add3A_230 = arith.addi %mul3A_14, %mul3A_229 : i32
        %dma_wait3A_231 = arith.constant 0 : i32
        %dma_wait3A_232 = arith.constant 0 : i32
        %dma_wait3A_233 = tpu.memref_slice %arg2[%dma_wait3A_231, %dma_wait3A_232] : memref<10000x128xf32, #tpu.memory_space<hbm>> -> memref<10000x128xf32, #tpu.memory_space<hbm>>
        tpu.wait_indirect_dma semaphore(%arg23 : memref<!tpu.dma_semaphore, #tpu.memory_space<semaphore_mem>>) src(%dma_wait3A_233 : memref<10000x128xf32, #tpu.memory_space<hbm>>) dst(%arg16 : memref<80x128xf32, #tpu.memory_space<vmem>>)
        %dma_wait3A_234 = arith.constant 0 : i32
        %dma_wait3A_235 = tpu.memref_slice %arg5[%add3A_230, %dma_wait3A_234] : memref<320000x128xf32, #tpu.memory_space<hbm>> -> memref<80x128xf32, #tpu.memory_space<hbm>>
        %dma_wait3A_236 = arith.constant 0 : i32
        %dma_wait3A_237 = tpu.memref_slice %arg5[%add3A_230, %dma_wait3A_236] : memref<320000x128xf32, #tpu.memory_space<hbm>> -> memref<80x128xf32, #tpu.memory_space<hbm>>
        tpu.wait_dma2 semaphore(%arg25 : memref<!tpu.dma_semaphore, #tpu.memory_space<semaphore_mem>>) src(%dma_wait3A_237 : memref<80x128xf32, #tpu.memory_space<hbm>>) dst(%arg18 : memref<80x128xf32, #tpu.memory_space<vmem>>)
        %parallel_loop3A = arith.constant 0 : i32
        %parallel_loop3A_238 = arith.constant 80 : i32
        %parallel_loop3A_239 = arith.constant 1 : i32
        scf.for %parallel_loop3A_243 = %parallel_loop3A to %parallel_loop3A_238 step %parallel_loop3A_239  : i32 {
          %parallel_loop3A_244 = arith.index_cast %parallel_loop3A_243 : i32 to index
          %parallel_loop3A_245 = arith.constant 0 : index
          %parallel_loop3A_246 = tpu.vector_load %arg16[%parallel_loop3A_244, %parallel_loop3A_245] {strides = array<i32>} : memref<80x128xf32, #tpu.memory_space<vmem>>, vector<1x16xf32>,
          %parallel_loop3A_247 = vector.shape_cast %parallel_loop3A_246 : vector<1x16xf32> to vector<16xf32>
          %parallel_loop3A_248 = arith.index_cast %parallel_loop3A_243 : i32 to index
          %parallel_loop3A_249 = arith.constant 0 : index
          %parallel_loop3A_250 = tpu.vector_load %arg18[%parallel_loop3A_248, %parallel_loop3A_249] {strides = array<i32>} : memref<80x128xf32, #tpu.memory_space<vmem>>, vector<1x16xf32>,
          %parallel_loop3A_251 = vector.shape_cast %parallel_loop3A_250 : vector<1x16xf32> to vector<16xf32>
          %parallel_loop3A_252 = arith.addf %parallel_loop3A_247, %parallel_loop3A_251 : vector<16xf32>
          %parallel_loop3A_253 = arith.constant 0.000000e+00 : f32
          %parallel_loop3A_254 = vector.broadcast %parallel_loop3A_253 : f32 to vector<16xf32>
          %parallel_loop3A_255 = arith.maximumf %parallel_loop3A_252, %parallel_loop3A_254 : vector<16xf32>
          %parallel_loop3A_256 = arith.index_cast %parallel_loop3A_243 : i32 to index
          %parallel_loop3A_257 = arith.constant 0 : index
          %parallel_loop3A_258 = tpu.vector_load %arg18[%parallel_loop3A_256, %parallel_loop3A_257] {strides = array<i32>} : memref<80x128xf32, #tpu.memory_space<vmem>>, vector<1x16xf32>,
          %parallel_loop3A_259 = vector.shape_cast %parallel_loop3A_258 : vector<1x16xf32> to vector<16xf32>
          %parallel_loop3A_260 = vector.shape_cast %parallel_loop3A_255 : vector<16xf32> to vector<1x16xf32>
          tpu.vector_store %arg18[%parallel_loop3A_256, %parallel_loop3A_257], %parallel_loop3A_260 {strides = array<i32>} : memref<80x128xf32, #tpu.memory_space<vmem>>, vector<1x16xf32>,
          %parallel_loop3A_261 = arith.index_cast %parallel_loop3A_243 : i32 to index
          %parallel_loop3A_262 = arith.constant 16 : index
          %parallel_loop3A_263 = tpu.vector_load %arg16[%parallel_loop3A_261, %parallel_loop3A_262] {strides = array<i32>} : memref<80x128xf32, #tpu.memory_space<vmem>>, vector<1x16xf32>,
          %parallel_loop3A_264 = vector.shape_cast %parallel_loop3A_263 : vector<1x16xf32> to vector<16xf32>
          %parallel_loop3A_265 = arith.index_cast %parallel_loop3A_243 : i32 to index
          %parallel_loop3A_266 = arith.constant 16 : index
          %parallel_loop3A_267 = tpu.vector_load %arg18[%parallel_loop3A_265, %parallel_loop3A_266] {strides = array<i32>} : memref<80x128xf32, #tpu.memory_space<vmem>>, vector<1x16xf32>,
          %parallel_loop3A_268 = vector.shape_cast %parallel_loop3A_267 : vector<1x16xf32> to vector<16xf32>
          %parallel_loop3A_269 = arith.addf %parallel_loop3A_264, %parallel_loop3A_268 : vector<16xf32>
          %parallel_loop3A_270 = arith.constant 0.000000e+00 : f32
          %parallel_loop3A_271 = vector.broadcast %parallel_loop3A_270 : f32 to vector<16xf32>
          %parallel_loop3A_272 = arith.maximumf %parallel_loop3A_269, %parallel_loop3A_271 : vector<16xf32>
          %parallel_loop3A_273 = arith.index_cast %parallel_loop3A_243 : i32 to index
          %parallel_loop3A_274 = arith.constant 16 : index
          %parallel_loop3A_275 = tpu.vector_load %arg18[%parallel_loop3A_273, %parallel_loop3A_274] {strides = array<i32>} : memref<80x128xf32, #tpu.memory_space<vmem>>, vector<1x16xf32>,
          %parallel_loop3A_276 = vector.shape_cast %parallel_loop3A_275 : vector<1x16xf32> to vector<16xf32>
          %parallel_loop3A_277 = vector.shape_cast %parallel_loop3A_272 : vector<16xf32> to vector<1x16xf32>
          tpu.vector_store %arg18[%parallel_loop3A_273, %parallel_loop3A_274], %parallel_loop3A_277 {strides = array<i32>} : memref<80x128xf32, #tpu.memory_space<vmem>>, vector<1x16xf32>,
          %parallel_loop3A_278 = arith.index_cast %parallel_loop3A_243 : i32 to index
          %parallel_loop3A_279 = arith.constant 32 : index
          %parallel_loop3A_280 = tpu.vector_load %arg16[%parallel_loop3A_278, %parallel_loop3A_279] {strides = array<i32>} : memref<80x128xf32, #tpu.memory_space<vmem>>, vector<1x16xf32>,
          %parallel_loop3A_281 = vector.shape_cast %parallel_loop3A_280 : vector<1x16xf32> to vector<16xf32>
          %parallel_loop3A_282 = arith.index_cast %parallel_loop3A_243 : i32 to index
          %parallel_loop3A_283 = arith.constant 32 : index
          %parallel_loop3A_284 = tpu.vector_load %arg18[%parallel_loop3A_282, %parallel_loop3A_283] {strides = array<i32>} : memref<80x128xf32, #tpu.memory_space<vmem>>, vector<1x16xf32>,
          %parallel_loop3A_285 = vector.shape_cast %parallel_loop3A_284 : vector<1x16xf32> to vector<16xf32>
          %parallel_loop3A_286 = arith.addf %parallel_loop3A_281, %parallel_loop3A_285 : vector<16xf32>
          %parallel_loop3A_287 = arith.constant 0.000000e+00 : f32
          %parallel_loop3A_288 = vector.broadcast %parallel_loop3A_287 : f32 to vector<16xf32>
          %parallel_loop3A_289 = arith.maximumf %parallel_loop3A_286, %parallel_loop3A_288 : vector<16xf32>
          %parallel_loop3A_290 = arith.index_cast %parallel_loop3A_243 : i32 to index
          %parallel_loop3A_291 = arith.constant 32 : index
          %parallel_loop3A_292 = tpu.vector_load %arg18[%parallel_loop3A_290, %parallel_loop3A_291] {strides = array<i32>} : memref<80x128xf32, #tpu.memory_space<vmem>>, vector<1x16xf32>,
          %parallel_loop3A_293 = vector.shape_cast %parallel_loop3A_292 : vector<1x16xf32> to vector<16xf32>
          %parallel_loop3A_294 = vector.shape_cast %parallel_loop3A_289 : vector<16xf32> to vector<1x16xf32>
          tpu.vector_store %arg18[%parallel_loop3A_290, %parallel_loop3A_291], %parallel_loop3A_294 {strides = array<i32>} : memref<80x128xf32, #tpu.memory_space<vmem>>, vector<1x16xf32>,
          %parallel_loop3A_295 = arith.index_cast %parallel_loop3A_243 : i32 to index
          %parallel_loop3A_296 = arith.constant 48 : index
          %parallel_loop3A_297 = tpu.vector_load %arg16[%parallel_loop3A_295, %parallel_loop3A_296] {strides = array<i32>} : memref<80x128xf32, #tpu.memory_space<vmem>>, vector<1x16xf32>,
          %parallel_loop3A_298 = vector.shape_cast %parallel_loop3A_297 : vector<1x16xf32> to vector<16xf32>
          %parallel_loop3A_299 = arith.index_cast %parallel_loop3A_243 : i32 to index
          %parallel_loop3A_300 = arith.constant 48 : index
          %parallel_loop3A_301 = tpu.vector_load %arg18[%parallel_loop3A_299, %parallel_loop3A_300] {strides = array<i32>} : memref<80x128xf32, #tpu.memory_space<vmem>>, vector<1x16xf32>,
          %parallel_loop3A_302 = vector.shape_cast %parallel_loop3A_301 : vector<1x16xf32> to vector<16xf32>
          %parallel_loop3A_303 = arith.addf %parallel_loop3A_298, %parallel_loop3A_302 : vector<16xf32>
          %parallel_loop3A_304 = arith.constant 0.000000e+00 : f32
          %parallel_loop3A_305 = vector.broadcast %parallel_loop3A_304 : f32 to vector<16xf32>
          %parallel_loop3A_306 = arith.maximumf %parallel_loop3A_303, %parallel_loop3A_305 : vector<16xf32>
          %parallel_loop3A_307 = arith.index_cast %parallel_loop3A_243 : i32 to index
          %parallel_loop3A_308 = arith.constant 48 : index
          %parallel_loop3A_309 = tpu.vector_load %arg18[%parallel_loop3A_307, %parallel_loop3A_308] {strides = array<i32>} : memref<80x128xf32, #tpu.memory_space<vmem>>, vector<1x16xf32>,
          %parallel_loop3A_310 = vector.shape_cast %parallel_loop3A_309 : vector<1x16xf32> to vector<16xf32>
          %parallel_loop3A_311 = vector.shape_cast %parallel_loop3A_306 : vector<16xf32> to vector<1x16xf32>
          tpu.vector_store %arg18[%parallel_loop3A_307, %parallel_loop3A_308], %parallel_loop3A_311 {strides = array<i32>} : memref<80x128xf32, #tpu.memory_space<vmem>>, vector<1x16xf32>,
          %parallel_loop3A_312 = arith.index_cast %parallel_loop3A_243 : i32 to index
          %parallel_loop3A_313 = arith.constant 64 : index
          %parallel_loop3A_314 = tpu.vector_load %arg16[%parallel_loop3A_312, %parallel_loop3A_313] {strides = array<i32>} : memref<80x128xf32, #tpu.memory_space<vmem>>, vector<1x16xf32>,
          %parallel_loop3A_315 = vector.shape_cast %parallel_loop3A_314 : vector<1x16xf32> to vector<16xf32>
          %parallel_loop3A_316 = arith.index_cast %parallel_loop3A_243 : i32 to index
          %parallel_loop3A_317 = arith.constant 64 : index
          %parallel_loop3A_318 = tpu.vector_load %arg18[%parallel_loop3A_316, %parallel_loop3A_317] {strides = array<i32>} : memref<80x128xf32, #tpu.memory_space<vmem>>, vector<1x16xf32>,
          %parallel_loop3A_319 = vector.shape_cast %parallel_loop3A_318 : vector<1x16xf32> to vector<16xf32>
          %parallel_loop3A_320 = arith.addf %parallel_loop3A_315, %parallel_loop3A_319 : vector<16xf32>
          %parallel_loop3A_321 = arith.constant 0.000000e+00 : f32
          %parallel_loop3A_322 = vector.broadcast %parallel_loop3A_321 : f32 to vector<16xf32>
          %parallel_loop3A_323 = arith.maximumf %parallel_loop3A_320, %parallel_loop3A_322 : vector<16xf32>
          %parallel_loop3A_324 = arith.index_cast %parallel_loop3A_243 : i32 to index
          %parallel_loop3A_325 = arith.constant 64 : index
          %parallel_loop3A_326 = tpu.vector_load %arg18[%parallel_loop3A_324, %parallel_loop3A_325] {strides = array<i32>} : memref<80x128xf32, #tpu.memory_space<vmem>>, vector<1x16xf32>,
          %parallel_loop3A_327 = vector.shape_cast %parallel_loop3A_326 : vector<1x16xf32> to vector<16xf32>
          %parallel_loop3A_328 = vector.shape_cast %parallel_loop3A_323 : vector<16xf32> to vector<1x16xf32>
          tpu.vector_store %arg18[%parallel_loop3A_324, %parallel_loop3A_325], %parallel_loop3A_328 {strides = array<i32>} : memref<80x128xf32, #tpu.memory_space<vmem>>, vector<1x16xf32>,
          %parallel_loop3A_329 = arith.index_cast %parallel_loop3A_243 : i32 to index
          %parallel_loop3A_330 = arith.constant 80 : index
          %parallel_loop3A_331 = tpu.vector_load %arg16[%parallel_loop3A_329, %parallel_loop3A_330] {strides = array<i32>} : memref<80x128xf32, #tpu.memory_space<vmem>>, vector<1x16xf32>,
          %parallel_loop3A_332 = vector.shape_cast %parallel_loop3A_331 : vector<1x16xf32> to vector<16xf32>
          %parallel_loop3A_333 = arith.index_cast %parallel_loop3A_243 : i32 to index
          %parallel_loop3A_334 = arith.constant 80 : index
          %parallel_loop3A_335 = tpu.vector_load %arg18[%parallel_loop3A_333, %parallel_loop3A_334] {strides = array<i32>} : memref<80x128xf32, #tpu.memory_space<vmem>>, vector<1x16xf32>,
          %parallel_loop3A_336 = vector.shape_cast %parallel_loop3A_335 : vector<1x16xf32> to vector<16xf32>
          %parallel_loop3A_337 = arith.addf %parallel_loop3A_332, %parallel_loop3A_336 : vector<16xf32>
          %parallel_loop3A_338 = arith.constant 0.000000e+00 : f32
          %parallel_loop3A_339 = vector.broadcast %parallel_loop3A_338 : f32 to vector<16xf32>
          %parallel_loop3A_340 = arith.maximumf %parallel_loop3A_337, %parallel_loop3A_339 : vector<16xf32>
          %parallel_loop3A_341 = arith.index_cast %parallel_loop3A_243 : i32 to index
          %parallel_loop3A_342 = arith.constant 80 : index
          %parallel_loop3A_343 = tpu.vector_load %arg18[%parallel_loop3A_341, %parallel_loop3A_342] {strides = array<i32>} : memref<80x128xf32, #tpu.memory_space<vmem>>, vector<1x16xf32>,
          %parallel_loop3A_344 = vector.shape_cast %parallel_loop3A_343 : vector<1x16xf32> to vector<16xf32>
          %parallel_loop3A_345 = vector.shape_cast %parallel_loop3A_340 : vector<16xf32> to vector<1x16xf32>
          tpu.vector_store %arg18[%parallel_loop3A_341, %parallel_loop3A_342], %parallel_loop3A_345 {strides = array<i32>} : memref<80x128xf32, #tpu.memory_space<vmem>>, vector<1x16xf32>,
          %parallel_loop3A_346 = arith.index_cast %parallel_loop3A_243 : i32 to index
          %parallel_loop3A_347 = arith.constant 96 : index
          %parallel_loop3A_348 = tpu.vector_load %arg16[%parallel_loop3A_346, %parallel_loop3A_347] {strides = array<i32>} : memref<80x128xf32, #tpu.memory_space<vmem>>, vector<1x16xf32>,
          %parallel_loop3A_349 = vector.shape_cast %parallel_loop3A_348 : vector<1x16xf32> to vector<16xf32>
          %parallel_loop3A_350 = arith.index_cast %parallel_loop3A_243 : i32 to index
          %parallel_loop3A_351 = arith.constant 96 : index
          %parallel_loop3A_352 = tpu.vector_load %arg18[%parallel_loop3A_350, %parallel_loop3A_351] {strides = array<i32>} : memref<80x128xf32, #tpu.memory_space<vmem>>, vector<1x16xf32>,
          %parallel_loop3A_353 = vector.shape_cast %parallel_loop3A_352 : vector<1x16xf32> to vector<16xf32>
          %parallel_loop3A_354 = arith.addf %parallel_loop3A_349, %parallel_loop3A_353 : vector<16xf32>
          %parallel_loop3A_355 = arith.constant 0.000000e+00 : f32
          %parallel_loop3A_356 = vector.broadcast %parallel_loop3A_355 : f32 to vector<16xf32>
          %parallel_loop3A_357 = arith.maximumf %parallel_loop3A_354, %parallel_loop3A_356 : vector<16xf32>
          %parallel_loop3A_358 = arith.index_cast %parallel_loop3A_243 : i32 to index
          %parallel_loop3A_359 = arith.constant 96 : index
          %parallel_loop3A_360 = tpu.vector_load %arg18[%parallel_loop3A_358, %parallel_loop3A_359] {strides = array<i32>} : memref<80x128xf32, #tpu.memory_space<vmem>>, vector<1x16xf32>,
          %parallel_loop3A_361 = vector.shape_cast %parallel_loop3A_360 : vector<1x16xf32> to vector<16xf32>
          %parallel_loop3A_362 = vector.shape_cast %parallel_loop3A_357 : vector<16xf32> to vector<1x16xf32>
          tpu.vector_store %arg18[%parallel_loop3A_358, %parallel_loop3A_359], %parallel_loop3A_362 {strides = array<i32>} : memref<80x128xf32, #tpu.memory_space<vmem>>, vector<1x16xf32>,
          %parallel_loop3A_363 = arith.index_cast %parallel_loop3A_243 : i32 to index
          %parallel_loop3A_364 = arith.constant 112 : index
          %parallel_loop3A_365 = tpu.vector_load %arg16[%parallel_loop3A_363, %parallel_loop3A_364] {strides = array<i32>} : memref<80x128xf32, #tpu.memory_space<vmem>>, vector<1x16xf32>,
          %parallel_loop3A_366 = vector.shape_cast %parallel_loop3A_365 : vector<1x16xf32> to vector<16xf32>
          %parallel_loop3A_367 = arith.index_cast %parallel_loop3A_243 : i32 to index
          %parallel_loop3A_368 = arith.constant 112 : index
          %parallel_loop3A_369 = tpu.vector_load %arg18[%parallel_loop3A_367, %parallel_loop3A_368] {strides = array<i32>} : memref<80x128xf32, #tpu.memory_space<vmem>>, vector<1x16xf32>,
          %parallel_loop3A_370 = vector.shape_cast %parallel_loop3A_369 : vector<1x16xf32> to vector<16xf32>
          %parallel_loop3A_371 = arith.addf %parallel_loop3A_366, %parallel_loop3A_370 : vector<16xf32>
          %parallel_loop3A_372 = arith.constant 0.000000e+00 : f32
          %parallel_loop3A_373 = vector.broadcast %parallel_loop3A_372 : f32 to vector<16xf32>
          %parallel_loop3A_374 = arith.maximumf %parallel_loop3A_371, %parallel_loop3A_373 : vector<16xf32>
          %parallel_loop3A_375 = arith.index_cast %parallel_loop3A_243 : i32 to index
          %parallel_loop3A_376 = arith.constant 112 : index
          %parallel_loop3A_377 = tpu.vector_load %arg18[%parallel_loop3A_375, %parallel_loop3A_376] {strides = array<i32>} : memref<80x128xf32, #tpu.memory_space<vmem>>, vector<1x16xf32>,
          %parallel_loop3A_378 = vector.shape_cast %parallel_loop3A_377 : vector<1x16xf32> to vector<16xf32>
          %parallel_loop3A_379 = vector.shape_cast %parallel_loop3A_374 : vector<16xf32> to vector<1x16xf32>
          tpu.vector_store %arg18[%parallel_loop3A_375, %parallel_loop3A_376], %parallel_loop3A_379 {strides = array<i32>} : memref<80x128xf32, #tpu.memory_space<vmem>>, vector<1x16xf32>,
        } {sc.loop_unroll_factor = 4 : i64, sc.parallel_access}
        %dma_start3A_240 = arith.constant 0 : i32
        %dma_start3A_241 = arith.constant 0 : i32
        %dma_start3A_242 = tpu.memref_slice %arg19[%dma_start3A_240, %dma_start3A_241] : memref<10000x128xf32, #tpu.memory_space<vmem_shared>> -> memref<10000x128xf32, #tpu.memory_space<vmem_shared>>
        tpu.enqueue_indirect_dma source(%arg18 : memref<80x128xf32, #tpu.memory_space<vmem>>) target(%dma_start3A_242 : memref<10000x128xf32, #tpu.memory_space<vmem_shared>>) offsets(%arg12 : memref<80xi32, #tpu.memory_space<vmem>>) semaphore(%arg27 : memref<!tpu.dma_semaphore, #tpu.memory_space<semaphore_mem>>) {add = true}
      } else {
      }
      %ge3A_116 = arith.constant 1 : i32
      %ge3A_117 = arith.cmpi sge, %add3A_96, %ge3A_116 : i32
      %le3A_118 = arith.constant 125 : i32
      %le3A_119 = arith.cmpi sle, %add3A_96, %le3A_118 : i32
      %and3A_120 = arith.andi %ge3A_117, %le3A_119 : i1
      %convert_element_type3A_121 = arith.extui %and3A_120 : i1 to i32
      %cond3A_122 = arith.constant 0 : i32
      %cond3A_123 = arith.cmpi ne, %convert_element_type3A_121, %cond3A_122 : i32
      scf.if %cond3A_123 {
        %dma_wait3A_228 = arith.constant 0 : i32
        %dma_wait3A_229 = arith.constant 0 : i32
        %dma_wait3A_230 = tpu.memref_slice %arg19[%dma_wait3A_228, %dma_wait3A_229] : memref<10000x128xf32, #tpu.memory_space<vmem_shared>> -> memref<10000x128xf32, #tpu.memory_space<vmem_shared>>
        tpu.wait_indirect_dma semaphore(%arg26 : memref<!tpu.dma_semaphore, #tpu.memory_space<semaphore_mem>>) src(%arg17 : memref<80x128xf32, #tpu.memory_space<vmem>>) dst(%dma_wait3A_230 : memref<10000x128xf32, #tpu.memory_space<vmem_shared>>)
      } else {
      }
      %add3A_124 = arith.constant 1 : i32
      %add3A_125 = arith.addi %add3A_96, %add3A_124 : i32
      %lt3A_126 = arith.constant 125 : i32
      %lt3A_127 = arith.cmpi slt, %add3A_125, %lt3A_126 : i32
      %convert_element_type3A_128 = arith.extui %lt3A_127 : i1 to i32
      %cond3A_129 = arith.constant 0 : i32
      %cond3A_130 = arith.cmpi ne, %convert_element_type3A_128, %cond3A_129 : i32
      scf.if %cond3A_130 {
        %mul3A_228 = arith.constant 80 : i32
        %mul3A_229 = arith.muli %add3A_125, %mul3A_228 : i32
        %add3A_230 = arith.addi %mul3A_14, %mul3A_229 : i32
        %dma_start3A_231 = arith.constant 0 : i32
        %dma_start3A_232 = tpu.memref_slice %arg5[%add3A_230, %dma_start3A_231] : memref<320000x128xf32, #tpu.memory_space<hbm>> -> memref<80x128xf32, #tpu.memory_space<hbm>>
        %dma_start3A_233 = arith.constant 0 : i32
        %dma_start3A_234 = tpu.memref_slice %arg5[%add3A_230, %dma_start3A_233] : memref<320000x128xf32, #tpu.memory_space<hbm>> -> memref<80x128xf32, #tpu.memory_space<hbm>>
        tpu.enqueue_dma source(%dma_start3A_234 : memref<80x128xf32, #tpu.memory_space<hbm>>) target(%arg17 : memref<80x128xf32, #tpu.memory_space<vmem>>) target_semaphore(%arg24 : memref<!tpu.dma_semaphore, #tpu.memory_space<semaphore_mem>>)
      } else {
      }
      %add3A_131 = arith.constant 2 : i32
      %add3A_132 = arith.addi %add3A_96, %add3A_131 : i32
      %lt3A_133 = arith.constant 125 : i32
      %lt3A_134 = arith.cmpi slt, %add3A_132, %lt3A_133 : i32
      %convert_element_type3A_135 = arith.extui %lt3A_134 : i1 to i32
      %cond3A_136 = arith.constant 0 : i32
      %cond3A_137 = arith.cmpi ne, %convert_element_type3A_135, %cond3A_136 : i32
      scf.if %cond3A_137 {
        %mul3A_228 = arith.constant 80 : i32
        %mul3A_229 = arith.muli %add3A_132, %mul3A_228 : i32
        %add3A_230 = arith.addi %mul3A_14, %mul3A_229 : i32
        %dma_start3A_231 = tpu.memref_slice %arg3[%add3A_230] : memref<320000xi32, #tpu.memory_space<hbm>> -> memref<80xi32, #tpu.memory_space<hbm>>
        %dma_start3A_232 = tpu.memref_slice %arg3[%add3A_230] : memref<320000xi32, #tpu.memory_space<hbm>> -> memref<80xi32, #tpu.memory_space<hbm>>
        tpu.enqueue_dma source(%dma_start3A_232 : memref<80xi32, #tpu.memory_space<hbm>>) target(%arg10 : memref<80xi32, #tpu.memory_space<vmem>>) target_semaphore(%arg21 : memref<!tpu.dma_semaphore, #tpu.memory_space<semaphore_mem>>)
        %dma_start3A_233 = tpu.memref_slice %arg4[%add3A_230] : memref<320000xi32, #tpu.memory_space<hbm>> -> memref<80xi32, #tpu.memory_space<hbm>>
        %dma_start3A_234 = tpu.memref_slice %arg4[%add3A_230] : memref<320000xi32, #tpu.memory_space<hbm>> -> memref<80xi32, #tpu.memory_space<hbm>>
        tpu.enqueue_dma source(%dma_start3A_234 : memref<80xi32, #tpu.memory_space<hbm>>) target(%arg14 : memref<80xi32, #tpu.memory_space<vmem>>) target_semaphore(%arg21 : memref<!tpu.dma_semaphore, #tpu.memory_space<semaphore_mem>>)
      } else {
      }
      %mul3A_138 = arith.constant 4 : i32
      %mul3A_139 = arith.muli %mul3A_138, %scan3A_53 : i32
      %add3A_140 = arith.constant 2 : i32
      %add3A_141 = arith.addi %mul3A_139, %add3A_140 : i32
      %add3A_142 = arith.constant 1 : i32
      %add3A_143 = arith.addi %add3A_141, %add3A_142 : i32
      %lt3A_144 = arith.constant 125 : i32
      %lt3A_145 = arith.cmpi slt, %add3A_143, %lt3A_144 : i32
      %convert_element_type3A_146 = arith.extui %lt3A_145 : i1 to i32
      %cond3A_147 = arith.constant 0 : i32
      %cond3A_148 = arith.cmpi ne, %convert_element_type3A_146, %cond3A_147 : i32
      scf.if %cond3A_148 {
        %mul3A_228 = arith.constant 80 : i32
        %mul3A_229 = arith.muli %add3A_143, %mul3A_228 : i32
        %add3A_230 = arith.addi %mul3A_14, %mul3A_229 : i32
        %dma_wait3A_231 = tpu.memref_slice %arg3[%add3A_230] : memref<320000xi32, #tpu.memory_space<hbm>> -> memref<80xi32, #tpu.memory_space<hbm>>
        %dma_wait3A_232 = tpu.memref_slice %arg3[%add3A_230] : memref<320000xi32, #tpu.memory_space<hbm>> -> memref<80xi32, #tpu.memory_space<hbm>>
        tpu.wait_dma2 semaphore(%arg21 : memref<!tpu.dma_semaphore, #tpu.memory_space<semaphore_mem>>) src(%dma_wait3A_232 : memref<80xi32, #tpu.memory_space<hbm>>) dst(%arg10 : memref<80xi32, #tpu.memory_space<vmem>>)
        %dma_wait3A_233 = tpu.memref_slice %arg4[%add3A_230] : memref<320000xi32, #tpu.memory_space<hbm>> -> memref<80xi32, #tpu.memory_space<hbm>>
        %dma_wait3A_234 = tpu.memref_slice %arg4[%add3A_230] : memref<320000xi32, #tpu.memory_space<hbm>> -> memref<80xi32, #tpu.memory_space<hbm>>
        tpu.wait_dma2 semaphore(%arg21 : memref<!tpu.dma_semaphore, #tpu.memory_space<semaphore_mem>>) src(%dma_wait3A_234 : memref<80xi32, #tpu.memory_space<hbm>>) dst(%arg14 : memref<80xi32, #tpu.memory_space<vmem>>)
      } else {
      }
      %add3A_149 = arith.constant 1 : i32
      %add3A_150 = arith.addi %add3A_141, %add3A_149 : i32
      %lt3A_151 = arith.constant 125 : i32
      %lt3A_152 = arith.cmpi slt, %add3A_150, %lt3A_151 : i32
      %convert_element_type3A_153 = arith.extui %lt3A_152 : i1 to i32
      %cond3A_154 = arith.constant 0 : i32
      %cond3A_155 = arith.cmpi ne, %convert_element_type3A_153, %cond3A_154 : i32
      scf.if %cond3A_155 {
        %dma_start3A_228 = arith.constant 0 : i32
        %dma_start3A_229 = arith.constant 0 : i32
        %dma_start3A_230 = tpu.memref_slice %arg2[%dma_start3A_228, %dma_start3A_229] : memref<10000x128xf32, #tpu.memory_space<hbm>> -> memref<10000x128xf32, #tpu.memory_space<hbm>>
        tpu.enqueue_indirect_dma source(%dma_start3A_230 : memref<10000x128xf32, #tpu.memory_space<hbm>>) target(%arg16 : memref<80x128xf32, #tpu.memory_space<vmem>>) offsets(%arg10 : memref<80xi32, #tpu.memory_space<vmem>>) semaphore(%arg23 : memref<!tpu.dma_semaphore, #tpu.memory_space<semaphore_mem>>)
      } else {
      }
      %lt3A_156 = arith.constant 125 : i32
      %lt3A_157 = arith.cmpi slt, %add3A_141, %lt3A_156 : i32
      %convert_element_type3A_158 = arith.extui %lt3A_157 : i1 to i32
      %cond3A_159 = arith.constant 0 : i32
      %cond3A_160 = arith.cmpi ne, %convert_element_type3A_158, %cond3A_159 : i32
      scf.if %cond3A_160 {
        %mul3A_228 = arith.constant 80 : i32
        %mul3A_229 = arith.muli %add3A_141, %mul3A_228 : i32
        %add3A_230 = arith.addi %mul3A_14, %mul3A_229 : i32
        %dma_wait3A_231 = arith.constant 0 : i32
        %dma_wait3A_232 = arith.constant 0 : i32
        %dma_wait3A_233 = tpu.memref_slice %arg2[%dma_wait3A_231, %dma_wait3A_232] : memref<10000x128xf32, #tpu.memory_space<hbm>> -> memref<10000x128xf32, #tpu.memory_space<hbm>>
        tpu.wait_indirect_dma semaphore(%arg22 : memref<!tpu.dma_semaphore, #tpu.memory_space<semaphore_mem>>) src(%dma_wait3A_233 : memref<10000x128xf32, #tpu.memory_space<hbm>>) dst(%arg15 : memref<80x128xf32, #tpu.memory_space<vmem>>)
        %dma_wait3A_234 = arith.constant 0 : i32
        %dma_wait3A_235 = tpu.memref_slice %arg5[%add3A_230, %dma_wait3A_234] : memref<320000x128xf32, #tpu.memory_space<hbm>> -> memref<80x128xf32, #tpu.memory_space<hbm>>
        %dma_wait3A_236 = arith.constant 0 : i32
        %dma_wait3A_237 = tpu.memref_slice %arg5[%add3A_230, %dma_wait3A_236] : memref<320000x128xf32, #tpu.memory_space<hbm>> -> memref<80x128xf32, #tpu.memory_space<hbm>>
        tpu.wait_dma2 semaphore(%arg24 : memref<!tpu.dma_semaphore, #tpu.memory_space<semaphore_mem>>) src(%dma_wait3A_237 : memref<80x128xf32, #tpu.memory_space<hbm>>) dst(%arg17 : memref<80x128xf32, #tpu.memory_space<vmem>>)
        %parallel_loop3A = arith.constant 0 : i32
        %parallel_loop3A_238 = arith.constant 80 : i32
        %parallel_loop3A_239 = arith.constant 1 : i32
        scf.for %parallel_loop3A_243 = %parallel_loop3A to %parallel_loop3A_238 step %parallel_loop3A_239  : i32 {
          %parallel_loop3A_244 = arith.index_cast %parallel_loop3A_243 : i32 to index
          %parallel_loop3A_245 = arith.constant 0 : index
          %parallel_loop3A_246 = tpu.vector_load %arg15[%parallel_loop3A_244, %parallel_loop3A_245] {strides = array<i32>} : memref<80x128xf32, #tpu.memory_space<vmem>>, vector<1x16xf32>,
          %parallel_loop3A_247 = vector.shape_cast %parallel_loop3A_246 : vector<1x16xf32> to vector<16xf32>
          %parallel_loop3A_248 = arith.index_cast %parallel_loop3A_243 : i32 to index
          %parallel_loop3A_249 = arith.constant 0 : index
          %parallel_loop3A_250 = tpu.vector_load %arg17[%parallel_loop3A_248, %parallel_loop3A_249] {strides = array<i32>} : memref<80x128xf32, #tpu.memory_space<vmem>>, vector<1x16xf32>,
          %parallel_loop3A_251 = vector.shape_cast %parallel_loop3A_250 : vector<1x16xf32> to vector<16xf32>
          %parallel_loop3A_252 = arith.addf %parallel_loop3A_247, %parallel_loop3A_251 : vector<16xf32>
          %parallel_loop3A_253 = arith.constant 0.000000e+00 : f32
          %parallel_loop3A_254 = vector.broadcast %parallel_loop3A_253 : f32 to vector<16xf32>
          %parallel_loop3A_255 = arith.maximumf %parallel_loop3A_252, %parallel_loop3A_254 : vector<16xf32>
          %parallel_loop3A_256 = arith.index_cast %parallel_loop3A_243 : i32 to index
          %parallel_loop3A_257 = arith.constant 0 : index
          %parallel_loop3A_258 = tpu.vector_load %arg17[%parallel_loop3A_256, %parallel_loop3A_257] {strides = array<i32>} : memref<80x128xf32, #tpu.memory_space<vmem>>, vector<1x16xf32>,
          %parallel_loop3A_259 = vector.shape_cast %parallel_loop3A_258 : vector<1x16xf32> to vector<16xf32>
          %parallel_loop3A_260 = vector.shape_cast %parallel_loop3A_255 : vector<16xf32> to vector<1x16xf32>
          tpu.vector_store %arg17[%parallel_loop3A_256, %parallel_loop3A_257], %parallel_loop3A_260 {strides = array<i32>} : memref<80x128xf32, #tpu.memory_space<vmem>>, vector<1x16xf32>,
          %parallel_loop3A_261 = arith.index_cast %parallel_loop3A_243 : i32 to index
          %parallel_loop3A_262 = arith.constant 16 : index
          %parallel_loop3A_263 = tpu.vector_load %arg15[%parallel_loop3A_261, %parallel_loop3A_262] {strides = array<i32>} : memref<80x128xf32, #tpu.memory_space<vmem>>, vector<1x16xf32>,
          %parallel_loop3A_264 = vector.shape_cast %parallel_loop3A_263 : vector<1x16xf32> to vector<16xf32>
          %parallel_loop3A_265 = arith.index_cast %parallel_loop3A_243 : i32 to index
          %parallel_loop3A_266 = arith.constant 16 : index
          %parallel_loop3A_267 = tpu.vector_load %arg17[%parallel_loop3A_265, %parallel_loop3A_266] {strides = array<i32>} : memref<80x128xf32, #tpu.memory_space<vmem>>, vector<1x16xf32>,
          %parallel_loop3A_268 = vector.shape_cast %parallel_loop3A_267 : vector<1x16xf32> to vector<16xf32>
          %parallel_loop3A_269 = arith.addf %parallel_loop3A_264, %parallel_loop3A_268 : vector<16xf32>
          %parallel_loop3A_270 = arith.constant 0.000000e+00 : f32
          %parallel_loop3A_271 = vector.broadcast %parallel_loop3A_270 : f32 to vector<16xf32>
          %parallel_loop3A_272 = arith.maximumf %parallel_loop3A_269, %parallel_loop3A_271 : vector<16xf32>
          %parallel_loop3A_273 = arith.index_cast %parallel_loop3A_243 : i32 to index
          %parallel_loop3A_274 = arith.constant 16 : index
          %parallel_loop3A_275 = tpu.vector_load %arg17[%parallel_loop3A_273, %parallel_loop3A_274] {strides = array<i32>} : memref<80x128xf32, #tpu.memory_space<vmem>>, vector<1x16xf32>,
          %parallel_loop3A_276 = vector.shape_cast %parallel_loop3A_275 : vector<1x16xf32> to vector<16xf32>
          %parallel_loop3A_277 = vector.shape_cast %parallel_loop3A_272 : vector<16xf32> to vector<1x16xf32>
          tpu.vector_store %arg17[%parallel_loop3A_273, %parallel_loop3A_274], %parallel_loop3A_277 {strides = array<i32>} : memref<80x128xf32, #tpu.memory_space<vmem>>, vector<1x16xf32>,
          %parallel_loop3A_278 = arith.index_cast %parallel_loop3A_243 : i32 to index
          %parallel_loop3A_279 = arith.constant 32 : index
          %parallel_loop3A_280 = tpu.vector_load %arg15[%parallel_loop3A_278, %parallel_loop3A_279] {strides = array<i32>} : memref<80x128xf32, #tpu.memory_space<vmem>>, vector<1x16xf32>,
          %parallel_loop3A_281 = vector.shape_cast %parallel_loop3A_280 : vector<1x16xf32> to vector<16xf32>
          %parallel_loop3A_282 = arith.index_cast %parallel_loop3A_243 : i32 to index
          %parallel_loop3A_283 = arith.constant 32 : index
          %parallel_loop3A_284 = tpu.vector_load %arg17[%parallel_loop3A_282, %parallel_loop3A_283] {strides = array<i32>} : memref<80x128xf32, #tpu.memory_space<vmem>>, vector<1x16xf32>,
          %parallel_loop3A_285 = vector.shape_cast %parallel_loop3A_284 : vector<1x16xf32> to vector<16xf32>
          %parallel_loop3A_286 = arith.addf %parallel_loop3A_281, %parallel_loop3A_285 : vector<16xf32>
          %parallel_loop3A_287 = arith.constant 0.000000e+00 : f32
          %parallel_loop3A_288 = vector.broadcast %parallel_loop3A_287 : f32 to vector<16xf32>
          %parallel_loop3A_289 = arith.maximumf %parallel_loop3A_286, %parallel_loop3A_288 : vector<16xf32>
          %parallel_loop3A_290 = arith.index_cast %parallel_loop3A_243 : i32 to index
          %parallel_loop3A_291 = arith.constant 32 : index
          %parallel_loop3A_292 = tpu.vector_load %arg17[%parallel_loop3A_290, %parallel_loop3A_291] {strides = array<i32>} : memref<80x128xf32, #tpu.memory_space<vmem>>, vector<1x16xf32>,
          %parallel_loop3A_293 = vector.shape_cast %parallel_loop3A_292 : vector<1x16xf32> to vector<16xf32>
          %parallel_loop3A_294 = vector.shape_cast %parallel_loop3A_289 : vector<16xf32> to vector<1x16xf32>
          tpu.vector_store %arg17[%parallel_loop3A_290, %parallel_loop3A_291], %parallel_loop3A_294 {strides = array<i32>} : memref<80x128xf32, #tpu.memory_space<vmem>>, vector<1x16xf32>,
          %parallel_loop3A_295 = arith.index_cast %parallel_loop3A_243 : i32 to index
          %parallel_loop3A_296 = arith.constant 48 : index
          %parallel_loop3A_297 = tpu.vector_load %arg15[%parallel_loop3A_295, %parallel_loop3A_296] {strides = array<i32>} : memref<80x128xf32, #tpu.memory_space<vmem>>, vector<1x16xf32>,
          %parallel_loop3A_298 = vector.shape_cast %parallel_loop3A_297 : vector<1x16xf32> to vector<16xf32>
          %parallel_loop3A_299 = arith.index_cast %parallel_loop3A_243 : i32 to index
          %parallel_loop3A_300 = arith.constant 48 : index
          %parallel_loop3A_301 = tpu.vector_load %arg17[%parallel_loop3A_299, %parallel_loop3A_300] {strides = array<i32>} : memref<80x128xf32, #tpu.memory_space<vmem>>, vector<1x16xf32>,
          %parallel_loop3A_302 = vector.shape_cast %parallel_loop3A_301 : vector<1x16xf32> to vector<16xf32>
          %parallel_loop3A_303 = arith.addf %parallel_loop3A_298, %parallel_loop3A_302 : vector<16xf32>
          %parallel_loop3A_304 = arith.constant 0.000000e+00 : f32
          %parallel_loop3A_305 = vector.broadcast %parallel_loop3A_304 : f32 to vector<16xf32>
          %parallel_loop3A_306 = arith.maximumf %parallel_loop3A_303, %parallel_loop3A_305 : vector<16xf32>
          %parallel_loop3A_307 = arith.index_cast %parallel_loop3A_243 : i32 to index
          %parallel_loop3A_308 = arith.constant 48 : index
          %parallel_loop3A_309 = tpu.vector_load %arg17[%parallel_loop3A_307, %parallel_loop3A_308] {strides = array<i32>} : memref<80x128xf32, #tpu.memory_space<vmem>>, vector<1x16xf32>,
          %parallel_loop3A_310 = vector.shape_cast %parallel_loop3A_309 : vector<1x16xf32> to vector<16xf32>
          %parallel_loop3A_311 = vector.shape_cast %parallel_loop3A_306 : vector<16xf32> to vector<1x16xf32>
          tpu.vector_store %arg17[%parallel_loop3A_307, %parallel_loop3A_308], %parallel_loop3A_311 {strides = array<i32>} : memref<80x128xf32, #tpu.memory_space<vmem>>, vector<1x16xf32>,
          %parallel_loop3A_312 = arith.index_cast %parallel_loop3A_243 : i32 to index
          %parallel_loop3A_313 = arith.constant 64 : index
          %parallel_loop3A_314 = tpu.vector_load %arg15[%parallel_loop3A_312, %parallel_loop3A_313] {strides = array<i32>} : memref<80x128xf32, #tpu.memory_space<vmem>>, vector<1x16xf32>,
          %parallel_loop3A_315 = vector.shape_cast %parallel_loop3A_314 : vector<1x16xf32> to vector<16xf32>
          %parallel_loop3A_316 = arith.index_cast %parallel_loop3A_243 : i32 to index
          %parallel_loop3A_317 = arith.constant 64 : index
          %parallel_loop3A_318 = tpu.vector_load %arg17[%parallel_loop3A_316, %parallel_loop3A_317] {strides = array<i32>} : memref<80x128xf32, #tpu.memory_space<vmem>>, vector<1x16xf32>,
          %parallel_loop3A_319 = vector.shape_cast %parallel_loop3A_318 : vector<1x16xf32> to vector<16xf32>
          %parallel_loop3A_320 = arith.addf %parallel_loop3A_315, %parallel_loop3A_319 : vector<16xf32>
          %parallel_loop3A_321 = arith.constant 0.000000e+00 : f32
          %parallel_loop3A_322 = vector.broadcast %parallel_loop3A_321 : f32 to vector<16xf32>
          %parallel_loop3A_323 = arith.maximumf %parallel_loop3A_320, %parallel_loop3A_322 : vector<16xf32>
          %parallel_loop3A_324 = arith.index_cast %parallel_loop3A_243 : i32 to index
          %parallel_loop3A_325 = arith.constant 64 : index
          %parallel_loop3A_326 = tpu.vector_load %arg17[%parallel_loop3A_324, %parallel_loop3A_325] {strides = array<i32>} : memref<80x128xf32, #tpu.memory_space<vmem>>, vector<1x16xf32>,
          %parallel_loop3A_327 = vector.shape_cast %parallel_loop3A_326 : vector<1x16xf32> to vector<16xf32>
          %parallel_loop3A_328 = vector.shape_cast %parallel_loop3A_323 : vector<16xf32> to vector<1x16xf32>
          tpu.vector_store %arg17[%parallel_loop3A_324, %parallel_loop3A_325], %parallel_loop3A_328 {strides = array<i32>} : memref<80x128xf32, #tpu.memory_space<vmem>>, vector<1x16xf32>,
          %parallel_loop3A_329 = arith.index_cast %parallel_loop3A_243 : i32 to index
          %parallel_loop3A_330 = arith.constant 80 : index
          %parallel_loop3A_331 = tpu.vector_load %arg15[%parallel_loop3A_329, %parallel_loop3A_330] {strides = array<i32>} : memref<80x128xf32, #tpu.memory_space<vmem>>, vector<1x16xf32>,
          %parallel_loop3A_332 = vector.shape_cast %parallel_loop3A_331 : vector<1x16xf32> to vector<16xf32>
          %parallel_loop3A_333 = arith.index_cast %parallel_loop3A_243 : i32 to index
          %parallel_loop3A_334 = arith.constant 80 : index
          %parallel_loop3A_335 = tpu.vector_load %arg17[%parallel_loop3A_333, %parallel_loop3A_334] {strides = array<i32>} : memref<80x128xf32, #tpu.memory_space<vmem>>, vector<1x16xf32>,
          %parallel_loop3A_336 = vector.shape_cast %parallel_loop3A_335 : vector<1x16xf32> to vector<16xf32>
          %parallel_loop3A_337 = arith.addf %parallel_loop3A_332, %parallel_loop3A_336 : vector<16xf32>
          %parallel_loop3A_338 = arith.constant 0.000000e+00 : f32
          %parallel_loop3A_339 = vector.broadcast %parallel_loop3A_338 : f32 to vector<16xf32>
          %parallel_loop3A_340 = arith.maximumf %parallel_loop3A_337, %parallel_loop3A_339 : vector<16xf32>
          %parallel_loop3A_341 = arith.index_cast %parallel_loop3A_243 : i32 to index
          %parallel_loop3A_342 = arith.constant 80 : index
          %parallel_loop3A_343 = tpu.vector_load %arg17[%parallel_loop3A_341, %parallel_loop3A_342] {strides = array<i32>} : memref<80x128xf32, #tpu.memory_space<vmem>>, vector<1x16xf32>,
          %parallel_loop3A_344 = vector.shape_cast %parallel_loop3A_343 : vector<1x16xf32> to vector<16xf32>
          %parallel_loop3A_345 = vector.shape_cast %parallel_loop3A_340 : vector<16xf32> to vector<1x16xf32>
          tpu.vector_store %arg17[%parallel_loop3A_341, %parallel_loop3A_342], %parallel_loop3A_345 {strides = array<i32>} : memref<80x128xf32, #tpu.memory_space<vmem>>, vector<1x16xf32>,
          %parallel_loop3A_346 = arith.index_cast %parallel_loop3A_243 : i32 to index
          %parallel_loop3A_347 = arith.constant 96 : index
          %parallel_loop3A_348 = tpu.vector_load %arg15[%parallel_loop3A_346, %parallel_loop3A_347] {strides = array<i32>} : memref<80x128xf32, #tpu.memory_space<vmem>>, vector<1x16xf32>,
          %parallel_loop3A_349 = vector.shape_cast %parallel_loop3A_348 : vector<1x16xf32> to vector<16xf32>
          %parallel_loop3A_350 = arith.index_cast %parallel_loop3A_243 : i32 to index
          %parallel_loop3A_351 = arith.constant 96 : index
          %parallel_loop3A_352 = tpu.vector_load %arg17[%parallel_loop3A_350, %parallel_loop3A_351] {strides = array<i32>} : memref<80x128xf32, #tpu.memory_space<vmem>>, vector<1x16xf32>,
          %parallel_loop3A_353 = vector.shape_cast %parallel_loop3A_352 : vector<1x16xf32> to vector<16xf32>
          %parallel_loop3A_354 = arith.addf %parallel_loop3A_349, %parallel_loop3A_353 : vector<16xf32>
          %parallel_loop3A_355 = arith.constant 0.000000e+00 : f32
          %parallel_loop3A_356 = vector.broadcast %parallel_loop3A_355 : f32 to vector<16xf32>
          %parallel_loop3A_357 = arith.maximumf %parallel_loop3A_354, %parallel_loop3A_356 : vector<16xf32>
          %parallel_loop3A_358 = arith.index_cast %parallel_loop3A_243 : i32 to index
          %parallel_loop3A_359 = arith.constant 96 : index
          %parallel_loop3A_360 = tpu.vector_load %arg17[%parallel_loop3A_358, %parallel_loop3A_359] {strides = array<i32>} : memref<80x128xf32, #tpu.memory_space<vmem>>, vector<1x16xf32>,
          %parallel_loop3A_361 = vector.shape_cast %parallel_loop3A_360 : vector<1x16xf32> to vector<16xf32>
          %parallel_loop3A_362 = vector.shape_cast %parallel_loop3A_357 : vector<16xf32> to vector<1x16xf32>
          tpu.vector_store %arg17[%parallel_loop3A_358, %parallel_loop3A_359], %parallel_loop3A_362 {strides = array<i32>} : memref<80x128xf32, #tpu.memory_space<vmem>>, vector<1x16xf32>,
          %parallel_loop3A_363 = arith.index_cast %parallel_loop3A_243 : i32 to index
          %parallel_loop3A_364 = arith.constant 112 : index
          %parallel_loop3A_365 = tpu.vector_load %arg15[%parallel_loop3A_363, %parallel_loop3A_364] {strides = array<i32>} : memref<80x128xf32, #tpu.memory_space<vmem>>, vector<1x16xf32>,
          %parallel_loop3A_366 = vector.shape_cast %parallel_loop3A_365 : vector<1x16xf32> to vector<16xf32>
          %parallel_loop3A_367 = arith.index_cast %parallel_loop3A_243 : i32 to index
          %parallel_loop3A_368 = arith.constant 112 : index
          %parallel_loop3A_369 = tpu.vector_load %arg17[%parallel_loop3A_367, %parallel_loop3A_368] {strides = array<i32>} : memref<80x128xf32, #tpu.memory_space<vmem>>, vector<1x16xf32>,
          %parallel_loop3A_370 = vector.shape_cast %parallel_loop3A_369 : vector<1x16xf32> to vector<16xf32>
          %parallel_loop3A_371 = arith.addf %parallel_loop3A_366, %parallel_loop3A_370 : vector<16xf32>
          %parallel_loop3A_372 = arith.constant 0.000000e+00 : f32
          %parallel_loop3A_373 = vector.broadcast %parallel_loop3A_372 : f32 to vector<16xf32>
          %parallel_loop3A_374 = arith.maximumf %parallel_loop3A_371, %parallel_loop3A_373 : vector<16xf32>
          %parallel_loop3A_375 = arith.index_cast %parallel_loop3A_243 : i32 to index
          %parallel_loop3A_376 = arith.constant 112 : index
          %parallel_loop3A_377 = tpu.vector_load %arg17[%parallel_loop3A_375, %parallel_loop3A_376] {strides = array<i32>} : memref<80x128xf32, #tpu.memory_space<vmem>>, vector<1x16xf32>,
          %parallel_loop3A_378 = vector.shape_cast %parallel_loop3A_377 : vector<1x16xf32> to vector<16xf32>
          %parallel_loop3A_379 = vector.shape_cast %parallel_loop3A_374 : vector<16xf32> to vector<1x16xf32>
          tpu.vector_store %arg17[%parallel_loop3A_375, %parallel_loop3A_376], %parallel_loop3A_379 {strides = array<i32>} : memref<80x128xf32, #tpu.memory_space<vmem>>, vector<1x16xf32>,
        } {sc.loop_unroll_factor = 4 : i64, sc.parallel_access}
        %dma_start3A_240 = arith.constant 0 : i32
        %dma_start3A_241 = arith.constant 0 : i32
        %dma_start3A_242 = tpu.memref_slice %arg19[%dma_start3A_240, %dma_start3A_241] : memref<10000x128xf32, #tpu.memory_space<vmem_shared>> -> memref<10000x128xf32, #tpu.memory_space<vmem_shared>>
        tpu.enqueue_indirect_dma source(%arg17 : memref<80x128xf32, #tpu.memory_space<vmem>>) target(%dma_start3A_242 : memref<10000x128xf32, #tpu.memory_space<vmem_shared>>) offsets(%arg13 : memref<80xi32, #tpu.memory_space<vmem>>) semaphore(%arg26 : memref<!tpu.dma_semaphore, #tpu.memory_space<semaphore_mem>>) {add = true}
      } else {
      }
      %ge3A_161 = arith.constant 1 : i32
      %ge3A_162 = arith.cmpi sge, %add3A_141, %ge3A_161 : i32
      %le3A_163 = arith.constant 125 : i32
      %le3A_164 = arith.cmpi sle, %add3A_141, %le3A_163 : i32
      %and3A_165 = arith.andi %ge3A_162, %le3A_164 : i1
      %convert_element_type3A_166 = arith.extui %and3A_165 : i1 to i32
      %cond3A_167 = arith.constant 0 : i32
      %cond3A_168 = arith.cmpi ne, %convert_element_type3A_166, %cond3A_167 : i32
      scf.if %cond3A_168 {
        %dma_wait3A_228 = arith.constant 0 : i32
        %dma_wait3A_229 = arith.constant 0 : i32
        %dma_wait3A_230 = tpu.memref_slice %arg19[%dma_wait3A_228, %dma_wait3A_229] : memref<10000x128xf32, #tpu.memory_space<vmem_shared>> -> memref<10000x128xf32, #tpu.memory_space<vmem_shared>>
        tpu.wait_indirect_dma semaphore(%arg27 : memref<!tpu.dma_semaphore, #tpu.memory_space<semaphore_mem>>) src(%arg18 : memref<80x128xf32, #tpu.memory_space<vmem>>) dst(%dma_wait3A_230 : memref<10000x128xf32, #tpu.memory_space<vmem_shared>>)
      } else {
      }
      %add3A_169 = arith.constant 1 : i32
      %add3A_170 = arith.addi %add3A_141, %add3A_169 : i32
      %lt3A_171 = arith.constant 125 : i32
      %lt3A_172 = arith.cmpi slt, %add3A_170, %lt3A_171 : i32
      %convert_element_type3A_173 = arith.extui %lt3A_172 : i1 to i32
      %cond3A_174 = arith.constant 0 : i32
      %cond3A_175 = arith.cmpi ne, %convert_element_type3A_173, %cond3A_174 : i32
      scf.if %cond3A_175 {
        %mul3A_228 = arith.constant 80 : i32
        %mul3A_229 = arith.muli %add3A_170, %mul3A_228 : i32
        %add3A_230 = arith.addi %mul3A_14, %mul3A_229 : i32
        %dma_start3A_231 = arith.constant 0 : i32
        %dma_start3A_232 = tpu.memref_slice %arg5[%add3A_230, %dma_start3A_231] : memref<320000x128xf32, #tpu.memory_space<hbm>> -> memref<80x128xf32, #tpu.memory_space<hbm>>
        %dma_start3A_233 = arith.constant 0 : i32
        %dma_start3A_234 = tpu.memref_slice %arg5[%add3A_230, %dma_start3A_233] : memref<320000x128xf32, #tpu.memory_space<hbm>> -> memref<80x128xf32, #tpu.memory_space<hbm>>
        tpu.enqueue_dma source(%dma_start3A_234 : memref<80x128xf32, #tpu.memory_space<hbm>>) target(%arg18 : memref<80x128xf32, #tpu.memory_space<vmem>>) target_semaphore(%arg25 : memref<!tpu.dma_semaphore, #tpu.memory_space<semaphore_mem>>)
      } else {
      }
      %add3A_176 = arith.constant 2 : i32
      %add3A_177 = arith.addi %add3A_141, %add3A_176 : i32
      %lt3A_178 = arith.constant 125 : i32
      %lt3A_179 = arith.cmpi slt, %add3A_177, %lt3A_178 : i32
      %convert_element_type3A_180 = arith.extui %lt3A_179 : i1 to i32
      %cond3A_181 = arith.constant 0 : i32
      %cond3A_182 = arith.cmpi ne, %convert_element_type3A_180, %cond3A_181 : i32
      scf.if %cond3A_182 {
        %mul3A_228 = arith.constant 80 : i32
        %mul3A_229 = arith.muli %add3A_177, %mul3A_228 : i32
        %add3A_230 = arith.addi %mul3A_14, %mul3A_229 : i32
        %dma_start3A_231 = tpu.memref_slice %arg3[%add3A_230] : memref<320000xi32, #tpu.memory_space<hbm>> -> memref<80xi32, #tpu.memory_space<hbm>>
        %dma_start3A_232 = tpu.memref_slice %arg3[%add3A_230] : memref<320000xi32, #tpu.memory_space<hbm>> -> memref<80xi32, #tpu.memory_space<hbm>>
        tpu.enqueue_dma source(%dma_start3A_232 : memref<80xi32, #tpu.memory_space<hbm>>) target(%arg7 : memref<80xi32, #tpu.memory_space<vmem>>) target_semaphore(%arg20 : memref<!tpu.dma_semaphore, #tpu.memory_space<semaphore_mem>>)
        %dma_start3A_233 = tpu.memref_slice %arg4[%add3A_230] : memref<320000xi32, #tpu.memory_space<hbm>> -> memref<80xi32, #tpu.memory_space<hbm>>
        %dma_start3A_234 = tpu.memref_slice %arg4[%add3A_230] : memref<320000xi32, #tpu.memory_space<hbm>> -> memref<80xi32, #tpu.memory_space<hbm>>
        tpu.enqueue_dma source(%dma_start3A_234 : memref<80xi32, #tpu.memory_space<hbm>>) target(%arg11 : memref<80xi32, #tpu.memory_space<vmem>>) target_semaphore(%arg20 : memref<!tpu.dma_semaphore, #tpu.memory_space<semaphore_mem>>)
      } else {
      }
      %mul3A_183 = arith.constant 4 : i32
      %mul3A_184 = arith.muli %mul3A_183, %scan3A_53 : i32
      %add3A_185 = arith.constant 3 : i32
      %add3A_186 = arith.addi %mul3A_184, %add3A_185 : i32
      %add3A_187 = arith.constant 1 : i32
      %add3A_188 = arith.addi %add3A_186, %add3A_187 : i32
      %lt3A_189 = arith.constant 125 : i32
      %lt3A_190 = arith.cmpi slt, %add3A_188, %lt3A_189 : i32
      %convert_element_type3A_191 = arith.extui %lt3A_190 : i1 to i32
      %cond3A_192 = arith.constant 0 : i32
      %cond3A_193 = arith.cmpi ne, %convert_element_type3A_191, %cond3A_192 : i32
      scf.if %cond3A_193 {
        %mul3A_228 = arith.constant 80 : i32
        %mul3A_229 = arith.muli %add3A_188, %mul3A_228 : i32
        %add3A_230 = arith.addi %mul3A_14, %mul3A_229 : i32
        %dma_wait3A_231 = tpu.memref_slice %arg3[%add3A_230] : memref<320000xi32, #tpu.memory_space<hbm>> -> memref<80xi32, #tpu.memory_space<hbm>>
        %dma_wait3A_232 = tpu.memref_slice %arg3[%add3A_230] : memref<320000xi32, #tpu.memory_space<hbm>> -> memref<80xi32, #tpu.memory_space<hbm>>
        tpu.wait_dma2 semaphore(%arg20 : memref<!tpu.dma_semaphore, #tpu.memory_space<semaphore_mem>>) src(%dma_wait3A_232 : memref<80xi32, #tpu.memory_space<hbm>>) dst(%arg7 : memref<80xi32, #tpu.memory_space<vmem>>)
        %dma_wait3A_233 = tpu.memref_slice %arg4[%add3A_230] : memref<320000xi32, #tpu.memory_space<hbm>> -> memref<80xi32, #tpu.memory_space<hbm>>
        %dma_wait3A_234 = tpu.memref_slice %arg4[%add3A_230] : memref<320000xi32, #tpu.memory_space<hbm>> -> memref<80xi32, #tpu.memory_space<hbm>>
        tpu.wait_dma2 semaphore(%arg20 : memref<!tpu.dma_semaphore, #tpu.memory_space<semaphore_mem>>) src(%dma_wait3A_234 : memref<80xi32, #tpu.memory_space<hbm>>) dst(%arg11 : memref<80xi32, #tpu.memory_space<vmem>>)
      } else {
      }
      %add3A_194 = arith.constant 1 : i32
      %add3A_195 = arith.addi %add3A_186, %add3A_194 : i32
      %lt3A_196 = arith.constant 125 : i32
      %lt3A_197 = arith.cmpi slt, %add3A_195, %lt3A_196 : i32
      %convert_element_type3A_198 = arith.extui %lt3A_197 : i1 to i32
      %cond3A_199 = arith.constant 0 : i32
      %cond3A_200 = arith.cmpi ne, %convert_element_type3A_198, %cond3A_199 : i32
      scf.if %cond3A_200 {
        %dma_start3A_228 = arith.constant 0 : i32
        %dma_start3A_229 = arith.constant 0 : i32
        %dma_start3A_230 = tpu.memref_slice %arg2[%dma_start3A_228, %dma_start3A_229] : memref<10000x128xf32, #tpu.memory_space<hbm>> -> memref<10000x128xf32, #tpu.memory_space<hbm>>
        tpu.enqueue_indirect_dma source(%dma_start3A_230 : memref<10000x128xf32, #tpu.memory_space<hbm>>) target(%arg15 : memref<80x128xf32, #tpu.memory_space<vmem>>) offsets(%arg7 : memref<80xi32, #tpu.memory_space<vmem>>) semaphore(%arg22 : memref<!tpu.dma_semaphore, #tpu.memory_space<semaphore_mem>>)
      } else {
      }
      %lt3A_201 = arith.constant 125 : i32
      %lt3A_202 = arith.cmpi slt, %add3A_186, %lt3A_201 : i32
      %convert_element_type3A_203 = arith.extui %lt3A_202 : i1 to i32
      %cond3A_204 = arith.constant 0 : i32
      %cond3A_205 = arith.cmpi ne, %convert_element_type3A_203, %cond3A_204 : i32
      scf.if %cond3A_205 {
        %mul3A_228 = arith.constant 80 : i32
        %mul3A_229 = arith.muli %add3A_186, %mul3A_228 : i32
        %add3A_230 = arith.addi %mul3A_14, %mul3A_229 : i32
        %dma_wait3A_231 = arith.constant 0 : i32
        %dma_wait3A_232 = arith.constant 0 : i32
        %dma_wait3A_233 = tpu.memref_slice %arg2[%dma_wait3A_231, %dma_wait3A_232] : memref<10000x128xf32, #tpu.memory_space<hbm>> -> memref<10000x128xf32, #tpu.memory_space<hbm>>
        tpu.wait_indirect_dma semaphore(%arg23 : memref<!tpu.dma_semaphore, #tpu.memory_space<semaphore_mem>>) src(%dma_wait3A_233 : memref<10000x128xf32, #tpu.memory_space<hbm>>) dst(%arg16 : memref<80x128xf32, #tpu.memory_space<vmem>>)
        %dma_wait3A_234 = arith.constant 0 : i32
        %dma_wait3A_235 = tpu.memref_slice %arg5[%add3A_230, %dma_wait3A_234] : memref<320000x128xf32, #tpu.memory_space<hbm>> -> memref<80x128xf32, #tpu.memory_space<hbm>>
        %dma_wait3A_236 = arith.constant 0 : i32
        %dma_wait3A_237 = tpu.memref_slice %arg5[%add3A_230, %dma_wait3A_236] : memref<320000x128xf32, #tpu.memory_space<hbm>> -> memref<80x128xf32, #tpu.memory_space<hbm>>
        tpu.wait_dma2 semaphore(%arg25 : memref<!tpu.dma_semaphore, #tpu.memory_space<semaphore_mem>>) src(%dma_wait3A_237 : memref<80x128xf32, #tpu.memory_space<hbm>>) dst(%arg18 : memref<80x128xf32, #tpu.memory_space<vmem>>)
        %parallel_loop3A = arith.constant 0 : i32
        %parallel_loop3A_238 = arith.constant 80 : i32
        %parallel_loop3A_239 = arith.constant 1 : i32
        scf.for %parallel_loop3A_243 = %parallel_loop3A to %parallel_loop3A_238 step %parallel_loop3A_239  : i32 {
          %parallel_loop3A_244 = arith.index_cast %parallel_loop3A_243 : i32 to index
          %parallel_loop3A_245 = arith.constant 0 : index
          %parallel_loop3A_246 = tpu.vector_load %arg16[%parallel_loop3A_244, %parallel_loop3A_245] {strides = array<i32>} : memref<80x128xf32, #tpu.memory_space<vmem>>, vector<1x16xf32>,
          %parallel_loop3A_247 = vector.shape_cast %parallel_loop3A_246 : vector<1x16xf32> to vector<16xf32>
          %parallel_loop3A_248 = arith.index_cast %parallel_loop3A_243 : i32 to index
          %parallel_loop3A_249 = arith.constant 0 : index
          %parallel_loop3A_250 = tpu.vector_load %arg18[%parallel_loop3A_248, %parallel_loop3A_249] {strides = array<i32>} : memref<80x128xf32, #tpu.memory_space<vmem>>, vector<1x16xf32>,
          %parallel_loop3A_251 = vector.shape_cast %parallel_loop3A_250 : vector<1x16xf32> to vector<16xf32>
          %parallel_loop3A_252 = arith.addf %parallel_loop3A_247, %parallel_loop3A_251 : vector<16xf32>
          %parallel_loop3A_253 = arith.constant 0.000000e+00 : f32
          %parallel_loop3A_254 = vector.broadcast %parallel_loop3A_253 : f32 to vector<16xf32>
          %parallel_loop3A_255 = arith.maximumf %parallel_loop3A_252, %parallel_loop3A_254 : vector<16xf32>
          %parallel_loop3A_256 = arith.index_cast %parallel_loop3A_243 : i32 to index
          %parallel_loop3A_257 = arith.constant 0 : index
          %parallel_loop3A_258 = tpu.vector_load %arg18[%parallel_loop3A_256, %parallel_loop3A_257] {strides = array<i32>} : memref<80x128xf32, #tpu.memory_space<vmem>>, vector<1x16xf32>,
          %parallel_loop3A_259 = vector.shape_cast %parallel_loop3A_258 : vector<1x16xf32> to vector<16xf32>
          %parallel_loop3A_260 = vector.shape_cast %parallel_loop3A_255 : vector<16xf32> to vector<1x16xf32>
          tpu.vector_store %arg18[%parallel_loop3A_256, %parallel_loop3A_257], %parallel_loop3A_260 {strides = array<i32>} : memref<80x128xf32, #tpu.memory_space<vmem>>, vector<1x16xf32>,
          %parallel_loop3A_261 = arith.index_cast %parallel_loop3A_243 : i32 to index
          %parallel_loop3A_262 = arith.constant 16 : index
          %parallel_loop3A_263 = tpu.vector_load %arg16[%parallel_loop3A_261, %parallel_loop3A_262] {strides = array<i32>} : memref<80x128xf32, #tpu.memory_space<vmem>>, vector<1x16xf32>,
          %parallel_loop3A_264 = vector.shape_cast %parallel_loop3A_263 : vector<1x16xf32> to vector<16xf32>
          %parallel_loop3A_265 = arith.index_cast %parallel_loop3A_243 : i32 to index
          %parallel_loop3A_266 = arith.constant 16 : index
          %parallel_loop3A_267 = tpu.vector_load %arg18[%parallel_loop3A_265, %parallel_loop3A_266] {strides = array<i32>} : memref<80x128xf32, #tpu.memory_space<vmem>>, vector<1x16xf32>,
          %parallel_loop3A_268 = vector.shape_cast %parallel_loop3A_267 : vector<1x16xf32> to vector<16xf32>
          %parallel_loop3A_269 = arith.addf %parallel_loop3A_264, %parallel_loop3A_268 : vector<16xf32>
          %parallel_loop3A_270 = arith.constant 0.000000e+00 : f32
          %parallel_loop3A_271 = vector.broadcast %parallel_loop3A_270 : f32 to vector<16xf32>
          %parallel_loop3A_272 = arith.maximumf %parallel_loop3A_269, %parallel_loop3A_271 : vector<16xf32>
          %parallel_loop3A_273 = arith.index_cast %parallel_loop3A_243 : i32 to index
          %parallel_loop3A_274 = arith.constant 16 : index
          %parallel_loop3A_275 = tpu.vector_load %arg18[%parallel_loop3A_273, %parallel_loop3A_274] {strides = array<i32>} : memref<80x128xf32, #tpu.memory_space<vmem>>, vector<1x16xf32>,
          %parallel_loop3A_276 = vector.shape_cast %parallel_loop3A_275 : vector<1x16xf32> to vector<16xf32>
          %parallel_loop3A_277 = vector.shape_cast %parallel_loop3A_272 : vector<16xf32> to vector<1x16xf32>
          tpu.vector_store %arg18[%parallel_loop3A_273, %parallel_loop3A_274], %parallel_loop3A_277 {strides = array<i32>} : memref<80x128xf32, #tpu.memory_space<vmem>>, vector<1x16xf32>,
          %parallel_loop3A_278 = arith.index_cast %parallel_loop3A_243 : i32 to index
          %parallel_loop3A_279 = arith.constant 32 : index
          %parallel_loop3A_280 = tpu.vector_load %arg16[%parallel_loop3A_278, %parallel_loop3A_279] {strides = array<i32>} : memref<80x128xf32, #tpu.memory_space<vmem>>, vector<1x16xf32>,
          %parallel_loop3A_281 = vector.shape_cast %parallel_loop3A_280 : vector<1x16xf32> to vector<16xf32>
          %parallel_loop3A_282 = arith.index_cast %parallel_loop3A_243 : i32 to index
          %parallel_loop3A_283 = arith.constant 32 : index
          %parallel_loop3A_284 = tpu.vector_load %arg18[%parallel_loop3A_282, %parallel_loop3A_283] {strides = array<i32>} : memref<80x128xf32, #tpu.memory_space<vmem>>, vector<1x16xf32>,
          %parallel_loop3A_285 = vector.shape_cast %parallel_loop3A_284 : vector<1x16xf32> to vector<16xf32>
          %parallel_loop3A_286 = arith.addf %parallel_loop3A_281, %parallel_loop3A_285 : vector<16xf32>
          %parallel_loop3A_287 = arith.constant 0.000000e+00 : f32
          %parallel_loop3A_288 = vector.broadcast %parallel_loop3A_287 : f32 to vector<16xf32>
          %parallel_loop3A_289 = arith.maximumf %parallel_loop3A_286, %parallel_loop3A_288 : vector<16xf32>
          %parallel_loop3A_290 = arith.index_cast %parallel_loop3A_243 : i32 to index
          %parallel_loop3A_291 = arith.constant 32 : index
          %parallel_loop3A_292 = tpu.vector_load %arg18[%parallel_loop3A_290, %parallel_loop3A_291] {strides = array<i32>} : memref<80x128xf32, #tpu.memory_space<vmem>>, vector<1x16xf32>,
          %parallel_loop3A_293 = vector.shape_cast %parallel_loop3A_292 : vector<1x16xf32> to vector<16xf32>
          %parallel_loop3A_294 = vector.shape_cast %parallel_loop3A_289 : vector<16xf32> to vector<1x16xf32>
          tpu.vector_store %arg18[%parallel_loop3A_290, %parallel_loop3A_291], %parallel_loop3A_294 {strides = array<i32>} : memref<80x128xf32, #tpu.memory_space<vmem>>, vector<1x16xf32>,
          %parallel_loop3A_295 = arith.index_cast %parallel_loop3A_243 : i32 to index
          %parallel_loop3A_296 = arith.constant 48 : index
          %parallel_loop3A_297 = tpu.vector_load %arg16[%parallel_loop3A_295, %parallel_loop3A_296] {strides = array<i32>} : memref<80x128xf32, #tpu.memory_space<vmem>>, vector<1x16xf32>,
          %parallel_loop3A_298 = vector.shape_cast %parallel_loop3A_297 : vector<1x16xf32> to vector<16xf32>
          %parallel_loop3A_299 = arith.index_cast %parallel_loop3A_243 : i32 to index
          %parallel_loop3A_300 = arith.constant 48 : index
          %parallel_loop3A_301 = tpu.vector_load %arg18[%parallel_loop3A_299, %parallel_loop3A_300] {strides = array<i32>} : memref<80x128xf32, #tpu.memory_space<vmem>>, vector<1x16xf32>,
          %parallel_loop3A_302 = vector.shape_cast %parallel_loop3A_301 : vector<1x16xf32> to vector<16xf32>
          %parallel_loop3A_303 = arith.addf %parallel_loop3A_298, %parallel_loop3A_302 : vector<16xf32>
          %parallel_loop3A_304 = arith.constant 0.000000e+00 : f32
          %parallel_loop3A_305 = vector.broadcast %parallel_loop3A_304 : f32 to vector<16xf32>
          %parallel_loop3A_306 = arith.maximumf %parallel_loop3A_303, %parallel_loop3A_305 : vector<16xf32>
          %parallel_loop3A_307 = arith.index_cast %parallel_loop3A_243 : i32 to index
          %parallel_loop3A_308 = arith.constant 48 : index
          %parallel_loop3A_309 = tpu.vector_load %arg18[%parallel_loop3A_307, %parallel_loop3A_308] {strides = array<i32>} : memref<80x128xf32, #tpu.memory_space<vmem>>, vector<1x16xf32>,
          %parallel_loop3A_310 = vector.shape_cast %parallel_loop3A_309 : vector<1x16xf32> to vector<16xf32>
          %parallel_loop3A_311 = vector.shape_cast %parallel_loop3A_306 : vector<16xf32> to vector<1x16xf32>
          tpu.vector_store %arg18[%parallel_loop3A_307, %parallel_loop3A_308], %parallel_loop3A_311 {strides = array<i32>} : memref<80x128xf32, #tpu.memory_space<vmem>>, vector<1x16xf32>,
          %parallel_loop3A_312 = arith.index_cast %parallel_loop3A_243 : i32 to index
          %parallel_loop3A_313 = arith.constant 64 : index
          %parallel_loop3A_314 = tpu.vector_load %arg16[%parallel_loop3A_312, %parallel_loop3A_313] {strides = array<i32>} : memref<80x128xf32, #tpu.memory_space<vmem>>, vector<1x16xf32>,
          %parallel_loop3A_315 = vector.shape_cast %parallel_loop3A_314 : vector<1x16xf32> to vector<16xf32>
          %parallel_loop3A_316 = arith.index_cast %parallel_loop3A_243 : i32 to index
          %parallel_loop3A_317 = arith.constant 64 : index
          %parallel_loop3A_318 = tpu.vector_load %arg18[%parallel_loop3A_316, %parallel_loop3A_317] {strides = array<i32>} : memref<80x128xf32, #tpu.memory_space<vmem>>, vector<1x16xf32>,
          %parallel_loop3A_319 = vector.shape_cast %parallel_loop3A_318 : vector<1x16xf32> to vector<16xf32>
          %parallel_loop3A_320 = arith.addf %parallel_loop3A_315, %parallel_loop3A_319 : vector<16xf32>
          %parallel_loop3A_321 = arith.constant 0.000000e+00 : f32
          %parallel_loop3A_322 = vector.broadcast %parallel_loop3A_321 : f32 to vector<16xf32>
          %parallel_loop3A_323 = arith.maximumf %parallel_loop3A_320, %parallel_loop3A_322 : vector<16xf32>
          %parallel_loop3A_324 = arith.index_cast %parallel_loop3A_243 : i32 to index
          %parallel_loop3A_325 = arith.constant 64 : index
          %parallel_loop3A_326 = tpu.vector_load %arg18[%parallel_loop3A_324, %parallel_loop3A_325] {strides = array<i32>} : memref<80x128xf32, #tpu.memory_space<vmem>>, vector<1x16xf32>,
          %parallel_loop3A_327 = vector.shape_cast %parallel_loop3A_326 : vector<1x16xf32> to vector<16xf32>
          %parallel_loop3A_328 = vector.shape_cast %parallel_loop3A_323 : vector<16xf32> to vector<1x16xf32>
          tpu.vector_store %arg18[%parallel_loop3A_324, %parallel_loop3A_325], %parallel_loop3A_328 {strides = array<i32>} : memref<80x128xf32, #tpu.memory_space<vmem>>, vector<1x16xf32>,
          %parallel_loop3A_329 = arith.index_cast %parallel_loop3A_243 : i32 to index
          %parallel_loop3A_330 = arith.constant 80 : index
          %parallel_loop3A_331 = tpu.vector_load %arg16[%parallel_loop3A_329, %parallel_loop3A_330] {strides = array<i32>} : memref<80x128xf32, #tpu.memory_space<vmem>>, vector<1x16xf32>,
          %parallel_loop3A_332 = vector.shape_cast %parallel_loop3A_331 : vector<1x16xf32> to vector<16xf32>
          %parallel_loop3A_333 = arith.index_cast %parallel_loop3A_243 : i32 to index
          %parallel_loop3A_334 = arith.constant 80 : index
          %parallel_loop3A_335 = tpu.vector_load %arg18[%parallel_loop3A_333, %parallel_loop3A_334] {strides = array<i32>} : memref<80x128xf32, #tpu.memory_space<vmem>>, vector<1x16xf32>,
          %parallel_loop3A_336 = vector.shape_cast %parallel_loop3A_335 : vector<1x16xf32> to vector<16xf32>
          %parallel_loop3A_337 = arith.addf %parallel_loop3A_332, %parallel_loop3A_336 : vector<16xf32>
          %parallel_loop3A_338 = arith.constant 0.000000e+00 : f32
          %parallel_loop3A_339 = vector.broadcast %parallel_loop3A_338 : f32 to vector<16xf32>
          %parallel_loop3A_340 = arith.maximumf %parallel_loop3A_337, %parallel_loop3A_339 : vector<16xf32>
          %parallel_loop3A_341 = arith.index_cast %parallel_loop3A_243 : i32 to index
          %parallel_loop3A_342 = arith.constant 80 : index
          %parallel_loop3A_343 = tpu.vector_load %arg18[%parallel_loop3A_341, %parallel_loop3A_342] {strides = array<i32>} : memref<80x128xf32, #tpu.memory_space<vmem>>, vector<1x16xf32>,
          %parallel_loop3A_344 = vector.shape_cast %parallel_loop3A_343 : vector<1x16xf32> to vector<16xf32>
          %parallel_loop3A_345 = vector.shape_cast %parallel_loop3A_340 : vector<16xf32> to vector<1x16xf32>
          tpu.vector_store %arg18[%parallel_loop3A_341, %parallel_loop3A_342], %parallel_loop3A_345 {strides = array<i32>} : memref<80x128xf32, #tpu.memory_space<vmem>>, vector<1x16xf32>,
          %parallel_loop3A_346 = arith.index_cast %parallel_loop3A_243 : i32 to index
          %parallel_loop3A_347 = arith.constant 96 : index
          %parallel_loop3A_348 = tpu.vector_load %arg16[%parallel_loop3A_346, %parallel_loop3A_347] {strides = array<i32>} : memref<80x128xf32, #tpu.memory_space<vmem>>, vector<1x16xf32>,
          %parallel_loop3A_349 = vector.shape_cast %parallel_loop3A_348 : vector<1x16xf32> to vector<16xf32>
          %parallel_loop3A_350 = arith.index_cast %parallel_loop3A_243 : i32 to index
          %parallel_loop3A_351 = arith.constant 96 : index
          %parallel_loop3A_352 = tpu.vector_load %arg18[%parallel_loop3A_350, %parallel_loop3A_351] {strides = array<i32>} : memref<80x128xf32, #tpu.memory_space<vmem>>, vector<1x16xf32>,
          %parallel_loop3A_353 = vector.shape_cast %parallel_loop3A_352 : vector<1x16xf32> to vector<16xf32>
          %parallel_loop3A_354 = arith.addf %parallel_loop3A_349, %parallel_loop3A_353 : vector<16xf32>
          %parallel_loop3A_355 = arith.constant 0.000000e+00 : f32
          %parallel_loop3A_356 = vector.broadcast %parallel_loop3A_355 : f32 to vector<16xf32>
          %parallel_loop3A_357 = arith.maximumf %parallel_loop3A_354, %parallel_loop3A_356 : vector<16xf32>
          %parallel_loop3A_358 = arith.index_cast %parallel_loop3A_243 : i32 to index
          %parallel_loop3A_359 = arith.constant 96 : index
          %parallel_loop3A_360 = tpu.vector_load %arg18[%parallel_loop3A_358, %parallel_loop3A_359] {strides = array<i32>} : memref<80x128xf32, #tpu.memory_space<vmem>>, vector<1x16xf32>,
          %parallel_loop3A_361 = vector.shape_cast %parallel_loop3A_360 : vector<1x16xf32> to vector<16xf32>
          %parallel_loop3A_362 = vector.shape_cast %parallel_loop3A_357 : vector<16xf32> to vector<1x16xf32>
          tpu.vector_store %arg18[%parallel_loop3A_358, %parallel_loop3A_359], %parallel_loop3A_362 {strides = array<i32>} : memref<80x128xf32, #tpu.memory_space<vmem>>, vector<1x16xf32>,
          %parallel_loop3A_363 = arith.index_cast %parallel_loop3A_243 : i32 to index
          %parallel_loop3A_364 = arith.constant 112 : index
          %parallel_loop3A_365 = tpu.vector_load %arg16[%parallel_loop3A_363, %parallel_loop3A_364] {strides = array<i32>} : memref<80x128xf32, #tpu.memory_space<vmem>>, vector<1x16xf32>,
          %parallel_loop3A_366 = vector.shape_cast %parallel_loop3A_365 : vector<1x16xf32> to vector<16xf32>
          %parallel_loop3A_367 = arith.index_cast %parallel_loop3A_243 : i32 to index
          %parallel_loop3A_368 = arith.constant 112 : index
          %parallel_loop3A_369 = tpu.vector_load %arg18[%parallel_loop3A_367, %parallel_loop3A_368] {strides = array<i32>} : memref<80x128xf32, #tpu.memory_space<vmem>>, vector<1x16xf32>,
          %parallel_loop3A_370 = vector.shape_cast %parallel_loop3A_369 : vector<1x16xf32> to vector<16xf32>
          %parallel_loop3A_371 = arith.addf %parallel_loop3A_366, %parallel_loop3A_370 : vector<16xf32>
          %parallel_loop3A_372 = arith.constant 0.000000e+00 : f32
          %parallel_loop3A_373 = vector.broadcast %parallel_loop3A_372 : f32 to vector<16xf32>
          %parallel_loop3A_374 = arith.maximumf %parallel_loop3A_371, %parallel_loop3A_373 : vector<16xf32>
          %parallel_loop3A_375 = arith.index_cast %parallel_loop3A_243 : i32 to index
          %parallel_loop3A_376 = arith.constant 112 : index
          %parallel_loop3A_377 = tpu.vector_load %arg18[%parallel_loop3A_375, %parallel_loop3A_376] {strides = array<i32>} : memref<80x128xf32, #tpu.memory_space<vmem>>, vector<1x16xf32>,
          %parallel_loop3A_378 = vector.shape_cast %parallel_loop3A_377 : vector<1x16xf32> to vector<16xf32>
          %parallel_loop3A_379 = vector.shape_cast %parallel_loop3A_374 : vector<16xf32> to vector<1x16xf32>
          tpu.vector_store %arg18[%parallel_loop3A_375, %parallel_loop3A_376], %parallel_loop3A_379 {strides = array<i32>} : memref<80x128xf32, #tpu.memory_space<vmem>>, vector<1x16xf32>,
        } {sc.loop_unroll_factor = 4 : i64, sc.parallel_access}
        %dma_start3A_240 = arith.constant 0 : i32
        %dma_start3A_241 = arith.constant 0 : i32
        %dma_start3A_242 = tpu.memref_slice %arg19[%dma_start3A_240, %dma_start3A_241] : memref<10000x128xf32, #tpu.memory_space<vmem_shared>> -> memref<10000x128xf32, #tpu.memory_space<vmem_shared>>
        tpu.enqueue_indirect_dma source(%arg18 : memref<80x128xf32, #tpu.memory_space<vmem>>) target(%dma_start3A_242 : memref<10000x128xf32, #tpu.memory_space<vmem_shared>>) offsets(%arg14 : memref<80xi32, #tpu.memory_space<vmem>>) semaphore(%arg27 : memref<!tpu.dma_semaphore, #tpu.memory_space<semaphore_mem>>) {add = true}
      } else {
      }
      %ge3A_206 = arith.constant 1 : i32
      %ge3A_207 = arith.cmpi sge, %add3A_186, %ge3A_206 : i32
      %le3A_208 = arith.constant 125 : i32
      %le3A_209 = arith.cmpi sle, %add3A_186, %le3A_208 : i32
      %and3A_210 = arith.andi %ge3A_207, %le3A_209 : i1
      %convert_element_type3A_211 = arith.extui %and3A_210 : i1 to i32
      %cond3A_212 = arith.constant 0 : i32
      %cond3A_213 = arith.cmpi ne, %convert_element_type3A_211, %cond3A_212 : i32
      scf.if %cond3A_213 {
        %dma_wait3A_228 = arith.constant 0 : i32
        %dma_wait3A_229 = arith.constant 0 : i32
        %dma_wait3A_230 = tpu.memref_slice %arg19[%dma_wait3A_228, %dma_wait3A_229] : memref<10000x128xf32, #tpu.memory_space<vmem_shared>> -> memref<10000x128xf32, #tpu.memory_space<vmem_shared>>
        tpu.wait_indirect_dma semaphore(%arg26 : memref<!tpu.dma_semaphore, #tpu.memory_space<semaphore_mem>>) src(%arg17 : memref<80x128xf32, #tpu.memory_space<vmem>>) dst(%dma_wait3A_230 : memref<10000x128xf32, #tpu.memory_space<vmem_shared>>)
      } else {
      }
      %add3A_214 = arith.constant 1 : i32
      %add3A_215 = arith.addi %add3A_186, %add3A_214 : i32
      %lt3A_216 = arith.constant 125 : i32
      %lt3A_217 = arith.cmpi slt, %add3A_215, %lt3A_216 : i32
      %convert_element_type3A_218 = arith.extui %lt3A_217 : i1 to i32
      %cond3A_219 = arith.constant 0 : i32
      %cond3A_220 = arith.cmpi ne, %convert_element_type3A_218, %cond3A_219 : i32
      scf.if %cond3A_220 {
        %mul3A_228 = arith.constant 80 : i32
        %mul3A_229 = arith.muli %add3A_215, %mul3A_228 : i32
        %add3A_230 = arith.addi %mul3A_14, %mul3A_229 : i32
        %dma_start3A_231 = arith.constant 0 : i32
        %dma_start3A_232 = tpu.memref_slice %arg5[%add3A_230, %dma_start3A_231] : memref<320000x128xf32, #tpu.memory_space<hbm>> -> memref<80x128xf32, #tpu.memory_space<hbm>>
        %dma_start3A_233 = arith.constant 0 : i32
        %dma_start3A_234 = tpu.memref_slice %arg5[%add3A_230, %dma_start3A_233] : memref<320000x128xf32, #tpu.memory_space<hbm>> -> memref<80x128xf32, #tpu.memory_space<hbm>>
        tpu.enqueue_dma source(%dma_start3A_234 : memref<80x128xf32, #tpu.memory_space<hbm>>) target(%arg17 : memref<80x128xf32, #tpu.memory_space<vmem>>) target_semaphore(%arg24 : memref<!tpu.dma_semaphore, #tpu.memory_space<semaphore_mem>>)
      } else {
      }
      %add3A_221 = arith.constant 2 : i32
      %add3A_222 = arith.addi %add3A_186, %add3A_221 : i32
      %lt3A_223 = arith.constant 125 : i32
      %lt3A_224 = arith.cmpi slt, %add3A_222, %lt3A_223 : i32
      %convert_element_type3A_225 = arith.extui %lt3A_224 : i1 to i32
      %cond3A_226 = arith.constant 0 : i32
      %cond3A_227 = arith.cmpi ne, %convert_element_type3A_225, %cond3A_226 : i32
      scf.if %cond3A_227 {
        %mul3A_228 = arith.constant 80 : i32
        %mul3A_229 = arith.muli %add3A_222, %mul3A_228 : i32
        %add3A_230 = arith.addi %mul3A_14, %mul3A_229 : i32
        %dma_start3A_231 = tpu.memref_slice %arg3[%add3A_230] : memref<320000xi32, #tpu.memory_space<hbm>> -> memref<80xi32, #tpu.memory_space<hbm>>
        %dma_start3A_232 = tpu.memref_slice %arg3[%add3A_230] : memref<320000xi32, #tpu.memory_space<hbm>> -> memref<80xi32, #tpu.memory_space<hbm>>
        tpu.enqueue_dma source(%dma_start3A_232 : memref<80xi32, #tpu.memory_space<hbm>>) target(%arg8 : memref<80xi32, #tpu.memory_space<vmem>>) target_semaphore(%arg21 : memref<!tpu.dma_semaphore, #tpu.memory_space<semaphore_mem>>)
        %dma_start3A_233 = tpu.memref_slice %arg4[%add3A_230] : memref<320000xi32, #tpu.memory_space<hbm>> -> memref<80xi32, #tpu.memory_space<hbm>>
        %dma_start3A_234 = tpu.memref_slice %arg4[%add3A_230] : memref<320000xi32, #tpu.memory_space<hbm>> -> memref<80xi32, #tpu.memory_space<hbm>>
        tpu.enqueue_dma source(%dma_start3A_234 : memref<80xi32, #tpu.memory_space<hbm>>) target(%arg12 : memref<80xi32, #tpu.memory_space<vmem>>) target_semaphore(%arg21 : memref<!tpu.dma_semaphore, #tpu.memory_space<semaphore_mem>>)
      } else {
      }
    }
    %scan3A_45 = arith.constant 33 : i32
    %barrier3A_46 = arith.constant 0 : index
    tpu.barrier barrier_id(%barrier3A_46)
    %scan3A_47 = arith.constant 0 : i32
    %scan3A_48 = arith.constant 0 : i32
    %scan3A_49 = arith.constant 8 : i32
    %scan3A_50 = arith.addi %scan3A_48, %scan3A_49 : i32
    %scan3A_51 = arith.constant 1 : i32
    scf.for %scan3A_53 = %scan3A_48 to %scan3A_50 step %scan3A_51  : i32 {
      %mul3A_54 = arith.constant 16 : i32
      %mul3A_55 = arith.muli %scan3A_53, %mul3A_54 : i32
      %add3A_56 = arith.addi %mul3A_55, %arg1 : i32
      %lt3A = arith.constant 125 : i32
      %lt3A_57 = arith.cmpi slt, %add3A_56, %lt3A : i32
      %convert_element_type3A = arith.extui %lt3A_57 : i1 to i32
      %cond3A = arith.constant 0 : i32
      %cond3A_58 = arith.cmpi ne, %convert_element_type3A, %cond3A : i32
      scf.if %cond3A_58 {
        %mul3A_59 = arith.constant 80 : i32
        %mul3A_60 = arith.muli %add3A_56, %mul3A_59 : i32
        "tpu.region"() ({
          %run_scoped3A = tpu.sem_alloc : memref<!tpu.dma_semaphore, #tpu.memory_space<semaphore_mem>>
          %dma_start3A_61 = arith.constant 0 : i32
          %dma_start3A_62 = tpu.memref_slice %arg19[%mul3A_60, %dma_start3A_61] : memref<10000x128xf32, #tpu.memory_space<vmem_shared>> -> memref<80x128xf32, #tpu.memory_space<vmem_shared>>
          %dma_start3A_63 = arith.constant 0 : i32
          %dma_start3A_64 = tpu.memref_slice %arg19[%mul3A_60, %dma_start3A_63] : memref<10000x128xf32, #tpu.memory_space<vmem_shared>> -> memref<80x128xf32, #tpu.memory_space<vmem_shared>>
          tpu.enqueue_dma source(%dma_start3A_64 : memref<80x128xf32, #tpu.memory_space<vmem_shared>>) target(%arg15 : memref<80x128xf32, #tpu.memory_space<vmem>>) target_semaphore(%run_scoped3A : memref<!tpu.dma_semaphore, #tpu.memory_space<semaphore_mem>>)
          %dma_wait3A_65 = arith.constant 0 : i32
          %dma_wait3A_66 = tpu.memref_slice %arg19[%mul3A_60, %dma_wait3A_65] : memref<10000x128xf32, #tpu.memory_space<vmem_shared>> -> memref<80x128xf32, #tpu.memory_space<vmem_shared>>
          %dma_wait3A_67 = arith.constant 0 : i32
          %dma_wait3A_68 = tpu.memref_slice %arg19[%mul3A_60, %dma_wait3A_67] : memref<10000x128xf32, #tpu.memory_space<vmem_shared>> -> memref<80x128xf32, #tpu.memory_space<vmem_shared>>
          tpu.wait_dma2 semaphore(%run_scoped3A : memref<!tpu.dma_semaphore, #tpu.memory_space<semaphore_mem>>) src(%dma_wait3A_68 : memref<80x128xf32, #tpu.memory_space<vmem_shared>>) dst(%arg15 : memref<80x128xf32, #tpu.memory_space<vmem>>)
          tpu.yield
        }) : () -> ()
        "tpu.region"() ({
          %run_scoped3A = tpu.sem_alloc : memref<!tpu.dma_semaphore, #tpu.memory_space<semaphore_mem>>
          %dma_start3A_61 = arith.constant 0 : i32
          %dma_start3A_62 = tpu.memref_slice %arg6[%arg0, %mul3A_60, %dma_start3A_61] : memref<2x10000x128xf32, #tpu.memory_space<hbm>> -> memref<1x80x128xf32, #tpu.memory_space<hbm>>
          %dma_start3A_63 = tpu.memref_squeeze %dma_start3A_62 : memref<1x80x128xf32, #tpu.memory_space<hbm>> -> memref<80x128xf32, #tpu.memory_space<hbm>>
          %dma_start3A_64 = arith.constant 0 : i32
          %dma_start3A_65 = tpu.memref_slice %arg6[%arg0, %mul3A_60, %dma_start3A_64] : memref<2x10000x128xf32, #tpu.memory_space<hbm>> -> memref<1x80x128xf32, #tpu.memory_space<hbm>>
          %dma_start3A_66 = tpu.memref_squeeze %dma_start3A_65 : memref<1x80x128xf32, #tpu.memory_space<hbm>> -> memref<80x128xf32, #tpu.memory_space<hbm>>
          tpu.enqueue_dma source(%arg15 : memref<80x128xf32, #tpu.memory_space<vmem>>) target(%dma_start3A_66 : memref<80x128xf32, #tpu.memory_space<hbm>>) target_semaphore(%run_scoped3A : memref<!tpu.dma_semaphore, #tpu.memory_space<semaphore_mem>>)
          %dma_wait3A_67 = arith.constant 0 : i32
          %dma_wait3A_68 = tpu.memref_slice %arg6[%arg0, %mul3A_60, %dma_wait3A_67] : memref<2x10000x128xf32, #tpu.memory_space<hbm>> -> memref<1x80x128xf32, #tpu.memory_space<hbm>>
          %dma_wait3A_69 = tpu.memref_squeeze %dma_wait3A_68 : memref<1x80x128xf32, #tpu.memory_space<hbm>> -> memref<80x128xf32, #tpu.memory_space<hbm>>
          %dma_wait3A_70 = arith.constant 0 : i32
          %dma_wait3A_71 = tpu.memref_slice %arg6[%arg0, %mul3A_60, %dma_wait3A_70] : memref<2x10000x128xf32, #tpu.memory_space<hbm>> -> memref<1x80x128xf32, #tpu.memory_space<hbm>>
          %dma_wait3A_72 = tpu.memref_squeeze %dma_wait3A_71 : memref<1x80x128xf32, #tpu.memory_space<hbm>> -> memref<80x128xf32, #tpu.memory_space<hbm>>
          tpu.wait_dma2 semaphore(%run_scoped3A : memref<!tpu.dma_semaphore, #tpu.memory_space<semaphore_mem>>) src(%arg15 : memref<80x128xf32, #tpu.memory_space<vmem>>) dst(%dma_wait3A_72 : memref<80x128xf32, #tpu.memory_space<hbm>>)
          tpu.yield
        }) : () -> ()
      } else {
      }
    }
    %scan3A_52 = arith.constant 8 : i32
    return
  }
}

#map = affine_map<(d0, d1) -> (0)>
#map1 = affine_map<(d0, d1) -> (0, 0, 0)>
module attributes {stable_mosaic.version = 14 : i64} {
  func.func @_sc_cnt_body(%arg0: i32, %arg1: i32, %arg2: memref<320000xi32, #tpu.memory_space<hbm>>, %arg3: memref<2x10000x128xf32, #tpu.memory_space<hbm>>, %arg4: memref<80xi32, #tpu.memory_space<vmem>>, %arg5: memref<80xi32, #tpu.memory_space<vmem>>, %arg6: memref<80xi32, #tpu.memory_space<vmem>>, %arg7: memref<80xi32, #tpu.memory_space<vmem>>, %arg8: memref<80x128xf32, #tpu.memory_space<vmem>>, %arg9: memref<10000x128xf32, #tpu.memory_space<vmem_shared>>, %arg10: memref<!tpu.dma_semaphore, #tpu.memory_space<semaphore_mem>>, %arg11: memref<!tpu.dma_semaphore, #tpu.memory_space<semaphore_mem>>, %arg12: memref<!tpu.dma_semaphore, #tpu.memory_space<semaphore_mem>>, %arg13: memref<!tpu.dma_semaphore, #tpu.memory_space<semaphore_mem>>) attributes {dimension_semantics = [#tpu.dimension_semantics<core_parallel>, #tpu.dimension_semantics<subcore_parallel>], iteration_bounds = array<i64: 2, 16>, scalar_prefetch = 0 : i64, scratch_operands = 10 : i64, tpu.core_type = #tpu.core_type<sc_vector_subcore>, window_params = [{transform_indices = #map}, {transform_indices = #map1}]} {
    %mul3A = arith.constant 16 : i32
    %mul3A_0 = arith.muli %arg0, %mul3A : i32
    %add3A = arith.addi %mul3A_0, %arg1 : i32
    %broadcast_in_dim3A = arith.constant 0.000000e+00 : f32
    %broadcast_in_dim3A_1 = vector.broadcast %broadcast_in_dim3A : f32 to vector<16xf32>
    %scan3A = arith.constant 0 : i32
    %scan3A_2 = arith.constant 0 : i32
    %scan3A_3 = arith.constant 80 : i32
    %scan3A_4 = arith.addi %scan3A_2, %scan3A_3 : i32
    %scan3A_5 = arith.constant 1 : i32
    scf.for %scan3A_46 = %scan3A_2 to %scan3A_4 step %scan3A_5  : i32 {
      %swap3A = arith.index_cast %scan3A_46 : i32 to index
      %swap3A_47 = arith.constant 0 : index
      %swap3A_48 = tpu.vector_load %arg8[%swap3A, %swap3A_47] {strides = array<i32>} : memref<80x128xf32, #tpu.memory_space<vmem>>, vector<1x16xf32>,
      %swap3A_49 = vector.shape_cast %swap3A_48 : vector<1x16xf32> to vector<16xf32>
      %swap3A_50 = vector.shape_cast %broadcast_in_dim3A_1 : vector<16xf32> to vector<1x16xf32>
      tpu.vector_store %arg8[%swap3A, %swap3A_47], %swap3A_50 {strides = array<i32>} : memref<80x128xf32, #tpu.memory_space<vmem>>, vector<1x16xf32>,
      %swap3A_51 = arith.index_cast %scan3A_46 : i32 to index
      %swap3A_52 = arith.constant 16 : index
      %swap3A_53 = tpu.vector_load %arg8[%swap3A_51, %swap3A_52] {strides = array<i32>} : memref<80x128xf32, #tpu.memory_space<vmem>>, vector<1x16xf32>,
      %swap3A_54 = vector.shape_cast %swap3A_53 : vector<1x16xf32> to vector<16xf32>
      %swap3A_55 = vector.shape_cast %broadcast_in_dim3A_1 : vector<16xf32> to vector<1x16xf32>
      tpu.vector_store %arg8[%swap3A_51, %swap3A_52], %swap3A_55 {strides = array<i32>} : memref<80x128xf32, #tpu.memory_space<vmem>>, vector<1x16xf32>,
      %swap3A_56 = arith.index_cast %scan3A_46 : i32 to index
      %swap3A_57 = arith.constant 32 : index
      %swap3A_58 = tpu.vector_load %arg8[%swap3A_56, %swap3A_57] {strides = array<i32>} : memref<80x128xf32, #tpu.memory_space<vmem>>, vector<1x16xf32>,
      %swap3A_59 = vector.shape_cast %swap3A_58 : vector<1x16xf32> to vector<16xf32>
      %swap3A_60 = vector.shape_cast %broadcast_in_dim3A_1 : vector<16xf32> to vector<1x16xf32>
      tpu.vector_store %arg8[%swap3A_56, %swap3A_57], %swap3A_60 {strides = array<i32>} : memref<80x128xf32, #tpu.memory_space<vmem>>, vector<1x16xf32>,
      %swap3A_61 = arith.index_cast %scan3A_46 : i32 to index
      %swap3A_62 = arith.constant 48 : index
      %swap3A_63 = tpu.vector_load %arg8[%swap3A_61, %swap3A_62] {strides = array<i32>} : memref<80x128xf32, #tpu.memory_space<vmem>>, vector<1x16xf32>,
      %swap3A_64 = vector.shape_cast %swap3A_63 : vector<1x16xf32> to vector<16xf32>
      %swap3A_65 = vector.shape_cast %broadcast_in_dim3A_1 : vector<16xf32> to vector<1x16xf32>
      tpu.vector_store %arg8[%swap3A_61, %swap3A_62], %swap3A_65 {strides = array<i32>} : memref<80x128xf32, #tpu.memory_space<vmem>>, vector<1x16xf32>,
      %swap3A_66 = arith.index_cast %scan3A_46 : i32 to index
      %swap3A_67 = arith.constant 64 : index
      %swap3A_68 = tpu.vector_load %arg8[%swap3A_66, %swap3A_67] {strides = array<i32>} : memref<80x128xf32, #tpu.memory_space<vmem>>, vector<1x16xf32>,
      %swap3A_69 = vector.shape_cast %swap3A_68 : vector<1x16xf32> to vector<16xf32>
      %swap3A_70 = vector.shape_cast %broadcast_in_dim3A_1 : vector<16xf32> to vector<1x16xf32>
      tpu.vector_store %arg8[%swap3A_66, %swap3A_67], %swap3A_70 {strides = array<i32>} : memref<80x128xf32, #tpu.memory_space<vmem>>, vector<1x16xf32>,
      %swap3A_71 = arith.index_cast %scan3A_46 : i32 to index
      %swap3A_72 = arith.constant 80 : index
      %swap3A_73 = tpu.vector_load %arg8[%swap3A_71, %swap3A_72] {strides = array<i32>} : memref<80x128xf32, #tpu.memory_space<vmem>>, vector<1x16xf32>,
      %swap3A_74 = vector.shape_cast %swap3A_73 : vector<1x16xf32> to vector<16xf32>
      %swap3A_75 = vector.shape_cast %broadcast_in_dim3A_1 : vector<16xf32> to vector<1x16xf32>
      tpu.vector_store %arg8[%swap3A_71, %swap3A_72], %swap3A_75 {strides = array<i32>} : memref<80x128xf32, #tpu.memory_space<vmem>>, vector<1x16xf32>,
      %swap3A_76 = arith.index_cast %scan3A_46 : i32 to index
      %swap3A_77 = arith.constant 96 : index
      %swap3A_78 = tpu.vector_load %arg8[%swap3A_76, %swap3A_77] {strides = array<i32>} : memref<80x128xf32, #tpu.memory_space<vmem>>, vector<1x16xf32>,
      %swap3A_79 = vector.shape_cast %swap3A_78 : vector<1x16xf32> to vector<16xf32>
      %swap3A_80 = vector.shape_cast %broadcast_in_dim3A_1 : vector<16xf32> to vector<1x16xf32>
      tpu.vector_store %arg8[%swap3A_76, %swap3A_77], %swap3A_80 {strides = array<i32>} : memref<80x128xf32, #tpu.memory_space<vmem>>, vector<1x16xf32>,
      %swap3A_81 = arith.index_cast %scan3A_46 : i32 to index
      %swap3A_82 = arith.constant 112 : index
      %swap3A_83 = tpu.vector_load %arg8[%swap3A_81, %swap3A_82] {strides = array<i32>} : memref<80x128xf32, #tpu.memory_space<vmem>>, vector<1x16xf32>,
      %swap3A_84 = vector.shape_cast %swap3A_83 : vector<1x16xf32> to vector<16xf32>
      %swap3A_85 = vector.shape_cast %broadcast_in_dim3A_1 : vector<16xf32> to vector<1x16xf32>
      tpu.vector_store %arg8[%swap3A_81, %swap3A_82], %swap3A_85 {strides = array<i32>} : memref<80x128xf32, #tpu.memory_space<vmem>>, vector<1x16xf32>,
    }
    %scan3A_6 = arith.constant 80 : i32
    %scan3A_7 = arith.constant 0 : i32
    %scan3A_8 = arith.constant 0 : i32
    %scan3A_9 = arith.constant 8 : i32
    %scan3A_10 = arith.addi %scan3A_8, %scan3A_9 : i32
    %scan3A_11 = arith.constant 1 : i32
    scf.for %scan3A_46 = %scan3A_8 to %scan3A_10 step %scan3A_11  : i32 {
      %mul3A_47 = arith.constant 16 : i32
      %mul3A_48 = arith.muli %scan3A_46, %mul3A_47 : i32
      %add3A_49 = arith.addi %mul3A_48, %arg1 : i32
      %lt3A = arith.constant 125 : i32
      %lt3A_50 = arith.cmpi slt, %add3A_49, %lt3A : i32
      %convert_element_type3A = arith.extui %lt3A_50 : i1 to i32
      %cond3A = arith.constant 0 : i32
      %cond3A_51 = arith.cmpi ne, %convert_element_type3A, %cond3A : i32
      scf.if %cond3A_51 {
        %mul3A_52 = arith.constant 80 : i32
        %mul3A_53 = arith.muli %add3A_49, %mul3A_52 : i32
        "tpu.region"() ({
          %run_scoped3A = tpu.sem_alloc : memref<!tpu.dma_semaphore, #tpu.memory_space<semaphore_mem>>
          %dma_start3A_54 = arith.constant 0 : i32
          %dma_start3A_55 = tpu.memref_slice %arg9[%mul3A_53, %dma_start3A_54] : memref<10000x128xf32, #tpu.memory_space<vmem_shared>> -> memref<80x128xf32, #tpu.memory_space<vmem_shared>>
          %dma_start3A_56 = arith.constant 0 : i32
          %dma_start3A_57 = tpu.memref_slice %arg9[%mul3A_53, %dma_start3A_56] : memref<10000x128xf32, #tpu.memory_space<vmem_shared>> -> memref<80x128xf32, #tpu.memory_space<vmem_shared>>
          tpu.enqueue_dma source(%arg8 : memref<80x128xf32, #tpu.memory_space<vmem>>) target(%dma_start3A_57 : memref<80x128xf32, #tpu.memory_space<vmem_shared>>) target_semaphore(%run_scoped3A : memref<!tpu.dma_semaphore, #tpu.memory_space<semaphore_mem>>)
          %dma_wait3A = arith.constant 0 : i32
          %dma_wait3A_58 = tpu.memref_slice %arg9[%mul3A_53, %dma_wait3A] : memref<10000x128xf32, #tpu.memory_space<vmem_shared>> -> memref<80x128xf32, #tpu.memory_space<vmem_shared>>
          %dma_wait3A_59 = arith.constant 0 : i32
          %dma_wait3A_60 = tpu.memref_slice %arg9[%mul3A_53, %dma_wait3A_59] : memref<10000x128xf32, #tpu.memory_space<vmem_shared>> -> memref<80x128xf32, #tpu.memory_space<vmem_shared>>
          tpu.wait_dma2 semaphore(%run_scoped3A : memref<!tpu.dma_semaphore, #tpu.memory_space<semaphore_mem>>) src(%arg8 : memref<80x128xf32, #tpu.memory_space<vmem>>) dst(%dma_wait3A_60 : memref<80x128xf32, #tpu.memory_space<vmem_shared>>)
          tpu.yield
        }) : () -> ()
      } else {
      }
    }
    %scan3A_12 = arith.constant 8 : i32
    %iota3A = tpu.iota {dimensions = array<i32: 0>} : vector<16xi32>
    %eq3A = arith.constant 0 : i32
    %eq3A_13 = vector.broadcast %eq3A : i32 to vector<16xi32>
    %eq3A_14 = arith.cmpi eq, %iota3A, %eq3A_13 : vector<16xi32>
    %jit3A = arith.constant 1.000000e+00 : f32
    %jit3A_15 = arith.constant 0.000000e+00 : f32
    %broadcast_in_dim3A_16 = vector.broadcast %jit3A : f32 to vector<16xf32>
    %broadcast_in_dim3A_17 = vector.broadcast %jit3A_15 : f32 to vector<16xf32>
    %select_n3A = arith.select %eq3A_14, %broadcast_in_dim3A_16, %broadcast_in_dim3A_17 : vector<16xi1>, vector<16xf32>
    %scan3A_18 = arith.constant 0 : i32
    %scan3A_19 = arith.constant 0 : i32
    %scan3A_20 = arith.constant 80 : i32
    %scan3A_21 = arith.addi %scan3A_19, %scan3A_20 : i32
    %scan3A_22 = arith.constant 1 : i32
    scf.for %scan3A_46 = %scan3A_19 to %scan3A_21 step %scan3A_22  : i32 {
      %swap3A = arith.index_cast %scan3A_46 : i32 to index
      %swap3A_47 = arith.constant 0 : index
      %swap3A_48 = tpu.vector_load %arg8[%swap3A, %swap3A_47] {strides = array<i32>} : memref<80x128xf32, #tpu.memory_space<vmem>>, vector<1x16xf32>,
      %swap3A_49 = vector.shape_cast %swap3A_48 : vector<1x16xf32> to vector<16xf32>
      %swap3A_50 = vector.shape_cast %select_n3A : vector<16xf32> to vector<1x16xf32>
      tpu.vector_store %arg8[%swap3A, %swap3A_47], %swap3A_50 {strides = array<i32>} : memref<80x128xf32, #tpu.memory_space<vmem>>, vector<1x16xf32>,
    }
    %scan3A_23 = arith.constant 80 : i32
    %barrier3A = arith.constant 0 : index
    tpu.barrier barrier_id(%barrier3A)
    %mul3A_24 = arith.constant 10000 : i32
    %mul3A_25 = arith.muli %add3A, %mul3A_24 : i32
    %add3A_26 = arith.constant 0 : i32
    %add3A_27 = arith.addi %mul3A_25, %add3A_26 : i32
    %dma_start3A = tpu.memref_slice %arg2[%add3A_27] : memref<320000xi32, #tpu.memory_space<hbm>> -> memref<80xi32, #tpu.memory_space<hbm>>
    %dma_start3A_28 = tpu.memref_slice %arg2[%add3A_27] : memref<320000xi32, #tpu.memory_space<hbm>> -> memref<80xi32, #tpu.memory_space<hbm>>
    tpu.enqueue_dma source(%dma_start3A_28 : memref<80xi32, #tpu.memory_space<hbm>>) target(%arg4 : memref<80xi32, #tpu.memory_space<vmem>>) target_semaphore(%arg10 : memref<!tpu.dma_semaphore, #tpu.memory_space<semaphore_mem>>)
    %add3A_29 = arith.constant 80 : i32
    %add3A_30 = arith.addi %mul3A_25, %add3A_29 : i32
    %dma_start3A_31 = tpu.memref_slice %arg2[%add3A_30] : memref<320000xi32, #tpu.memory_space<hbm>> -> memref<80xi32, #tpu.memory_space<hbm>>
    %dma_start3A_32 = tpu.memref_slice %arg2[%add3A_30] : memref<320000xi32, #tpu.memory_space<hbm>> -> memref<80xi32, #tpu.memory_space<hbm>>
    tpu.enqueue_dma source(%dma_start3A_32 : memref<80xi32, #tpu.memory_space<hbm>>) target(%arg5 : memref<80xi32, #tpu.memory_space<vmem>>) target_semaphore(%arg11 : memref<!tpu.dma_semaphore, #tpu.memory_space<semaphore_mem>>)
    %scan3A_33 = arith.constant 0 : i32
    %scan3A_34 = arith.constant 0 : i32
    %scan3A_35 = arith.constant 33 : i32
    %scan3A_36 = arith.addi %scan3A_34, %scan3A_35 : i32
    %scan3A_37 = arith.constant 1 : i32
    scf.for %scan3A_46 = %scan3A_34 to %scan3A_36 step %scan3A_37  : i32 {
      %mul3A_47 = arith.constant 4 : i32
      %mul3A_48 = arith.muli %mul3A_47, %scan3A_46 : i32
      %add3A_49 = arith.constant 0 : i32
      %add3A_50 = arith.addi %mul3A_48, %add3A_49 : i32
      %lt3A = arith.constant 125 : i32
      %lt3A_51 = arith.cmpi slt, %add3A_50, %lt3A : i32
      %convert_element_type3A = arith.extui %lt3A_51 : i1 to i32
      %cond3A = arith.constant 0 : i32
      %cond3A_52 = arith.cmpi ne, %convert_element_type3A, %cond3A : i32
      scf.if %cond3A_52 {
        %mul3A_137 = arith.constant 80 : i32
        %mul3A_138 = arith.muli %add3A_50, %mul3A_137 : i32
        %add3A_139 = arith.addi %mul3A_25, %mul3A_138 : i32
        %dma_wait3A = tpu.memref_slice %arg2[%add3A_139] : memref<320000xi32, #tpu.memory_space<hbm>> -> memref<80xi32, #tpu.memory_space<hbm>>
        %dma_wait3A_140 = tpu.memref_slice %arg2[%add3A_139] : memref<320000xi32, #tpu.memory_space<hbm>> -> memref<80xi32, #tpu.memory_space<hbm>>
        tpu.wait_dma2 semaphore(%arg10 : memref<!tpu.dma_semaphore, #tpu.memory_space<semaphore_mem>>) src(%dma_wait3A_140 : memref<80xi32, #tpu.memory_space<hbm>>) dst(%arg4 : memref<80xi32, #tpu.memory_space<vmem>>)
        %dma_start3A_141 = arith.constant 0 : i32
        %dma_start3A_142 = arith.constant 0 : i32
        %dma_start3A_143 = tpu.memref_slice %arg9[%dma_start3A_141, %dma_start3A_142] : memref<10000x128xf32, #tpu.memory_space<vmem_shared>> -> memref<10000x128xf32, #tpu.memory_space<vmem_shared>>
        tpu.enqueue_indirect_dma source(%arg8 : memref<80x128xf32, #tpu.memory_space<vmem>>) target(%dma_start3A_143 : memref<10000x128xf32, #tpu.memory_space<vmem_shared>>) offsets(%arg4 : memref<80xi32, #tpu.memory_space<vmem>>) semaphore(%arg12 : memref<!tpu.dma_semaphore, #tpu.memory_space<semaphore_mem>>) {add = true}
      } else {
      }
      %ge3A = arith.constant 1 : i32
      %ge3A_53 = arith.cmpi sge, %add3A_50, %ge3A : i32
      %le3A = arith.constant 125 : i32
      %le3A_54 = arith.cmpi sle, %add3A_50, %le3A : i32
      %and3A = arith.andi %ge3A_53, %le3A_54 : i1
      %convert_element_type3A_55 = arith.extui %and3A : i1 to i32
      %cond3A_56 = arith.constant 0 : i32
      %cond3A_57 = arith.cmpi ne, %convert_element_type3A_55, %cond3A_56 : i32
      scf.if %cond3A_57 {
        %dma_wait3A = arith.constant 0 : i32
        %dma_wait3A_137 = arith.constant 0 : i32
        %dma_wait3A_138 = tpu.memref_slice %arg9[%dma_wait3A, %dma_wait3A_137] : memref<10000x128xf32, #tpu.memory_space<vmem_shared>> -> memref<10000x128xf32, #tpu.memory_space<vmem_shared>>
        tpu.wait_indirect_dma semaphore(%arg13 : memref<!tpu.dma_semaphore, #tpu.memory_space<semaphore_mem>>) src(%arg8 : memref<80x128xf32, #tpu.memory_space<vmem>>) dst(%dma_wait3A_138 : memref<10000x128xf32, #tpu.memory_space<vmem_shared>>)
      } else {
      }
      %add3A_58 = arith.constant 2 : i32
      %add3A_59 = arith.addi %add3A_50, %add3A_58 : i32
      %lt3A_60 = arith.constant 125 : i32
      %lt3A_61 = arith.cmpi slt, %add3A_59, %lt3A_60 : i32
      %convert_element_type3A_62 = arith.extui %lt3A_61 : i1 to i32
      %cond3A_63 = arith.constant 0 : i32
      %cond3A_64 = arith.cmpi ne, %convert_element_type3A_62, %cond3A_63 : i32
      scf.if %cond3A_64 {
        %mul3A_137 = arith.constant 80 : i32
        %mul3A_138 = arith.muli %add3A_59, %mul3A_137 : i32
        %add3A_139 = arith.addi %mul3A_25, %mul3A_138 : i32
        %dma_start3A_140 = tpu.memref_slice %arg2[%add3A_139] : memref<320000xi32, #tpu.memory_space<hbm>> -> memref<80xi32, #tpu.memory_space<hbm>>
        %dma_start3A_141 = tpu.memref_slice %arg2[%add3A_139] : memref<320000xi32, #tpu.memory_space<hbm>> -> memref<80xi32, #tpu.memory_space<hbm>>
        tpu.enqueue_dma source(%dma_start3A_141 : memref<80xi32, #tpu.memory_space<hbm>>) target(%arg6 : memref<80xi32, #tpu.memory_space<vmem>>) target_semaphore(%arg10 : memref<!tpu.dma_semaphore, #tpu.memory_space<semaphore_mem>>)
      } else {
      }
      %mul3A_65 = arith.constant 4 : i32
      %mul3A_66 = arith.muli %mul3A_65, %scan3A_46 : i32
      %add3A_67 = arith.constant 1 : i32
      %add3A_68 = arith.addi %mul3A_66, %add3A_67 : i32
      %lt3A_69 = arith.constant 125 : i32
      %lt3A_70 = arith.cmpi slt, %add3A_68, %lt3A_69 : i32
      %convert_element_type3A_71 = arith.extui %lt3A_70 : i1 to i32
      %cond3A_72 = arith.constant 0 : i32
      %cond3A_73 = arith.cmpi ne, %convert_element_type3A_71, %cond3A_72 : i32
      scf.if %cond3A_73 {
        %mul3A_137 = arith.constant 80 : i32
        %mul3A_138 = arith.muli %add3A_68, %mul3A_137 : i32
        %add3A_139 = arith.addi %mul3A_25, %mul3A_138 : i32
        %dma_wait3A = tpu.memref_slice %arg2[%add3A_139] : memref<320000xi32, #tpu.memory_space<hbm>> -> memref<80xi32, #tpu.memory_space<hbm>>
        %dma_wait3A_140 = tpu.memref_slice %arg2[%add3A_139] : memref<320000xi32, #tpu.memory_space<hbm>> -> memref<80xi32, #tpu.memory_space<hbm>>
        tpu.wait_dma2 semaphore(%arg11 : memref<!tpu.dma_semaphore, #tpu.memory_space<semaphore_mem>>) src(%dma_wait3A_140 : memref<80xi32, #tpu.memory_space<hbm>>) dst(%arg5 : memref<80xi32, #tpu.memory_space<vmem>>)
        %dma_start3A_141 = arith.constant 0 : i32
        %dma_start3A_142 = arith.constant 0 : i32
        %dma_start3A_143 = tpu.memref_slice %arg9[%dma_start3A_141, %dma_start3A_142] : memref<10000x128xf32, #tpu.memory_space<vmem_shared>> -> memref<10000x128xf32, #tpu.memory_space<vmem_shared>>
        tpu.enqueue_indirect_dma source(%arg8 : memref<80x128xf32, #tpu.memory_space<vmem>>) target(%dma_start3A_143 : memref<10000x128xf32, #tpu.memory_space<vmem_shared>>) offsets(%arg5 : memref<80xi32, #tpu.memory_space<vmem>>) semaphore(%arg13 : memref<!tpu.dma_semaphore, #tpu.memory_space<semaphore_mem>>) {add = true}
      } else {
      }
      %ge3A_74 = arith.constant 1 : i32
      %ge3A_75 = arith.cmpi sge, %add3A_68, %ge3A_74 : i32
      %le3A_76 = arith.constant 125 : i32
      %le3A_77 = arith.cmpi sle, %add3A_68, %le3A_76 : i32
      %and3A_78 = arith.andi %ge3A_75, %le3A_77 : i1
      %convert_element_type3A_79 = arith.extui %and3A_78 : i1 to i32
      %cond3A_80 = arith.constant 0 : i32
      %cond3A_81 = arith.cmpi ne, %convert_element_type3A_79, %cond3A_80 : i32
      scf.if %cond3A_81 {
        %dma_wait3A = arith.constant 0 : i32
        %dma_wait3A_137 = arith.constant 0 : i32
        %dma_wait3A_138 = tpu.memref_slice %arg9[%dma_wait3A, %dma_wait3A_137] : memref<10000x128xf32, #tpu.memory_space<vmem_shared>> -> memref<10000x128xf32, #tpu.memory_space<vmem_shared>>
        tpu.wait_indirect_dma semaphore(%arg12 : memref<!tpu.dma_semaphore, #tpu.memory_space<semaphore_mem>>) src(%arg8 : memref<80x128xf32, #tpu.memory_space<vmem>>) dst(%dma_wait3A_138 : memref<10000x128xf32, #tpu.memory_space<vmem_shared>>)
      } else {
      }
      %add3A_82 = arith.constant 2 : i32
      %add3A_83 = arith.addi %add3A_68, %add3A_82 : i32
      %lt3A_84 = arith.constant 125 : i32
      %lt3A_85 = arith.cmpi slt, %add3A_83, %lt3A_84 : i32
      %convert_element_type3A_86 = arith.extui %lt3A_85 : i1 to i32
      %cond3A_87 = arith.constant 0 : i32
      %cond3A_88 = arith.cmpi ne, %convert_element_type3A_86, %cond3A_87 : i32
      scf.if %cond3A_88 {
        %mul3A_137 = arith.constant 80 : i32
        %mul3A_138 = arith.muli %add3A_83, %mul3A_137 : i32
        %add3A_139 = arith.addi %mul3A_25, %mul3A_138 : i32
        %dma_start3A_140 = tpu.memref_slice %arg2[%add3A_139] : memref<320000xi32, #tpu.memory_space<hbm>> -> memref<80xi32, #tpu.memory_space<hbm>>
        %dma_start3A_141 = tpu.memref_slice %arg2[%add3A_139] : memref<320000xi32, #tpu.memory_space<hbm>> -> memref<80xi32, #tpu.memory_space<hbm>>
        tpu.enqueue_dma source(%dma_start3A_141 : memref<80xi32, #tpu.memory_space<hbm>>) target(%arg7 : memref<80xi32, #tpu.memory_space<vmem>>) target_semaphore(%arg11 : memref<!tpu.dma_semaphore, #tpu.memory_space<semaphore_mem>>)
      } else {
      }
      %mul3A_89 = arith.constant 4 : i32
      %mul3A_90 = arith.muli %mul3A_89, %scan3A_46 : i32
      %add3A_91 = arith.constant 2 : i32
      %add3A_92 = arith.addi %mul3A_90, %add3A_91 : i32
      %lt3A_93 = arith.constant 125 : i32
      %lt3A_94 = arith.cmpi slt, %add3A_92, %lt3A_93 : i32
      %convert_element_type3A_95 = arith.extui %lt3A_94 : i1 to i32
      %cond3A_96 = arith.constant 0 : i32
      %cond3A_97 = arith.cmpi ne, %convert_element_type3A_95, %cond3A_96 : i32
      scf.if %cond3A_97 {
        %mul3A_137 = arith.constant 80 : i32
        %mul3A_138 = arith.muli %add3A_92, %mul3A_137 : i32
        %add3A_139 = arith.addi %mul3A_25, %mul3A_138 : i32
        %dma_wait3A = tpu.memref_slice %arg2[%add3A_139] : memref<320000xi32, #tpu.memory_space<hbm>> -> memref<80xi32, #tpu.memory_space<hbm>>
        %dma_wait3A_140 = tpu.memref_slice %arg2[%add3A_139] : memref<320000xi32, #tpu.memory_space<hbm>> -> memref<80xi32, #tpu.memory_space<hbm>>
        tpu.wait_dma2 semaphore(%arg10 : memref<!tpu.dma_semaphore, #tpu.memory_space<semaphore_mem>>) src(%dma_wait3A_140 : memref<80xi32, #tpu.memory_space<hbm>>) dst(%arg6 : memref<80xi32, #tpu.memory_space<vmem>>)
        %dma_start3A_141 = arith.constant 0 : i32
        %dma_start3A_142 = arith.constant 0 : i32
        %dma_start3A_143 = tpu.memref_slice %arg9[%dma_start3A_141, %dma_start3A_142] : memref<10000x128xf32, #tpu.memory_space<vmem_shared>> -> memref<10000x128xf32, #tpu.memory_space<vmem_shared>>
        tpu.enqueue_indirect_dma source(%arg8 : memref<80x128xf32, #tpu.memory_space<vmem>>) target(%dma_start3A_143 : memref<10000x128xf32, #tpu.memory_space<vmem_shared>>) offsets(%arg6 : memref<80xi32, #tpu.memory_space<vmem>>) semaphore(%arg12 : memref<!tpu.dma_semaphore, #tpu.memory_space<semaphore_mem>>) {add = true}
      } else {
      }
      %ge3A_98 = arith.constant 1 : i32
      %ge3A_99 = arith.cmpi sge, %add3A_92, %ge3A_98 : i32
      %le3A_100 = arith.constant 125 : i32
      %le3A_101 = arith.cmpi sle, %add3A_92, %le3A_100 : i32
      %and3A_102 = arith.andi %ge3A_99, %le3A_101 : i1
      %convert_element_type3A_103 = arith.extui %and3A_102 : i1 to i32
      %cond3A_104 = arith.constant 0 : i32
      %cond3A_105 = arith.cmpi ne, %convert_element_type3A_103, %cond3A_104 : i32
      scf.if %cond3A_105 {
        %dma_wait3A = arith.constant 0 : i32
        %dma_wait3A_137 = arith.constant 0 : i32
        %dma_wait3A_138 = tpu.memref_slice %arg9[%dma_wait3A, %dma_wait3A_137] : memref<10000x128xf32, #tpu.memory_space<vmem_shared>> -> memref<10000x128xf32, #tpu.memory_space<vmem_shared>>
        tpu.wait_indirect_dma semaphore(%arg13 : memref<!tpu.dma_semaphore, #tpu.memory_space<semaphore_mem>>) src(%arg8 : memref<80x128xf32, #tpu.memory_space<vmem>>) dst(%dma_wait3A_138 : memref<10000x128xf32, #tpu.memory_space<vmem_shared>>)
      } else {
      }
      %add3A_106 = arith.constant 2 : i32
      %add3A_107 = arith.addi %add3A_92, %add3A_106 : i32
      %lt3A_108 = arith.constant 125 : i32
      %lt3A_109 = arith.cmpi slt, %add3A_107, %lt3A_108 : i32
      %convert_element_type3A_110 = arith.extui %lt3A_109 : i1 to i32
      %cond3A_111 = arith.constant 0 : i32
      %cond3A_112 = arith.cmpi ne, %convert_element_type3A_110, %cond3A_111 : i32
      scf.if %cond3A_112 {
        %mul3A_137 = arith.constant 80 : i32
        %mul3A_138 = arith.muli %add3A_107, %mul3A_137 : i32
        %add3A_139 = arith.addi %mul3A_25, %mul3A_138 : i32
        %dma_start3A_140 = tpu.memref_slice %arg2[%add3A_139] : memref<320000xi32, #tpu.memory_space<hbm>> -> memref<80xi32, #tpu.memory_space<hbm>>
        %dma_start3A_141 = tpu.memref_slice %arg2[%add3A_139] : memref<320000xi32, #tpu.memory_space<hbm>> -> memref<80xi32, #tpu.memory_space<hbm>>
        tpu.enqueue_dma source(%dma_start3A_141 : memref<80xi32, #tpu.memory_space<hbm>>) target(%arg4 : memref<80xi32, #tpu.memory_space<vmem>>) target_semaphore(%arg10 : memref<!tpu.dma_semaphore, #tpu.memory_space<semaphore_mem>>)
      } else {
      }
      %mul3A_113 = arith.constant 4 : i32
      %mul3A_114 = arith.muli %mul3A_113, %scan3A_46 : i32
      %add3A_115 = arith.constant 3 : i32
      %add3A_116 = arith.addi %mul3A_114, %add3A_115 : i32
      %lt3A_117 = arith.constant 125 : i32
      %lt3A_118 = arith.cmpi slt, %add3A_116, %lt3A_117 : i32
      %convert_element_type3A_119 = arith.extui %lt3A_118 : i1 to i32
      %cond3A_120 = arith.constant 0 : i32
      %cond3A_121 = arith.cmpi ne, %convert_element_type3A_119, %cond3A_120 : i32
      scf.if %cond3A_121 {
        %mul3A_137 = arith.constant 80 : i32
        %mul3A_138 = arith.muli %add3A_116, %mul3A_137 : i32
        %add3A_139 = arith.addi %mul3A_25, %mul3A_138 : i32
        %dma_wait3A = tpu.memref_slice %arg2[%add3A_139] : memref<320000xi32, #tpu.memory_space<hbm>> -> memref<80xi32, #tpu.memory_space<hbm>>
        %dma_wait3A_140 = tpu.memref_slice %arg2[%add3A_139] : memref<320000xi32, #tpu.memory_space<hbm>> -> memref<80xi32, #tpu.memory_space<hbm>>
        tpu.wait_dma2 semaphore(%arg11 : memref<!tpu.dma_semaphore, #tpu.memory_space<semaphore_mem>>) src(%dma_wait3A_140 : memref<80xi32, #tpu.memory_space<hbm>>) dst(%arg7 : memref<80xi32, #tpu.memory_space<vmem>>)
        %dma_start3A_141 = arith.constant 0 : i32
        %dma_start3A_142 = arith.constant 0 : i32
        %dma_start3A_143 = tpu.memref_slice %arg9[%dma_start3A_141, %dma_start3A_142] : memref<10000x128xf32, #tpu.memory_space<vmem_shared>> -> memref<10000x128xf32, #tpu.memory_space<vmem_shared>>
        tpu.enqueue_indirect_dma source(%arg8 : memref<80x128xf32, #tpu.memory_space<vmem>>) target(%dma_start3A_143 : memref<10000x128xf32, #tpu.memory_space<vmem_shared>>) offsets(%arg7 : memref<80xi32, #tpu.memory_space<vmem>>) semaphore(%arg13 : memref<!tpu.dma_semaphore, #tpu.memory_space<semaphore_mem>>) {add = true}
      } else {
      }
      %ge3A_122 = arith.constant 1 : i32
      %ge3A_123 = arith.cmpi sge, %add3A_116, %ge3A_122 : i32
      %le3A_124 = arith.constant 125 : i32
      %le3A_125 = arith.cmpi sle, %add3A_116, %le3A_124 : i32
      %and3A_126 = arith.andi %ge3A_123, %le3A_125 : i1
      %convert_element_type3A_127 = arith.extui %and3A_126 : i1 to i32
      %cond3A_128 = arith.constant 0 : i32
      %cond3A_129 = arith.cmpi ne, %convert_element_type3A_127, %cond3A_128 : i32
      scf.if %cond3A_129 {
        %dma_wait3A = arith.constant 0 : i32
        %dma_wait3A_137 = arith.constant 0 : i32
        %dma_wait3A_138 = tpu.memref_slice %arg9[%dma_wait3A, %dma_wait3A_137] : memref<10000x128xf32, #tpu.memory_space<vmem_shared>> -> memref<10000x128xf32, #tpu.memory_space<vmem_shared>>
        tpu.wait_indirect_dma semaphore(%arg12 : memref<!tpu.dma_semaphore, #tpu.memory_space<semaphore_mem>>) src(%arg8 : memref<80x128xf32, #tpu.memory_space<vmem>>) dst(%dma_wait3A_138 : memref<10000x128xf32, #tpu.memory_space<vmem_shared>>)
      } else {
      }
      %add3A_130 = arith.constant 2 : i32
      %add3A_131 = arith.addi %add3A_116, %add3A_130 : i32
      %lt3A_132 = arith.constant 125 : i32
      %lt3A_133 = arith.cmpi slt, %add3A_131, %lt3A_132 : i32
      %convert_element_type3A_134 = arith.extui %lt3A_133 : i1 to i32
      %cond3A_135 = arith.constant 0 : i32
      %cond3A_136 = arith.cmpi ne, %convert_element_type3A_134, %cond3A_135 : i32
      scf.if %cond3A_136 {
        %mul3A_137 = arith.constant 80 : i32
        %mul3A_138 = arith.muli %add3A_131, %mul3A_137 : i32
        %add3A_139 = arith.addi %mul3A_25, %mul3A_138 : i32
        %dma_start3A_140 = tpu.memref_slice %arg2[%add3A_139] : memref<320000xi32, #tpu.memory_space<hbm>> -> memref<80xi32, #tpu.memory_space<hbm>>
        %dma_start3A_141 = tpu.memref_slice %arg2[%add3A_139] : memref<320000xi32, #tpu.memory_space<hbm>> -> memref<80xi32, #tpu.memory_space<hbm>>
        tpu.enqueue_dma source(%dma_start3A_141 : memref<80xi32, #tpu.memory_space<hbm>>) target(%arg5 : memref<80xi32, #tpu.memory_space<vmem>>) target_semaphore(%arg11 : memref<!tpu.dma_semaphore, #tpu.memory_space<semaphore_mem>>)
      } else {
      }
    }
    %scan3A_38 = arith.constant 33 : i32
    %barrier3A_39 = arith.constant 0 : index
    tpu.barrier barrier_id(%barrier3A_39)
    %scan3A_40 = arith.constant 0 : i32
    %scan3A_41 = arith.constant 0 : i32
    %scan3A_42 = arith.constant 8 : i32
    %scan3A_43 = arith.addi %scan3A_41, %scan3A_42 : i32
    %scan3A_44 = arith.constant 1 : i32
    scf.for %scan3A_46 = %scan3A_41 to %scan3A_43 step %scan3A_44  : i32 {
      %mul3A_47 = arith.constant 16 : i32
      %mul3A_48 = arith.muli %scan3A_46, %mul3A_47 : i32
      %add3A_49 = arith.addi %mul3A_48, %arg1 : i32
      %lt3A = arith.constant 125 : i32
      %lt3A_50 = arith.cmpi slt, %add3A_49, %lt3A : i32
      %convert_element_type3A = arith.extui %lt3A_50 : i1 to i32
      %cond3A = arith.constant 0 : i32
      %cond3A_51 = arith.cmpi ne, %convert_element_type3A, %cond3A : i32
      scf.if %cond3A_51 {
        %mul3A_52 = arith.constant 80 : i32
        %mul3A_53 = arith.muli %add3A_49, %mul3A_52 : i32
        "tpu.region"() ({
          %run_scoped3A = tpu.sem_alloc : memref<!tpu.dma_semaphore, #tpu.memory_space<semaphore_mem>>
          %dma_start3A_54 = arith.constant 0 : i32
          %dma_start3A_55 = tpu.memref_slice %arg9[%mul3A_53, %dma_start3A_54] : memref<10000x128xf32, #tpu.memory_space<vmem_shared>> -> memref<80x128xf32, #tpu.memory_space<vmem_shared>>
          %dma_start3A_56 = arith.constant 0 : i32
          %dma_start3A_57 = tpu.memref_slice %arg9[%mul3A_53, %dma_start3A_56] : memref<10000x128xf32, #tpu.memory_space<vmem_shared>> -> memref<80x128xf32, #tpu.memory_space<vmem_shared>>
          tpu.enqueue_dma source(%dma_start3A_57 : memref<80x128xf32, #tpu.memory_space<vmem_shared>>) target(%arg8 : memref<80x128xf32, #tpu.memory_space<vmem>>) target_semaphore(%run_scoped3A : memref<!tpu.dma_semaphore, #tpu.memory_space<semaphore_mem>>)
          %dma_wait3A = arith.constant 0 : i32
          %dma_wait3A_58 = tpu.memref_slice %arg9[%mul3A_53, %dma_wait3A] : memref<10000x128xf32, #tpu.memory_space<vmem_shared>> -> memref<80x128xf32, #tpu.memory_space<vmem_shared>>
          %dma_wait3A_59 = arith.constant 0 : i32
          %dma_wait3A_60 = tpu.memref_slice %arg9[%mul3A_53, %dma_wait3A_59] : memref<10000x128xf32, #tpu.memory_space<vmem_shared>> -> memref<80x128xf32, #tpu.memory_space<vmem_shared>>
          tpu.wait_dma2 semaphore(%run_scoped3A : memref<!tpu.dma_semaphore, #tpu.memory_space<semaphore_mem>>) src(%dma_wait3A_60 : memref<80x128xf32, #tpu.memory_space<vmem_shared>>) dst(%arg8 : memref<80x128xf32, #tpu.memory_space<vmem>>)
          tpu.yield
        }) : () -> ()
        "tpu.region"() ({
          %run_scoped3A = tpu.sem_alloc : memref<!tpu.dma_semaphore, #tpu.memory_space<semaphore_mem>>
          %dma_start3A_54 = arith.constant 0 : i32
          %dma_start3A_55 = tpu.memref_slice %arg3[%arg0, %mul3A_53, %dma_start3A_54] : memref<2x10000x128xf32, #tpu.memory_space<hbm>> -> memref<1x80x128xf32, #tpu.memory_space<hbm>>
          %dma_start3A_56 = tpu.memref_squeeze %dma_start3A_55 : memref<1x80x128xf32, #tpu.memory_space<hbm>> -> memref<80x128xf32, #tpu.memory_space<hbm>>
          %dma_start3A_57 = arith.constant 0 : i32
          %dma_start3A_58 = tpu.memref_slice %arg3[%arg0, %mul3A_53, %dma_start3A_57] : memref<2x10000x128xf32, #tpu.memory_space<hbm>> -> memref<1x80x128xf32, #tpu.memory_space<hbm>>
          %dma_start3A_59 = tpu.memref_squeeze %dma_start3A_58 : memref<1x80x128xf32, #tpu.memory_space<hbm>> -> memref<80x128xf32, #tpu.memory_space<hbm>>
          tpu.enqueue_dma source(%arg8 : memref<80x128xf32, #tpu.memory_space<vmem>>) target(%dma_start3A_59 : memref<80x128xf32, #tpu.memory_space<hbm>>) target_semaphore(%run_scoped3A : memref<!tpu.dma_semaphore, #tpu.memory_space<semaphore_mem>>)
          %dma_wait3A = arith.constant 0 : i32
          %dma_wait3A_60 = tpu.memref_slice %arg3[%arg0, %mul3A_53, %dma_wait3A] : memref<2x10000x128xf32, #tpu.memory_space<hbm>> -> memref<1x80x128xf32, #tpu.memory_space<hbm>>
          %dma_wait3A_61 = tpu.memref_squeeze %dma_wait3A_60 : memref<1x80x128xf32, #tpu.memory_space<hbm>> -> memref<80x128xf32, #tpu.memory_space<hbm>>
          %dma_wait3A_62 = arith.constant 0 : i32
          %dma_wait3A_63 = tpu.memref_slice %arg3[%arg0, %mul3A_53, %dma_wait3A_62] : memref<2x10000x128xf32, #tpu.memory_space<hbm>> -> memref<1x80x128xf32, #tpu.memory_space<hbm>>
          %dma_wait3A_64 = tpu.memref_squeeze %dma_wait3A_63 : memref<1x80x128xf32, #tpu.memory_space<hbm>> -> memref<80x128xf32, #tpu.memory_space<hbm>>
          tpu.wait_dma2 semaphore(%run_scoped3A : memref<!tpu.dma_semaphore, #tpu.memory_space<semaphore_mem>>) src(%arg8 : memref<80x128xf32, #tpu.memory_space<vmem>>) dst(%dma_wait3A_64 : memref<80x128xf32, #tpu.memory_space<hbm>>)
          tpu.yield
        }) : () -> ()
      } else {
      }
    }
    %scan3A_45 = arith.constant 8 : i32
    return
  }
}

module attributes {stable_mosaic.version = 14 : i64} {
  func.func @_tc2_body(%arg0: i32, %arg1: memref<2x2000x128xf32, #tpu.memory_space<vmem>>, %arg2: memref<2x2000x128xf32, #tpu.memory_space<vmem>>, %arg3: memref<2000x128xf32, #tpu.memory_space<vmem>>, %arg4: memref<128x128xf32, #tpu.memory_space<vmem>>, %arg5: memref<1x128xf32, #tpu.memory_space<vmem>>, %arg6: memref<128x128xf32, #tpu.memory_space<vmem>>, %arg7: memref<128x64xf32, #tpu.memory_space<vmem>>, %arg8: memref<1x64xf32, #tpu.memory_space<vmem>>, %arg9: memref<2000x64xf32, #tpu.memory_space<vmem>>, %arg10: memref<1x128xf32, #tpu.memory_space<vmem>>) attributes {dimension_semantics = [#tpu.dimension_semantics<arbitrary>], iteration_bounds = array<i64: 5>, scalar_prefetch = 0 : i64, scratch_operands = 0 : i64, tpu.core_type = #tpu.core_type<tc>, window_params = [{transform_indices = @transform_0, window_bounds = array<i64: 2, 2000, 128>}, {transform_indices = @transform_1, window_bounds = array<i64: 2, 2000, 128>}, {transform_indices = @transform_2, window_bounds = array<i64: 2000, 128>}, {pipeline_mode = #tpu.pipeline_mode<synchronous>, transform_indices = @transform_3, window_bounds = array<i64: 128, 128>}, {pipeline_mode = #tpu.pipeline_mode<synchronous>, transform_indices = @transform_4, window_bounds = array<i64: 1, 128>}, {pipeline_mode = #tpu.pipeline_mode<synchronous>, transform_indices = @transform_5, window_bounds = array<i64: 128, 128>}, {pipeline_mode = #tpu.pipeline_mode<synchronous>, transform_indices = @transform_6, window_bounds = array<i64: 128, 64>}, {pipeline_mode = #tpu.pipeline_mode<synchronous>, transform_indices = @transform_7, window_bounds = array<i64: 1, 64>}, {transform_indices = @transform_8, window_bounds = array<i64: 2000, 64>}, {pipeline_mode = #tpu.pipeline_mode<synchronous>, transform_indices = @transform_9, window_bounds = array<i64: 1, 128>}]} {
    %get3A = arith.constant 0 : index
    %get3A_0 = arith.constant 0 : index
    %get3A_1 = arith.constant 0 : index
    %get3A_2 = vector.load %arg1[%get3A, %get3A_0, %get3A_1] : memref<2x2000x128xf32, #tpu.memory_space<vmem>>, vector<2x2000x128xf32>
    %slice3A = vector.extract_strided_slice %get3A_2 {offsets = [0, 0, 0], sizes = [1, 2000, 128], strides = [1, 1, 1]} : vector<2x2000x128xf32> to vector<1x2000x128xf32>
    %squeeze3A = vector.shape_cast %slice3A : vector<1x2000x128xf32> to vector<2000x128xf32>
    %slice3A_3 = vector.extract_strided_slice %get3A_2 {offsets = [1, 0, 0], sizes = [1, 2000, 128], strides = [1, 1, 1]} : vector<2x2000x128xf32> to vector<1x2000x128xf32>
    %squeeze3A_4 = vector.shape_cast %slice3A_3 : vector<1x2000x128xf32> to vector<2000x128xf32>
    %add3A = arith.addf %squeeze3A, %squeeze3A_4 : vector<2000x128xf32>
    %get3A_5 = arith.constant 0 : index
    %get3A_6 = arith.constant 0 : index
    %get3A_7 = arith.constant 0 : index
    %get3A_8 = vector.load %arg2[%get3A_5, %get3A_6, %get3A_7] : memref<2x2000x128xf32, #tpu.memory_space<vmem>>, vector<2x2000x128xf32>
    %slice3A_9 = vector.extract_strided_slice %get3A_8 {offsets = [0, 0, 0], sizes = [1, 2000, 128], strides = [1, 1, 1]} : vector<2x2000x128xf32> to vector<1x2000x128xf32>
    %squeeze3A_10 = vector.shape_cast %slice3A_9 : vector<1x2000x128xf32> to vector<2000x128xf32>
    %slice3A_11 = vector.extract_strided_slice %squeeze3A_10 {offsets = [0, 0], sizes = [2000, 1], strides = [1, 1]} : vector<2000x128xf32> to vector<2000x1xf32>
    %slice3A_12 = vector.extract_strided_slice %get3A_8 {offsets = [1, 0, 0], sizes = [1, 2000, 128], strides = [1, 1, 1]} : vector<2x2000x128xf32> to vector<1x2000x128xf32>
    %squeeze3A_13 = vector.shape_cast %slice3A_12 : vector<1x2000x128xf32> to vector<2000x128xf32>
    %slice3A_14 = vector.extract_strided_slice %squeeze3A_13 {offsets = [0, 0], sizes = [2000, 1], strides = [1, 1]} : vector<2000x128xf32> to vector<2000x1xf32>
    %add3A_15 = arith.addf %slice3A_11, %slice3A_14 : vector<2000x1xf32>
    %max3A = arith.constant 1.000000e+00 : f32
    %max3A_16 = vector.broadcast %max3A : f32 to vector<2000x1xf32>
    %max3A_17 = arith.maximumf %add3A_15, %max3A_16 : vector<2000x1xf32>
    %div3A = vector.broadcast %max3A_17 : vector<2000x1xf32> to vector<2000x128xf32>
    %div3A_18 = arith.divf %add3A, %div3A : vector<2000x128xf32>
    %get3A_19 = arith.constant 0 : index
    %get3A_20 = arith.constant 0 : index
    %get3A_21 = vector.load %arg4[%get3A_19, %get3A_20] : memref<128x128xf32, #tpu.memory_space<vmem>>, vector<128x128xf32>
    %dot_general3A = arith.constant dense<0.000000e+00> : vector<2000x128xf32>
    %dot_general3A_22 = tpu.matmul %div3A_18, %get3A_21, %dot_general3A {dimension_numbers = #tpu.dot_dimension_numbers<[1], [0], [0], [1], [0, 0, 1, 1], [], []>, transpose_lhs_hint = false} : vector<2000x128xf32>, vector<128x128xf32>, vector<2000x128xf32> -> vector<2000x128xf32>
    %get3A_23 = arith.constant 0 : index
    %get3A_24 = arith.constant 0 : index
    %get3A_25 = vector.load %arg5[%get3A_23, %get3A_24] : memref<1x128xf32, #tpu.memory_space<vmem>>, vector<1x128xf32>
    %add3A_26 = vector.broadcast %get3A_25 : vector<1x128xf32> to vector<2000x128xf32>
    %add3A_27 = arith.addf %dot_general3A_22, %add3A_26 : vector<2000x128xf32>
    %get3A_28 = arith.constant 0 : index
    %get3A_29 = arith.constant 0 : index
    %get3A_30 = vector.load %arg3[%get3A_28, %get3A_29] : memref<2000x128xf32, #tpu.memory_space<vmem>>, vector<2000x128xf32>
    %get3A_31 = arith.constant 0 : index
    %get3A_32 = arith.constant 0 : index
    %get3A_33 = vector.load %arg6[%get3A_31, %get3A_32] : memref<128x128xf32, #tpu.memory_space<vmem>>, vector<128x128xf32>
    %dot_general3A_34 = arith.constant dense<0.000000e+00> : vector<2000x128xf32>
    %dot_general3A_35 = tpu.matmul %get3A_30, %get3A_33, %dot_general3A_34 {dimension_numbers = #tpu.dot_dimension_numbers<[1], [0], [0], [1], [0, 0, 1, 1], [], []>, transpose_lhs_hint = false} : vector<2000x128xf32>, vector<128x128xf32>, vector<2000x128xf32> -> vector<2000x128xf32>
    %add3A_36 = arith.addf %add3A_27, %dot_general3A_35 : vector<2000x128xf32>
    %max3A_37 = arith.constant 0.000000e+00 : f32
    %max3A_38 = vector.broadcast %max3A_37 : f32 to vector<2000x128xf32>
    %max3A_39 = arith.maximumf %add3A_36, %max3A_38 : vector<2000x128xf32>
    %get3A_40 = arith.constant 0 : index
    %get3A_41 = arith.constant 0 : index
    %get3A_42 = vector.load %arg7[%get3A_40, %get3A_41] : memref<128x64xf32, #tpu.memory_space<vmem>>, vector<128x64xf32>
    %dot_general3A_43 = arith.constant dense<0.000000e+00> : vector<2000x64xf32>
    %dot_general3A_44 = tpu.matmul %max3A_39, %get3A_42, %dot_general3A_43 {dimension_numbers = #tpu.dot_dimension_numbers<[1], [0], [0], [1], [0, 0, 1, 1], [], []>, transpose_lhs_hint = false} : vector<2000x128xf32>, vector<128x64xf32>, vector<2000x64xf32> -> vector<2000x64xf32>
    %get3A_45 = arith.constant 0 : index
    %get3A_46 = arith.constant 0 : index
    %get3A_47 = vector.load %arg8[%get3A_45, %get3A_46] : memref<1x64xf32, #tpu.memory_space<vmem>>, vector<1x64xf32>
    %add3A_48 = vector.broadcast %get3A_47 : vector<1x64xf32> to vector<2000x64xf32>
    %add3A_49 = arith.addf %dot_general3A_44, %add3A_48 : vector<2000x64xf32>
    %swap3A = arith.constant 0 : index
    %swap3A_50 = arith.constant 0 : index
    %swap3A_51 = vector.load %arg9[%swap3A, %swap3A_50] : memref<2000x64xf32, #tpu.memory_space<vmem>>, vector<2000x64xf32>
    tpu.vector_store %arg9[%swap3A, %swap3A_50], %add3A_49 {strides = array<i32>} : memref<2000x64xf32, #tpu.memory_space<vmem>>, vector<2000x64xf32>,
    %reduce_sum3A = arith.constant dense<0.000000e+00> : vector<128xf32>
    %reduce_sum3A_52 = vector.multi_reduction <add>, %add3A_36, %reduce_sum3A [0] : vector<2000x128xf32> to vector<128xf32>
    %broadcast_in_dim3A = vector.shape_cast %reduce_sum3A_52 : vector<128xf32> to vector<1x128xf32>
    %mul3A = arith.constant 9.99999974E-5 : f32
    %mul3A_53 = vector.broadcast %mul3A : f32 to vector<1x128xf32>
    %mul3A_54 = arith.mulf %broadcast_in_dim3A, %mul3A_53 : vector<1x128xf32>
    %eq3A = arith.constant 0 : i32
    %eq3A_55 = arith.cmpi eq, %arg0, %eq3A : i32
    %convert_element_type3A = arith.extui %eq3A_55 : i1 to i32
    %cond3A = arith.constant 0 : i32
    %cond3A_56 = arith.cmpi ne, %convert_element_type3A, %cond3A : i32
    scf.if %cond3A_56 {
      %swap3A_61 = arith.constant 0 : index
      %swap3A_62 = arith.constant 0 : index
      %swap3A_63 = vector.load %arg10[%swap3A_61, %swap3A_62] : memref<1x128xf32, #tpu.memory_space<vmem>>, vector<1x128xf32>
      tpu.vector_store %arg10[%swap3A_61, %swap3A_62], %mul3A_54 {strides = array<i32>} : memref<1x128xf32, #tpu.memory_space<vmem>>, vector<1x128xf32>,
    } else {
    }
    %ne3A = arith.constant 0 : i32
    %ne3A_57 = arith.cmpi ne, %arg0, %ne3A : i32
    %convert_element_type3A_58 = arith.extui %ne3A_57 : i1 to i32
    %cond3A_59 = arith.constant 0 : i32
    %cond3A_60 = arith.cmpi ne, %convert_element_type3A_58, %cond3A_59 : i32
    scf.if %cond3A_60 {
      %get3A_61 = arith.constant 0 : index
      %get3A_62 = arith.constant 0 : index
      %get3A_63 = vector.load %arg10[%get3A_61, %get3A_62] : memref<1x128xf32, #tpu.memory_space<vmem>>, vector<1x128xf32>
      %add3A_64 = arith.addf %get3A_63, %mul3A_54 : vector<1x128xf32>
      %swap3A_65 = arith.constant 0 : index
      %swap3A_66 = arith.constant 0 : index
      %swap3A_67 = vector.load %arg10[%swap3A_65, %swap3A_66] : memref<1x128xf32, #tpu.memory_space<vmem>>, vector<1x128xf32>
      tpu.vector_store %arg10[%swap3A_65, %swap3A_66], %add3A_64 {strides = array<i32>} : memref<1x128xf32, #tpu.memory_space<vmem>>, vector<1x128xf32>,
    } else {
    }
    return
  }
  func.func @transform_0(%arg0: i32) -> (i32, i32, i32) {
    %c0_i32 = arith.constant 0 : i32
    %c0_i32_0 = arith.constant 0 : i32
    %c0_i32_1 = arith.constant 0 : i32
    return %c0_i32, %arg0, %c0_i32_0 : i32, i32, i32
  }
  func.func @transform_1(%arg0: i32) -> (i32, i32, i32) {
    %c0_i32 = arith.constant 0 : i32
    %c0_i32_0 = arith.constant 0 : i32
    %c0_i32_1 = arith.constant 0 : i32
    return %c0_i32, %arg0, %c0_i32_0 : i32, i32, i32
  }
  func.func @transform_2(%arg0: i32) -> (i32, i32) {
    %c0_i32 = arith.constant 0 : i32
    %c0_i32_0 = arith.constant 0 : i32
    return %arg0, %c0_i32 : i32, i32
  }
  func.func @transform_3(%arg0: i32) -> (i32, i32) {
    %c0_i32 = arith.constant 0 : i32
    %c0_i32_0 = arith.constant 0 : i32
    %c0_i32_1 = arith.constant 0 : i32
    return %c0_i32, %c0_i32_0 : i32, i32
  }
  func.func @transform_4(%arg0: i32) -> (i32, i32) {
    %c0_i32 = arith.constant 0 : i32
    %c0_i32_0 = arith.constant 0 : i32
    %c0_i32_1 = arith.constant 0 : i32
    return %c0_i32, %c0_i32_0 : i32, i32
  }
  func.func @transform_5(%arg0: i32) -> (i32, i32) {
    %c0_i32 = arith.constant 0 : i32
    %c0_i32_0 = arith.constant 0 : i32
    %c0_i32_1 = arith.constant 0 : i32
    return %c0_i32, %c0_i32_0 : i32, i32
  }
  func.func @transform_6(%arg0: i32) -> (i32, i32) {
    %c0_i32 = arith.constant 0 : i32
    %c0_i32_0 = arith.constant 0 : i32
    %c0_i32_1 = arith.constant 0 : i32
    return %c0_i32, %c0_i32_0 : i32, i32
  }
  func.func @transform_7(%arg0: i32) -> (i32, i32) {
    %c0_i32 = arith.constant 0 : i32
    %c0_i32_0 = arith.constant 0 : i32
    %c0_i32_1 = arith.constant 0 : i32
    return %c0_i32, %c0_i32_0 : i32, i32
  }
  func.func @transform_8(%arg0: i32) -> (i32, i32) {
    %c0_i32 = arith.constant 0 : i32
    %c0_i32_0 = arith.constant 0 : i32
    return %arg0, %c0_i32 : i32, i32
  }
  func.func @transform_9(%arg0: i32) -> (i32, i32) {
    %c0_i32 = arith.constant 0 : i32
    %c0_i32_0 = arith.constant 0 : i32
    %c0_i32_1 = arith.constant 0 : i32
    return %c0_i32, %c0_i32_0 : i32, i32
  }
}

module attributes {stable_mosaic.version = 14 : i64} {
  func.func @_tc1_body(%arg0: i32, %arg1: memref<2x2000x128xf32, #tpu.memory_space<vmem>>, %arg2: memref<2x2000x128xf32, #tpu.memory_space<vmem>>, %arg3: memref<2000x128xf32, #tpu.memory_space<vmem>>, %arg4: memref<128x128xf32, #tpu.memory_space<vmem>>, %arg5: memref<1x128xf32, #tpu.memory_space<vmem>>, %arg6: memref<128x128xf32, #tpu.memory_space<vmem>>, %arg7: memref<2000x128xf32, #tpu.memory_space<vmem>>) attributes {dimension_semantics = [#tpu.dimension_semantics<arbitrary>], iteration_bounds = array<i64: 5>, scalar_prefetch = 0 : i64, scratch_operands = 0 : i64, tpu.core_type = #tpu.core_type<tc>, window_params = [{transform_indices = @transform_0, window_bounds = array<i64: 2, 2000, 128>}, {transform_indices = @transform_1, window_bounds = array<i64: 2, 2000, 128>}, {transform_indices = @transform_2, window_bounds = array<i64: 2000, 128>}, {pipeline_mode = #tpu.pipeline_mode<synchronous>, transform_indices = @transform_3, window_bounds = array<i64: 128, 128>}, {pipeline_mode = #tpu.pipeline_mode<synchronous>, transform_indices = @transform_4, window_bounds = array<i64: 1, 128>}, {pipeline_mode = #tpu.pipeline_mode<synchronous>, transform_indices = @transform_5, window_bounds = array<i64: 128, 128>}, {transform_indices = @transform_6, window_bounds = array<i64: 2000, 128>}]} {
    %get3A = arith.constant 0 : index
    %get3A_0 = arith.constant 0 : index
    %get3A_1 = arith.constant 0 : index
    %get3A_2 = vector.load %arg1[%get3A, %get3A_0, %get3A_1] : memref<2x2000x128xf32, #tpu.memory_space<vmem>>, vector<2x2000x128xf32>
    %slice3A = vector.extract_strided_slice %get3A_2 {offsets = [0, 0, 0], sizes = [1, 2000, 128], strides = [1, 1, 1]} : vector<2x2000x128xf32> to vector<1x2000x128xf32>
    %squeeze3A = vector.shape_cast %slice3A : vector<1x2000x128xf32> to vector<2000x128xf32>
    %slice3A_3 = vector.extract_strided_slice %get3A_2 {offsets = [1, 0, 0], sizes = [1, 2000, 128], strides = [1, 1, 1]} : vector<2x2000x128xf32> to vector<1x2000x128xf32>
    %squeeze3A_4 = vector.shape_cast %slice3A_3 : vector<1x2000x128xf32> to vector<2000x128xf32>
    %add3A = arith.addf %squeeze3A, %squeeze3A_4 : vector<2000x128xf32>
    %get3A_5 = arith.constant 0 : index
    %get3A_6 = arith.constant 0 : index
    %get3A_7 = arith.constant 0 : index
    %get3A_8 = vector.load %arg2[%get3A_5, %get3A_6, %get3A_7] : memref<2x2000x128xf32, #tpu.memory_space<vmem>>, vector<2x2000x128xf32>
    %slice3A_9 = vector.extract_strided_slice %get3A_8 {offsets = [0, 0, 0], sizes = [1, 2000, 128], strides = [1, 1, 1]} : vector<2x2000x128xf32> to vector<1x2000x128xf32>
    %squeeze3A_10 = vector.shape_cast %slice3A_9 : vector<1x2000x128xf32> to vector<2000x128xf32>
    %slice3A_11 = vector.extract_strided_slice %squeeze3A_10 {offsets = [0, 0], sizes = [2000, 1], strides = [1, 1]} : vector<2000x128xf32> to vector<2000x1xf32>
    %slice3A_12 = vector.extract_strided_slice %get3A_8 {offsets = [1, 0, 0], sizes = [1, 2000, 128], strides = [1, 1, 1]} : vector<2x2000x128xf32> to vector<1x2000x128xf32>
    %squeeze3A_13 = vector.shape_cast %slice3A_12 : vector<1x2000x128xf32> to vector<2000x128xf32>
    %slice3A_14 = vector.extract_strided_slice %squeeze3A_13 {offsets = [0, 0], sizes = [2000, 1], strides = [1, 1]} : vector<2000x128xf32> to vector<2000x1xf32>
    %add3A_15 = arith.addf %slice3A_11, %slice3A_14 : vector<2000x1xf32>
    %max3A = arith.constant 1.000000e+00 : f32
    %max3A_16 = vector.broadcast %max3A : f32 to vector<2000x1xf32>
    %max3A_17 = arith.maximumf %add3A_15, %max3A_16 : vector<2000x1xf32>
    %div3A = vector.broadcast %max3A_17 : vector<2000x1xf32> to vector<2000x128xf32>
    %div3A_18 = arith.divf %add3A, %div3A : vector<2000x128xf32>
    %get3A_19 = arith.constant 0 : index
    %get3A_20 = arith.constant 0 : index
    %get3A_21 = vector.load %arg4[%get3A_19, %get3A_20] : memref<128x128xf32, #tpu.memory_space<vmem>>, vector<128x128xf32>
    %dot_general3A = arith.constant dense<0.000000e+00> : vector<2000x128xf32>
    %dot_general3A_22 = tpu.matmul %div3A_18, %get3A_21, %dot_general3A {dimension_numbers = #tpu.dot_dimension_numbers<[1], [0], [0], [1], [0, 0, 1, 1], [], []>, transpose_lhs_hint = false} : vector<2000x128xf32>, vector<128x128xf32>, vector<2000x128xf32> -> vector<2000x128xf32>
    %get3A_23 = arith.constant 0 : index
    %get3A_24 = arith.constant 0 : index
    %get3A_25 = vector.load %arg5[%get3A_23, %get3A_24] : memref<1x128xf32, #tpu.memory_space<vmem>>, vector<1x128xf32>
    %add3A_26 = vector.broadcast %get3A_25 : vector<1x128xf32> to vector<2000x128xf32>
    %add3A_27 = arith.addf %dot_general3A_22, %add3A_26 : vector<2000x128xf32>
    %get3A_28 = arith.constant 0 : index
    %get3A_29 = arith.constant 0 : index
    %get3A_30 = vector.load %arg3[%get3A_28, %get3A_29] : memref<2000x128xf32, #tpu.memory_space<vmem>>, vector<2000x128xf32>
    %get3A_31 = arith.constant 0 : index
    %get3A_32 = arith.constant 0 : index
    %get3A_33 = vector.load %arg6[%get3A_31, %get3A_32] : memref<128x128xf32, #tpu.memory_space<vmem>>, vector<128x128xf32>
    %dot_general3A_34 = arith.constant dense<0.000000e+00> : vector<2000x128xf32>
    %dot_general3A_35 = tpu.matmul %get3A_30, %get3A_33, %dot_general3A_34 {dimension_numbers = #tpu.dot_dimension_numbers<[1], [0], [0], [1], [0, 0, 1, 1], [], []>, transpose_lhs_hint = false} : vector<2000x128xf32>, vector<128x128xf32>, vector<2000x128xf32> -> vector<2000x128xf32>
    %add3A_36 = arith.addf %add3A_27, %dot_general3A_35 : vector<2000x128xf32>
    %max3A_37 = arith.constant 0.000000e+00 : f32
    %max3A_38 = vector.broadcast %max3A_37 : f32 to vector<2000x128xf32>
    %max3A_39 = arith.maximumf %add3A_36, %max3A_38 : vector<2000x128xf32>
    %swap3A = arith.constant 0 : index
    %swap3A_40 = arith.constant 0 : index
    %swap3A_41 = vector.load %arg7[%swap3A, %swap3A_40] : memref<2000x128xf32, #tpu.memory_space<vmem>>, vector<2000x128xf32>
    tpu.vector_store %arg7[%swap3A, %swap3A_40], %max3A_39 {strides = array<i32>} : memref<2000x128xf32, #tpu.memory_space<vmem>>, vector<2000x128xf32>,
    return
  }
  func.func @transform_0(%arg0: i32) -> (i32, i32, i32) {
    %c0_i32 = arith.constant 0 : i32
    %c0_i32_0 = arith.constant 0 : i32
    %c0_i32_1 = arith.constant 0 : i32
    return %c0_i32, %arg0, %c0_i32_0 : i32, i32, i32
  }
  func.func @transform_1(%arg0: i32) -> (i32, i32, i32) {
    %c0_i32 = arith.constant 0 : i32
    %c0_i32_0 = arith.constant 0 : i32
    %c0_i32_1 = arith.constant 0 : i32
    return %c0_i32, %arg0, %c0_i32_0 : i32, i32, i32
  }
  func.func @transform_2(%arg0: i32) -> (i32, i32) {
    %c0_i32 = arith.constant 0 : i32
    %c0_i32_0 = arith.constant 0 : i32
    return %arg0, %c0_i32 : i32, i32
  }
  func.func @transform_3(%arg0: i32) -> (i32, i32) {
    %c0_i32 = arith.constant 0 : i32
    %c0_i32_0 = arith.constant 0 : i32
    %c0_i32_1 = arith.constant 0 : i32
    return %c0_i32, %c0_i32_0 : i32, i32
  }
  func.func @transform_4(%arg0: i32) -> (i32, i32) {
    %c0_i32 = arith.constant 0 : i32
    %c0_i32_0 = arith.constant 0 : i32
    %c0_i32_1 = arith.constant 0 : i32
    return %c0_i32, %c0_i32_0 : i32, i32
  }
  func.func @transform_5(%arg0: i32) -> (i32, i32) {
    %c0_i32 = arith.constant 0 : i32
    %c0_i32_0 = arith.constant 0 : i32
    %c0_i32_1 = arith.constant 0 : i32
    return %c0_i32, %c0_i32_0 : i32, i32
  }
  func.func @transform_6(%arg0: i32) -> (i32, i32) {
    %c0_i32 = arith.constant 0 : i32
    %c0_i32_0 = arith.constant 0 : i32
    return %arg0, %c0_i32 : i32, i32
  }
}

</mosaic_0001>

<sc_bundles>
// kernel: kernel.10.cloned.1.call-start
scs
__scs_entry_jumppad:
0x0: {  	(pc) =	sbr.rel $0x88, $3  }
0x1: {  	(tag) =	ssettag $0x0;
	lr =	simm.s32 $0x1  }
0x2: {  	[smem:$0x3F96] =	sst lr;
	_ =	strace $0xD0000000  }
0x3: {  	_ = 	snop  }
0x4: {  	_ = 	snop  }
0x5: {  	_ = 	snop  }
0x6: {  	_ = 	snop  }
0x7: {  	_ = 	snop  }
__scs_overlays_trampoline_lowered:
0x8: {  	[smem:$0x3FA5] =	sst s0  }
0x9: {  	[smem:$0x3FA6] =	sst s1  }
0xa: {  	[smem:$0x3FA7] =	sst s2  }
0xb: {  	[smem:$0x3FA8] =	sst s3  }
0xc: {  	[smem:$0x3FA9] =	sst s4  }
0xd: {  	[smem:$0x3FAA] =	sst s5  }
0xe: {  	[smem:$0x3FAB] =	sst s6  }
0xf: {  	[smem:$0x3FAC] =	sst s7  }
0x10: {  	[smem:$0x3FAD] =	sst s8  }
0x11: {  	[smem:$0x3FAE] =	sst s9;
	s0 =	simm.s32 @!p0 $0x0  }
0x12: {  	s1 =	sld [smem:$0x3F94];
	s0 =	simm.s32 @p0 $0x1  }
0x13: {  	[smem:$0x3FAF] =	sst s0;
	s0 =	simm.s32 @!p1 $0x0  }
0x14: {  	s2 =	sld [smem:$0x3F93];
	s0 =	simm.s32 @p1 $0x1  }
0x15: {  	[smem:$0x3FB0] =	sst s0;
	s0 =	simm.s32 @!p2 $0x0  }
0x16: {  	s3 =	sld [smem:$0x3FDB];
	s0 =	simm.s32 @p2 $0x1  }
0x17: {  	s4 =	simm.s32 $0x1BF5;
	[smem:$0x3FB2] =	sst s0  }
0x18: {  	s0 =	sld [smem:$0x3F95];
	_ =	swait.ge [sflag:s4], $0x0  }
0x19: {  	s7 =	sld [smem:$0x3F96]  }
0x1a: {  	s8 =	sadd.s32 $0xFFFFE003, lr  }
0x1b: {  	s9 =	sadd.s32 $0xFFFFFEF7, lr;
	s5 =	simm.s32 $0xFFFFFFFF;
	p2 =	slt.u32 s8, $0xFFFFF086  }
0x1c: {  	p1 =	slt.u32 s9, $0xF7A;
	s5 =	simm.s32 @!p2 $0x0  }
0x1d: {  	s5 =	simm.s32 @p1 $0x1;
	p0 =	seq.s32 s7, s2  }
0x1e: {  	s7 =	smul.u32 @!p0 $0xF7A, s2;
	p2 =	seq.s32 @!p0 s5, $0x0  }
0x1f: {  	s9 =	smul.u32 $0xF7A, s1;
	s8 =	simm.s32 @!p0 $0x1BF5;
	p2 =	por !p2, p0  }
0x20: {  	[sflag:s8] =	ssyncset.s32 @!p0 $0xFFFFF086;
	s6 =	sadd.s32 @!p0 s3, s7;
	s7 =	simm.s32 @!p0 $0x108  }
0x21: {  	s3 =	sadd.s32 s3, s9;
	s6 =	sadd.s32 @!p0 $0x88, s6;
	s7 =	simm.s32 @p2 $0x1082  }
0x22: {  	[simem:s7], [sflag:s8] =	dma.local @!p0 [hbm:s6], $0xF7A  }
0x23: {  	s9 =	sor.u32 $0xD0000000, s2;
	s6 =	simm.s32 $0x108;
	_ =	swait.ge @!p0 [sflag:s8], $0x0  }
0x24: {  	s3 =	sadd.s32 $0x88, s3;
	s6 =	simm.s32 @!p1 $0x1082;
	[sflag:s4] =	ssyncset.s32 $0xFFFFF086  }
0x25: {  	[simem:s6], [sflag:s4] =	dma.local [hbm:s3], $0xF7A  }
0x26: {  	[smem:$0x3F96] =	sst s1;
	(tag) =	ssettag s2;
	_ =	strace s9  }
0x27: {  	s1 =	sld [smem:$0x3FA6]  }
0x28: {  	s2 =	sld [smem:$0x3FA7]  }
0x29: {  	s4 =	sld [smem:$0x3FA9]  }
0x2a: {  	p0 =	seq.s32 s5, $0x0;
	s5 =	sld [smem:$0x3FAA]  }
0x2b: {  	s6 =	sld [smem:$0x3FAB]  }
0x2c: {  	s7 =	sld [smem:$0x3FAC]  }
0x2d: {  	s3 =	simm.s32 $0x108;
	s8 =	sld [smem:$0x3FAD]  }
0x2e: {  	s3 =	simm.s32 @!p0 $0x1082;
	s9 =	sld [smem:$0x3FAE]  }
0x2f: {  	lr =	sadd.s32 s0, s3;
	s0 =	sld [smem:$0x3FA5]  }
0x30: {  	s3 =	sld [smem:$0x3FA8]  }
0x31: {  	[smem:$0x3FB1] =	sst s10  }
0x32: {  	s10 =	sld [smem:$0x3FAF];
	_ =	sdelay $0x3  }
0x33: {  	p0 =	seq.s32 s10, $0x1;
	s10 =	sld [smem:$0x3FB1];
	_ =	sdelay $0x3  }
0x34: {  	[smem:$0x3FB1] =	sst s10  }
0x35: {  	s10 =	sld [smem:$0x3FB0];
	_ =	sdelay $0x3  }
0x36: {  	p1 =	seq.s32 s10, $0x1;
	s10 =	sld [smem:$0x3FB1];
	_ =	sdelay $0x3  }
0x37: {  	[smem:$0x3FB1] =	sst s10  }
0x38: {  	s10 =	sld [smem:$0x3FB2]  }
0x39: {  	_ = 	snop;
	(pc) =	sbr.ind lr, $3  }
0x3a: {  	_ = 	snop  }
0x3b: {  	_ = 	snop  }
0x3c: {  	p2 =	seq.s32 s10, $0x1;
	s10 =	sld [smem:$0x3FB1]  }
0x3d: {  	_ =	shalt  }
0x3e: {  	_ =	shalt  }
0x3f: {  	_ =	shalt  }
0x40: {  	_ =	shalt  }
0x41: {  	_ =	shalt  }
0x42: {  	_ =	shalt  }
0x43: {  	_ =	shalt  }
0x44: {  	_ =	shalt  }
0x45: {  	_ =	shalt  }
0x46: {  	_ =	shalt  }
0x47: {  	_ =	shalt  }
0x48: {  	_ =	shalt  }
0x49: {  	_ =	shalt  }
0x4a: {  	_ =	shalt  }
0x4b: {  	_ =	shalt  }
0x4c: {  	_ =	shalt  }
0x4d: {  	_ =	shalt  }
0x4e: {  	_ =	shalt  }
0x4f: {  	_ =	shalt  }
0x50: {  	_ =	shalt  }
0x51: {  	_ =	shalt  }
0x52: {  	_ =	shalt  }
0x53: {  	_ =	shalt  }
0x54: {  	_ =	shalt  }
0x55: {  	_ =	shalt  }
0x56: {  	_ =	shalt  }
0x57: {  	_ =	shalt  }
0x58: {  	_ =	shalt  }
0x59: {  	_ =	shalt  }
0x5a: {  	_ =	shalt  }
0x5b: {  	_ =	shalt  }
0x5c: {  	_ =	shalt  }
0x5d: {  	_ =	shalt  }
0x5e: {  	_ =	shalt  }
0x5f: {  	_ =	shalt  }
0x60: {  	_ =	shalt  }
0x61: {  	_ =	shalt  }
0x62: {  	_ =	shalt  }
0x63: {  	_ =	shalt  }
0x64: {  	_ =	shalt  }
0x65: {  	_ =	shalt  }
0x66: {  	_ =	shalt  }
0x67: {  	_ =	shalt  }
0x68: {  	_ =	shalt  }
0x69: {  	_ =	shalt  }
0x6a: {  	_ =	shalt  }
0x6b: {  	_ =	shalt  }
0x6c: {  	_ =	shalt  }
0x6d: {  	_ =	shalt  }
0x6e: {  	_ =	shalt  }
0x6f: {  	_ =	shalt  }
0x70: {  	_ =	shalt  }
0x71: {  	_ =	shalt  }
0x72: {  	_ =	shalt  }
0x73: {  	_ =	shalt  }
0x74: {  	_ =	shalt  }
0x75: {  	_ =	shalt  }
0x76: {  	_ =	shalt  }
0x77: {  	_ =	shalt  }
0x78: {  	_ =	shalt  }
0x79: {  	_ =	shalt  }
0x7a: {  	_ =	shalt  }
0x7b: {  	_ =	shalt  }
0x7c: {  	_ =	shalt  }
0x7d: {  	_ =	shalt  }
0x7e: {  	_ =	shalt  }
0x7f: {  	_ =	shalt  }
0x80: {  	_ =	shalt  }
0x81: {  	_ =	shalt  }
0x82: {  	_ =	shalt  }
0x83: {  	_ =	shalt  }
0x84: {  	_ =	shalt  }
0x85: {  	_ =	shalt  }
0x86: {  	_ =	shalt  }
0x87: {  	_ =	shalt  }
.Lfunc_end0:
.L_simem_size_0:
called_computation.1_lowered:
.L_overlay_start_0:
0x88: {  	s2 =	sld [smem:$0x3FD9]  }
0x89: {  	s3 =	sld [smem:$0x3FFE];
	_ =	sdelay $0x1  }
0x8a: {  	s1 =	srdreg.scid  }
0x8b: {  	s0 =	sand.u32 $0x1, s1  }
0x8c: {  	s14 =	sshll.u32 s0, $0xA;
	s2 =	sadd.s32 s3, s2  }
0x8d: {  	s2 =	sadd.s32 s2, s14  }
0x8e: {  	[smem:$0x3FBD] =	sst s2  }
0x8f: {  	_ = 	snop  }
0x90: {  	s2 =	sld [smem:$0x3FD0];
	_ =	sdelay $0x1  }
0x91: {  	s15 =	sld [smem:$0x3FC9]  }
0x92: {  	s5 =	simm.s32 $0xB;
	s6 =	simm.s32 $0x10;
	s4 =	sld [smem:$0x3FC7]  }
0x93: {  	[smem:s6], [sflag:s5] =	dma.local [hbm:s2], $0x1  }
0x94: {  	_ =	swait.eq [sflag:s5], $0x1  }
0x95: {  	[sflag:s5] =	ssyncset.done $0x0  }
0x96: {  	[sflag:s5] =	ssyncadd.s32 $0xFFFFFFFF  }
0x97: {  	s16 =	sld [smem:$0x10];
	(tm) =	ssettm $0x1  }
0x98: {  	s17 =	sld [smem:$0x3FFB];
	_ =	sdelay $0x3  }
0x99: {  	_ =	strace s17  }
0x9a: {  	s5 =	sld [smem:$0x3FFC];
	_ =	sdelay $0x3  }
0x9b: {  	_ =	strace s5  }
0x9c: {  	s5 =	sld [smem:$0x3FFD];
	_ =	sdelay $0x3  }
0x9d: {  	_ =	strace s5  }
0x9e: {  	_ =	strace $0x8FFFFFFF  }
0x9f: {  	s18 =	sld [smem:$0x3FDB];
	_ =	sdelay $0x1  }
0xa0: {  	s19 =	simm.s32 $_scs_section_size  }
0xa1: {  	s7 =	simm.s32 $_size__tile_overlayer_lowered;
	s8 =	simm.s32 $_tile_overlayer_lowered  }
0xa2: {  	s22 =	simm.s32 $0x1BFF;
	s21 =	sshll.u32 s8, $0x1;
	s5 =	sadd.s32 s19, s18  }
0xa3: {  	s9 =	simm.s32 $0x0;
	s20 =	sshll.u32 s7, $0x1;
	s7 =	sadd.s32 s21, s5  }
0xa4: {  	[timem:s9], [sflag:s22] =	dma.local [hbm:s7], s20  }
0xa5: {  	_ =	swait.ge [sflag:s22], s20  }
0xa6: {  	s6 =	ssub.s32 $0x0, s20;
	[sflag:s22] =	ssyncset.done $0x0  }
0xa7: {  	[sflag:s22] =	ssyncadd.s32 s6;
	_ =	sdelay $0x1  }
0xa8: {  	s23 =	simm.s32 $0x1B8B  }
0xa9: {  	_ =	swait.ge [sflag:s23], $0x1  }
0xaa: {  	[sflag:s23] =	ssyncset.done $0x0  }
0xab: {  	s25 =	simm.s32 $0x1B8E;
	s24 =	sld [smem:$0x3FFE];
	[sflag:s23] =	ssyncadd.s32 $0xFFFFFFFF  }
0xac: {  	s26 =	simm.s32 $execute0_lowered;
	[smem:$0x3FD2] =	sst s25  }
0xad: {  	s7 =	sshll.u32 s26, $0x1;
	_ =	strace $0x80000046;
	[dreg:$0x1] =	wrdreg $0xFFFFFFFF  }
0xae: {  	s28 =	simm.s32 $_size_execute0_lowered;
	s5 =	sadd.s32 s5, s7;
	[dreg:$0x0] =	wrdreg $0x0  }
0xaf: {  	s7 =	sshll.u32 s28, $0x1;
	[dreg:$0x2] =	wrdreg s5  }
0xb0: {  	[dreg:$0x3] =	wrdreg s7  }
0xb1: {  	[dreg:$0x4] =	wrdreg $0xC0  }
0xb2: {  	_ =	task [dreg:s9], $0x5FFFF  }
0xb3: {  	[dreg:$0x1] =	wrdreg $0xFFFFFFFF  }
0xb4: {  	[dreg:$0x0] =	wrdreg $0x60  }
0xb5: {  	[dreg:$0x2] =	wrdreg s15  }
0xb6: {  	[dreg:$0x3] =	wrdreg s24  }
0xb7: {  	[dreg:$0x4] =	wrdreg s16  }
0xb8: {  	[dreg:$0x5] =	wrdreg s4  }
0xb9: {  	[dreg:$0x6] =	wrdreg $0xA4000  }
0xba: {  	[dreg:$0x7] =	wrdreg $0xA  }
0xbb: {  	_ =	task.clear_ibuf [dreg:s9], $0x8FFFF;
	_ =	strace $0x90000046  }
0xbc: {  	s29 =	simm.s32 $0xA;
	_ =	strace $0x80000048  }
0xbd: {  	_ =	swait.ge [sflag:s29], $0x1  }
0xbe: {  	[sflag:s29] =	ssyncadd.s32 $0xFFFFFFFF  }
0xbf: {  	_ =	strace $0x90000048  }
0xc0: {  	_ =	sfence  }
0xc1: {  	s30 =	sld [smem:$0x0];
	_ =	sdelay $0x2  }
0xc2: {  	s31 =	sshll.u32 s1, $0xD;
	s1 =	sshrl.u32 s1, $0x2  }
0xc3: {  	s3 =	sand.u32 $0x4000, s31;
	s1 =	sadd.s32 s1, s30  }
0xc4: {  	s0 =	sor.u32 s3, s0;
	s1 =	sshll.u32 s1, $0x11  }
0xc5: {  	s0 =	sor.u32 s1, s0  }
0xc6: {  	s0 =	sadd.s32 $0x8F2B, s0  }
0xc7: {  	[sflag:s0] =	ssyncadd.remote.s32 $0x1  }
0xc8: {  	_ =	sfence.sel $0xFFFF  }
0xc9: {  	[dreg:$0x0] =	wrdreg $0xFFFFFFFF;
	(pc) =	sbr.abs _section_cstart, $3  }
0xca: {  	[dreg:$0x1] =	wrdreg $0xFFFFFFFF  }
0xcb: {  	_ =	task.clear_ibuf [dreg:s9], $0x2FFFF;
	_ =	strace $0x9FFFFFFF  }
0xcc: {  	(tm) =	ssettm $0x7FFFFFFF  }
0xcd: {  	_ =	shalt  }
tec
execute0_lowered:
.L_overlay_start_1:
0x0: {  	(tag) =	ssettag $0x1  }
0x1: {  	s3 =	srdreg.scid;
	s24 =	stileid.u32  }
0x2: {  	s3 =	sand.u32 $0x1, s3;
	s8 =	smul.u32 $0x2800, s24  }
0x3: {  	s7 =	sor.u32 $0x10, s24;
	s6 =	smul.u32 $0x138800, s3  }
0x4: {  	s10 =	sor.u32 $0x20, s24;
	s11 =	smul.u32 $0x2800, s7  }
0x5: {  	s0 =	rddreg [dreg:$0x0];
	s13 =	sor.u32 $0x30, s24;
	s14 =	smul.u32 $0x2800, s10  }
0x6: {  	s2 =	rddreg [dreg:$0x1];
	s17 =	sor.u32 $0x40, s24;
	s16 =	smul.u32 $0x2800, s13  }
0x7: {  	s1 =	rddreg [dreg:$0x2];
	s19 =	sor.u32 $0x60, s24;
	s18 =	smul.u32 $0x2800, s17  }
0x8: {  	s4 =	rddreg [dreg:$0x3];
	s21 =	sor.u32 $0x70, s24;
	s22 =	smul.u32 $0x2800, s19  }
0x9: {  	s5 =	rddreg [dreg:$0x4];
	s23 =	smul.u32 $0x2800, s21  }
0xa: {  	s9 =	sadd.s32 $0xC400, s2;
	s12 =	ssub.s32 $0x2, s3;
	s7 =	smul.u32 $0xA000, s7  }
0xb: {  	s3 =	sshll.u32 s3, $0x4;
	s13 =	smul.u32 $0xA000, s13;
	s15 =	sshrl.u32 s12, $0x1  }
0xc: {  	p0 =	sgt.u32 s21, $0x7C;
	s3 =	sor.u32 s24, s3;
	s12 =	ssub.s32 s12, s15  }
0xd: {  	s15 =	sor.u32 $0x50, s24;
	s8 =	sadd.s32 s6, s8;
	s11 =	sadd.s32 s6, s11  }
0xe: {  	s14 =	sadd.s32 s6, s14;
	s16 =	sadd.s32 s6, s16;
	s18 =	sadd.s32 s6, s18  }
0xf: {  	s22 =	sadd.s32 s6, s22;
	s23 =	sadd.s32 s6, s23;
	s7 =	sshrl.u32 s7, $0x2  }
0x10: {  	s20 =	smul.u32 $0x2800, s15;
	s8 =	sshrl.u32 s8, $0x3;
	s11 =	sshrl.u32 s11, $0x3  }
0x11: {  	s25 =	sshrl.u32 s14, $0x3;
	s26 =	sshrl.u32 s16, $0x3;
	s31 =	sshrl.u32 s18, $0x3  }
0x12: {  	s16 =	sshrl.u32 s22, $0x3;
	s18 =	sshrl.u32 s23, $0x3;
	s22 =	simm.s32 $0x0  }
0x13: {  	s8 =	sadd.s32 s9, s8;
	s11 =	sadd.s32 s9, s11;
	[smem:$0x7FF] =	sst s22  }
0x14: {  	s22 =	smul.u32 $0xA000, s21;
	s21 =	simm.s32 $0x8;
	[dreg:$0x6] =	wrdreg s8  }
0x15: {  	s20 =	sadd.s32 s6, s20;
	[dreg:$0x7] =	wrdreg s11;
	s8 =	sadd.s32 s9, s25  }
0x16: {  	s6 =	smul.u32 $0x2710, s3;
	s11 =	sadd.s32 s9, s31;
	[dreg:$0x8] =	wrdreg s8  }
0x17: {  	s3 =	smul.u32 $0x27100, s3;
	s8 =	sadd.s32 s9, s26;
	[dreg:$0xa] =	wrdreg s11  }
0x18: {  	s14 =	sshrl.u32 s20, $0x3;
	s11 =	smax.u32 s12, $0x1;
	s12 =	smul.u32 $0xA000, s10  }
0x19: {  	s20 =	sadd.s32 s9, s18;
	s18 =	smul.u32 $0xA000, s15;
	[dreg:$0x9] =	wrdreg s8  }
0x1a: {  	s8 =	sadd.s32 s9, s14;
	[dreg:$0xd] =	wrdreg s20;
	s23 =	sshrl.u32 s6, $0x3  }
0x1b: {  	s3 =	sadd.s32 s4, s3;
	s14 =	smul.u32 $0xA000, s17;
	s17 =	sshrl.u32 s13, $0x2  }
0x1c: {  	s20 =	smul.u32 $0xA000, s19;
	s13 =	simm.s32 $0x4;
	s19 =	simm.s32 $0x5  }
0x1d: {  	[dreg:$0xb] =	wrdreg s8;
	s8 =	sadd.s32 s9, s16;
	s16 =	sadd.s32 $0x2600, s2  }
0x1e: {  	s26 =	sadd.s32 s1, s23;
	[dreg:$0xc] =	wrdreg s8;
	s25 =	sadd.s32 s16, s23  }
0x1f: {  	s2 =	sadd.s32 $0xA, s23;
	_ =	strace $0x80000047;
	[dreg:$0xe] =	wrdreg s25  }
0x20: {  	s9 =	smul.u32 $0xA000, s24;
	s31 =	sadd.s32 s16, s2;
	[dreg:$0xf] =	wrdreg s26  }
0x21: {  	s29 =	sadd.s32 s17, s5;
	s2 =	sadd.s32 s1, s2;
	[dreg:$0x10] =	wrdreg s31  }
0x22: {  	s17 =	simm.s32 $0x7C00;
	s23 =	sshrl.u32 s18, $0x2;
	[dreg:$0x11] =	wrdreg s2  }
0x23: {  	s8 =	simm.s32 $0x200;
	s18 =	simm.s32 $0x3;
	[dreg:$0x12] =	wrdreg s3  }
0x24: {  	[dreg:$0x13] =	wrdreg s11;
	s2 =	sshrl.u32 s9, $0x2;
	s26 =	sadd.s32 s7, s5  }
0x25: {  	s3 =	sshrl.u32 s12, $0x2;
	s31 =	sshrl.u32 s22, $0x2;
	s7 =	simm.s32 $0x9  }
0x26: {  	s9 =	simm.s32 $0x280;
	s11 =	simm.s32 $0x50;
	s12 =	simm.s32 $0x5400  }
0x27: {  	s22 =	simm.s32 $0x380;
	[dreg:$0x17] =	wrdreg s29;
	s25 =	sadd.s32 s2, s5  }
0x28: {  	s28 =	sadd.s32 s3, s5;
	s2 =	sshrl.u32 s14, $0x2;
	[dreg:$0x15] =	wrdreg s26  }
0x29: {  	s3 =	sshrl.u32 s20, $0x2;
	s30 =	sadd.s32 s2, s5;
	[dreg:$0x14] =	wrdreg s25  }
.Ltmp0:
0x2a: {  	s2 =	sadd.s32 s23, s5;
	[dreg:$0x16] =	wrdreg s28;
	(pc) =	sbr.rel .LBB2_1-.Ltmp0, $4  }
0x2b: {  	s14 =	simm.s32 $0x6;
	s24 =	sadd.s32 s3, s5;
	[dreg:$0x19] =	wrdreg s2  }
0x2c: {  	s20 =	simm.s32 $0x0;
	s3 =	simm.s32 $0x400;
	[dreg:$0x1a] =	wrdreg s24  }
0x2d: {  	s23 =	simm.s32 $0x7;
	s2 =	sadd.s32 s31, s5;
	[dreg:$0x18] =	wrdreg s30  }
0x2e: {  	v0 =	vimm.f32 $0.0e+00;
	s24 =	simm.s32 $0xA;
	[dreg:$0x1b] =	wrdreg s2;
	s2 =	sadd.s32 $0x190, s6  }
.LBB2_21:
0x2f: {  	[bflag:$0x0] =	sbarrier.arrive $0xFFFF  }
0x30: {  	s25 =	rddreg [dreg:$0x14]  }
0x31: {  	[tilespmem:s3], [sflag:$0xA] =	stream.linear.gather [spmem:s25], $0x2800, $0x38;
	[tilespmem:$0x1DC80] =	vst v63  }
0x32: {  	_ =	swait.ge [sflag:s24], $0x2800  }
0x33: {  	[sflag:s24] =	ssyncset.done $0x0  }
0x34: {  	s15 =	simm.s32 $0x0;
	s10 =	rddreg [dreg:$0x6];
	[sflag:s24] =	ssyncadd.s32 $0xFFFFD800  }
0x35: {  	[hbm4b:s10+s15] =	stream.linear.scatter [tilespmem:s3], [sflag:$0x9], $0x2800, $0x38;
	[tilespmem:$0x1DC80] =	vst v63  }
0x36: {  	_ =	swait.ge [sflag:s7], $0x2800  }
0x37: {  	[sflag:s7] =	ssyncset.done $0x0  }
0x38: {  	s26 =	rddreg [dreg:$0x15];
	[sflag:s7] =	ssyncadd.s32 $0xFFFFD800  }
0x39: {  	[tilespmem:s3], [sflag:$0xA] =	stream.linear.gather [spmem:s26], $0x2800, $0x38;
	[tilespmem:$0x1DC80] =	vst v63  }
0x3a: {  	_ =	swait.ge [sflag:s24], $0x2800  }
0x3b: {  	[sflag:s24] =	ssyncset.done $0x0  }
0x3c: {  	s20 =	rddreg [dreg:$0x7];
	[sflag:s24] =	ssyncadd.s32 $0xFFFFD800  }
0x3d: {  	[hbm4b:s20+s15] =	stream.linear.scatter [tilespmem:s3], [sflag:$0x9], $0x2800, $0x38;
	[tilespmem:$0x1DC80] =	vst v63  }
0x3e: {  	_ =	swait.ge [sflag:s7], $0x2800  }
0x3f: {  	[sflag:s7] =	ssyncset.done $0x0  }
0x40: {  	s28 =	rddreg [dreg:$0x16];
	[sflag:s7] =	ssyncadd.s32 $0xFFFFD800  }
0x41: {  	[tilespmem:s3], [sflag:$0xA] =	stream.linear.gather [spmem:s28], $0x2800, $0x38;
	[tilespmem:$0x1DC80] =	vst v63  }
0x42: {  	_ =	swait.ge [sflag:s24], $0x2800  }
0x43: {  	[sflag:s24] =	ssyncset.done $0x0  }
0x44: {  	s31 =	rddreg [dreg:$0x8];
	[sflag:s24] =	ssyncadd.s32 $0xFFFFD800  }
0x45: {  	[hbm4b:s31+s15] =	stream.linear.scatter [tilespmem:s3], [sflag:$0x9], $0x2800, $0x38;
	[tilespmem:$0x1DC80] =	vst v63  }
0x46: {  	_ =	swait.ge [sflag:s7], $0x2800  }
0x47: {  	[sflag:s7] =	ssyncset.done $0x0  }
0x48: {  	s29 =	rddreg [dreg:$0x17];
	[sflag:s7] =	ssyncadd.s32 $0xFFFFD800  }
0x49: {  	[tilespmem:s3], [sflag:$0xA] =	stream.linear.gather [spmem:s29], $0x2800, $0x38;
	[tilespmem:$0x1DC80] =	vst v63  }
0x4a: {  	_ =	swait.ge [sflag:s24], $0x2800  }
0x4b: {  	[sflag:s24] =	ssyncset.done $0x0  }
0x4c: {  	s20 =	rddreg [dreg:$0x9];
	[sflag:s24] =	ssyncadd.s32 $0xFFFFD800  }
0x4d: {  	[hbm4b:s20+s15] =	stream.linear.scatter [tilespmem:s3], [sflag:$0x9], $0x2800, $0x38;
	[tilespmem:$0x1DC80] =	vst v63  }
0x4e: {  	_ =	swait.ge [sflag:s7], $0x2800  }
0x4f: {  	[sflag:s7] =	ssyncset.done $0x0  }
0x50: {  	s30 =	rddreg [dreg:$0x18];
	[sflag:s7] =	ssyncadd.s32 $0xFFFFD800  }
0x51: {  	[tilespmem:s3], [sflag:$0xA] =	stream.linear.gather [spmem:s30], $0x2800, $0x38;
	[tilespmem:$0x1DC80] =	vst v63  }
0x52: {  	_ =	swait.ge [sflag:s24], $0x2800  }
0x53: {  	[sflag:s24] =	ssyncset.done $0x0  }
0x54: {  	s31 =	rddreg [dreg:$0xa];
	[sflag:s24] =	ssyncadd.s32 $0xFFFFD800  }
0x55: {  	[hbm4b:s31+s15] =	stream.linear.scatter [tilespmem:s3], [sflag:$0x9], $0x2800, $0x38;
	[tilespmem:$0x1DC80] =	vst v63  }
0x56: {  	_ =	swait.ge [sflag:s7], $0x2800  }
0x57: {  	[sflag:s7] =	ssyncset.done $0x0  }
0x58: {  	s20 =	rddreg [dreg:$0x19];
	[sflag:s7] =	ssyncadd.s32 $0xFFFFD800  }
0x59: {  	[tilespmem:s3], [sflag:$0xA] =	stream.linear.gather [spmem:s20], $0x2800, $0x38;
	[tilespmem:$0x1DC80] =	vst v63  }
0x5a: {  	_ =	swait.ge [sflag:s24], $0x2800  }
0x5b: {  	[sflag:s24] =	ssyncset.done $0x0  }
0x5c: {  	s31 =	rddreg [dreg:$0xb];
	[sflag:s24] =	ssyncadd.s32 $0xFFFFD800  }
0x5d: {  	[hbm4b:s31+s15] =	stream.linear.scatter [tilespmem:s3], [sflag:$0x9], $0x2800, $0x38;
	[tilespmem:$0x1DC80] =	vst v63  }
0x5e: {  	_ =	swait.ge [sflag:s7], $0x2800  }
0x5f: {  	[sflag:s7] =	ssyncset.done $0x0  }
0x60: {  	s20 =	rddreg [dreg:$0x1a];
	[sflag:s7] =	ssyncadd.s32 $0xFFFFD800  }
0x61: {  	[tilespmem:s3], [sflag:$0xA] =	stream.linear.gather [spmem:s20], $0x2800, $0x38;
	[tilespmem:$0x1DC80] =	vst v63  }
0x62: {  	_ =	swait.ge [sflag:s24], $0x2800  }
0x63: {  	[sflag:s24] =	ssyncset.done $0x0  }
0x64: {  	s31 =	rddreg [dreg:$0xc];
	[sflag:s24] =	ssyncadd.s32 $0xFFFFD800  }
0x65: {  	[hbm4b:s31+s15] =	stream.linear.scatter [tilespmem:s3], [sflag:$0x9], $0x2800, $0x38;
	[tilespmem:$0x1DC80] =	vst v63  }
0x66: {  	_ =	swait.ge [sflag:s7], $0x2800  }
0x67: {  	[sflag:s7] =	ssyncset.done $0x0  }
0x68: {  	s10 =	simm.s32 @!p0 $0x400;
	s15 =	rddreg [dreg:$0x1b];
	[sflag:s7] =	ssyncadd.s32 $0xFFFFD800  }
0x69: {  	[tilespmem:s10], [sflag:$0xA] =	stream.linear.gather @!p0 [spmem:s15], $0x2800, $0x38;
	[tilespmem:$0x1DC80] =	vst v63  }
0x6a: {  	s15 =	simm.s32 @!p0 $0xA  }
0x6b: {  	_ =	swait.ge @!p0 [sflag:s15], $0x2800  }
0x6c: {  	[sflag:s15] =	ssyncset.done @!p0 $0x0  }
0x6d: {  	s20 =	rddreg [dreg:$0xd];
	[sflag:s15] =	ssyncadd.s32 @!p0 $0xFFFFD800;
	s15 =	simm.s32 @!p0 $0x0  }
0x6e: {  	[hbm4b:s20+s15] =	stream.linear.scatter @!p0 [tilespmem:s10], [sflag:$0x9], $0x2800, $0x38;
	[tilespmem:$0x1DC80] =	vst v63  }
0x6f: {  	s10 =	simm.s32 @!p0 $0x9  }
0x70: {  	_ =	swait.ge @!p0 [sflag:s10], $0x2800  }
0x71: {  	s15 =	rddreg [dreg:$0x1c]  }
0x72: {  	s31 =	rddreg [dreg:$0x13];
	s20 =	sadd.s32 $0x1, s15  }
0x73: {  	p1 =	sne.s32 s20, s31  }
.Ltmp1:
0x74: {  	_ = 	snop;
	(pc) =	sbr.rel @!p1 .LBB2_22-.Ltmp1, $3  }
0x75: {  	_ =	sdelay $0x1  }
0x76: {  	[sflag:s10] =	ssyncset.done @!p0 $0x0  }
0x77: {  	[sflag:s10] =	ssyncadd.s32 @!p0 $0xFFFFD800  }
.LBB2_1:
0x78: {  	s10 =	simm.s32 $0x0;
	s15 =	simm.s32 $0x200  }
.LBB2_2:
0x79: {  	p1 =	sne.s32 s15, $0x9E00;
	[tilespmem:s10+$0x470] =	vst v0  }
0x7a: {  	[tilespmem:s10+$0x400] =	vst v0  }
0x7b: {  	[tilespmem:s10+$0x410] =	vst v0  }
.Ltmp2:
0x7c: {  	[tilespmem:s10+$0x420] =	vst v0;
	(pc) =	sbr.rel @p1 .LBB2_2-.Ltmp2, $4  }
0x7d: {  	[tilespmem:s10+$0x430] =	vst v0  }
0x7e: {  	[tilespmem:s10+$0x440] =	vst v0  }
0x7f: {  	[tilespmem:s10+$0x450] =	vst v0  }
0x80: {  	[tilespmem:s10+$0x460] =	vst v0;
	s10 =	sshra.s32 s15, $0x2;
	s15 =	sadd.s32 $0x200, s15  }
0x81: {  	[tilespmem:s10+$0x470] =	vst v0  }
0x82: {  	[tilespmem:s10+$0x400] =	vst v0  }
0x83: {  	[tilespmem:s10+$0x410] =	vst v0  }
0x84: {  	[tilespmem:s10+$0x420] =	vst v0  }
0x85: {  	[tilespmem:s10+$0x430] =	vst v0  }
0x86: {  	[tilespmem:s10+$0x440] =	vst v0  }
0x87: {  	[tilespmem:s10+$0x450] =	vst v0  }
0x88: {  	[dreg:$0x1c] =	wrdreg s20;
	[tilespmem:s10+$0x460] =	vst v0  }
0x89: {  	[spmem:s25] =	stream.linear.scatter [tilespmem:s3], [sflag:$0x9], $0x2800, $0x38;
	[tilespmem:$0x1DC80] =	vst v63  }
0x8a: {  	_ =	swait.ge [sflag:s7], $0x2800  }
0x8b: {  	[sflag:s7] =	ssyncset.done $0x0  }
0x8c: {  	[sflag:s7] =	ssyncadd.s32 $0xFFFFD800  }
0x8d: {  	[spmem:s26] =	stream.linear.scatter [tilespmem:s3], [sflag:$0x9], $0x2800, $0x38;
	[tilespmem:$0x1DC80] =	vst v63  }
0x8e: {  	_ =	swait.ge [sflag:s7], $0x2800  }
0x8f: {  	[sflag:s7] =	ssyncset.done $0x0  }
0x90: {  	[sflag:s7] =	ssyncadd.s32 $0xFFFFD800  }
0x91: {  	[spmem:s28] =	stream.linear.scatter [tilespmem:s3], [sflag:$0x9], $0x2800, $0x38;
	[tilespmem:$0x1DC80] =	vst v63  }
0x92: {  	_ =	swait.ge [sflag:s7], $0x2800  }
0x93: {  	[sflag:s7] =	ssyncset.done $0x0  }
0x94: {  	[sflag:s7] =	ssyncadd.s32 $0xFFFFD800  }
0x95: {  	[spmem:s29] =	stream.linear.scatter [tilespmem:s3], [sflag:$0x9], $0x2800, $0x38;
	[tilespmem:$0x1DC80] =	vst v63  }
0x96: {  	_ =	swait.ge [sflag:s7], $0x2800  }
0x97: {  	[sflag:s7] =	ssyncset.done $0x0  }
0x98: {  	[sflag:s7] =	ssyncadd.s32 $0xFFFFD800  }
0x99: {  	[spmem:s30] =	stream.linear.scatter [tilespmem:s3], [sflag:$0x9], $0x2800, $0x38;
	[tilespmem:$0x1DC80] =	vst v63  }
0x9a: {  	_ =	swait.ge [sflag:s7], $0x2800  }
0x9b: {  	[sflag:s7] =	ssyncset.done $0x0  }
0x9c: {  	s30 =	rddreg [dreg:$0x19];
	[sflag:s7] =	ssyncadd.s32 $0xFFFFD800  }
0x9d: {  	[spmem:s30] =	stream.linear.scatter [tilespmem:s3], [sflag:$0x9], $0x2800, $0x38;
	[tilespmem:$0x1DC80] =	vst v63  }
0x9e: {  	_ =	swait.ge [sflag:s7], $0x2800  }
0x9f: {  	[sflag:s7] =	ssyncset.done $0x0  }
0xa0: {  	s31 =	rddreg [dreg:$0x1a];
	[sflag:s7] =	ssyncadd.s32 $0xFFFFD800  }
0xa1: {  	[spmem:s31] =	stream.linear.scatter [tilespmem:s3], [sflag:$0x9], $0x2800, $0x38;
	[tilespmem:$0x1DC80] =	vst v63  }
0xa2: {  	_ =	swait.ge [sflag:s7], $0x2800  }
0xa3: {  	[sflag:s7] =	ssyncset.done $0x0  }
0xa4: {  	s10 =	simm.s32 @!p0 $0x400;
	s15 =	rddreg [dreg:$0x1b];
	[sflag:s7] =	ssyncadd.s32 $0xFFFFD800  }
0xa5: {  	[spmem:s15] =	stream.linear.scatter @!p0 [tilespmem:s10], [sflag:$0x9], $0x2800, $0x38;
	[tilespmem:$0x1DC80] =	vst v63  }
0xa6: {  	s10 =	simm.s32 @!p0 $0x9  }
0xa7: {  	_ =	swait.ge @!p0 [sflag:s10], $0x2800  }
0xa8: {  	[sflag:s10] =	ssyncset.done @!p0 $0x0  }
0xa9: {  	[sflag:s10] =	ssyncadd.s32 @!p0 $0xFFFFD800  }
0xaa: {  	[bflag:$0x0] =	sbarrier.arrive $0xFFFF  }
0xab: {  	s26 =	simm.s32 $0x0;
	s15 =	rddreg [dreg:$0xe]  }
0xac: {  	[tilespmem:s26], [sflag:$0x1] =	stream.linear.gather [hbm4b:s15+s26], $0x50, $0x38;
	[tilespmem:$0x1DC80] =	vst v63  }
0xad: {  	s20 =	rddreg [dreg:$0xf]  }
0xae: {  	[tilespmem:s8], [sflag:$0x1] =	stream.linear.gather [hbm4b:s20+s26], $0x50, $0x38;
	[tilespmem:$0x1DC80] =	vst v63  }
0xaf: {  	s28 =	simm.s32 $0x80;
	s25 =	rddreg [dreg:$0x10]  }
0xb0: {  	[tilespmem:s28], [sflag:$0x2] =	stream.linear.gather [hbm4b:s25+s26], $0x50, $0x38;
	[tilespmem:$0x1DC80] =	vst v63  }
0xb1: {  	s30 =	simm.s32 $0x1;
	s29 =	rddreg [dreg:$0x11]  }
0xb2: {  	[tilespmem:s9], [sflag:$0x2] =	stream.linear.gather [hbm4b:s29+s26], $0x50, $0x38;
	[tilespmem:$0x1DC80] =	vst v63  }
0xb3: {  	_ =	swait.ge [sflag:s30], $0x50  }
0xb4: {  	[sflag:s30] =	ssyncset.done $0x0  }
0xb5: {  	[sflag:s30] =	ssyncadd.s32 $0xFFFFFFB0  }
0xb6: {  	_ =	swait.ge [sflag:s30], $0x50  }
.Ltmp3:
0xb7: {  	[sflag:s30] =	ssyncset.done $0x0;
	(pc) =	sbr.rel .LBB2_4-.Ltmp3, $4  }
0xb8: {  	[sflag:s30] =	ssyncadd.s32 $0xFFFFFFB0  }
0xb9: {  	[tilespmem:s3], [sflag:$0x3] =	stream.indirect.gather [hbm4b:s0+s11], $0x80, s26, s11, $0xb8;
	[tilespmem:$0x1DC80] =	vst v63  }
0xba: {  	s31 =	rddreg [dreg:$0x12]  }
0xbb: {  	[tilespmem:s12], [sflag:$0x5] =	stream.linear.gather [hbm4b:s31+s26], $0x2800, $0x38;
	[tilespmem:$0x1DC80] =	vst v63  }
.LBB2_20:
0xbc: {  	p1 =	seq.s32 @!p2 s26, $0x1E  }
0xbd: {  	s10 =	sshll.u32 @!p2 s29, $0x4;
	p1 =	por p1, p2  }
0xbe: {  	s15 =	simm.s32 @!p2 $0x5400;
	s10 =	sadd.s32 @!p2 s4, s10;
	s20 =	smul.u32 @!p1 $0x140, s26  }
0xbf: {  	[tilespmem:s15], [sflag:$0x5] =	stream.linear.gather @!p2 [hbm4b:s10+s28], $0x2800, $0x38;
	[tilespmem:$0x1DC80] =	vst v63  }
0xc0: {  	s10 =	sadd.s32 @!p1 s20, s2  }
0xc1: {  	s10 =	sshrl.u32 @!p1 s10, $0x3  }
0xc2: {  	s25 =	simm.s32 @!p1 $0x80;
	s20 =	simm.s32 @!p1 $0x0;
	s15 =	sadd.s32 @!p1 s16, s10  }
0xc3: {  	[tilespmem:s25], [sflag:$0x2] =	stream.linear.gather @!p1 [hbm4b:s15+s20], $0x50, $0x38;
	[tilespmem:$0x1DC80] =	vst v63  }
0xc4: {  	s26 =	sadd.s32 $0x1, s26;
	s10 =	sadd.s32 @!p1 s1, s10;
	s15 =	simm.s32 @!p1 $0x280  }
0xc5: {  	[tilespmem:s15], [sflag:$0x2] =	stream.linear.gather @!p1 [hbm4b:s10+s20], $0x50, $0x38;
	[tilespmem:$0x1DC80] =	vst v63  }
0xc6: {  	p1 =	sne.s32 s26, $0x21  }
.Ltmp4:
0xc7: {  	_ = 	snop;
	(pc) =	sbr.rel @!p1 .LBB2_21-.Ltmp4, $1  }
0xc8: {  	_ =	sdelay $0x3  }
.LBB2_4:
0xc9: {  	s28 =	sshll.u32 s26, $0x2  }
0xca: {  	s29 =	sor.u32 $0x1, s28  }
0xcb: {  	p3 =	sgt.u32 s29, $0x7C  }
0xcc: {  	s10 =	simm.s32 @!p3 $0x2  }
0xcd: {  	_ =	swait.ge @!p3 [sflag:s10], $0x50  }
0xce: {  	p1 =	seq.s32 s26, $0x20;
	[sflag:s10] =	ssyncset.done @!p3 $0x0  }
.Ltmp5:
0xcf: {  	[sflag:s10] =	ssyncadd.s32 @!p3 $0xFFFFFFB0;
	(pc) =	sbr.rel @p1 .LBB2_8-.Ltmp5, $4  }
0xd0: {  	_ =	swait.ge @!p3 [sflag:s10], $0x50  }
0xd1: {  	s15 =	simm.s32 @!p3 $0x80;
	[sflag:s10] =	ssyncset.done @!p3 $0x0  }
0xd2: {  	s20 =	simm.s32 @!p3 $0x2C00;
	[sflag:s10] =	ssyncadd.s32 @!p3 $0xFFFFFFB0;
	s10 =	simm.s32 @!p3 $0x50  }
0xd3: {  	[tilespmem:s20], [sflag:$0x4] =	stream.indirect.gather @!p3 [hbm4b:s0+s10], $0x80, s15, s10, $0xb8;
	[tilespmem:$0x1DC80] =	vst v63  }
0xd4: {  	_ =	swait.ge [sflag:s18], $0x2800  }
0xd5: {  	[sflag:s18] =	ssyncset.done $0x0  }
0xd6: {  	[sflag:s18] =	ssyncadd.s32 $0xFFFFD800  }
0xd7: {  	_ =	swait.ge [sflag:s19], $0x2800  }
0xd8: {  	[sflag:s19] =	ssyncset.done $0x0  }
0xd9: {  	s30 =	simm.s32 $0x500;
	[sflag:s19] =	ssyncadd.s32 $0xFFFFD800  }
0xda: {  	s31 =	simm.s32 $0x5500;
	v1 =	vld [tilespmem:s30+$0x80]  }
0xdb: {  	v2 =	vld [tilespmem:s31+$0x80]  }
0xdc: {  	v3 =	vld [tilespmem:s31+$0xFFFFFF00]  }
0xdd: {  	v4 =	vld [tilespmem:s30+$0xFFFFFF80]  }
0xde: {  	v5 =	vld [tilespmem:s31+$0xFFFFFF80]  }
0xdf: {  	v6 =	vld [tilespmem:s31+$0x0]  }
0xe0: {  	v1 =	vadd.f32 v2, v1;
	v2 =	vld [tilespmem:s30+$0x0]  }
0xe1: {  	v7 =	vld [tilespmem:s30+$0xFFFFFF00]  }
0xe2: {  	v1 =	vmax.f32 v1, $0.0e+00  }
0xe3: {  	v4 =	vadd.f32 v5, v4;
	[tilespmem:s31+$0x80] =	vst v1;
	v1 =	vld [tilespmem:s31+$0x90]  }
0xe4: {  	v8 =	vld [tilespmem:s30+$0x90]  }
0xe5: {  	v9 =	vld [tilespmem:s31+$0xFFFFFF90];
	v4 =	vmax.f32 v4, $0.0e+00;
	v2 =	vadd.f32 v6, v2  }
0xe6: {  	v5 =	vld [tilespmem:s31+$0xFFFFFF10];
	v3 =	vadd.f32 v3, v7;
	[tilespmem:s31+$0xFFFFFF80] =	vst v4  }
0xe7: {  	v6 =	vld [tilespmem:s30+$0xFFFFFF90];
	v2 =	vmax.f32 v2, $0.0e+00  }
0xe8: {  	v3 =	vmax.f32 v3, $0.0e+00;
	v4 =	vld [tilespmem:s31+$0x10];
	[tilespmem:s31+$0x0] =	vst v2  }
0xe9: {  	[tilespmem:s31+$0xFFFFFF00] =	vst v3;
	v1 =	vadd.f32 v1, v8;
	v2 =	vld [tilespmem:s30+$0x10]  }
0xea: {  	v3 =	vld [tilespmem:s30+$0xFFFFFF10]  }
0xeb: {  	v1 =	vmax.f32 v1, $0.0e+00  }
0xec: {  	v6 =	vadd.f32 v9, v6;
	[tilespmem:s31+$0x90] =	vst v1;
	v1 =	vld [tilespmem:s31+$0xA0]  }
0xed: {  	v8 =	vld [tilespmem:s30+$0xA0]  }
0xee: {  	v7 =	vld [tilespmem:s31+$0xFFFFFF20];
	v6 =	vmax.f32 v6, $0.0e+00;
	v2 =	vadd.f32 v4, v2  }
0xef: {  	v3 =	vadd.f32 v5, v3;
	v9 =	vld [tilespmem:s31+$0xFFFFFFA0];
	[tilespmem:s31+$0xFFFFFF90] =	vst v6  }
0xf0: {  	v5 =	vld [tilespmem:s30+$0xFFFFFFA0];
	v2 =	vmax.f32 v2, $0.0e+00  }
0xf1: {  	v3 =	vmax.f32 v3, $0.0e+00;
	v4 =	vld [tilespmem:s31+$0x20];
	[tilespmem:s31+$0x10] =	vst v2  }
0xf2: {  	[tilespmem:s31+$0xFFFFFF10] =	vst v3;
	v1 =	vadd.f32 v1, v8;
	v2 =	vld [tilespmem:s30+$0x20]  }
0xf3: {  	v3 =	vld [tilespmem:s30+$0xFFFFFF20]  }
0xf4: {  	v1 =	vmax.f32 v1, $0.0e+00  }
0xf5: {  	v5 =	vadd.f32 v9, v5;
	[tilespmem:s31+$0xA0] =	vst v1;
	v1 =	vld [tilespmem:s31+$0xB0]  }
0xf6: {  	v8 =	vld [tilespmem:s30+$0xB0]  }
0xf7: {  	v10 =	vld [tilespmem:s31+$0x30];
	v5 =	vmax.f32 v5, $0.0e+00;
	v2 =	vadd.f32 v4, v2  }
0xf8: {  	v3 =	vadd.f32 v7, v3;
	v9 =	vld [tilespmem:s31+$0xFFFFFFB0];
	[tilespmem:s31+$0xFFFFFFA0] =	vst v5  }
0xf9: {  	v4 =	vld [tilespmem:s30+$0xFFFFFFB0];
	v2 =	vmax.f32 v2, $0.0e+00  }
0xfa: {  	v6 =	vld [tilespmem:s31+$0xFFFFFF30];
	[tilespmem:s31+$0x20] =	vst v2;
	v2 =	vmax.f32 v3, $0.0e+00  }
0xfb: {  	v1 =	vadd.f32 v1, v8;
	[tilespmem:s31+$0xFFFFFF20] =	vst v2;
	v2 =	vld [tilespmem:s30+$0x30]  }
0xfc: {  	v7 =	vld [tilespmem:s30+$0xFFFFFF30]  }
0xfd: {  	v11 =	vld [tilespmem:s31+$0xFFFFFF40];
	v1 =	vmax.f32 v1, $0.0e+00  }
0xfe: {  	v4 =	vadd.f32 v9, v4;
	[tilespmem:s31+$0xB0] =	vst v1;
	v1 =	vld [tilespmem:s31+$0xC0]  }
0xff: {  	v8 =	vld [tilespmem:s30+$0xC0]  }
0x100: {  	v12 =	vld [tilespmem:s31+$0xFFFFFFD0];
	v4 =	vmax.f32 v4, $0.0e+00;
	v2 =	vadd.f32 v10, v2  }
0x101: {  	v5 =	vld [tilespmem:s31+$0xFFFFFFC0];
	[tilespmem:s31+$0xFFFFFFB0] =	vst v4;
	v6 =	vadd.f32 v6, v7  }
0x102: {  	v7 =	vld [tilespmem:s30+$0xFFFFFFC0];
	v2 =	vmax.f32 v2, $0.0e+00  }
0x103: {  	v3 =	vld [tilespmem:s31+$0x40];
	[tilespmem:s31+$0x30] =	vst v2;
	v2 =	vmax.f32 v6, $0.0e+00  }
0x104: {  	v1 =	vadd.f32 v1, v8;
	v6 =	vld [tilespmem:s30+$0x40];
	[tilespmem:s31+$0xFFFFFF30] =	vst v2  }
0x105: {  	v2 =	vld [tilespmem:s30+$0xFFFFFF40]  }
0x106: {  	v9 =	vld [tilespmem:s31+$0xFFFFFF50];
	v1 =	vmax.f32 v1, $0.0e+00  }
0x107: {  	[tilespmem:s31+$0xC0] =	vst v1;
	v1 =	vadd.f32 v5, v7;
	v7 =	vld [tilespmem:s31+$0xD0]  }
0x108: {  	v8 =	vld [tilespmem:s30+$0xD0]  }
0x109: {  	v4 =	vld [tilespmem:s31+$0xFFFFFF60];
	v1 =	vmax.f32 v1, $0.0e+00;
	v3 =	vadd.f32 v3, v6  }
0x10a: {  	v10 =	vld [tilespmem:s31+$0x50];
	[tilespmem:s31+$0xFFFFFFC0] =	vst v1;
	v1 =	vadd.f32 v11, v2  }
0x10b: {  	v2 =	vld [tilespmem:s30+$0xFFFFFFD0];
	v3 =	vmax.f32 v3, $0.0e+00  }
0x10c: {  	v5 =	vld [tilespmem:s31+$0xFFFFFFE0];
	[tilespmem:s31+$0x40] =	vst v3;
	v1 =	vmax.f32 v1, $0.0e+00  }
0x10d: {  	v3 =	vld [tilespmem:s30+$0x50];
	v7 =	vadd.f32 v7, v8;
	[tilespmem:s31+$0xFFFFFF40] =	vst v1  }
0x10e: {  	v1 =	vld [tilespmem:s30+$0xFFFFFF50]  }
0x10f: {  	v6 =	vld [tilespmem:s31+$0x60];
	v7 =	vmax.f32 v7, $0.0e+00  }
0x110: {  	v2 =	vadd.f32 v12, v2;
	[tilespmem:s31+$0xD0] =	vst v7;
	v7 =	vld [tilespmem:s31+$0xE0]  }
0x111: {  	v11 =	vld [tilespmem:s30+$0xE0]  }
0x112: {  	v2 =	vmax.f32 v2, $0.0e+00;
	v8 =	vadd.f32 v10, v3;
	v3 =	vld [tilespmem:s31+$0xFFFFFF70]  }
0x113: {  	[tilespmem:s31+$0xFFFFFFD0] =	vst v2;
	v1 =	vadd.f32 v9, v1;
	v2 =	vld [tilespmem:s31+$0xFFFFFFF0]  }
0x114: {  	v9 =	vmax.f32 v8, $0.0e+00;
	v8 =	vld [tilespmem:s30+$0xFFFFFFE0]  }
0x115: {  	[tilespmem:s31+$0x50] =	vst v9;
	v9 =	vmax.f32 v1, $0.0e+00;
	v1 =	vld [tilespmem:s31+$0x70]  }
0x116: {  	[tilespmem:s31+$0xFFFFFF50] =	vst v9;
	v9 =	vld [tilespmem:s30+$0x60];
	v7 =	vadd.f32 v7, v11  }
0x117: {  	v10 =	vld [tilespmem:s30+$0xFFFFFF60]  }
0x118: {  	s15 =	simm.s32 $0x0;
	s25 =	simm.s32 $0x700;
	s10 =	simm.s32 $0x5500;
	v11 =	vmax.f32 v7, $0.0e+00;
	v7 =	vld [tilespmem:s31+$0xF0]  }
.LBB2_6:
0x119: {  	v12 =	vld [tilespmem:s25+$0x80];
	v5 =	vadd.f32 v5, v8;
	[tilespmem:s31+$0xE0] =	vst v11  }
0x11a: {  	s31 =	sadd.s32 $0x200, s31;
	v8 =	vld [tilespmem:s30+$0xF0]  }
0x11b: {  	s15 =	sadd.s32 $0x4, s15;
	v11 =	vld [tilespmem:s31+$0x80];
	v5 =	vmax.f32 v5, $0.0e+00;
	v6 =	vadd.f32 v6, v9  }
0x11c: {  	p2 =	slt.u32 s15, $0x4C;
	v9 =	vld [tilespmem:s31+$0xFFFFFF00];
	v4 =	vadd.f32 v4, v10;
	[tilespmem:s10+$0xFFFFFFE0] =	vst v5  }
0x11d: {  	v5 =	vld [tilespmem:s25+$0xFFFFFF80];
	v6 =	vmax.f32 v6, $0.0e+00  }
0x11e: {  	v10 =	vld [tilespmem:s31+$0xFFFFFF80];
	v4 =	vmax.f32 v4, $0.0e+00;
	[tilespmem:s10+$0x60] =	vst v6  }
0x11f: {  	v6 =	vld [tilespmem:s25+$0x0];
	[tilespmem:s10+$0xFFFFFF60] =	vst v4;
	v4 =	vadd.f32 v7, v8  }
0x120: {  	v7 =	vld [tilespmem:s31+$0x0];
	v8 =	vadd.f32 v11, v12  }
0x121: {  	v11 =	vld [tilespmem:s25+$0xFFFFFF00];
	v4 =	vmax.f32 v4, $0.0e+00  }
0x122: {  	v12 =	vld [tilespmem:s31+$0xFFFFFF10];
	v8 =	vmax.f32 v8, $0.0e+00;
	[tilespmem:s10+$0xF0] =	vst v4  }
0x123: {  	v4 =	vadd.f32 v10, v5;
	[tilespmem:s31+$0x80] =	vst v8;
	v5 =	vld [tilespmem:s31+$0x90]  }
0x124: {  	v8 =	vld [tilespmem:s25+$0x90]  }
0x125: {  	v4 =	vmax.f32 v4, $0.0e+00;
	v10 =	vld [tilespmem:s31+$0xFFFFFF90];
	v6 =	vadd.f32 v7, v6  }
0x126: {  	v7 =	vadd.f32 v9, v11;
	[tilespmem:s31+$0xFFFFFF80] =	vst v4;
	v4 =	vld [tilespmem:s31+$0x10]  }
0x127: {  	v9 =	vld [tilespmem:s25+$0xFFFFFF90];
	v6 =	vmax.f32 v6, $0.0e+00  }
0x128: {  	v7 =	vmax.f32 v7, $0.0e+00;
	v11 =	vld [tilespmem:s31+$0xFFFFFF20];
	[tilespmem:s31+$0x0] =	vst v6  }
0x129: {  	[tilespmem:s31+$0xFFFFFF00] =	vst v7;
	v6 =	vld [tilespmem:s25+$0x10];
	v5 =	vadd.f32 v5, v8  }
0x12a: {  	v7 =	vld [tilespmem:s25+$0xFFFFFF10]  }
0x12b: {  	v8 =	vld [tilespmem:s31+$0xFFFFFFA0];
	v5 =	vmax.f32 v5, $0.0e+00  }
0x12c: {  	v9 =	vadd.f32 v10, v9;
	[tilespmem:s31+$0x90] =	vst v5;
	v5 =	vld [tilespmem:s31+$0xA0]  }
0x12d: {  	v10 =	vld [tilespmem:s25+$0xA0]  }
0x12e: {  	v9 =	vmax.f32 v9, $0.0e+00;
	v4 =	vadd.f32 v4, v6;
	v6 =	vld [tilespmem:s31+$0x20]  }
0x12f: {  	v7 =	vadd.f32 v12, v7;
	v12 =	vld [tilespmem:s31+$0xFFFFFF30];
	[tilespmem:s31+$0xFFFFFF90] =	vst v9  }
0x130: {  	v9 =	vld [tilespmem:s25+$0xFFFFFFA0];
	v4 =	vmax.f32 v4, $0.0e+00  }
0x131: {  	v7 =	vmax.f32 v7, $0.0e+00;
	v13 =	vld [tilespmem:s31+$0xFFFFFFB0];
	[tilespmem:s31+$0x10] =	vst v4  }
0x132: {  	[tilespmem:s31+$0xFFFFFF10] =	vst v7;
	v4 =	vld [tilespmem:s25+$0x20];
	v5 =	vadd.f32 v5, v10  }
0x133: {  	v7 =	vld [tilespmem:s25+$0xFFFFFF20]  }
0x134: {  	v10 =	vld [tilespmem:s31+$0x30];
	v5 =	vmax.f32 v5, $0.0e+00  }
0x135: {  	v8 =	vadd.f32 v8, v9;
	[tilespmem:s31+$0xA0] =	vst v5;
	v5 =	vld [tilespmem:s31+$0xB0]  }
0x136: {  	v9 =	vld [tilespmem:s25+$0xB0]  }
0x137: {  	v14 =	vld [tilespmem:s31+$0xFFFFFF40];
	v8 =	vmax.f32 v8, $0.0e+00;
	v4 =	vadd.f32 v6, v4  }
0x138: {  	v6 =	vadd.f32 v11, v7;
	[tilespmem:s31+$0xFFFFFFA0] =	vst v8;
	v7 =	vld [tilespmem:s31+$0xFFFFFFC0]  }
0x139: {  	v8 =	vld [tilespmem:s25+$0xFFFFFFB0];
	v4 =	vmax.f32 v4, $0.0e+00  }
0x13a: {  	v6 =	vmax.f32 v6, $0.0e+00;
	[tilespmem:s31+$0x20] =	vst v4;
	v11 =	vld [tilespmem:s31+$0x40]  }
0x13b: {  	[tilespmem:s31+$0xFFFFFF20] =	vst v6;
	v4 =	vld [tilespmem:s25+$0x30];
	v5 =	vadd.f32 v5, v9  }
0x13c: {  	v6 =	vld [tilespmem:s25+$0xFFFFFF30]  }
0x13d: {  	v9 =	vld [tilespmem:s31+$0xFFFFFF50];
	v5 =	vmax.f32 v5, $0.0e+00  }
0x13e: {  	v8 =	vadd.f32 v13, v8;
	[tilespmem:s31+$0xB0] =	vst v5;
	v5 =	vld [tilespmem:s31+$0xC0]  }
0x13f: {  	v13 =	vld [tilespmem:s25+$0xC0]  }
0x140: {  	v8 =	vmax.f32 v8, $0.0e+00;
	v15 =	vld [tilespmem:s31+$0xFFFFFFD0];
	v4 =	vadd.f32 v10, v4  }
0x141: {  	v6 =	vadd.f32 v12, v6;
	[tilespmem:s31+$0xFFFFFFB0] =	vst v8;
	v8 =	vld [tilespmem:s31+$0x50]  }
0x142: {  	v10 =	vld [tilespmem:s25+$0xFFFFFFC0];
	v12 =	vmax.f32 v4, $0.0e+00  }
0x143: {  	v6 =	vmax.f32 v6, $0.0e+00;
	v4 =	vld [tilespmem:s31+$0xFFFFFF60];
	[tilespmem:s31+$0x30] =	vst v12  }
0x144: {  	[tilespmem:s31+$0xFFFFFF30] =	vst v6;
	v6 =	vld [tilespmem:s25+$0x40];
	v12 =	vadd.f32 v5, v13  }
0x145: {  	v13 =	vld [tilespmem:s25+$0xFFFFFF40]  }
0x146: {  	v5 =	vld [tilespmem:s31+$0xFFFFFFE0];
	v12 =	vmax.f32 v12, $0.0e+00  }
0x147: {  	v7 =	vadd.f32 v7, v10;
	[tilespmem:s31+$0xC0] =	vst v12;
	v10 =	vld [tilespmem:s31+$0xD0]  }
0x148: {  	v12 =	vld [tilespmem:s25+$0xD0]  }
0x149: {  	v7 =	vmax.f32 v7, $0.0e+00;
	v11 =	vadd.f32 v11, v6;
	v6 =	vld [tilespmem:s31+$0x60]  }
0x14a: {  	v13 =	vadd.f32 v14, v13;
	[tilespmem:s31+$0xFFFFFFC0] =	vst v7;
	v7 =	vld [tilespmem:s30+$0xFFFFFF70]  }
0x14b: {  	v14 =	vld [tilespmem:s25+$0xFFFFFFD0];
	v11 =	vmax.f32 v11, $0.0e+00  }
0x14c: {  	v13 =	vmax.f32 v13, $0.0e+00;
	[tilespmem:s31+$0x40] =	vst v11;
	v11 =	vld [tilespmem:s30+$0xFFFFFFF0]  }
0x14d: {  	[tilespmem:s31+$0xFFFFFF40] =	vst v13;
	v13 =	vld [tilespmem:s25+$0x50];
	v10 =	vadd.f32 v10, v12  }
0x14e: {  	v12 =	vld [tilespmem:s25+$0xFFFFFF50]  }
0x14f: {  	v10 =	vmax.f32 v10, $0.0e+00;
	v3 =	vadd.f32 v3, v7;
	v7 =	vld [tilespmem:s30+$0x70];
	s30 =	smov.u32 s25  }
0x150: {  	v14 =	vadd.f32 v15, v14;
	[tilespmem:s31+$0xD0] =	vst v10;
	v10 =	vld [tilespmem:s31+$0xE0]  }
0x151: {  	v15 =	vld [tilespmem:s25+$0xE0];
	v16 =	vmax.f32 v3, $0.0e+00;
	v11 =	vadd.f32 v2, v11  }
0x152: {  	v3 =	vld [tilespmem:s31+$0xFFFFFF70];
	v2 =	vmax.f32 v14, $0.0e+00;
	v13 =	vadd.f32 v8, v13;
	[tilespmem:s10+$0xFFFFFF70] =	vst v16  }
0x153: {  	v9 =	vadd.f32 v9, v12;
	[tilespmem:s31+$0xFFFFFFD0] =	vst v2;
	v2 =	vld [tilespmem:s31+$0xFFFFFFF0];
	v11 =	vmax.f32 v11, $0.0e+00  }
.Ltmp6:
0x154: {  	v8 =	vld [tilespmem:s25+$0xFFFFFFE0];
	v12 =	vmax.f32 v13, $0.0e+00;
	[tilespmem:s10+$0xFFFFFFF0] =	vst v11;
	v7 =	vadd.f32 v1, v7;
	(pc) =	sbr.rel @p2 .LBB2_6-.Ltmp6, $4  }
0x155: {  	v9 =	vmax.f32 v9, $0.0e+00;
	[tilespmem:s31+$0x50] =	vst v12;
	v1 =	vld [tilespmem:s31+$0x70]  }
0x156: {  	[tilespmem:s31+$0xFFFFFF50] =	vst v9;
	v9 =	vld [tilespmem:s25+$0x60];
	v11 =	vadd.f32 v10, v15;
	v7 =	vmax.f32 v7, $0.0e+00  }
0x157: {  	v10 =	vld [tilespmem:s25+$0xFFFFFF60];
	[tilespmem:s10+$0x70] =	vst v7;
	s10 =	smov.u32 s31  }
0x158: {  	s25 =	sadd.s32 $0x200, s25;
	v11 =	vmax.f32 v11, $0.0e+00;
	v7 =	vld [tilespmem:s31+$0xF0]  }
0x159: {  	_ = 	snop  }
0x15a: {  	v5 =	vadd.f32 v5, v8  }
0x15b: {  	v6 =	vadd.f32 v6, v9  }
0x15c: {  	[tilespmem:s31+$0xE0] =	vst v11;
	v5 =	vmax.f32 v5, $0.0e+00;
	v4 =	vadd.f32 v4, v10  }
0x15d: {  	v58 =	vld [tilespmem:s30+$0xF0];
	[tilespmem:s10+$0xFFFFFFE0] =	vst v5;
	v59 =	vmax.f32 v6, $0.0e+00  }
0x15e: {  	v61 =	vld [tilespmem:s30+$0xFFFFFFF0];
	v4 =	vmax.f32 v4, $0.0e+00;
	[tilespmem:s10+$0x60] =	vst v59  }
0x15f: {  	[tilespmem:s10+$0xFFFFFF60] =	vst v4;
	v62 =	vld [tilespmem:s30+$0x70]  }
0x160: {  	v60 =	vld [tilespmem:s30+$0xFFFFFF70];
	_ =	sdelay $0x1  }
0x161: {  	v7 =	vadd.f32 v7, v58  }
0x162: {  	v2 =	vadd.f32 v2, v61  }
0x163: {  	v63 =	vmax.f32 v7, $0.0e+00;
	v1 =	vadd.f32 v1, v62  }
0x164: {  	[tilespmem:s10+$0xF0] =	vst v63;
	v2 =	vmax.f32 v2, $0.0e+00;
	v3 =	vadd.f32 v3, v60  }
0x165: {  	s31 =	sadd.s32 $0xFFFFFFFF, s28;
	[tilespmem:s10+$0xFFFFFFF0] =	vst v2;
	v1 =	vmax.f32 v1, $0.0e+00  }
0x166: {  	p2 =	sgt.u32 s31, $0x7C;
	v3 =	vmax.f32 v3, $0.0e+00;
	[tilespmem:s10+$0x70] =	vst v1  }
0x167: {  	[tilespmem:s10+$0xFFFFFF70] =	vst v3;
	s10 =	simm.s32 @!p2 $0x8  }
0x168: {  	[spmem:s5] =	stream.indirect.scatter.add.f32 [tilespmem:s12], [sflag:$0x7], $0x80, s8, s11, $0xb8;
	[tilespmem:$0x1DC80] =	vst v63  }
0x169: {  	_ =	swait.ge @!p2 [sflag:s10], $0x2800  }
0x16a: {  	[sflag:s10] =	ssyncset.done @!p2 $0x0  }
0x16b: {  	[sflag:s10] =	ssyncadd.s32 @!p2 $0xFFFFD800  }
.LBB2_8:
0x16c: {  	s10 =	smul.u32 @!p3 $0x50, s29;
	s15 =	sor.u32 $0x2, s28  }
0x16d: {  	p2 =	sgt.u32 s15, $0x7C  }
0x16e: {  	s10 =	sadd.s32 @!p3 s6, s10;
	s15 =	smul.u32 @!p2 $0x50, s15  }
0x16f: {  	s20 =	simm.s32 @!p3 $0x0;
	s10 =	sshll.u32 @!p3 s10, $0x4  }
0x170: {  	s25 =	simm.s32 @!p3 $0x7C00;
	s10 =	sadd.s32 @!p3 s4, s10;
	s30 =	sadd.s32 @!p2 s6, s15  }
0x171: {  	[tilespmem:s25], [sflag:$0x6] =	stream.linear.gather @!p3 [hbm4b:s10+s20], $0x2800, $0x38;
	[tilespmem:$0x1DC80] =	vst v63  }
0x172: {  	s10 =	sshrl.u32 @!p2 s30, $0x3  }
0x173: {  	s29 =	simm.s32 @!p2 $0x0;
	s20 =	simm.s32 @!p2 $0x100;
	s15 =	sadd.s32 @!p2 s16, s10  }
0x174: {  	[tilespmem:s20], [sflag:$0x1] =	stream.linear.gather @!p2 [hbm4b:s15+s29], $0x50, $0x38;
	[tilespmem:$0x1DC80] =	vst v63  }
0x175: {  	s10 =	sadd.s32 @!p2 s1, s10;
	s15 =	simm.s32 @!p2 $0x300  }
0x176: {  	[tilespmem:s15], [sflag:$0x1] =	stream.linear.gather @!p2 [hbm4b:s10+s29], $0x50, $0x38;
	[tilespmem:$0x1DC80] =	vst v63  }
0x177: {  	s10 =	simm.s32 @!p2 $0x1  }
0x178: {  	_ =	swait.ge @!p2 [sflag:s10], $0x50  }
0x179: {  	[sflag:s10] =	ssyncset.done @!p2 $0x0  }
.Ltmp7:
0x17a: {  	[sflag:s10] =	ssyncadd.s32 @!p2 $0xFFFFFFB0;
	(pc) =	sbr.rel @p3 .LBB2_12-.Ltmp7, $4  }
0x17b: {  	_ =	swait.ge @!p2 [sflag:s10], $0x50  }
0x17c: {  	[sflag:s10] =	ssyncset.done @!p2 $0x0  }
0x17d: {  	s15 =	simm.s32 @!p2 $0x400;
	[sflag:s10] =	ssyncadd.s32 @!p2 $0xFFFFFFB0;
	s10 =	simm.s32 @!p2 $0x50  }
0x17e: {  	[tilespmem:s15], [sflag:$0x3] =	stream.indirect.gather @!p2 [hbm4b:s0+s10], $0x80, s20, s10, $0xb8;
	[tilespmem:$0x1DC80] =	vst v63  }
0x17f: {  	_ =	swait.ge [sflag:s13], $0x2800  }
0x180: {  	[sflag:s13] =	ssyncset.done $0x0  }
0x181: {  	[sflag:s13] =	ssyncadd.s32 $0xFFFFD800  }
0x182: {  	_ =	swait.ge [sflag:s14], $0x2800  }
0x183: {  	[sflag:s14] =	ssyncset.done $0x0  }
0x184: {  	s31 =	simm.s32 $0x2D00;
	[sflag:s14] =	ssyncadd.s32 $0xFFFFD800  }
0x185: {  	s10 =	simm.s32 $0x7D00;
	v1 =	vld [tilespmem:s31+$0x80]  }
0x186: {  	v2 =	vld [tilespmem:s10+$0x80]  }
0x187: {  	v3 =	vld [tilespmem:s10+$0xFFFFFF00]  }
0x188: {  	v4 =	vld [tilespmem:s31+$0xFFFFFF80]  }
0x189: {  	v5 =	vld [tilespmem:s10+$0xFFFFFF80]  }
0x18a: {  	v6 =	vld [tilespmem:s10+$0x0]  }
0x18b: {  	v1 =	vadd.f32 v2, v1;
	v2 =	vld [tilespmem:s31+$0x0]  }
0x18c: {  	v7 =	vld [tilespmem:s31+$0xFFFFFF00]  }
0x18d: {  	v1 =	vmax.f32 v1, $0.0e+00  }
0x18e: {  	v4 =	vadd.f32 v5, v4;
	[tilespmem:s10+$0x80] =	vst v1;
	v1 =	vld [tilespmem:s10+$0x90]  }
0x18f: {  	v8 =	vld [tilespmem:s31+$0x90]  }
0x190: {  	v9 =	vld [tilespmem:s10+$0xFFFFFF90];
	v4 =	vmax.f32 v4, $0.0e+00;
	v2 =	vadd.f32 v6, v2  }
0x191: {  	v5 =	vld [tilespmem:s10+$0xFFFFFF10];
	v3 =	vadd.f32 v3, v7;
	[tilespmem:s10+$0xFFFFFF80] =	vst v4  }
0x192: {  	v6 =	vld [tilespmem:s31+$0xFFFFFF90];
	v2 =	vmax.f32 v2, $0.0e+00  }
0x193: {  	v3 =	vmax.f32 v3, $0.0e+00;
	v4 =	vld [tilespmem:s10+$0x10];
	[tilespmem:s10+$0x0] =	vst v2  }
0x194: {  	[tilespmem:s10+$0xFFFFFF00] =	vst v3;
	v1 =	vadd.f32 v1, v8;
	v2 =	vld [tilespmem:s31+$0x10]  }
0x195: {  	v3 =	vld [tilespmem:s31+$0xFFFFFF10]  }
0x196: {  	v1 =	vmax.f32 v1, $0.0e+00  }
0x197: {  	v6 =	vadd.f32 v9, v6;
	[tilespmem:s10+$0x90] =	vst v1;
	v1 =	vld [tilespmem:s10+$0xA0]  }
0x198: {  	v8 =	vld [tilespmem:s31+$0xA0]  }
0x199: {  	v7 =	vld [tilespmem:s10+$0xFFFFFF20];
	v6 =	vmax.f32 v6, $0.0e+00;
	v2 =	vadd.f32 v4, v2  }
0x19a: {  	v3 =	vadd.f32 v5, v3;
	v9 =	vld [tilespmem:s10+$0xFFFFFFA0];
	[tilespmem:s10+$0xFFFFFF90] =	vst v6  }
0x19b: {  	v5 =	vld [tilespmem:s31+$0xFFFFFFA0];
	v2 =	vmax.f32 v2, $0.0e+00  }
0x19c: {  	v3 =	vmax.f32 v3, $0.0e+00;
	v4 =	vld [tilespmem:s10+$0x20];
	[tilespmem:s10+$0x10] =	vst v2  }
0x19d: {  	[tilespmem:s10+$0xFFFFFF10] =	vst v3;
	v1 =	vadd.f32 v1, v8;
	v2 =	vld [tilespmem:s31+$0x20]  }
0x19e: {  	v3 =	vld [tilespmem:s31+$0xFFFFFF20]  }
0x19f: {  	v1 =	vmax.f32 v1, $0.0e+00  }
0x1a0: {  	v5 =	vadd.f32 v9, v5;
	[tilespmem:s10+$0xA0] =	vst v1;
	v1 =	vld [tilespmem:s10+$0xB0]  }
0x1a1: {  	v8 =	vld [tilespmem:s31+$0xB0]  }
0x1a2: {  	v10 =	vld [tilespmem:s10+$0x30];
	v5 =	vmax.f32 v5, $0.0e+00;
	v2 =	vadd.f32 v4, v2  }
0x1a3: {  	v3 =	vadd.f32 v7, v3;
	v9 =	vld [tilespmem:s10+$0xFFFFFFB0];
	[tilespmem:s10+$0xFFFFFFA0] =	vst v5  }
0x1a4: {  	v4 =	vld [tilespmem:s31+$0xFFFFFFB0];
	v2 =	vmax.f32 v2, $0.0e+00  }
0x1a5: {  	v6 =	vld [tilespmem:s10+$0xFFFFFF30];
	[tilespmem:s10+$0x20] =	vst v2;
	v2 =	vmax.f32 v3, $0.0e+00  }
0x1a6: {  	v1 =	vadd.f32 v1, v8;
	[tilespmem:s10+$0xFFFFFF20] =	vst v2;
	v2 =	vld [tilespmem:s31+$0x30]  }
0x1a7: {  	v7 =	vld [tilespmem:s31+$0xFFFFFF30]  }
0x1a8: {  	v11 =	vld [tilespmem:s10+$0xFFFFFF40];
	v1 =	vmax.f32 v1, $0.0e+00  }
0x1a9: {  	v4 =	vadd.f32 v9, v4;
	[tilespmem:s10+$0xB0] =	vst v1;
	v1 =	vld [tilespmem:s10+$0xC0]  }
0x1aa: {  	v8 =	vld [tilespmem:s31+$0xC0]  }
0x1ab: {  	v12 =	vld [tilespmem:s10+$0xFFFFFFD0];
	v4 =	vmax.f32 v4, $0.0e+00;
	v2 =	vadd.f32 v10, v2  }
0x1ac: {  	v5 =	vld [tilespmem:s10+$0xFFFFFFC0];
	[tilespmem:s10+$0xFFFFFFB0] =	vst v4;
	v6 =	vadd.f32 v6, v7  }
0x1ad: {  	v7 =	vld [tilespmem:s31+$0xFFFFFFC0];
	v2 =	vmax.f32 v2, $0.0e+00  }
0x1ae: {  	v3 =	vld [tilespmem:s10+$0x40];
	[tilespmem:s10+$0x30] =	vst v2;
	v2 =	vmax.f32 v6, $0.0e+00  }
0x1af: {  	v1 =	vadd.f32 v1, v8;
	v6 =	vld [tilespmem:s31+$0x40];
	[tilespmem:s10+$0xFFFFFF30] =	vst v2  }
0x1b0: {  	v2 =	vld [tilespmem:s31+$0xFFFFFF40]  }
0x1b1: {  	v9 =	vld [tilespmem:s10+$0xFFFFFF50];
	v1 =	vmax.f32 v1, $0.0e+00  }
0x1b2: {  	[tilespmem:s10+$0xC0] =	vst v1;
	v1 =	vadd.f32 v5, v7;
	v7 =	vld [tilespmem:s10+$0xD0]  }
0x1b3: {  	v8 =	vld [tilespmem:s31+$0xD0]  }
0x1b4: {  	v4 =	vld [tilespmem:s10+$0xFFFFFF60];
	v1 =	vmax.f32 v1, $0.0e+00;
	v3 =	vadd.f32 v3, v6  }
0x1b5: {  	v10 =	vld [tilespmem:s10+$0x50];
	[tilespmem:s10+$0xFFFFFFC0] =	vst v1;
	v1 =	vadd.f32 v11, v2  }
0x1b6: {  	v2 =	vld [tilespmem:s31+$0xFFFFFFD0];
	v3 =	vmax.f32 v3, $0.0e+00  }
0x1b7: {  	v5 =	vld [tilespmem:s10+$0xFFFFFFE0];
	[tilespmem:s10+$0x40] =	vst v3;
	v1 =	vmax.f32 v1, $0.0e+00  }
0x1b8: {  	v3 =	vld [tilespmem:s31+$0x50];
	v7 =	vadd.f32 v7, v8;
	[tilespmem:s10+$0xFFFFFF40] =	vst v1  }
0x1b9: {  	v1 =	vld [tilespmem:s31+$0xFFFFFF50]  }
0x1ba: {  	v6 =	vld [tilespmem:s10+$0x60];
	v7 =	vmax.f32 v7, $0.0e+00  }
0x1bb: {  	v2 =	vadd.f32 v12, v2;
	[tilespmem:s10+$0xD0] =	vst v7;
	v7 =	vld [tilespmem:s10+$0xE0]  }
0x1bc: {  	v11 =	vld [tilespmem:s31+$0xE0]  }
0x1bd: {  	v2 =	vmax.f32 v2, $0.0e+00;
	v8 =	vadd.f32 v10, v3;
	v3 =	vld [tilespmem:s10+$0xFFFFFF70]  }
0x1be: {  	[tilespmem:s10+$0xFFFFFFD0] =	vst v2;
	v1 =	vadd.f32 v9, v1;
	v2 =	vld [tilespmem:s10+$0xFFFFFFF0]  }
0x1bf: {  	v9 =	vmax.f32 v8, $0.0e+00;
	v8 =	vld [tilespmem:s31+$0xFFFFFFE0]  }
0x1c0: {  	[tilespmem:s10+$0x50] =	vst v9;
	v9 =	vmax.f32 v1, $0.0e+00;
	v1 =	vld [tilespmem:s10+$0x70]  }
0x1c1: {  	[tilespmem:s10+$0xFFFFFF50] =	vst v9;
	v9 =	vld [tilespmem:s31+$0x60];
	v7 =	vadd.f32 v7, v11  }
0x1c2: {  	v10 =	vld [tilespmem:s31+$0xFFFFFF60]  }
0x1c3: {  	s25 =	simm.s32 $0x0;
	s20 =	simm.s32 $0x2F00;
	s15 =	simm.s32 $0x7D00;
	v11 =	vmax.f32 v7, $0.0e+00;
	v7 =	vld [tilespmem:s10+$0xF0]  }
.LBB2_10:
0x1c4: {  	v12 =	vld [tilespmem:s20+$0x80];
	v5 =	vadd.f32 v5, v8;
	[tilespmem:s10+$0xE0] =	vst v11  }
0x1c5: {  	s10 =	sadd.s32 $0x200, s10;
	v8 =	vld [tilespmem:s31+$0xF0]  }
0x1c6: {  	s25 =	sadd.s32 $0x4, s25;
	v11 =	vld [tilespmem:s10+$0x80];
	v5 =	vmax.f32 v5, $0.0e+00;
	v6 =	vadd.f32 v6, v9  }
0x1c7: {  	p3 =	slt.u32 s25, $0x4C;
	v9 =	vld [tilespmem:s10+$0xFFFFFF00];
	v4 =	vadd.f32 v4, v10;
	[tilespmem:s15+$0xFFFFFFE0] =	vst v5  }
0x1c8: {  	v5 =	vld [tilespmem:s20+$0xFFFFFF80];
	v6 =	vmax.f32 v6, $0.0e+00  }
0x1c9: {  	v10 =	vld [tilespmem:s10+$0xFFFFFF80];
	v4 =	vmax.f32 v4, $0.0e+00;
	[tilespmem:s15+$0x60] =	vst v6  }
0x1ca: {  	v6 =	vld [tilespmem:s20+$0x0];
	[tilespmem:s15+$0xFFFFFF60] =	vst v4;
	v4 =	vadd.f32 v7, v8  }
0x1cb: {  	v7 =	vld [tilespmem:s10+$0x0];
	v8 =	vadd.f32 v11, v12  }
0x1cc: {  	v11 =	vld [tilespmem:s20+$0xFFFFFF00];
	v4 =	vmax.f32 v4, $0.0e+00  }
0x1cd: {  	v12 =	vld [tilespmem:s10+$0xFFFFFF10];
	v8 =	vmax.f32 v8, $0.0e+00;
	[tilespmem:s15+$0xF0] =	vst v4  }
0x1ce: {  	v4 =	vadd.f32 v10, v5;
	[tilespmem:s10+$0x80] =	vst v8;
	v5 =	vld [tilespmem:s10+$0x90]  }
0x1cf: {  	v8 =	vld [tilespmem:s20+$0x90]  }
0x1d0: {  	v4 =	vmax.f32 v4, $0.0e+00;
	v10 =	vld [tilespmem:s10+$0xFFFFFF90];
	v6 =	vadd.f32 v7, v6  }
0x1d1: {  	v7 =	vadd.f32 v9, v11;
	[tilespmem:s10+$0xFFFFFF80] =	vst v4;
	v4 =	vld [tilespmem:s10+$0x10]  }
0x1d2: {  	v9 =	vld [tilespmem:s20+$0xFFFFFF90];
	v6 =	vmax.f32 v6, $0.0e+00  }
0x1d3: {  	v7 =	vmax.f32 v7, $0.0e+00;
	v11 =	vld [tilespmem:s10+$0xFFFFFF20];
	[tilespmem:s10+$0x0] =	vst v6  }
0x1d4: {  	[tilespmem:s10+$0xFFFFFF00] =	vst v7;
	v6 =	vld [tilespmem:s20+$0x10];
	v5 =	vadd.f32 v5, v8  }
0x1d5: {  	v7 =	vld [tilespmem:s20+$0xFFFFFF10]  }
0x1d6: {  	v8 =	vld [tilespmem:s10+$0xFFFFFFA0];
	v5 =	vmax.f32 v5, $0.0e+00  }
0x1d7: {  	v9 =	vadd.f32 v10, v9;
	[tilespmem:s10+$0x90] =	vst v5;
	v5 =	vld [tilespmem:s10+$0xA0]  }
0x1d8: {  	v10 =	vld [tilespmem:s20+$0xA0]  }
0x1d9: {  	v9 =	vmax.f32 v9, $0.0e+00;
	v4 =	vadd.f32 v4, v6;
	v6 =	vld [tilespmem:s10+$0x20]  }
0x1da: {  	v7 =	vadd.f32 v12, v7;
	v12 =	vld [tilespmem:s10+$0xFFFFFF30];
	[tilespmem:s10+$0xFFFFFF90] =	vst v9  }
0x1db: {  	v9 =	vld [tilespmem:s20+$0xFFFFFFA0];
	v4 =	vmax.f32 v4, $0.0e+00  }
0x1dc: {  	v7 =	vmax.f32 v7, $0.0e+00;
	v13 =	vld [tilespmem:s10+$0xFFFFFFB0];
	[tilespmem:s10+$0x10] =	vst v4  }
0x1dd: {  	[tilespmem:s10+$0xFFFFFF10] =	vst v7;
	v4 =	vld [tilespmem:s20+$0x20];
	v5 =	vadd.f32 v5, v10  }
0x1de: {  	v7 =	vld [tilespmem:s20+$0xFFFFFF20]  }
0x1df: {  	v10 =	vld [tilespmem:s10+$0x30];
	v5 =	vmax.f32 v5, $0.0e+00  }
0x1e0: {  	v8 =	vadd.f32 v8, v9;
	[tilespmem:s10+$0xA0] =	vst v5;
	v5 =	vld [tilespmem:s10+$0xB0]  }
0x1e1: {  	v9 =	vld [tilespmem:s20+$0xB0]  }
0x1e2: {  	v14 =	vld [tilespmem:s10+$0xFFFFFF40];
	v8 =	vmax.f32 v8, $0.0e+00;
	v4 =	vadd.f32 v6, v4  }
0x1e3: {  	v6 =	vadd.f32 v11, v7;
	[tilespmem:s10+$0xFFFFFFA0] =	vst v8;
	v7 =	vld [tilespmem:s10+$0xFFFFFFC0]  }
0x1e4: {  	v8 =	vld [tilespmem:s20+$0xFFFFFFB0];
	v4 =	vmax.f32 v4, $0.0e+00  }
0x1e5: {  	v6 =	vmax.f32 v6, $0.0e+00;
	[tilespmem:s10+$0x20] =	vst v4;
	v11 =	vld [tilespmem:s10+$0x40]  }
0x1e6: {  	[tilespmem:s10+$0xFFFFFF20] =	vst v6;
	v4 =	vld [tilespmem:s20+$0x30];
	v5 =	vadd.f32 v5, v9  }
0x1e7: {  	v6 =	vld [tilespmem:s20+$0xFFFFFF30]  }
0x1e8: {  	v9 =	vld [tilespmem:s10+$0xFFFFFF50];
	v5 =	vmax.f32 v5, $0.0e+00  }
0x1e9: {  	v8 =	vadd.f32 v13, v8;
	[tilespmem:s10+$0xB0] =	vst v5;
	v5 =	vld [tilespmem:s10+$0xC0]  }
0x1ea: {  	v13 =	vld [tilespmem:s20+$0xC0]  }
0x1eb: {  	v8 =	vmax.f32 v8, $0.0e+00;
	v15 =	vld [tilespmem:s10+$0xFFFFFFD0];
	v4 =	vadd.f32 v10, v4  }
0x1ec: {  	v6 =	vadd.f32 v12, v6;
	[tilespmem:s10+$0xFFFFFFB0] =	vst v8;
	v8 =	vld [tilespmem:s10+$0x50]  }
0x1ed: {  	v10 =	vld [tilespmem:s20+$0xFFFFFFC0];
	v12 =	vmax.f32 v4, $0.0e+00  }
0x1ee: {  	v6 =	vmax.f32 v6, $0.0e+00;
	v4 =	vld [tilespmem:s10+$0xFFFFFF60];
	[tilespmem:s10+$0x30] =	vst v12  }
0x1ef: {  	[tilespmem:s10+$0xFFFFFF30] =	vst v6;
	v6 =	vld [tilespmem:s20+$0x40];
	v12 =	vadd.f32 v5, v13  }
0x1f0: {  	v13 =	vld [tilespmem:s20+$0xFFFFFF40]  }
0x1f1: {  	v5 =	vld [tilespmem:s10+$0xFFFFFFE0];
	v12 =	vmax.f32 v12, $0.0e+00  }
0x1f2: {  	v7 =	vadd.f32 v7, v10;
	[tilespmem:s10+$0xC0] =	vst v12;
	v10 =	vld [tilespmem:s10+$0xD0]  }
0x1f3: {  	v12 =	vld [tilespmem:s20+$0xD0]  }
0x1f4: {  	v7 =	vmax.f32 v7, $0.0e+00;
	v11 =	vadd.f32 v11, v6;
	v6 =	vld [tilespmem:s10+$0x60]  }
0x1f5: {  	v13 =	vadd.f32 v14, v13;
	[tilespmem:s10+$0xFFFFFFC0] =	vst v7;
	v7 =	vld [tilespmem:s31+$0xFFFFFF70]  }
0x1f6: {  	v14 =	vld [tilespmem:s20+$0xFFFFFFD0];
	v11 =	vmax.f32 v11, $0.0e+00  }
0x1f7: {  	v13 =	vmax.f32 v13, $0.0e+00;
	[tilespmem:s10+$0x40] =	vst v11;
	v11 =	vld [tilespmem:s31+$0xFFFFFFF0]  }
0x1f8: {  	[tilespmem:s10+$0xFFFFFF40] =	vst v13;
	v13 =	vld [tilespmem:s20+$0x50];
	v10 =	vadd.f32 v10, v12  }
0x1f9: {  	v12 =	vld [tilespmem:s20+$0xFFFFFF50]  }
0x1fa: {  	v10 =	vmax.f32 v10, $0.0e+00;
	v3 =	vadd.f32 v3, v7;
	v7 =	vld [tilespmem:s31+$0x70];
	s31 =	smov.u32 s20  }
0x1fb: {  	v14 =	vadd.f32 v15, v14;
	[tilespmem:s10+$0xD0] =	vst v10;
	v10 =	vld [tilespmem:s10+$0xE0]  }
0x1fc: {  	v15 =	vld [tilespmem:s20+$0xE0];
	v16 =	vmax.f32 v3, $0.0e+00;
	v11 =	vadd.f32 v2, v11  }
0x1fd: {  	v3 =	vld [tilespmem:s10+$0xFFFFFF70];
	v2 =	vmax.f32 v14, $0.0e+00;
	v13 =	vadd.f32 v8, v13;
	[tilespmem:s15+$0xFFFFFF70] =	vst v16  }
0x1fe: {  	v9 =	vadd.f32 v9, v12;
	[tilespmem:s10+$0xFFFFFFD0] =	vst v2;
	v2 =	vld [tilespmem:s10+$0xFFFFFFF0];
	v11 =	vmax.f32 v11, $0.0e+00  }
.Ltmp8:
0x1ff: {  	v8 =	vld [tilespmem:s20+$0xFFFFFFE0];
	v12 =	vmax.f32 v13, $0.0e+00;
	[tilespmem:s15+$0xFFFFFFF0] =	vst v11;
	v7 =	vadd.f32 v1, v7;
	(pc) =	sbr.rel @p3 .LBB2_10-.Ltmp8, $4  }
0x200: {  	v9 =	vmax.f32 v9, $0.0e+00;
	[tilespmem:s10+$0x50] =	vst v12;
	v1 =	vld [tilespmem:s10+$0x70]  }
0x201: {  	[tilespmem:s10+$0xFFFFFF50] =	vst v9;
	v9 =	vld [tilespmem:s20+$0x60];
	v11 =	vadd.f32 v10, v15;
	v7 =	vmax.f32 v7, $0.0e+00  }
0x202: {  	v10 =	vld [tilespmem:s20+$0xFFFFFF60];
	[tilespmem:s15+$0x70] =	vst v7;
	s15 =	smov.u32 s10  }
0x203: {  	s20 =	sadd.s32 $0x200, s20;
	v11 =	vmax.f32 v11, $0.0e+00;
	v7 =	vld [tilespmem:s10+$0xF0]  }
0x204: {  	_ = 	snop  }
0x205: {  	v5 =	vadd.f32 v5, v8  }
0x206: {  	v6 =	vadd.f32 v6, v9  }
0x207: {  	[tilespmem:s10+$0xE0] =	vst v11;
	v5 =	vmax.f32 v5, $0.0e+00;
	v4 =	vadd.f32 v4, v10  }
0x208: {  	v58 =	vld [tilespmem:s31+$0xF0];
	[tilespmem:s15+$0xFFFFFFE0] =	vst v5;
	v59 =	vmax.f32 v6, $0.0e+00  }
0x209: {  	v61 =	vld [tilespmem:s31+$0xFFFFFFF0];
	v4 =	vmax.f32 v4, $0.0e+00;
	[tilespmem:s15+$0x60] =	vst v59  }
0x20a: {  	[tilespmem:s15+$0xFFFFFF60] =	vst v4;
	v62 =	vld [tilespmem:s31+$0x70]  }
0x20b: {  	v60 =	vld [tilespmem:s31+$0xFFFFFF70];
	_ =	sdelay $0x1  }
0x20c: {  	v7 =	vadd.f32 v7, v58  }
0x20d: {  	v2 =	vadd.f32 v2, v61  }
0x20e: {  	v63 =	vmax.f32 v7, $0.0e+00;
	v1 =	vadd.f32 v1, v62  }
0x20f: {  	[tilespmem:s15+$0xF0] =	vst v63;
	v2 =	vmax.f32 v2, $0.0e+00;
	v3 =	vadd.f32 v3, v60  }
0x210: {  	[tilespmem:s15+$0xFFFFFFF0] =	vst v2;
	v1 =	vmax.f32 v1, $0.0e+00  }
0x211: {  	v3 =	vmax.f32 v3, $0.0e+00;
	[tilespmem:s15+$0x70] =	vst v1  }
0x212: {  	[tilespmem:s15+$0xFFFFFF70] =	vst v3  }
0x213: {  	[spmem:s5] =	stream.indirect.scatter.add.f32 [tilespmem:s17], [sflag:$0x8], $0x80, s9, s11, $0xb8;
	[tilespmem:$0x1DC80] =	vst v63  }
.LBB2_12:
0x214: {  	s10 =	simm.s32 @!p1 $0x7  }
0x215: {  	_ =	swait.ge @!p1 [sflag:s10], $0x2800  }
0x216: {  	s15 =	sor.u32 $0x3, s28;
	[sflag:s10] =	ssyncset.done @!p1 $0x0  }
0x217: {  	[sflag:s10] =	ssyncadd.s32 @!p1 $0xFFFFD800;
	s10 =	sshll.u32 @!p2 s30, $0x4;
	p1 =	sgt.u32 s15, $0x7C  }
0x218: {  	s20 =	simm.s32 @!p2 $0x5400;
	s10 =	sadd.s32 @!p2 s4, s10;
	s15 =	smul.u32 @!p1 $0x50, s15  }
0x219: {  	[tilespmem:s20], [sflag:$0x5] =	stream.linear.gather @!p2 [hbm4b:s10+s29], $0x2800, $0x38;
	[tilespmem:$0x1DC80] =	vst v63  }
0x21a: {  	s30 =	sadd.s32 @!p1 s6, s15  }
0x21b: {  	s10 =	sshrl.u32 @!p1 s30, $0x3  }
0x21c: {  	s29 =	simm.s32 @!p1 $0x0;
	s20 =	simm.s32 @!p1 $0x180;
	s15 =	sadd.s32 @!p1 s16, s10  }
0x21d: {  	[tilespmem:s20], [sflag:$0x2] =	stream.linear.gather @!p1 [hbm4b:s15+s29], $0x50, $0x38;
	[tilespmem:$0x1DC80] =	vst v63  }
0x21e: {  	s10 =	sadd.s32 @!p1 s1, s10;
	s15 =	simm.s32 @!p1 $0x380  }
0x21f: {  	[tilespmem:s15], [sflag:$0x2] =	stream.linear.gather @!p1 [hbm4b:s10+s29], $0x50, $0x38;
	[tilespmem:$0x1DC80] =	vst v63  }
0x220: {  	s10 =	simm.s32 @!p1 $0x2  }
0x221: {  	_ =	swait.ge @!p1 [sflag:s10], $0x50  }
0x222: {  	[sflag:s10] =	ssyncset.done @!p1 $0x0  }
.Ltmp9:
0x223: {  	[sflag:s10] =	ssyncadd.s32 @!p1 $0xFFFFFFB0;
	(pc) =	sbr.rel @p2 .LBB2_16-.Ltmp9, $4  }
0x224: {  	_ =	swait.ge @!p1 [sflag:s10], $0x50  }
0x225: {  	[sflag:s10] =	ssyncset.done @!p1 $0x0  }
0x226: {  	s15 =	simm.s32 @!p1 $0x2C00;
	[sflag:s10] =	ssyncadd.s32 @!p1 $0xFFFFFFB0;
	s10 =	simm.s32 @!p1 $0x50  }
0x227: {  	[tilespmem:s15], [sflag:$0x4] =	stream.indirect.gather @!p1 [hbm4b:s0+s10], $0x80, s20, s10, $0xb8;
	[tilespmem:$0x1DC80] =	vst v63  }
0x228: {  	_ =	swait.ge [sflag:s18], $0x2800  }
0x229: {  	[sflag:s18] =	ssyncset.done $0x0  }
0x22a: {  	[sflag:s18] =	ssyncadd.s32 $0xFFFFD800  }
0x22b: {  	_ =	swait.ge [sflag:s19], $0x2800  }
0x22c: {  	[sflag:s19] =	ssyncset.done $0x0  }
0x22d: {  	s31 =	simm.s32 $0x500;
	[sflag:s19] =	ssyncadd.s32 $0xFFFFD800  }
0x22e: {  	s10 =	simm.s32 $0x5500;
	v1 =	vld [tilespmem:s31+$0x80]  }
0x22f: {  	v2 =	vld [tilespmem:s10+$0x80]  }
0x230: {  	v3 =	vld [tilespmem:s10+$0xFFFFFF00]  }
0x231: {  	v4 =	vld [tilespmem:s31+$0xFFFFFF80]  }
0x232: {  	v5 =	vld [tilespmem:s10+$0xFFFFFF80]  }
0x233: {  	v6 =	vld [tilespmem:s10+$0x0]  }
0x234: {  	v1 =	vadd.f32 v2, v1;
	v2 =	vld [tilespmem:s31+$0x0]  }
0x235: {  	v7 =	vld [tilespmem:s31+$0xFFFFFF00]  }
0x236: {  	v1 =	vmax.f32 v1, $0.0e+00  }
0x237: {  	v4 =	vadd.f32 v5, v4;
	[tilespmem:s10+$0x80] =	vst v1;
	v1 =	vld [tilespmem:s10+$0x90]  }
0x238: {  	v8 =	vld [tilespmem:s31+$0x90]  }
0x239: {  	v9 =	vld [tilespmem:s10+$0xFFFFFF90];
	v4 =	vmax.f32 v4, $0.0e+00;
	v2 =	vadd.f32 v6, v2  }
0x23a: {  	v5 =	vld [tilespmem:s10+$0xFFFFFF10];
	v3 =	vadd.f32 v3, v7;
	[tilespmem:s10+$0xFFFFFF80] =	vst v4  }
0x23b: {  	v6 =	vld [tilespmem:s31+$0xFFFFFF90];
	v2 =	vmax.f32 v2, $0.0e+00  }
0x23c: {  	v3 =	vmax.f32 v3, $0.0e+00;
	v4 =	vld [tilespmem:s10+$0x10];
	[tilespmem:s10+$0x0] =	vst v2  }
0x23d: {  	[tilespmem:s10+$0xFFFFFF00] =	vst v3;
	v1 =	vadd.f32 v1, v8;
	v2 =	vld [tilespmem:s31+$0x10]  }
0x23e: {  	v3 =	vld [tilespmem:s31+$0xFFFFFF10]  }
0x23f: {  	v1 =	vmax.f32 v1, $0.0e+00  }
0x240: {  	v6 =	vadd.f32 v9, v6;
	[tilespmem:s10+$0x90] =	vst v1;
	v1 =	vld [tilespmem:s10+$0xA0]  }
0x241: {  	v8 =	vld [tilespmem:s31+$0xA0]  }
0x242: {  	v7 =	vld [tilespmem:s10+$0xFFFFFF20];
	v6 =	vmax.f32 v6, $0.0e+00;
	v2 =	vadd.f32 v4, v2  }
0x243: {  	v3 =	vadd.f32 v5, v3;
	v9 =	vld [tilespmem:s10+$0xFFFFFFA0];
	[tilespmem:s10+$0xFFFFFF90] =	vst v6  }
0x244: {  	v5 =	vld [tilespmem:s31+$0xFFFFFFA0];
	v2 =	vmax.f32 v2, $0.0e+00  }
0x245: {  	v3 =	vmax.f32 v3, $0.0e+00;
	v4 =	vld [tilespmem:s10+$0x20];
	[tilespmem:s10+$0x10] =	vst v2  }
0x246: {  	[tilespmem:s10+$0xFFFFFF10] =	vst v3;
	v1 =	vadd.f32 v1, v8;
	v2 =	vld [tilespmem:s31+$0x20]  }
0x247: {  	v3 =	vld [tilespmem:s31+$0xFFFFFF20]  }
0x248: {  	v1 =	vmax.f32 v1, $0.0e+00  }
0x249: {  	v5 =	vadd.f32 v9, v5;
	[tilespmem:s10+$0xA0] =	vst v1;
	v1 =	vld [tilespmem:s10+$0xB0]  }
0x24a: {  	v8 =	vld [tilespmem:s31+$0xB0]  }
0x24b: {  	v10 =	vld [tilespmem:s10+$0x30];
	v5 =	vmax.f32 v5, $0.0e+00;
	v2 =	vadd.f32 v4, v2  }
0x24c: {  	v3 =	vadd.f32 v7, v3;
	v9 =	vld [tilespmem:s10+$0xFFFFFFB0];
	[tilespmem:s10+$0xFFFFFFA0] =	vst v5  }
0x24d: {  	v4 =	vld [tilespmem:s31+$0xFFFFFFB0];
	v2 =	vmax.f32 v2, $0.0e+00  }
0x24e: {  	v6 =	vld [tilespmem:s10+$0xFFFFFF30];
	[tilespmem:s10+$0x20] =	vst v2;
	v2 =	vmax.f32 v3, $0.0e+00  }
0x24f: {  	v1 =	vadd.f32 v1, v8;
	[tilespmem:s10+$0xFFFFFF20] =	vst v2;
	v2 =	vld [tilespmem:s31+$0x30]  }
0x250: {  	v7 =	vld [tilespmem:s31+$0xFFFFFF30]  }
0x251: {  	v11 =	vld [tilespmem:s10+$0xFFFFFF40];
	v1 =	vmax.f32 v1, $0.0e+00  }
0x252: {  	v4 =	vadd.f32 v9, v4;
	[tilespmem:s10+$0xB0] =	vst v1;
	v1 =	vld [tilespmem:s10+$0xC0]  }
0x253: {  	v8 =	vld [tilespmem:s31+$0xC0]  }
0x254: {  	v12 =	vld [tilespmem:s10+$0xFFFFFFD0];
	v4 =	vmax.f32 v4, $0.0e+00;
	v2 =	vadd.f32 v10, v2  }
0x255: {  	v5 =	vld [tilespmem:s10+$0xFFFFFFC0];
	[tilespmem:s10+$0xFFFFFFB0] =	vst v4;
	v6 =	vadd.f32 v6, v7  }
0x256: {  	v7 =	vld [tilespmem:s31+$0xFFFFFFC0];
	v2 =	vmax.f32 v2, $0.0e+00  }
0x257: {  	v3 =	vld [tilespmem:s10+$0x40];
	[tilespmem:s10+$0x30] =	vst v2;
	v2 =	vmax.f32 v6, $0.0e+00  }
0x258: {  	v1 =	vadd.f32 v1, v8;
	v6 =	vld [tilespmem:s31+$0x40];
	[tilespmem:s10+$0xFFFFFF30] =	vst v2  }
0x259: {  	v2 =	vld [tilespmem:s31+$0xFFFFFF40]  }
0x25a: {  	v9 =	vld [tilespmem:s10+$0xFFFFFF50];
	v1 =	vmax.f32 v1, $0.0e+00  }
0x25b: {  	[tilespmem:s10+$0xC0] =	vst v1;
	v1 =	vadd.f32 v5, v7;
	v7 =	vld [tilespmem:s10+$0xD0]  }
0x25c: {  	v8 =	vld [tilespmem:s31+$0xD0]  }
0x25d: {  	v4 =	vld [tilespmem:s10+$0xFFFFFF60];
	v1 =	vmax.f32 v1, $0.0e+00;
	v3 =	vadd.f32 v3, v6  }
0x25e: {  	v10 =	vld [tilespmem:s10+$0x50];
	[tilespmem:s10+$0xFFFFFFC0] =	vst v1;
	v1 =	vadd.f32 v11, v2  }
0x25f: {  	v2 =	vld [tilespmem:s31+$0xFFFFFFD0];
	v3 =	vmax.f32 v3, $0.0e+00  }
0x260: {  	v5 =	vld [tilespmem:s10+$0xFFFFFFE0];
	[tilespmem:s10+$0x40] =	vst v3;
	v1 =	vmax.f32 v1, $0.0e+00  }
0x261: {  	v3 =	vld [tilespmem:s31+$0x50];
	v7 =	vadd.f32 v7, v8;
	[tilespmem:s10+$0xFFFFFF40] =	vst v1  }
0x262: {  	v1 =	vld [tilespmem:s31+$0xFFFFFF50]  }
0x263: {  	v6 =	vld [tilespmem:s10+$0x60];
	v7 =	vmax.f32 v7, $0.0e+00  }
0x264: {  	v2 =	vadd.f32 v12, v2;
	[tilespmem:s10+$0xD0] =	vst v7;
	v7 =	vld [tilespmem:s10+$0xE0]  }
0x265: {  	v11 =	vld [tilespmem:s31+$0xE0]  }
0x266: {  	v2 =	vmax.f32 v2, $0.0e+00;
	v8 =	vadd.f32 v10, v3;
	v3 =	vld [tilespmem:s10+$0xFFFFFF70]  }
0x267: {  	[tilespmem:s10+$0xFFFFFFD0] =	vst v2;
	v1 =	vadd.f32 v9, v1;
	v2 =	vld [tilespmem:s10+$0xFFFFFFF0]  }
0x268: {  	v9 =	vmax.f32 v8, $0.0e+00;
	v8 =	vld [tilespmem:s31+$0xFFFFFFE0]  }
0x269: {  	[tilespmem:s10+$0x50] =	vst v9;
	v9 =	vmax.f32 v1, $0.0e+00;
	v1 =	vld [tilespmem:s10+$0x70]  }
0x26a: {  	[tilespmem:s10+$0xFFFFFF50] =	vst v9;
	v9 =	vld [tilespmem:s31+$0x60];
	v7 =	vadd.f32 v7, v11  }
0x26b: {  	v10 =	vld [tilespmem:s31+$0xFFFFFF60]  }
0x26c: {  	s25 =	simm.s32 $0x0;
	s20 =	simm.s32 $0x700;
	s15 =	simm.s32 $0x5500;
	v11 =	vmax.f32 v7, $0.0e+00;
	v7 =	vld [tilespmem:s10+$0xF0]  }
.LBB2_14:
0x26d: {  	v12 =	vld [tilespmem:s20+$0x80];
	v5 =	vadd.f32 v5, v8;
	[tilespmem:s10+$0xE0] =	vst v11  }
0x26e: {  	s10 =	sadd.s32 $0x200, s10;
	v8 =	vld [tilespmem:s31+$0xF0]  }
0x26f: {  	s25 =	sadd.s32 $0x4, s25;
	v11 =	vld [tilespmem:s10+$0x80];
	v5 =	vmax.f32 v5, $0.0e+00;
	v6 =	vadd.f32 v6, v9  }
0x270: {  	p2 =	slt.u32 s25, $0x4C;
	v9 =	vld [tilespmem:s10+$0xFFFFFF00];
	v4 =	vadd.f32 v4, v10;
	[tilespmem:s15+$0xFFFFFFE0] =	vst v5  }
0x271: {  	v5 =	vld [tilespmem:s20+$0xFFFFFF80];
	v6 =	vmax.f32 v6, $0.0e+00  }
0x272: {  	v10 =	vld [tilespmem:s10+$0xFFFFFF80];
	v4 =	vmax.f32 v4, $0.0e+00;
	[tilespmem:s15+$0x60] =	vst v6  }
0x273: {  	v6 =	vld [tilespmem:s20+$0x0];
	[tilespmem:s15+$0xFFFFFF60] =	vst v4;
	v4 =	vadd.f32 v7, v8  }
0x274: {  	v7 =	vld [tilespmem:s10+$0x0];
	v8 =	vadd.f32 v11, v12  }
0x275: {  	v11 =	vld [tilespmem:s20+$0xFFFFFF00];
	v4 =	vmax.f32 v4, $0.0e+00  }
0x276: {  	v12 =	vld [tilespmem:s10+$0xFFFFFF10];
	v8 =	vmax.f32 v8, $0.0e+00;
	[tilespmem:s15+$0xF0] =	vst v4  }
0x277: {  	v4 =	vadd.f32 v10, v5;
	[tilespmem:s10+$0x80] =	vst v8;
	v5 =	vld [tilespmem:s10+$0x90]  }
0x278: {  	v8 =	vld [tilespmem:s20+$0x90]  }
0x279: {  	v4 =	vmax.f32 v4, $0.0e+00;
	v10 =	vld [tilespmem:s10+$0xFFFFFF90];
	v6 =	vadd.f32 v7, v6  }
0x27a: {  	v7 =	vadd.f32 v9, v11;
	[tilespmem:s10+$0xFFFFFF80] =	vst v4;
	v4 =	vld [tilespmem:s10+$0x10]  }
0x27b: {  	v9 =	vld [tilespmem:s20+$0xFFFFFF90];
	v6 =	vmax.f32 v6, $0.0e+00  }
0x27c: {  	v7 =	vmax.f32 v7, $0.0e+00;
	v11 =	vld [tilespmem:s10+$0xFFFFFF20];
	[tilespmem:s10+$0x0] =	vst v6  }
0x27d: {  	[tilespmem:s10+$0xFFFFFF00] =	vst v7;
	v6 =	vld [tilespmem:s20+$0x10];
	v5 =	vadd.f32 v5, v8  }
0x27e: {  	v7 =	vld [tilespmem:s20+$0xFFFFFF10]  }
0x27f: {  	v8 =	vld [tilespmem:s10+$0xFFFFFFA0];
	v5 =	vmax.f32 v5, $0.0e+00  }
0x280: {  	v9 =	vadd.f32 v10, v9;
	[tilespmem:s10+$0x90] =	vst v5;
	v5 =	vld [tilespmem:s10+$0xA0]  }
0x281: {  	v10 =	vld [tilespmem:s20+$0xA0]  }
0x282: {  	v9 =	vmax.f32 v9, $0.0e+00;
	v4 =	vadd.f32 v4, v6;
	v6 =	vld [tilespmem:s10+$0x20]  }
0x283: {  	v7 =	vadd.f32 v12, v7;
	v12 =	vld [tilespmem:s10+$0xFFFFFF30];
	[tilespmem:s10+$0xFFFFFF90] =	vst v9  }
0x284: {  	v9 =	vld [tilespmem:s20+$0xFFFFFFA0];
	v4 =	vmax.f32 v4, $0.0e+00  }
0x285: {  	v7 =	vmax.f32 v7, $0.0e+00;
	v13 =	vld [tilespmem:s10+$0xFFFFFFB0];
	[tilespmem:s10+$0x10] =	vst v4  }
0x286: {  	[tilespmem:s10+$0xFFFFFF10] =	vst v7;
	v4 =	vld [tilespmem:s20+$0x20];
	v5 =	vadd.f32 v5, v10  }
0x287: {  	v7 =	vld [tilespmem:s20+$0xFFFFFF20]  }
0x288: {  	v10 =	vld [tilespmem:s10+$0x30];
	v5 =	vmax.f32 v5, $0.0e+00  }
0x289: {  	v8 =	vadd.f32 v8, v9;
	[tilespmem:s10+$0xA0] =	vst v5;
	v5 =	vld [tilespmem:s10+$0xB0]  }
0x28a: {  	v9 =	vld [tilespmem:s20+$0xB0]  }
0x28b: {  	v14 =	vld [tilespmem:s10+$0xFFFFFF40];
	v8 =	vmax.f32 v8, $0.0e+00;
	v4 =	vadd.f32 v6, v4  }
0x28c: {  	v6 =	vadd.f32 v11, v7;
	[tilespmem:s10+$0xFFFFFFA0] =	vst v8;
	v7 =	vld [tilespmem:s10+$0xFFFFFFC0]  }
0x28d: {  	v8 =	vld [tilespmem:s20+$0xFFFFFFB0];
	v4 =	vmax.f32 v4, $0.0e+00  }
0x28e: {  	v6 =	vmax.f32 v6, $0.0e+00;
	[tilespmem:s10+$0x20] =	vst v4;
	v11 =	vld [tilespmem:s10+$0x40]  }
0x28f: {  	[tilespmem:s10+$0xFFFFFF20] =	vst v6;
	v4 =	vld [tilespmem:s20+$0x30];
	v5 =	vadd.f32 v5, v9  }
0x290: {  	v6 =	vld [tilespmem:s20+$0xFFFFFF30]  }
0x291: {  	v9 =	vld [tilespmem:s10+$0xFFFFFF50];
	v5 =	vmax.f32 v5, $0.0e+00  }
0x292: {  	v8 =	vadd.f32 v13, v8;
	[tilespmem:s10+$0xB0] =	vst v5;
	v5 =	vld [tilespmem:s10+$0xC0]  }
0x293: {  	v13 =	vld [tilespmem:s20+$0xC0]  }
0x294: {  	v8 =	vmax.f32 v8, $0.0e+00;
	v15 =	vld [tilespmem:s10+$0xFFFFFFD0];
	v4 =	vadd.f32 v10, v4  }
0x295: {  	v6 =	vadd.f32 v12, v6;
	[tilespmem:s10+$0xFFFFFFB0] =	vst v8;
	v8 =	vld [tilespmem:s10+$0x50]  }
0x296: {  	v10 =	vld [tilespmem:s20+$0xFFFFFFC0];
	v12 =	vmax.f32 v4, $0.0e+00  }
0x297: {  	v6 =	vmax.f32 v6, $0.0e+00;
	v4 =	vld [tilespmem:s10+$0xFFFFFF60];
	[tilespmem:s10+$0x30] =	vst v12  }
0x298: {  	[tilespmem:s10+$0xFFFFFF30] =	vst v6;
	v6 =	vld [tilespmem:s20+$0x40];
	v12 =	vadd.f32 v5, v13  }
0x299: {  	v13 =	vld [tilespmem:s20+$0xFFFFFF40]  }
0x29a: {  	v5 =	vld [tilespmem:s10+$0xFFFFFFE0];
	v12 =	vmax.f32 v12, $0.0e+00  }
0x29b: {  	v7 =	vadd.f32 v7, v10;
	[tilespmem:s10+$0xC0] =	vst v12;
	v10 =	vld [tilespmem:s10+$0xD0]  }
0x29c: {  	v12 =	vld [tilespmem:s20+$0xD0]  }
0x29d: {  	v7 =	vmax.f32 v7, $0.0e+00;
	v11 =	vadd.f32 v11, v6;
	v6 =	vld [tilespmem:s10+$0x60]  }
0x29e: {  	v13 =	vadd.f32 v14, v13;
	[tilespmem:s10+$0xFFFFFFC0] =	vst v7;
	v7 =	vld [tilespmem:s31+$0xFFFFFF70]  }
0x29f: {  	v14 =	vld [tilespmem:s20+$0xFFFFFFD0];
	v11 =	vmax.f32 v11, $0.0e+00  }
0x2a0: {  	v13 =	vmax.f32 v13, $0.0e+00;
	[tilespmem:s10+$0x40] =	vst v11;
	v11 =	vld [tilespmem:s31+$0xFFFFFFF0]  }
0x2a1: {  	[tilespmem:s10+$0xFFFFFF40] =	vst v13;
	v13 =	vld [tilespmem:s20+$0x50];
	v10 =	vadd.f32 v10, v12  }
0x2a2: {  	v12 =	vld [tilespmem:s20+$0xFFFFFF50]  }
0x2a3: {  	v10 =	vmax.f32 v10, $0.0e+00;
	v3 =	vadd.f32 v3, v7;
	v7 =	vld [tilespmem:s31+$0x70];
	s31 =	smov.u32 s20  }
0x2a4: {  	v14 =	vadd.f32 v15, v14;
	[tilespmem:s10+$0xD0] =	vst v10;
	v10 =	vld [tilespmem:s10+$0xE0]  }
0x2a5: {  	v15 =	vld [tilespmem:s20+$0xE0];
	v16 =	vmax.f32 v3, $0.0e+00;
	v11 =	vadd.f32 v2, v11  }
0x2a6: {  	v3 =	vld [tilespmem:s10+$0xFFFFFF70];
	v2 =	vmax.f32 v14, $0.0e+00;
	v13 =	vadd.f32 v8, v13;
	[tilespmem:s15+$0xFFFFFF70] =	vst v16  }
0x2a7: {  	v9 =	vadd.f32 v9, v12;
	[tilespmem:s10+$0xFFFFFFD0] =	vst v2;
	v2 =	vld [tilespmem:s10+$0xFFFFFFF0];
	v11 =	vmax.f32 v11, $0.0e+00  }
.Ltmp10:
0x2a8: {  	v8 =	vld [tilespmem:s20+$0xFFFFFFE0];
	v12 =	vmax.f32 v13, $0.0e+00;
	[tilespmem:s15+$0xFFFFFFF0] =	vst v11;
	v7 =	vadd.f32 v1, v7;
	(pc) =	sbr.rel @p2 .LBB2_14-.Ltmp10, $4  }
0x2a9: {  	v9 =	vmax.f32 v9, $0.0e+00;
	[tilespmem:s10+$0x50] =	vst v12;
	v1 =	vld [tilespmem:s10+$0x70]  }
0x2aa: {  	[tilespmem:s10+$0xFFFFFF50] =	vst v9;
	v9 =	vld [tilespmem:s20+$0x60];
	v11 =	vadd.f32 v10, v15;
	v7 =	vmax.f32 v7, $0.0e+00  }
0x2ab: {  	v10 =	vld [tilespmem:s20+$0xFFFFFF60];
	[tilespmem:s15+$0x70] =	vst v7;
	s15 =	smov.u32 s10  }
0x2ac: {  	s20 =	sadd.s32 $0x200, s20;
	v11 =	vmax.f32 v11, $0.0e+00;
	v7 =	vld [tilespmem:s10+$0xF0]  }
0x2ad: {  	_ = 	snop  }
0x2ae: {  	v5 =	vadd.f32 v5, v8  }
0x2af: {  	v6 =	vadd.f32 v6, v9  }
0x2b0: {  	[tilespmem:s10+$0xE0] =	vst v11;
	v5 =	vmax.f32 v5, $0.0e+00;
	v4 =	vadd.f32 v4, v10  }
0x2b1: {  	v58 =	vld [tilespmem:s31+$0xF0];
	[tilespmem:s15+$0xFFFFFFE0] =	vst v5;
	v59 =	vmax.f32 v6, $0.0e+00  }
0x2b2: {  	v61 =	vld [tilespmem:s31+$0xFFFFFFF0];
	v4 =	vmax.f32 v4, $0.0e+00;
	[tilespmem:s15+$0x60] =	vst v59  }
0x2b3: {  	[tilespmem:s15+$0xFFFFFF60] =	vst v4;
	v62 =	vld [tilespmem:s31+$0x70]  }
0x2b4: {  	v60 =	vld [tilespmem:s31+$0xFFFFFF70];
	_ =	sdelay $0x1  }
0x2b5: {  	v7 =	vadd.f32 v7, v58  }
0x2b6: {  	v2 =	vadd.f32 v2, v61  }
0x2b7: {  	v63 =	vmax.f32 v7, $0.0e+00;
	v1 =	vadd.f32 v1, v62  }
0x2b8: {  	[tilespmem:s15+$0xF0] =	vst v63;
	v2 =	vmax.f32 v2, $0.0e+00;
	v3 =	vadd.f32 v3, v60  }
0x2b9: {  	[tilespmem:s15+$0xFFFFFFF0] =	vst v2;
	v1 =	vmax.f32 v1, $0.0e+00  }
0x2ba: {  	v3 =	vmax.f32 v3, $0.0e+00;
	[tilespmem:s15+$0x70] =	vst v1  }
0x2bb: {  	s31 =	simm.s32 $0x300;
	[tilespmem:s15+$0xFFFFFF70] =	vst v3  }
0x2bc: {  	[spmem:s5] =	stream.indirect.scatter.add.f32 [tilespmem:s12], [sflag:$0x7], $0x80, s31, s11, $0xb8;
	[tilespmem:$0x1DC80] =	vst v63  }
0x2bd: {  	_ =	swait.ge [sflag:s21], $0x2800  }
0x2be: {  	[sflag:s21] =	ssyncset.done $0x0  }
0x2bf: {  	[sflag:s21] =	ssyncadd.s32 $0xFFFFD800  }
.LBB2_16:
0x2c0: {  	s10 =	sshll.u32 @!p1 s30, $0x4;
	s15 =	sadd.s32 $0x4, s28;
	p2 =	sgt.u32 s26, $0x1E  }
0x2c1: {  	s20 =	simm.s32 @!p1 $0x7C00;
	s10 =	sadd.s32 @!p1 s4, s10;
	s15 =	smul.u32 @!p2 $0x50, s15  }
0x2c2: {  	[tilespmem:s20], [sflag:$0x6] =	stream.linear.gather @!p1 [hbm4b:s10+s29], $0x2800, $0x38;
	[tilespmem:$0x1DC80] =	vst v63  }
0x2c3: {  	s29 =	sadd.s32 @!p2 s6, s15  }
0x2c4: {  	s10 =	sshrl.u32 @!p2 s29, $0x3  }
0x2c5: {  	s28 =	simm.s32 @!p2 $0x0;
	s15 =	sadd.s32 @!p2 s16, s10  }
0x2c6: {  	[tilespmem:s28], [sflag:$0x1] =	stream.linear.gather @!p2 [hbm4b:s15+s28], $0x50, $0x38;
	[tilespmem:$0x1DC80] =	vst v63  }
0x2c7: {  	s10 =	sadd.s32 @!p2 s1, s10;
	s15 =	simm.s32 @!p2 $0x200  }
0x2c8: {  	[tilespmem:s15], [sflag:$0x1] =	stream.linear.gather @!p2 [hbm4b:s10+s28], $0x50, $0x38;
	[tilespmem:$0x1DC80] =	vst v63  }
0x2c9: {  	s10 =	simm.s32 @!p2 $0x1  }
0x2ca: {  	_ =	swait.ge @!p2 [sflag:s10], $0x50  }
0x2cb: {  	[sflag:s10] =	ssyncset.done @!p2 $0x0  }
.Ltmp11:
0x2cc: {  	[sflag:s10] =	ssyncadd.s32 @!p2 $0xFFFFFFB0;
	(pc) =	sbr.rel @p1 .LBB2_20-.Ltmp11, $4  }
0x2cd: {  	_ =	swait.ge @!p2 [sflag:s10], $0x50  }
0x2ce: {  	[sflag:s10] =	ssyncset.done @!p2 $0x0  }
0x2cf: {  	s15 =	simm.s32 @!p2 $0x400;
	[sflag:s10] =	ssyncadd.s32 @!p2 $0xFFFFFFB0;
	s10 =	simm.s32 @!p2 $0x50  }
0x2d0: {  	[tilespmem:s15], [sflag:$0x3] =	stream.indirect.gather @!p2 [hbm4b:s0+s10], $0x80, s28, s10, $0xb8;
	[tilespmem:$0x1DC80] =	vst v63  }
0x2d1: {  	_ =	swait.ge [sflag:s13], $0x2800  }
0x2d2: {  	[sflag:s13] =	ssyncset.done $0x0  }
0x2d3: {  	[sflag:s13] =	ssyncadd.s32 $0xFFFFD800  }
0x2d4: {  	_ =	swait.ge [sflag:s14], $0x2800  }
0x2d5: {  	[sflag:s14] =	ssyncset.done $0x0  }
0x2d6: {  	s30 =	simm.s32 $0x2D00;
	[sflag:s14] =	ssyncadd.s32 $0xFFFFD800  }
0x2d7: {  	s10 =	simm.s32 $0x7D00;
	v1 =	vld [tilespmem:s30+$0x80]  }
0x2d8: {  	v2 =	vld [tilespmem:s10+$0x80]  }
0x2d9: {  	v3 =	vld [tilespmem:s10+$0xFFFFFF00]  }
0x2da: {  	v4 =	vld [tilespmem:s30+$0xFFFFFF80]  }
0x2db: {  	v5 =	vld [tilespmem:s10+$0xFFFFFF80]  }
0x2dc: {  	v6 =	vld [tilespmem:s10+$0x0]  }
0x2dd: {  	v1 =	vadd.f32 v2, v1;
	v2 =	vld [tilespmem:s30+$0x0]  }
0x2de: {  	v7 =	vld [tilespmem:s30+$0xFFFFFF00]  }
0x2df: {  	v1 =	vmax.f32 v1, $0.0e+00  }
0x2e0: {  	v4 =	vadd.f32 v5, v4;
	[tilespmem:s10+$0x80] =	vst v1;
	v1 =	vld [tilespmem:s10+$0x90]  }
0x2e1: {  	v8 =	vld [tilespmem:s30+$0x90]  }
0x2e2: {  	v9 =	vld [tilespmem:s10+$0xFFFFFF90];
	v4 =	vmax.f32 v4, $0.0e+00;
	v2 =	vadd.f32 v6, v2  }
0x2e3: {  	v5 =	vld [tilespmem:s10+$0xFFFFFF10];
	v3 =	vadd.f32 v3, v7;
	[tilespmem:s10+$0xFFFFFF80] =	vst v4  }
0x2e4: {  	v6 =	vld [tilespmem:s30+$0xFFFFFF90];
	v2 =	vmax.f32 v2, $0.0e+00  }
0x2e5: {  	v3 =	vmax.f32 v3, $0.0e+00;
	v4 =	vld [tilespmem:s10+$0x10];
	[tilespmem:s10+$0x0] =	vst v2  }
0x2e6: {  	[tilespmem:s10+$0xFFFFFF00] =	vst v3;
	v1 =	vadd.f32 v1, v8;
	v2 =	vld [tilespmem:s30+$0x10]  }
0x2e7: {  	v3 =	vld [tilespmem:s30+$0xFFFFFF10]  }
0x2e8: {  	v1 =	vmax.f32 v1, $0.0e+00  }
0x2e9: {  	v6 =	vadd.f32 v9, v6;
	[tilespmem:s10+$0x90] =	vst v1;
	v1 =	vld [tilespmem:s10+$0xA0]  }
0x2ea: {  	v8 =	vld [tilespmem:s30+$0xA0]  }
0x2eb: {  	v7 =	vld [tilespmem:s10+$0xFFFFFF20];
	v6 =	vmax.f32 v6, $0.0e+00;
	v2 =	vadd.f32 v4, v2  }
0x2ec: {  	v3 =	vadd.f32 v5, v3;
	v9 =	vld [tilespmem:s10+$0xFFFFFFA0];
	[tilespmem:s10+$0xFFFFFF90] =	vst v6  }
0x2ed: {  	v5 =	vld [tilespmem:s30+$0xFFFFFFA0];
	v2 =	vmax.f32 v2, $0.0e+00  }
0x2ee: {  	v3 =	vmax.f32 v3, $0.0e+00;
	v4 =	vld [tilespmem:s10+$0x20];
	[tilespmem:s10+$0x10] =	vst v2  }
0x2ef: {  	[tilespmem:s10+$0xFFFFFF10] =	vst v3;
	v1 =	vadd.f32 v1, v8;
	v2 =	vld [tilespmem:s30+$0x20]  }
0x2f0: {  	v3 =	vld [tilespmem:s30+$0xFFFFFF20]  }
0x2f1: {  	v1 =	vmax.f32 v1, $0.0e+00  }
0x2f2: {  	v5 =	vadd.f32 v9, v5;
	[tilespmem:s10+$0xA0] =	vst v1;
	v1 =	vld [tilespmem:s10+$0xB0]  }
0x2f3: {  	v8 =	vld [tilespmem:s30+$0xB0]  }
0x2f4: {  	v10 =	vld [tilespmem:s10+$0x30];
	v5 =	vmax.f32 v5, $0.0e+00;
	v2 =	vadd.f32 v4, v2  }
0x2f5: {  	v3 =	vadd.f32 v7, v3;
	v9 =	vld [tilespmem:s10+$0xFFFFFFB0];
	[tilespmem:s10+$0xFFFFFFA0] =	vst v5  }
0x2f6: {  	v4 =	vld [tilespmem:s30+$0xFFFFFFB0];
	v2 =	vmax.f32 v2, $0.0e+00  }
0x2f7: {  	v6 =	vld [tilespmem:s10+$0xFFFFFF30];
	[tilespmem:s10+$0x20] =	vst v2;
	v2 =	vmax.f32 v3, $0.0e+00  }
0x2f8: {  	v1 =	vadd.f32 v1, v8;
	[tilespmem:s10+$0xFFFFFF20] =	vst v2;
	v2 =	vld [tilespmem:s30+$0x30]  }
0x2f9: {  	v7 =	vld [tilespmem:s30+$0xFFFFFF30]  }
0x2fa: {  	v11 =	vld [tilespmem:s10+$0xFFFFFF40];
	v1 =	vmax.f32 v1, $0.0e+00  }
0x2fb: {  	v4 =	vadd.f32 v9, v4;
	[tilespmem:s10+$0xB0] =	vst v1;
	v1 =	vld [tilespmem:s10+$0xC0]  }
0x2fc: {  	v8 =	vld [tilespmem:s30+$0xC0]  }
0x2fd: {  	v12 =	vld [tilespmem:s10+$0xFFFFFFD0];
	v4 =	vmax.f32 v4, $0.0e+00;
	v2 =	vadd.f32 v10, v2  }
0x2fe: {  	v5 =	vld [tilespmem:s10+$0xFFFFFFC0];
	[tilespmem:s10+$0xFFFFFFB0] =	vst v4;
	v6 =	vadd.f32 v6, v7  }
0x2ff: {  	v7 =	vld [tilespmem:s30+$0xFFFFFFC0];
	v2 =	vmax.f32 v2, $0.0e+00  }
0x300: {  	v3 =	vld [tilespmem:s10+$0x40];
	[tilespmem:s10+$0x30] =	vst v2;
	v2 =	vmax.f32 v6, $0.0e+00  }
0x301: {  	v1 =	vadd.f32 v1, v8;
	v6 =	vld [tilespmem:s30+$0x40];
	[tilespmem:s10+$0xFFFFFF30] =	vst v2  }
0x302: {  	v2 =	vld [tilespmem:s30+$0xFFFFFF40]  }
0x303: {  	v9 =	vld [tilespmem:s10+$0xFFFFFF50];
	v1 =	vmax.f32 v1, $0.0e+00  }
0x304: {  	[tilespmem:s10+$0xC0] =	vst v1;
	v1 =	vadd.f32 v5, v7;
	v7 =	vld [tilespmem:s10+$0xD0]  }
0x305: {  	v8 =	vld [tilespmem:s30+$0xD0]  }
0x306: {  	v4 =	vld [tilespmem:s10+$0xFFFFFF60];
	v1 =	vmax.f32 v1, $0.0e+00;
	v3 =	vadd.f32 v3, v6  }
0x307: {  	v10 =	vld [tilespmem:s10+$0x50];
	[tilespmem:s10+$0xFFFFFFC0] =	vst v1;
	v1 =	vadd.f32 v11, v2  }
0x308: {  	v2 =	vld [tilespmem:s30+$0xFFFFFFD0];
	v3 =	vmax.f32 v3, $0.0e+00  }
0x309: {  	v5 =	vld [tilespmem:s10+$0xFFFFFFE0];
	[tilespmem:s10+$0x40] =	vst v3;
	v1 =	vmax.f32 v1, $0.0e+00  }
0x30a: {  	v3 =	vld [tilespmem:s30+$0x50];
	v7 =	vadd.f32 v7, v8;
	[tilespmem:s10+$0xFFFFFF40] =	vst v1  }
0x30b: {  	v1 =	vld [tilespmem:s30+$0xFFFFFF50]  }
0x30c: {  	v6 =	vld [tilespmem:s10+$0x60];
	v7 =	vmax.f32 v7, $0.0e+00  }
0x30d: {  	v2 =	vadd.f32 v12, v2;
	[tilespmem:s10+$0xD0] =	vst v7;
	v7 =	vld [tilespmem:s10+$0xE0]  }
0x30e: {  	v11 =	vld [tilespmem:s30+$0xE0]  }
0x30f: {  	v2 =	vmax.f32 v2, $0.0e+00;
	v8 =	vadd.f32 v10, v3;
	v3 =	vld [tilespmem:s10+$0xFFFFFF70]  }
0x310: {  	[tilespmem:s10+$0xFFFFFFD0] =	vst v2;
	v1 =	vadd.f32 v9, v1;
	v2 =	vld [tilespmem:s10+$0xFFFFFFF0]  }
0x311: {  	v9 =	vmax.f32 v8, $0.0e+00;
	v8 =	vld [tilespmem:s30+$0xFFFFFFE0]  }
0x312: {  	[tilespmem:s10+$0x50] =	vst v9;
	v9 =	vmax.f32 v1, $0.0e+00;
	v1 =	vld [tilespmem:s10+$0x70]  }
0x313: {  	[tilespmem:s10+$0xFFFFFF50] =	vst v9;
	v9 =	vld [tilespmem:s30+$0x60];
	v7 =	vadd.f32 v7, v11  }
0x314: {  	v10 =	vld [tilespmem:s30+$0xFFFFFF60]  }
0x315: {  	s25 =	simm.s32 $0x0;
	s20 =	simm.s32 $0x2F00;
	s15 =	simm.s32 $0x7D00;
	v11 =	vmax.f32 v7, $0.0e+00;
	v7 =	vld [tilespmem:s10+$0xF0]  }
.LBB2_18:
0x316: {  	v12 =	vld [tilespmem:s20+$0x80];
	v5 =	vadd.f32 v5, v8;
	[tilespmem:s10+$0xE0] =	vst v11  }
0x317: {  	s10 =	sadd.s32 $0x200, s10;
	v8 =	vld [tilespmem:s30+$0xF0]  }
0x318: {  	s25 =	sadd.s32 $0x4, s25;
	v11 =	vld [tilespmem:s10+$0x80];
	v5 =	vmax.f32 v5, $0.0e+00;
	v6 =	vadd.f32 v6, v9  }
0x319: {  	p1 =	slt.u32 s25, $0x4C;
	v9 =	vld [tilespmem:s10+$0xFFFFFF00];
	v4 =	vadd.f32 v4, v10;
	[tilespmem:s15+$0xFFFFFFE0] =	vst v5  }
0x31a: {  	v5 =	vld [tilespmem:s20+$0xFFFFFF80];
	v6 =	vmax.f32 v6, $0.0e+00  }
0x31b: {  	v10 =	vld [tilespmem:s10+$0xFFFFFF80];
	v4 =	vmax.f32 v4, $0.0e+00;
	[tilespmem:s15+$0x60] =	vst v6  }
0x31c: {  	v6 =	vld [tilespmem:s20+$0x0];
	[tilespmem:s15+$0xFFFFFF60] =	vst v4;
	v4 =	vadd.f32 v7, v8  }
0x31d: {  	v7 =	vld [tilespmem:s10+$0x0];
	v8 =	vadd.f32 v11, v12  }
0x31e: {  	v11 =	vld [tilespmem:s20+$0xFFFFFF00];
	v4 =	vmax.f32 v4, $0.0e+00  }
0x31f: {  	v12 =	vld [tilespmem:s10+$0xFFFFFF10];
	v8 =	vmax.f32 v8, $0.0e+00;
	[tilespmem:s15+$0xF0] =	vst v4  }
0x320: {  	v4 =	vadd.f32 v10, v5;
	[tilespmem:s10+$0x80] =	vst v8;
	v5 =	vld [tilespmem:s10+$0x90]  }
0x321: {  	v8 =	vld [tilespmem:s20+$0x90]  }
0x322: {  	v4 =	vmax.f32 v4, $0.0e+00;
	v10 =	vld [tilespmem:s10+$0xFFFFFF90];
	v6 =	vadd.f32 v7, v6  }
0x323: {  	v7 =	vadd.f32 v9, v11;
	[tilespmem:s10+$0xFFFFFF80] =	vst v4;
	v4 =	vld [tilespmem:s10+$0x10]  }
0x324: {  	v9 =	vld [tilespmem:s20+$0xFFFFFF90];
	v6 =	vmax.f32 v6, $0.0e+00  }
0x325: {  	v7 =	vmax.f32 v7, $0.0e+00;
	v11 =	vld [tilespmem:s10+$0xFFFFFF20];
	[tilespmem:s10+$0x0] =	vst v6  }
0x326: {  	[tilespmem:s10+$0xFFFFFF00] =	vst v7;
	v6 =	vld [tilespmem:s20+$0x10];
	v5 =	vadd.f32 v5, v8  }
0x327: {  	v7 =	vld [tilespmem:s20+$0xFFFFFF10]  }
0x328: {  	v8 =	vld [tilespmem:s10+$0xFFFFFFA0];
	v5 =	vmax.f32 v5, $0.0e+00  }
0x329: {  	v9 =	vadd.f32 v10, v9;
	[tilespmem:s10+$0x90] =	vst v5;
	v5 =	vld [tilespmem:s10+$0xA0]  }
0x32a: {  	v10 =	vld [tilespmem:s20+$0xA0]  }
0x32b: {  	v9 =	vmax.f32 v9, $0.0e+00;
	v4 =	vadd.f32 v4, v6;
	v6 =	vld [tilespmem:s10+$0x20]  }
0x32c: {  	v7 =	vadd.f32 v12, v7;
	v12 =	vld [tilespmem:s10+$0xFFFFFF30];
	[tilespmem:s10+$0xFFFFFF90] =	vst v9  }
0x32d: {  	v9 =	vld [tilespmem:s20+$0xFFFFFFA0];
	v4 =	vmax.f32 v4, $0.0e+00  }
0x32e: {  	v7 =	vmax.f32 v7, $0.0e+00;
	v13 =	vld [tilespmem:s10+$0xFFFFFFB0];
	[tilespmem:s10+$0x10] =	vst v4  }
0x32f: {  	[tilespmem:s10+$0xFFFFFF10] =	vst v7;
	v4 =	vld [tilespmem:s20+$0x20];
	v5 =	vadd.f32 v5, v10  }
0x330: {  	v7 =	vld [tilespmem:s20+$0xFFFFFF20]  }
0x331: {  	v10 =	vld [tilespmem:s10+$0x30];
	v5 =	vmax.f32 v5, $0.0e+00  }
0x332: {  	v8 =	vadd.f32 v8, v9;
	[tilespmem:s10+$0xA0] =	vst v5;
	v5 =	vld [tilespmem:s10+$0xB0]  }
0x333: {  	v9 =	vld [tilespmem:s20+$0xB0]  }
0x334: {  	v14 =	vld [tilespmem:s10+$0xFFFFFF40];
	v8 =	vmax.f32 v8, $0.0e+00;
	v4 =	vadd.f32 v6, v4  }
0x335: {  	v6 =	vadd.f32 v11, v7;
	[tilespmem:s10+$0xFFFFFFA0] =	vst v8;
	v7 =	vld [tilespmem:s10+$0xFFFFFFC0]  }
0x336: {  	v8 =	vld [tilespmem:s20+$0xFFFFFFB0];
	v4 =	vmax.f32 v4, $0.0e+00  }
0x337: {  	v6 =	vmax.f32 v6, $0.0e+00;
	[tilespmem:s10+$0x20] =	vst v4;
	v11 =	vld [tilespmem:s10+$0x40]  }
0x338: {  	[tilespmem:s10+$0xFFFFFF20] =	vst v6;
	v4 =	vld [tilespmem:s20+$0x30];
	v5 =	vadd.f32 v5, v9  }
0x339: {  	v6 =	vld [tilespmem:s20+$0xFFFFFF30]  }
0x33a: {  	v9 =	vld [tilespmem:s10+$0xFFFFFF50];
	v5 =	vmax.f32 v5, $0.0e+00  }
0x33b: {  	v8 =	vadd.f32 v13, v8;
	[tilespmem:s10+$0xB0] =	vst v5;
	v5 =	vld [tilespmem:s10+$0xC0]  }
0x33c: {  	v13 =	vld [tilespmem:s20+$0xC0]  }
0x33d: {  	v8 =	vmax.f32 v8, $0.0e+00;
	v15 =	vld [tilespmem:s10+$0xFFFFFFD0];
	v4 =	vadd.f32 v10, v4  }
0x33e: {  	v6 =	vadd.f32 v12, v6;
	[tilespmem:s10+$0xFFFFFFB0] =	vst v8;
	v8 =	vld [tilespmem:s10+$0x50]  }
0x33f: {  	v10 =	vld [tilespmem:s20+$0xFFFFFFC0];
	v12 =	vmax.f32 v4, $0.0e+00  }
0x340: {  	v6 =	vmax.f32 v6, $0.0e+00;
	v4 =	vld [tilespmem:s10+$0xFFFFFF60];
	[tilespmem:s10+$0x30] =	vst v12  }
0x341: {  	[tilespmem:s10+$0xFFFFFF30] =	vst v6;
	v6 =	vld [tilespmem:s20+$0x40];
	v12 =	vadd.f32 v5, v13  }
0x342: {  	v13 =	vld [tilespmem:s20+$0xFFFFFF40]  }
0x343: {  	v5 =	vld [tilespmem:s10+$0xFFFFFFE0];
	v12 =	vmax.f32 v12, $0.0e+00  }
0x344: {  	v7 =	vadd.f32 v7, v10;
	[tilespmem:s10+$0xC0] =	vst v12;
	v10 =	vld [tilespmem:s10+$0xD0]  }
0x345: {  	v12 =	vld [tilespmem:s20+$0xD0]  }
0x346: {  	v7 =	vmax.f32 v7, $0.0e+00;
	v11 =	vadd.f32 v11, v6;
	v6 =	vld [tilespmem:s10+$0x60]  }
0x347: {  	v13 =	vadd.f32 v14, v13;
	[tilespmem:s10+$0xFFFFFFC0] =	vst v7;
	v7 =	vld [tilespmem:s30+$0xFFFFFF70]  }
0x348: {  	v14 =	vld [tilespmem:s20+$0xFFFFFFD0];
	v11 =	vmax.f32 v11, $0.0e+00  }
0x349: {  	v13 =	vmax.f32 v13, $0.0e+00;
	[tilespmem:s10+$0x40] =	vst v11;
	v11 =	vld [tilespmem:s30+$0xFFFFFFF0]  }
0x34a: {  	[tilespmem:s10+$0xFFFFFF40] =	vst v13;
	v13 =	vld [tilespmem:s20+$0x50];
	v10 =	vadd.f32 v10, v12  }
0x34b: {  	v12 =	vld [tilespmem:s20+$0xFFFFFF50]  }
0x34c: {  	v10 =	vmax.f32 v10, $0.0e+00;
	v3 =	vadd.f32 v3, v7;
	v7 =	vld [tilespmem:s30+$0x70];
	s30 =	smov.u32 s20  }
0x34d: {  	v14 =	vadd.f32 v15, v14;
	[tilespmem:s10+$0xD0] =	vst v10;
	v10 =	vld [tilespmem:s10+$0xE0]  }
0x34e: {  	v15 =	vld [tilespmem:s20+$0xE0];
	v16 =	vmax.f32 v3, $0.0e+00;
	v11 =	vadd.f32 v2, v11  }
0x34f: {  	v3 =	vld [tilespmem:s10+$0xFFFFFF70];
	v2 =	vmax.f32 v14, $0.0e+00;
	v13 =	vadd.f32 v8, v13;
	[tilespmem:s15+$0xFFFFFF70] =	vst v16  }
0x350: {  	v9 =	vadd.f32 v9, v12;
	[tilespmem:s10+$0xFFFFFFD0] =	vst v2;
	v2 =	vld [tilespmem:s10+$0xFFFFFFF0];
	v11 =	vmax.f32 v11, $0.0e+00  }
.Ltmp12:
0x351: {  	v8 =	vld [tilespmem:s20+$0xFFFFFFE0];
	v12 =	vmax.f32 v13, $0.0e+00;
	[tilespmem:s15+$0xFFFFFFF0] =	vst v11;
	v7 =	vadd.f32 v1, v7;
	(pc) =	sbr.rel @p1 .LBB2_18-.Ltmp12, $4  }
0x352: {  	v9 =	vmax.f32 v9, $0.0e+00;
	[tilespmem:s10+$0x50] =	vst v12;
	v1 =	vld [tilespmem:s10+$0x70]  }
0x353: {  	[tilespmem:s10+$0xFFFFFF50] =	vst v9;
	v9 =	vld [tilespmem:s20+$0x60];
	v11 =	vadd.f32 v10, v15;
	v7 =	vmax.f32 v7, $0.0e+00  }
0x354: {  	v10 =	vld [tilespmem:s20+$0xFFFFFF60];
	[tilespmem:s15+$0x70] =	vst v7;
	s15 =	smov.u32 s10  }
0x355: {  	s20 =	sadd.s32 $0x200, s20;
	v11 =	vmax.f32 v11, $0.0e+00;
	v7 =	vld [tilespmem:s10+$0xF0]  }
0x356: {  	_ = 	snop  }
0x357: {  	v5 =	vadd.f32 v5, v8  }
0x358: {  	v6 =	vadd.f32 v6, v9  }
0x359: {  	[tilespmem:s10+$0xE0] =	vst v11;
	v5 =	vmax.f32 v5, $0.0e+00;
	v4 =	vadd.f32 v4, v10  }
0x35a: {  	v58 =	vld [tilespmem:s30+$0xF0];
	[tilespmem:s15+$0xFFFFFFE0] =	vst v5;
	v59 =	vmax.f32 v6, $0.0e+00  }
0x35b: {  	v61 =	vld [tilespmem:s30+$0xFFFFFFF0];
	v4 =	vmax.f32 v4, $0.0e+00;
	[tilespmem:s15+$0x60] =	vst v59  }
0x35c: {  	[tilespmem:s15+$0xFFFFFF60] =	vst v4;
	v62 =	vld [tilespmem:s30+$0x70]  }
0x35d: {  	v60 =	vld [tilespmem:s30+$0xFFFFFF70];
	_ =	sdelay $0x1  }
0x35e: {  	v7 =	vadd.f32 v7, v58  }
0x35f: {  	v2 =	vadd.f32 v2, v61  }
0x360: {  	v63 =	vmax.f32 v7, $0.0e+00;
	v1 =	vadd.f32 v1, v62  }
0x361: {  	[tilespmem:s15+$0xF0] =	vst v63;
	v2 =	vmax.f32 v2, $0.0e+00;
	v3 =	vadd.f32 v3, v60  }
0x362: {  	[tilespmem:s15+$0xFFFFFFF0] =	vst v2;
	v1 =	vmax.f32 v1, $0.0e+00  }
0x363: {  	v3 =	vmax.f32 v3, $0.0e+00;
	[tilespmem:s15+$0x70] =	vst v1  }
.Ltmp13:
0x364: {  	[tilespmem:s15+$0xFFFFFF70] =	vst v3;
	(pc) =	sbr.rel .LBB2_20-.Ltmp13, $4  }
0x365: {  	[spmem:s5] =	stream.indirect.scatter.add.f32 [tilespmem:s17], [sflag:$0x8], $0x80, s22, s11, $0xb8;
	[tilespmem:$0x1DC80] =	vst v63  }
0x366: {  	_ =	swait.ge [sflag:s23], $0x2800  }
0x367: {  	[sflag:s23] =	ssyncset.done $0x0  }
0x368: {  	[sflag:s23] =	ssyncadd.s32 $0xFFFFD800  }
.LBB2_22:
0x369: {  	_ =	sfence.sel $0x180000  }
0x36a: {  	[bflag:$0x0] =	sbarrier.arrive $0xFFFF  }
0x36b: {  	_ =	strace $0x90000047  }
0x36c: {  	s0 =	stileid.u32;
	[bflag:$0x2] =	sbarrier.arrive $0xFFFF  }
0x36d: {  	p0 =	sne.s32 s0, $0x0;
	s0 =	rddreg [dreg:$0x5]  }
0x36e: {  	s0 =	sadd.s32 @!p0 $0x100000, s0  }
0x36f: {  	[sflag:s0] =	ssyncadd.tile.s32 @!p0 $0x1;
	_ =	shalt  }
.Lfunc_end2:
_tile_overlayer_lowered:
.L_overlay_start_2:
0x370: {  	(tag) =	ssettag $0x2  }
0x371: {  	s0 =	rddreg [dreg:$0x0];
	s2 =	stileid.u32  }
0x372: {  	s1 =	rddreg [dreg:$0x1];
	p0 =	sne.s32 s2, $0x0  }
0x373: {  	s3 =	rddreg [dreg:$0x2];
	[bflag:$0x3] =	sbarrier.arrive $0xFFFF;
	s2 =	simm.s32 @!p0 $0x1C09  }
0x374: {  	[timem:s3], [sflag:s2] =	dma.local @!p0 [hbm:s0], s1  }
0x375: {  	s0 =	simm.s32 @!p0 $0x9  }
0x376: {  	_ =	swait.ge @!p0 [sflag:s0], s1  }
0x377: {  	s1 =	ssub.s32 @!p0 $0x0, s1;
	[sflag:s0] =	ssyncset.done @!p0 $0x0  }
0x378: {  	[sflag:s0] =	ssyncadd.s32 @!p0 s1  }
0x379: {  	[bflag:$0x3] =	sbarrier.arrive $0xFFFF  }
0x37a: {  	_ =	shalt  }

// kernel: kernel.13.cloned.1.call-start
scs
__scs_entry_jumppad:
0x0: {  	(pc) =	sbr.rel $0x88, $3  }
0x1: {  	(tag) =	ssettag $0x0;
	lr =	simm.s32 $0x1  }
0x2: {  	[smem:$0x3F96] =	sst lr;
	_ =	strace $0xD0000000  }
0x3: {  	_ = 	snop  }
0x4: {  	_ = 	snop  }
0x5: {  	_ = 	snop  }
0x6: {  	_ = 	snop  }
0x7: {  	_ = 	snop  }
__scs_overlays_trampoline_lowered:
0x8: {  	[smem:$0x3FA5] =	sst s0  }
0x9: {  	[smem:$0x3FA6] =	sst s1  }
0xa: {  	[smem:$0x3FA7] =	sst s2  }
0xb: {  	[smem:$0x3FA8] =	sst s3  }
0xc: {  	[smem:$0x3FA9] =	sst s4  }
0xd: {  	[smem:$0x3FAA] =	sst s5  }
0xe: {  	[smem:$0x3FAB] =	sst s6  }
0xf: {  	[smem:$0x3FAC] =	sst s7  }
0x10: {  	[smem:$0x3FAD] =	sst s8  }
0x11: {  	[smem:$0x3FAE] =	sst s9;
	s0 =	simm.s32 @!p0 $0x0  }
0x12: {  	s1 =	sld [smem:$0x3F94];
	s0 =	simm.s32 @p0 $0x1  }
0x13: {  	[smem:$0x3FAF] =	sst s0;
	s0 =	simm.s32 @!p1 $0x0  }
0x14: {  	s2 =	sld [smem:$0x3F93];
	s0 =	simm.s32 @p1 $0x1  }
0x15: {  	[smem:$0x3FB0] =	sst s0;
	s0 =	simm.s32 @!p2 $0x0  }
0x16: {  	s3 =	sld [smem:$0x3FDB];
	s0 =	simm.s32 @p2 $0x1  }
0x17: {  	s4 =	simm.s32 $0x1BF5;
	[smem:$0x3FB2] =	sst s0  }
0x18: {  	s0 =	sld [smem:$0x3F95];
	_ =	swait.ge [sflag:s4], $0x0  }
0x19: {  	s7 =	sld [smem:$0x3F96]  }
0x1a: {  	s8 =	sadd.s32 $0xFFFFE003, lr  }
0x1b: {  	s9 =	sadd.s32 $0xFFFFFEF7, lr;
	s5 =	simm.s32 $0xFFFFFFFF;
	p2 =	slt.u32 s8, $0xFFFFF086  }
0x1c: {  	p1 =	slt.u32 s9, $0xF7A;
	s5 =	simm.s32 @!p2 $0x0  }
0x1d: {  	s5 =	simm.s32 @p1 $0x1;
	p0 =	seq.s32 s7, s2  }
0x1e: {  	s7 =	smul.u32 @!p0 $0xF7A, s2;
	p2 =	seq.s32 @!p0 s5, $0x0  }
0x1f: {  	s9 =	smul.u32 $0xF7A, s1;
	s8 =	simm.s32 @!p0 $0x1BF5;
	p2 =	por !p2, p0  }
0x20: {  	[sflag:s8] =	ssyncset.s32 @!p0 $0xFFFFF086;
	s6 =	sadd.s32 @!p0 s3, s7;
	s7 =	simm.s32 @!p0 $0x108  }
0x21: {  	s3 =	sadd.s32 s3, s9;
	s6 =	sadd.s32 @!p0 $0x88, s6;
	s7 =	simm.s32 @p2 $0x1082  }
0x22: {  	[simem:s7], [sflag:s8] =	dma.local @!p0 [hbm:s6], $0xF7A  }
0x23: {  	s9 =	sor.u32 $0xD0000000, s2;
	s6 =	simm.s32 $0x108;
	_ =	swait.ge @!p0 [sflag:s8], $0x0  }
0x24: {  	s3 =	sadd.s32 $0x88, s3;
	s6 =	simm.s32 @!p1 $0x1082;
	[sflag:s4] =	ssyncset.s32 $0xFFFFF086  }
0x25: {  	[simem:s6], [sflag:s4] =	dma.local [hbm:s3], $0xF7A  }
0x26: {  	[smem:$0x3F96] =	sst s1;
	(tag) =	ssettag s2;
	_ =	strace s9  }
0x27: {  	s1 =	sld [smem:$0x3FA6]  }
0x28: {  	s2 =	sld [smem:$0x3FA7]  }
0x29: {  	s4 =	sld [smem:$0x3FA9]  }
0x2a: {  	p0 =	seq.s32 s5, $0x0;
	s5 =	sld [smem:$0x3FAA]  }
0x2b: {  	s6 =	sld [smem:$0x3FAB]  }
0x2c: {  	s7 =	sld [smem:$0x3FAC]  }
0x2d: {  	s3 =	simm.s32 $0x108;
	s8 =	sld [smem:$0x3FAD]  }
0x2e: {  	s3 =	simm.s32 @!p0 $0x1082;
	s9 =	sld [smem:$0x3FAE]  }
0x2f: {  	lr =	sadd.s32 s0, s3;
	s0 =	sld [smem:$0x3FA5]  }
0x30: {  	s3 =	sld [smem:$0x3FA8]  }
0x31: {  	[smem:$0x3FB1] =	sst s10  }
0x32: {  	s10 =	sld [smem:$0x3FAF];
	_ =	sdelay $0x3  }
0x33: {  	p0 =	seq.s32 s10, $0x1;
	s10 =	sld [smem:$0x3FB1];
	_ =	sdelay $0x3  }
0x34: {  	[smem:$0x3FB1] =	sst s10  }
0x35: {  	s10 =	sld [smem:$0x3FB0];
	_ =	sdelay $0x3  }
0x36: {  	p1 =	seq.s32 s10, $0x1;
	s10 =	sld [smem:$0x3FB1];
	_ =	sdelay $0x3  }
0x37: {  	[smem:$0x3FB1] =	sst s10  }
0x38: {  	s10 =	sld [smem:$0x3FB2]  }
0x39: {  	_ = 	snop;
	(pc) =	sbr.ind lr, $3  }
0x3a: {  	_ = 	snop  }
0x3b: {  	_ = 	snop  }
0x3c: {  	p2 =	seq.s32 s10, $0x1;
	s10 =	sld [smem:$0x3FB1]  }
0x3d: {  	_ =	shalt  }
0x3e: {  	_ =	shalt  }
0x3f: {  	_ =	shalt  }
0x40: {  	_ =	shalt  }
0x41: {  	_ =	shalt  }
0x42: {  	_ =	shalt  }
0x43: {  	_ =	shalt  }
0x44: {  	_ =	shalt  }
0x45: {  	_ =	shalt  }
0x46: {  	_ =	shalt  }
0x47: {  	_ =	shalt  }
0x48: {  	_ =	shalt  }
0x49: {  	_ =	shalt  }
0x4a: {  	_ =	shalt  }
0x4b: {  	_ =	shalt  }
0x4c: {  	_ =	shalt  }
0x4d: {  	_ =	shalt  }
0x4e: {  	_ =	shalt  }
0x4f: {  	_ =	shalt  }
0x50: {  	_ =	shalt  }
0x51: {  	_ =	shalt  }
0x52: {  	_ =	shalt  }
0x53: {  	_ =	shalt  }
0x54: {  	_ =	shalt  }
0x55: {  	_ =	shalt  }
0x56: {  	_ =	shalt  }
0x57: {  	_ =	shalt  }
0x58: {  	_ =	shalt  }
0x59: {  	_ =	shalt  }
0x5a: {  	_ =	shalt  }
0x5b: {  	_ =	shalt  }
0x5c: {  	_ =	shalt  }
0x5d: {  	_ =	shalt  }
0x5e: {  	_ =	shalt  }
0x5f: {  	_ =	shalt  }
0x60: {  	_ =	shalt  }
0x61: {  	_ =	shalt  }
0x62: {  	_ =	shalt  }
0x63: {  	_ =	shalt  }
0x64: {  	_ =	shalt  }
0x65: {  	_ =	shalt  }
0x66: {  	_ =	shalt  }
0x67: {  	_ =	shalt  }
0x68: {  	_ =	shalt  }
0x69: {  	_ =	shalt  }
0x6a: {  	_ =	shalt  }
0x6b: {  	_ =	shalt  }
0x6c: {  	_ =	shalt  }
0x6d: {  	_ =	shalt  }
0x6e: {  	_ =	shalt  }
0x6f: {  	_ =	shalt  }
0x70: {  	_ =	shalt  }
0x71: {  	_ =	shalt  }
0x72: {  	_ =	shalt  }
0x73: {  	_ =	shalt  }
0x74: {  	_ =	shalt  }
0x75: {  	_ =	shalt  }
0x76: {  	_ =	shalt  }
0x77: {  	_ =	shalt  }
0x78: {  	_ =	shalt  }
0x79: {  	_ =	shalt  }
0x7a: {  	_ =	shalt  }
0x7b: {  	_ =	shalt  }
0x7c: {  	_ =	shalt  }
0x7d: {  	_ =	shalt  }
0x7e: {  	_ =	shalt  }
0x7f: {  	_ =	shalt  }
0x80: {  	_ =	shalt  }
0x81: {  	_ =	shalt  }
0x82: {  	_ =	shalt  }
0x83: {  	_ =	shalt  }
0x84: {  	_ =	shalt  }
0x85: {  	_ =	shalt  }
0x86: {  	_ =	shalt  }
0x87: {  	_ =	shalt  }
.Lfunc_end0:
.L_simem_size_0:
called_computation.2_lowered:
.L_overlay_start_0:
0x88: {  	s2 =	sld [smem:$0x3FD9]  }
0x89: {  	s3 =	sld [smem:$0x3FFE];
	_ =	sdelay $0x1  }
0x8a: {  	s1 =	srdreg.scid  }
0x8b: {  	s0 =	sand.u32 $0x1, s1  }
0x8c: {  	s14 =	sshll.u32 s0, $0xA;
	s2 =	sadd.s32 s3, s2  }
0x8d: {  	s2 =	sadd.s32 s2, s14  }
0x8e: {  	[smem:$0x3FBD] =	sst s2  }
0x8f: {  	_ = 	snop  }
0x90: {  	s2 =	sld [smem:$0x3FD0];
	_ =	sdelay $0x2  }
0x91: {  	s4 =	simm.s32 $0xB;
	s5 =	simm.s32 $0x10;
	s15 =	sld [smem:$0x3FC7]  }
0x92: {  	[smem:s5], [sflag:s4] =	dma.local [hbm:s2], $0x1  }
0x93: {  	_ =	swait.eq [sflag:s4], $0x1  }
0x94: {  	[sflag:s4] =	ssyncset.done $0x0  }
0x95: {  	[sflag:s4] =	ssyncadd.s32 $0xFFFFFFFF  }
0x96: {  	s16 =	sld [smem:$0x10];
	(tm) =	ssettm $0x1  }
0x97: {  	s17 =	sld [smem:$0x3FFB];
	_ =	sdelay $0x3  }
0x98: {  	_ =	strace s17  }
0x99: {  	s4 =	sld [smem:$0x3FFC];
	_ =	sdelay $0x3  }
0x9a: {  	_ =	strace s4  }
0x9b: {  	s4 =	sld [smem:$0x3FFD];
	_ =	sdelay $0x3  }
0x9c: {  	_ =	strace s4  }
0x9d: {  	_ =	strace $0x8FFFFFFF  }
0x9e: {  	s18 =	sld [smem:$0x3FDB];
	_ =	sdelay $0x1  }
0x9f: {  	s19 =	simm.s32 $_scs_section_size  }
0xa0: {  	s6 =	simm.s32 $_size__tile_overlayer_lowered;
	s7 =	simm.s32 $_tile_overlayer_lowered  }
0xa1: {  	s22 =	simm.s32 $0x1BFF;
	s21 =	sshll.u32 s7, $0x1;
	s4 =	sadd.s32 s19, s18  }
0xa2: {  	s8 =	simm.s32 $0x0;
	s20 =	sshll.u32 s6, $0x1;
	s6 =	sadd.s32 s21, s4  }
0xa3: {  	[timem:s8], [sflag:s22] =	dma.local [hbm:s6], s20  }
0xa4: {  	_ =	swait.ge [sflag:s22], s20  }
0xa5: {  	s5 =	ssub.s32 $0x0, s20;
	[sflag:s22] =	ssyncset.done $0x0  }
0xa6: {  	[sflag:s22] =	ssyncadd.s32 s5;
	_ =	sdelay $0x1  }
0xa7: {  	s23 =	simm.s32 $0x1B8B  }
0xa8: {  	_ =	swait.ge [sflag:s23], $0x1  }
0xa9: {  	[sflag:s23] =	ssyncset.done $0x0  }
0xaa: {  	s25 =	simm.s32 $0x1B8E;
	s24 =	sld [smem:$0x3FFE];
	[sflag:s23] =	ssyncadd.s32 $0xFFFFFFFF  }
0xab: {  	s26 =	simm.s32 $execute0_lowered;
	[smem:$0x3FD2] =	sst s25  }
0xac: {  	s6 =	sshll.u32 s26, $0x1;
	_ =	strace $0x8000004C;
	[dreg:$0x1] =	wrdreg $0xFFFFFFFF  }
0xad: {  	s28 =	simm.s32 $_size_execute0_lowered;
	s4 =	sadd.s32 s4, s6;
	[dreg:$0x0] =	wrdreg $0x0  }
0xae: {  	s6 =	sshll.u32 s28, $0x1;
	[dreg:$0x2] =	wrdreg s4  }
0xaf: {  	[dreg:$0x3] =	wrdreg s6  }
0xb0: {  	[dreg:$0x4] =	wrdreg $0xC0  }
0xb1: {  	_ =	task [dreg:s8], $0x5FFFF  }
0xb2: {  	[dreg:$0x1] =	wrdreg $0xFFFFFFFF  }
0xb3: {  	[dreg:$0x0] =	wrdreg $0x60  }
0xb4: {  	[dreg:$0x2] =	wrdreg s24  }
0xb5: {  	[dreg:$0x3] =	wrdreg s16  }
0xb6: {  	[dreg:$0x4] =	wrdreg s15  }
0xb7: {  	[dreg:$0x5] =	wrdreg $0xA4000  }
0xb8: {  	[dreg:$0x6] =	wrdreg $0x9  }
0xb9: {  	_ =	task.clear_ibuf [dreg:s8], $0x7FFFF;
	_ =	strace $0x9000004C  }
0xba: {  	s29 =	simm.s32 $0x9;
	_ =	strace $0x8000004E  }
0xbb: {  	_ =	swait.ge [sflag:s29], $0x1  }
0xbc: {  	[sflag:s29] =	ssyncadd.s32 $0xFFFFFFFF  }
0xbd: {  	_ =	strace $0x9000004E  }
0xbe: {  	_ =	sfence  }
0xbf: {  	s30 =	sld [smem:$0x0];
	_ =	sdelay $0x2  }
0xc0: {  	s31 =	sshll.u32 s1, $0xD;
	s1 =	sshrl.u32 s1, $0x2  }
0xc1: {  	s3 =	sand.u32 $0x4000, s31;
	s1 =	sadd.s32 s1, s30  }
0xc2: {  	s0 =	sor.u32 s3, s0;
	s1 =	sshll.u32 s1, $0x11  }
0xc3: {  	s0 =	sor.u32 s1, s0  }
0xc4: {  	s0 =	sadd.s32 $0x8F2B, s0  }
0xc5: {  	[sflag:s0] =	ssyncadd.remote.s32 $0x1  }
0xc6: {  	_ =	sfence.sel $0xFFFF  }
0xc7: {  	[dreg:$0x0] =	wrdreg $0xFFFFFFFF;
	(pc) =	sbr.abs _section_cstart, $3  }
0xc8: {  	[dreg:$0x1] =	wrdreg $0xFFFFFFFF  }
0xc9: {  	_ =	task.clear_ibuf [dreg:s8], $0x2FFFF;
	_ =	strace $0x9FFFFFFF  }
0xca: {  	(tm) =	ssettm $0x7FFFFFFF  }
0xcb: {  	_ =	shalt  }
tec
execute0_lowered:
.L_overlay_start_1:
0x0: {  	(tag) =	ssettag $0x1  }
0x1: {  	s4 =	srdreg.scid;
	s23 =	stileid.u32  }
0x2: {  	s4 =	sand.u32 $0x1, s4;
	s6 =	smul.u32 $0x2800, s23  }
0x3: {  	s0 =	rddreg [dreg:$0x0];
	s8 =	sor.u32 $0x10, s23;
	s26 =	smul.u32 $0x138800, s4  }
0x4: {  	s1 =	rddreg [dreg:$0x1];
	s10 =	sor.u32 $0x20, s23;
	s11 =	smul.u32 $0x2800, s8  }
0x5: {  	s2 =	rddreg [dreg:$0x2];
	s13 =	sor.u32 $0x30, s23;
	s14 =	smul.u32 $0x2800, s10  }
0x6: {  	s3 =	rddreg [dreg:$0x3];
	s17 =	sor.u32 $0x50, s23;
	s15 =	smul.u32 $0x2800, s13  }
0x7: {  	s5 =	simm.s32 $0x0;
	s18 =	sor.u32 $0x60, s23;
	s19 =	smul.u32 $0x2800, s17  }
0x8: {  	[smem:$0x7FF] =	sst s5;
	s20 =	sor.u32 $0x70, s23;
	s21 =	smul.u32 $0x2800, s18  }
0x9: {  	s7 =	sadd.s32 $0xA8800, s0;
	_ =	strace $0x8000004D;
	s31 =	smul.u32 $0x2800, s20  }
0xa: {  	s9 =	ssub.s32 $0x2, s4;
	s4 =	sshll.u32 s4, $0x4;
	s13 =	smul.u32 $0xA000, s13  }
0xb: {  	p0 =	sgt.u32 s20, $0x7C;
	s12 =	sshrl.u32 s9, $0x1;
	s4 =	sor.u32 s23, s4  }
0xc: {  	s9 =	ssub.s32 s9, s12;
	s12 =	sor.u32 $0x40, s23;
	s6 =	sadd.s32 s26, s6  }
0xd: {  	s11 =	sadd.s32 s26, s11;
	s14 =	sadd.s32 s26, s14;
	s15 =	sadd.s32 s26, s15  }
0xe: {  	s19 =	sadd.s32 s26, s19;
	s21 =	sadd.s32 s26, s21;
	s16 =	smul.u32 $0x2800, s12  }
0xf: {  	s5 =	sadd.s32 s26, s31;
	s22 =	sshrl.u32 s6, $0x3;
	s6 =	smul.u32 $0x2710, s4  }
0x10: {  	s11 =	sshrl.u32 s11, $0x3;
	s24 =	sshrl.u32 s14, $0x3;
	s25 =	sshrl.u32 s15, $0x3  }
0x11: {  	s14 =	sshrl.u32 s19, $0x3;
	s15 =	sshrl.u32 s21, $0x3;
	s9 =	smax.u32 s9, $0x1  }
0x12: {  	s5 =	sshrl.u32 s5, $0x3;
	s22 =	sadd.s32 s7, s22;
	[dreg:$0x12] =	wrdreg s9  }
0x13: {  	s21 =	smul.u32 $0x27100, s4;
	s11 =	sadd.s32 s7, s11;
	[dreg:$0x5] =	wrdreg s22  }
0x14: {  	s5 =	sadd.s32 s7, s5;
	s9 =	simm.s32 $0x280;
	[dreg:$0x6] =	wrdreg s11  }
0x15: {  	s16 =	sadd.s32 s26, s16;
	s11 =	sadd.s32 s7, s24;
	[dreg:$0xc] =	wrdreg s5  }
0x16: {  	s26 =	sadd.s32 s7, s25;
	s19 =	sshrl.u32 s6, $0x3;
	[dreg:$0x7] =	wrdreg s11  }
0x17: {  	[dreg:$0x8] =	wrdreg s26;
	s31 =	sshrl.u32 s16, $0x3;
	s26 =	smul.u32 $0xA000, s8  }
0x18: {  	s16 =	sadd.s32 s7, s15;
	s15 =	sadd.s32 $0x2600, s0;
	s8 =	smul.u32 $0xA000, s23  }
0x19: {  	s24 =	sadd.s32 s1, s19;
	s25 =	sadd.s32 $0xA, s19;
	s23 =	smul.u32 $0xA000, s20  }
0x1a: {  	s20 =	simm.s32 $0x0;
	s11 =	sadd.s32 s7, s31;
	[dreg:$0xb] =	wrdreg s16  }
0x1b: {  	s16 =	sadd.s32 $0xC400, s0;
	s22 =	sadd.s32 s15, s19;
	[dreg:$0xe] =	wrdreg s24  }
0x1c: {  	s31 =	sadd.s32 s15, s25;
	s4 =	sadd.s32 s1, s25;
	[dreg:$0x9] =	wrdreg s11  }
0x1d: {  	s0 =	sadd.s32 s2, s21;
	s19 =	sshrl.u32 s13, $0x2;
	[dreg:$0xd] =	wrdreg s22  }
0x1e: {  	s21 =	smul.u32 $0xA000, s17;
	s13 =	simm.s32 $0x4;
	[dreg:$0xf] =	wrdreg s31  }
0x1f: {  	s17 =	simm.s32 $0x7C00;
	s11 =	sadd.s32 s7, s14;
	[dreg:$0x10] =	wrdreg s4  }
0x20: {  	[dreg:$0x11] =	wrdreg s0;
	s4 =	sshrl.u32 s8, $0x2;
	s14 =	smul.u32 $0xA000, s12  }
0x21: {  	s5 =	sshrl.u32 s26, $0x2;
	s29 =	sadd.s32 s19, s3;
	s22 =	smul.u32 $0xA000, s18  }
0x22: {  	s31 =	sshrl.u32 s23, $0x2;
	s7 =	simm.s32 $0x9;
	s8 =	simm.s32 $0x200  }
0x23: {  	s12 =	simm.s32 $0x5400;
	s18 =	simm.s32 $0x3;
	s19 =	simm.s32 $0x5  }
0x24: {  	s23 =	simm.s32 $0x7;
	[dreg:$0xa] =	wrdreg s11;
	s11 =	smul.u32 $0xA000, s10  }
0x25: {  	s25 =	sadd.s32 s4, s3;
	s26 =	sadd.s32 s5, s3;
	s24 =	sshrl.u32 s21, $0x2  }
0x26: {  	s5 =	simm.s32 $0x400;
	s21 =	simm.s32 $0x8;
	[dreg:$0x16] =	wrdreg s29  }
0x27: {  	s4 =	sshrl.u32 s14, $0x2;
	s14 =	simm.s32 $0x6;
	[dreg:$0x13] =	wrdreg s25  }
0x28: {  	[dreg:$0x14] =	wrdreg s26;
	s30 =	sadd.s32 s4, s3;
	s4 =	sadd.s32 s24, s3  }
.Ltmp0:
0x29: {  	s0 =	sshrl.u32 s11, $0x2;
	[dreg:$0x18] =	wrdreg s4;
	(pc) =	sbr.rel .LBB2_1-.Ltmp0, $4  }
0x2a: {  	s28 =	sadd.s32 s0, s3;
	s0 =	sshrl.u32 s22, $0x2;
	[dreg:$0x17] =	wrdreg s30  }
0x2b: {  	s11 =	simm.s32 $0x50;
	s0 =	sadd.s32 s0, s3;
	[dreg:$0x15] =	wrdreg s28  }
0x2c: {  	s24 =	simm.s32 $0xA;
	[dreg:$0x19] =	wrdreg s0;
	s0 =	sadd.s32 s31, s3  }
0x2d: {  	v0 =	vimm.f32 $0.0e+00;
	s22 =	simm.s32 $0x380;
	[dreg:$0x1a] =	wrdreg s0;
	s0 =	sadd.s32 $0x190, s6  }
.LBB2_21:
0x2e: {  	[bflag:$0x0] =	sbarrier.arrive $0xFFFF  }
0x2f: {  	s25 =	rddreg [dreg:$0x13]  }
0x30: {  	[tilespmem:s5], [sflag:$0xA] =	stream.linear.gather [spmem:s25], $0x2800, $0x38;
	[tilespmem:$0x1DC80] =	vst v63  }
0x31: {  	_ =	swait.ge [sflag:s24], $0x2800  }
0x32: {  	[sflag:s24] =	ssyncset.done $0x0  }
0x33: {  	s4 =	simm.s32 $0x0;
	s10 =	rddreg [dreg:$0x5];
	[sflag:s24] =	ssyncadd.s32 $0xFFFFD800  }
0x34: {  	[hbm4b:s10+s4] =	stream.linear.scatter [tilespmem:s5], [sflag:$0x9], $0x2800, $0x38;
	[tilespmem:$0x1DC80] =	vst v63  }
0x35: {  	_ =	swait.ge [sflag:s7], $0x2800  }
0x36: {  	[sflag:s7] =	ssyncset.done $0x0  }
0x37: {  	s26 =	rddreg [dreg:$0x14];
	[sflag:s7] =	ssyncadd.s32 $0xFFFFD800  }
0x38: {  	[tilespmem:s5], [sflag:$0xA] =	stream.linear.gather [spmem:s26], $0x2800, $0x38;
	[tilespmem:$0x1DC80] =	vst v63  }
0x39: {  	_ =	swait.ge [sflag:s24], $0x2800  }
0x3a: {  	[sflag:s24] =	ssyncset.done $0x0  }
0x3b: {  	s20 =	rddreg [dreg:$0x6];
	[sflag:s24] =	ssyncadd.s32 $0xFFFFD800  }
0x3c: {  	[hbm4b:s20+s4] =	stream.linear.scatter [tilespmem:s5], [sflag:$0x9], $0x2800, $0x38;
	[tilespmem:$0x1DC80] =	vst v63  }
0x3d: {  	_ =	swait.ge [sflag:s7], $0x2800  }
0x3e: {  	[sflag:s7] =	ssyncset.done $0x0  }
0x3f: {  	s28 =	rddreg [dreg:$0x15];
	[sflag:s7] =	ssyncadd.s32 $0xFFFFD800  }
0x40: {  	[tilespmem:s5], [sflag:$0xA] =	stream.linear.gather [spmem:s28], $0x2800, $0x38;
	[tilespmem:$0x1DC80] =	vst v63  }
0x41: {  	_ =	swait.ge [sflag:s24], $0x2800  }
0x42: {  	[sflag:s24] =	ssyncset.done $0x0  }
0x43: {  	s31 =	rddreg [dreg:$0x7];
	[sflag:s24] =	ssyncadd.s32 $0xFFFFD800  }
0x44: {  	[hbm4b:s31+s4] =	stream.linear.scatter [tilespmem:s5], [sflag:$0x9], $0x2800, $0x38;
	[tilespmem:$0x1DC80] =	vst v63  }
0x45: {  	_ =	swait.ge [sflag:s7], $0x2800  }
0x46: {  	[sflag:s7] =	ssyncset.done $0x0  }
0x47: {  	s29 =	rddreg [dreg:$0x16];
	[sflag:s7] =	ssyncadd.s32 $0xFFFFD800  }
0x48: {  	[tilespmem:s5], [sflag:$0xA] =	stream.linear.gather [spmem:s29], $0x2800, $0x38;
	[tilespmem:$0x1DC80] =	vst v63  }
0x49: {  	_ =	swait.ge [sflag:s24], $0x2800  }
0x4a: {  	[sflag:s24] =	ssyncset.done $0x0  }
0x4b: {  	s20 =	rddreg [dreg:$0x8];
	[sflag:s24] =	ssyncadd.s32 $0xFFFFD800  }
0x4c: {  	[hbm4b:s20+s4] =	stream.linear.scatter [tilespmem:s5], [sflag:$0x9], $0x2800, $0x38;
	[tilespmem:$0x1DC80] =	vst v63  }
0x4d: {  	_ =	swait.ge [sflag:s7], $0x2800  }
0x4e: {  	[sflag:s7] =	ssyncset.done $0x0  }
0x4f: {  	s30 =	rddreg [dreg:$0x17];
	[sflag:s7] =	ssyncadd.s32 $0xFFFFD800  }
0x50: {  	[tilespmem:s5], [sflag:$0xA] =	stream.linear.gather [spmem:s30], $0x2800, $0x38;
	[tilespmem:$0x1DC80] =	vst v63  }
0x51: {  	_ =	swait.ge [sflag:s24], $0x2800  }
0x52: {  	[sflag:s24] =	ssyncset.done $0x0  }
0x53: {  	s31 =	rddreg [dreg:$0x9];
	[sflag:s24] =	ssyncadd.s32 $0xFFFFD800  }
0x54: {  	[hbm4b:s31+s4] =	stream.linear.scatter [tilespmem:s5], [sflag:$0x9], $0x2800, $0x38;
	[tilespmem:$0x1DC80] =	vst v63  }
0x55: {  	_ =	swait.ge [sflag:s7], $0x2800  }
0x56: {  	[sflag:s7] =	ssyncset.done $0x0  }
0x57: {  	s20 =	rddreg [dreg:$0x18];
	[sflag:s7] =	ssyncadd.s32 $0xFFFFD800  }
0x58: {  	[tilespmem:s5], [sflag:$0xA] =	stream.linear.gather [spmem:s20], $0x2800, $0x38;
	[tilespmem:$0x1DC80] =	vst v63  }
0x59: {  	_ =	swait.ge [sflag:s24], $0x2800  }
0x5a: {  	[sflag:s24] =	ssyncset.done $0x0  }
0x5b: {  	s31 =	rddreg [dreg:$0xa];
	[sflag:s24] =	ssyncadd.s32 $0xFFFFD800  }
0x5c: {  	[hbm4b:s31+s4] =	stream.linear.scatter [tilespmem:s5], [sflag:$0x9], $0x2800, $0x38;
	[tilespmem:$0x1DC80] =	vst v63  }
0x5d: {  	_ =	swait.ge [sflag:s7], $0x2800  }
0x5e: {  	[sflag:s7] =	ssyncset.done $0x0  }
0x5f: {  	s20 =	rddreg [dreg:$0x19];
	[sflag:s7] =	ssyncadd.s32 $0xFFFFD800  }
0x60: {  	[tilespmem:s5], [sflag:$0xA] =	stream.linear.gather [spmem:s20], $0x2800, $0x38;
	[tilespmem:$0x1DC80] =	vst v63  }
0x61: {  	_ =	swait.ge [sflag:s24], $0x2800  }
0x62: {  	[sflag:s24] =	ssyncset.done $0x0  }
0x63: {  	s31 =	rddreg [dreg:$0xb];
	[sflag:s24] =	ssyncadd.s32 $0xFFFFD800  }
0x64: {  	[hbm4b:s31+s4] =	stream.linear.scatter [tilespmem:s5], [sflag:$0x9], $0x2800, $0x38;
	[tilespmem:$0x1DC80] =	vst v63  }
0x65: {  	_ =	swait.ge [sflag:s7], $0x2800  }
0x66: {  	[sflag:s7] =	ssyncset.done $0x0  }
0x67: {  	s4 =	simm.s32 @!p0 $0x400;
	s10 =	rddreg [dreg:$0x1a];
	[sflag:s7] =	ssyncadd.s32 $0xFFFFD800  }
0x68: {  	[tilespmem:s4], [sflag:$0xA] =	stream.linear.gather @!p0 [spmem:s10], $0x2800, $0x38;
	[tilespmem:$0x1DC80] =	vst v63  }
0x69: {  	s10 =	simm.s32 @!p0 $0xA  }
0x6a: {  	_ =	swait.ge @!p0 [sflag:s10], $0x2800  }
0x6b: {  	[sflag:s10] =	ssyncset.done @!p0 $0x0  }
0x6c: {  	s20 =	rddreg [dreg:$0xc];
	[sflag:s10] =	ssyncadd.s32 @!p0 $0xFFFFD800;
	s10 =	simm.s32 @!p0 $0x0  }
0x6d: {  	[hbm4b:s20+s10] =	stream.linear.scatter @!p0 [tilespmem:s4], [sflag:$0x9], $0x2800, $0x38;
	[tilespmem:$0x1DC80] =	vst v63  }
0x6e: {  	s4 =	simm.s32 @!p0 $0x9  }
0x6f: {  	_ =	swait.ge @!p0 [sflag:s4], $0x2800  }
0x70: {  	s10 =	rddreg [dreg:$0x1b]  }
0x71: {  	s31 =	rddreg [dreg:$0x12];
	s20 =	sadd.s32 $0x1, s10  }
0x72: {  	p1 =	sne.s32 s20, s31  }
.Ltmp1:
0x73: {  	_ = 	snop;
	(pc) =	sbr.rel @!p1 .LBB2_22-.Ltmp1, $3  }
0x74: {  	_ =	sdelay $0x1  }
0x75: {  	[sflag:s4] =	ssyncset.done @!p0 $0x0  }
0x76: {  	[sflag:s4] =	ssyncadd.s32 @!p0 $0xFFFFD800  }
.LBB2_1:
0x77: {  	s4 =	simm.s32 $0x0;
	s10 =	simm.s32 $0x200  }
.LBB2_2:
0x78: {  	p1 =	sne.s32 s10, $0x9E00;
	[tilespmem:s4+$0x470] =	vst v0  }
0x79: {  	[tilespmem:s4+$0x400] =	vst v0  }
0x7a: {  	[tilespmem:s4+$0x410] =	vst v0  }
.Ltmp2:
0x7b: {  	[tilespmem:s4+$0x420] =	vst v0;
	(pc) =	sbr.rel @p1 .LBB2_2-.Ltmp2, $4  }
0x7c: {  	[tilespmem:s4+$0x430] =	vst v0  }
0x7d: {  	[tilespmem:s4+$0x440] =	vst v0  }
0x7e: {  	[tilespmem:s4+$0x450] =	vst v0  }
0x7f: {  	[tilespmem:s4+$0x460] =	vst v0;
	s4 =	sshra.s32 s10, $0x2;
	s10 =	sadd.s32 $0x200, s10  }
0x80: {  	[tilespmem:s4+$0x470] =	vst v0  }
0x81: {  	[tilespmem:s4+$0x400] =	vst v0  }
0x82: {  	[tilespmem:s4+$0x410] =	vst v0  }
0x83: {  	[tilespmem:s4+$0x420] =	vst v0  }
0x84: {  	[tilespmem:s4+$0x430] =	vst v0  }
0x85: {  	[tilespmem:s4+$0x440] =	vst v0  }
0x86: {  	[tilespmem:s4+$0x450] =	vst v0  }
0x87: {  	[dreg:$0x1b] =	wrdreg s20;
	[tilespmem:s4+$0x460] =	vst v0  }
0x88: {  	[spmem:s25] =	stream.linear.scatter [tilespmem:s5], [sflag:$0x9], $0x2800, $0x38;
	[tilespmem:$0x1DC80] =	vst v63  }
0x89: {  	_ =	swait.ge [sflag:s7], $0x2800  }
0x8a: {  	[sflag:s7] =	ssyncset.done $0x0  }
0x8b: {  	[sflag:s7] =	ssyncadd.s32 $0xFFFFD800  }
0x8c: {  	[spmem:s26] =	stream.linear.scatter [tilespmem:s5], [sflag:$0x9], $0x2800, $0x38;
	[tilespmem:$0x1DC80] =	vst v63  }
0x8d: {  	_ =	swait.ge [sflag:s7], $0x2800  }
0x8e: {  	[sflag:s7] =	ssyncset.done $0x0  }
0x8f: {  	[sflag:s7] =	ssyncadd.s32 $0xFFFFD800  }
0x90: {  	[spmem:s28] =	stream.linear.scatter [tilespmem:s5], [sflag:$0x9], $0x2800, $0x38;
	[tilespmem:$0x1DC80] =	vst v63  }
0x91: {  	_ =	swait.ge [sflag:s7], $0x2800  }
0x92: {  	[sflag:s7] =	ssyncset.done $0x0  }
0x93: {  	[sflag:s7] =	ssyncadd.s32 $0xFFFFD800  }
0x94: {  	[spmem:s29] =	stream.linear.scatter [tilespmem:s5], [sflag:$0x9], $0x2800, $0x38;
	[tilespmem:$0x1DC80] =	vst v63  }
0x95: {  	_ =	swait.ge [sflag:s7], $0x2800  }
0x96: {  	[sflag:s7] =	ssyncset.done $0x0  }
0x97: {  	[sflag:s7] =	ssyncadd.s32 $0xFFFFD800  }
0x98: {  	[spmem:s30] =	stream.linear.scatter [tilespmem:s5], [sflag:$0x9], $0x2800, $0x38;
	[tilespmem:$0x1DC80] =	vst v63  }
0x99: {  	_ =	swait.ge [sflag:s7], $0x2800  }
0x9a: {  	[sflag:s7] =	ssyncset.done $0x0  }
0x9b: {  	s30 =	rddreg [dreg:$0x18];
	[sflag:s7] =	ssyncadd.s32 $0xFFFFD800  }
0x9c: {  	[spmem:s30] =	stream.linear.scatter [tilespmem:s5], [sflag:$0x9], $0x2800, $0x38;
	[tilespmem:$0x1DC80] =	vst v63  }
0x9d: {  	_ =	swait.ge [sflag:s7], $0x2800  }
0x9e: {  	[sflag:s7] =	ssyncset.done $0x0  }
0x9f: {  	s31 =	rddreg [dreg:$0x19];
	[sflag:s7] =	ssyncadd.s32 $0xFFFFD800  }
0xa0: {  	[spmem:s31] =	stream.linear.scatter [tilespmem:s5], [sflag:$0x9], $0x2800, $0x38;
	[tilespmem:$0x1DC80] =	vst v63  }
0xa1: {  	_ =	swait.ge [sflag:s7], $0x2800  }
0xa2: {  	[sflag:s7] =	ssyncset.done $0x0  }
0xa3: {  	s4 =	simm.s32 @!p0 $0x400;
	s10 =	rddreg [dreg:$0x1a];
	[sflag:s7] =	ssyncadd.s32 $0xFFFFD800  }
0xa4: {  	[spmem:s10] =	stream.linear.scatter @!p0 [tilespmem:s4], [sflag:$0x9], $0x2800, $0x38;
	[tilespmem:$0x1DC80] =	vst v63  }
0xa5: {  	s4 =	simm.s32 @!p0 $0x9  }
0xa6: {  	_ =	swait.ge @!p0 [sflag:s4], $0x2800  }
0xa7: {  	[sflag:s4] =	ssyncset.done @!p0 $0x0  }
0xa8: {  	[sflag:s4] =	ssyncadd.s32 @!p0 $0xFFFFD800  }
0xa9: {  	[bflag:$0x0] =	sbarrier.arrive $0xFFFF  }
0xaa: {  	s26 =	simm.s32 $0x0;
	s10 =	rddreg [dreg:$0xd]  }
0xab: {  	[tilespmem:s26], [sflag:$0x1] =	stream.linear.gather [hbm4b:s10+s26], $0x50, $0x38;
	[tilespmem:$0x1DC80] =	vst v63  }
0xac: {  	s20 =	rddreg [dreg:$0xe]  }
0xad: {  	[tilespmem:s8], [sflag:$0x1] =	stream.linear.gather [hbm4b:s20+s26], $0x50, $0x38;
	[tilespmem:$0x1DC80] =	vst v63  }
0xae: {  	s28 =	simm.s32 $0x80;
	s25 =	rddreg [dreg:$0xf]  }
0xaf: {  	[tilespmem:s28], [sflag:$0x2] =	stream.linear.gather [hbm4b:s25+s26], $0x50, $0x38;
	[tilespmem:$0x1DC80] =	vst v63  }
0xb0: {  	s30 =	simm.s32 $0x1;
	s29 =	rddreg [dreg:$0x10]  }
0xb1: {  	[tilespmem:s9], [sflag:$0x2] =	stream.linear.gather [hbm4b:s29+s26], $0x50, $0x38;
	[tilespmem:$0x1DC80] =	vst v63  }
0xb2: {  	_ =	swait.ge [sflag:s30], $0x50  }
0xb3: {  	[sflag:s30] =	ssyncset.done $0x0  }
0xb4: {  	[sflag:s30] =	ssyncadd.s32 $0xFFFFFFB0  }
0xb5: {  	_ =	swait.ge [sflag:s30], $0x50  }
.Ltmp3:
0xb6: {  	[sflag:s30] =	ssyncset.done $0x0;
	(pc) =	sbr.rel .LBB2_4-.Ltmp3, $4  }
0xb7: {  	[sflag:s30] =	ssyncadd.s32 $0xFFFFFFB0  }
0xb8: {  	[tilespmem:s5], [sflag:$0x3] =	stream.indirect.gather [hbm4b:s16+s11], $0x80, s26, s11, $0xb8;
	[tilespmem:$0x1DC80] =	vst v63  }
0xb9: {  	s31 =	rddreg [dreg:$0x11]  }
0xba: {  	[tilespmem:s12], [sflag:$0x5] =	stream.linear.gather [hbm4b:s31+s26], $0x2800, $0x38;
	[tilespmem:$0x1DC80] =	vst v63  }
.LBB2_20:
0xbb: {  	p1 =	seq.s32 @!p2 s26, $0x1E  }
0xbc: {  	s4 =	sshll.u32 @!p2 s29, $0x4;
	p1 =	por p1, p2  }
0xbd: {  	s10 =	simm.s32 @!p2 $0x5400;
	s4 =	sadd.s32 @!p2 s2, s4;
	s20 =	smul.u32 @!p1 $0x140, s26  }
0xbe: {  	[tilespmem:s10], [sflag:$0x5] =	stream.linear.gather @!p2 [hbm4b:s4+s28], $0x2800, $0x38;
	[tilespmem:$0x1DC80] =	vst v63  }
0xbf: {  	s4 =	sadd.s32 @!p1 s20, s0  }
0xc0: {  	s4 =	sshrl.u32 @!p1 s4, $0x3  }
0xc1: {  	s25 =	simm.s32 @!p1 $0x80;
	s20 =	simm.s32 @!p1 $0x0;
	s10 =	sadd.s32 @!p1 s15, s4  }
0xc2: {  	[tilespmem:s25], [sflag:$0x2] =	stream.linear.gather @!p1 [hbm4b:s10+s20], $0x50, $0x38;
	[tilespmem:$0x1DC80] =	vst v63  }
0xc3: {  	s26 =	sadd.s32 $0x1, s26;
	s4 =	sadd.s32 @!p1 s1, s4;
	s10 =	simm.s32 @!p1 $0x280  }
0xc4: {  	[tilespmem:s10], [sflag:$0x2] =	stream.linear.gather @!p1 [hbm4b:s4+s20], $0x50, $0x38;
	[tilespmem:$0x1DC80] =	vst v63  }
0xc5: {  	p1 =	sne.s32 s26, $0x21  }
.Ltmp4:
0xc6: {  	_ = 	snop;
	(pc) =	sbr.rel @!p1 .LBB2_21-.Ltmp4, $1  }
0xc7: {  	_ =	sdelay $0x3  }
.LBB2_4:
0xc8: {  	s28 =	sshll.u32 s26, $0x2  }
0xc9: {  	s29 =	sor.u32 $0x1, s28  }
0xca: {  	p3 =	sgt.u32 s29, $0x7C  }
0xcb: {  	s4 =	simm.s32 @!p3 $0x2  }
0xcc: {  	_ =	swait.ge @!p3 [sflag:s4], $0x50  }
0xcd: {  	p1 =	seq.s32 s26, $0x20;
	[sflag:s4] =	ssyncset.done @!p3 $0x0  }
.Ltmp5:
0xce: {  	[sflag:s4] =	ssyncadd.s32 @!p3 $0xFFFFFFB0;
	(pc) =	sbr.rel @p1 .LBB2_8-.Ltmp5, $4  }
0xcf: {  	_ =	swait.ge @!p3 [sflag:s4], $0x50  }
0xd0: {  	s10 =	simm.s32 @!p3 $0x80;
	[sflag:s4] =	ssyncset.done @!p3 $0x0  }
0xd1: {  	s20 =	simm.s32 @!p3 $0x2C00;
	[sflag:s4] =	ssyncadd.s32 @!p3 $0xFFFFFFB0;
	s4 =	simm.s32 @!p3 $0x50  }
0xd2: {  	[tilespmem:s20], [sflag:$0x4] =	stream.indirect.gather @!p3 [hbm4b:s16+s4], $0x80, s10, s4, $0xb8;
	[tilespmem:$0x1DC80] =	vst v63  }
0xd3: {  	_ =	swait.ge [sflag:s18], $0x2800  }
0xd4: {  	[sflag:s18] =	ssyncset.done $0x0  }
0xd5: {  	[sflag:s18] =	ssyncadd.s32 $0xFFFFD800  }
0xd6: {  	_ =	swait.ge [sflag:s19], $0x2800  }
0xd7: {  	[sflag:s19] =	ssyncset.done $0x0  }
0xd8: {  	s30 =	simm.s32 $0x500;
	[sflag:s19] =	ssyncadd.s32 $0xFFFFD800  }
0xd9: {  	s31 =	simm.s32 $0x5500;
	v1 =	vld [tilespmem:s30+$0x80]  }
0xda: {  	v2 =	vld [tilespmem:s31+$0x80]  }
0xdb: {  	v3 =	vld [tilespmem:s31+$0xFFFFFF00]  }
0xdc: {  	v4 =	vld [tilespmem:s30+$0xFFFFFF80]  }
0xdd: {  	v5 =	vld [tilespmem:s31+$0xFFFFFF80]  }
0xde: {  	v6 =	vld [tilespmem:s31+$0x0]  }
0xdf: {  	v1 =	vadd.f32 v2, v1;
	v2 =	vld [tilespmem:s30+$0x0]  }
0xe0: {  	v7 =	vld [tilespmem:s30+$0xFFFFFF00]  }
0xe1: {  	v1 =	vmax.f32 v1, $0.0e+00  }
0xe2: {  	v4 =	vadd.f32 v5, v4;
	[tilespmem:s31+$0x80] =	vst v1;
	v1 =	vld [tilespmem:s31+$0x90]  }
0xe3: {  	v8 =	vld [tilespmem:s30+$0x90]  }
0xe4: {  	v9 =	vld [tilespmem:s31+$0xFFFFFF90];
	v4 =	vmax.f32 v4, $0.0e+00;
	v2 =	vadd.f32 v6, v2  }
0xe5: {  	v5 =	vld [tilespmem:s31+$0xFFFFFF10];
	v3 =	vadd.f32 v3, v7;
	[tilespmem:s31+$0xFFFFFF80] =	vst v4  }
0xe6: {  	v6 =	vld [tilespmem:s30+$0xFFFFFF90];
	v2 =	vmax.f32 v2, $0.0e+00  }
0xe7: {  	v3 =	vmax.f32 v3, $0.0e+00;
	v4 =	vld [tilespmem:s31+$0x10];
	[tilespmem:s31+$0x0] =	vst v2  }
0xe8: {  	[tilespmem:s31+$0xFFFFFF00] =	vst v3;
	v1 =	vadd.f32 v1, v8;
	v2 =	vld [tilespmem:s30+$0x10]  }
0xe9: {  	v3 =	vld [tilespmem:s30+$0xFFFFFF10]  }
0xea: {  	v1 =	vmax.f32 v1, $0.0e+00  }
0xeb: {  	v6 =	vadd.f32 v9, v6;
	[tilespmem:s31+$0x90] =	vst v1;
	v1 =	vld [tilespmem:s31+$0xA0]  }
0xec: {  	v8 =	vld [tilespmem:s30+$0xA0]  }
0xed: {  	v7 =	vld [tilespmem:s31+$0xFFFFFF20];
	v6 =	vmax.f32 v6, $0.0e+00;
	v2 =	vadd.f32 v4, v2  }
0xee: {  	v3 =	vadd.f32 v5, v3;
	v9 =	vld [tilespmem:s31+$0xFFFFFFA0];
	[tilespmem:s31+$0xFFFFFF90] =	vst v6  }
0xef: {  	v5 =	vld [tilespmem:s30+$0xFFFFFFA0];
	v2 =	vmax.f32 v2, $0.0e+00  }
0xf0: {  	v3 =	vmax.f32 v3, $0.0e+00;
	v4 =	vld [tilespmem:s31+$0x20];
	[tilespmem:s31+$0x10] =	vst v2  }
0xf1: {  	[tilespmem:s31+$0xFFFFFF10] =	vst v3;
	v1 =	vadd.f32 v1, v8;
	v2 =	vld [tilespmem:s30+$0x20]  }
0xf2: {  	v3 =	vld [tilespmem:s30+$0xFFFFFF20]  }
0xf3: {  	v1 =	vmax.f32 v1, $0.0e+00  }
0xf4: {  	v5 =	vadd.f32 v9, v5;
	[tilespmem:s31+$0xA0] =	vst v1;
	v1 =	vld [tilespmem:s31+$0xB0]  }
0xf5: {  	v8 =	vld [tilespmem:s30+$0xB0]  }
0xf6: {  	v10 =	vld [tilespmem:s31+$0x30];
	v5 =	vmax.f32 v5, $0.0e+00;
	v2 =	vadd.f32 v4, v2  }
0xf7: {  	v3 =	vadd.f32 v7, v3;
	v9 =	vld [tilespmem:s31+$0xFFFFFFB0];
	[tilespmem:s31+$0xFFFFFFA0] =	vst v5  }
0xf8: {  	v4 =	vld [tilespmem:s30+$0xFFFFFFB0];
	v2 =	vmax.f32 v2, $0.0e+00  }
0xf9: {  	v6 =	vld [tilespmem:s31+$0xFFFFFF30];
	[tilespmem:s31+$0x20] =	vst v2;
	v2 =	vmax.f32 v3, $0.0e+00  }
0xfa: {  	v1 =	vadd.f32 v1, v8;
	[tilespmem:s31+$0xFFFFFF20] =	vst v2;
	v2 =	vld [tilespmem:s30+$0x30]  }
0xfb: {  	v7 =	vld [tilespmem:s30+$0xFFFFFF30]  }
0xfc: {  	v11 =	vld [tilespmem:s31+$0xFFFFFF40];
	v1 =	vmax.f32 v1, $0.0e+00  }
0xfd: {  	v4 =	vadd.f32 v9, v4;
	[tilespmem:s31+$0xB0] =	vst v1;
	v1 =	vld [tilespmem:s31+$0xC0]  }
0xfe: {  	v8 =	vld [tilespmem:s30+$0xC0]  }
0xff: {  	v12 =	vld [tilespmem:s31+$0xFFFFFFD0];
	v4 =	vmax.f32 v4, $0.0e+00;
	v2 =	vadd.f32 v10, v2  }
0x100: {  	v5 =	vld [tilespmem:s31+$0xFFFFFFC0];
	[tilespmem:s31+$0xFFFFFFB0] =	vst v4;
	v6 =	vadd.f32 v6, v7  }
0x101: {  	v7 =	vld [tilespmem:s30+$0xFFFFFFC0];
	v2 =	vmax.f32 v2, $0.0e+00  }
0x102: {  	v3 =	vld [tilespmem:s31+$0x40];
	[tilespmem:s31+$0x30] =	vst v2;
	v2 =	vmax.f32 v6, $0.0e+00  }
0x103: {  	v1 =	vadd.f32 v1, v8;
	v6 =	vld [tilespmem:s30+$0x40];
	[tilespmem:s31+$0xFFFFFF30] =	vst v2  }
0x104: {  	v2 =	vld [tilespmem:s30+$0xFFFFFF40]  }
0x105: {  	v9 =	vld [tilespmem:s31+$0xFFFFFF50];
	v1 =	vmax.f32 v1, $0.0e+00  }
0x106: {  	[tilespmem:s31+$0xC0] =	vst v1;
	v1 =	vadd.f32 v5, v7;
	v7 =	vld [tilespmem:s31+$0xD0]  }
0x107: {  	v8 =	vld [tilespmem:s30+$0xD0]  }
0x108: {  	v4 =	vld [tilespmem:s31+$0xFFFFFF60];
	v1 =	vmax.f32 v1, $0.0e+00;
	v3 =	vadd.f32 v3, v6  }
0x109: {  	v10 =	vld [tilespmem:s31+$0x50];
	[tilespmem:s31+$0xFFFFFFC0] =	vst v1;
	v1 =	vadd.f32 v11, v2  }
0x10a: {  	v2 =	vld [tilespmem:s30+$0xFFFFFFD0];
	v3 =	vmax.f32 v3, $0.0e+00  }
0x10b: {  	v5 =	vld [tilespmem:s31+$0xFFFFFFE0];
	[tilespmem:s31+$0x40] =	vst v3;
	v1 =	vmax.f32 v1, $0.0e+00  }
0x10c: {  	v3 =	vld [tilespmem:s30+$0x50];
	v7 =	vadd.f32 v7, v8;
	[tilespmem:s31+$0xFFFFFF40] =	vst v1  }
0x10d: {  	v1 =	vld [tilespmem:s30+$0xFFFFFF50]  }
0x10e: {  	v6 =	vld [tilespmem:s31+$0x60];
	v7 =	vmax.f32 v7, $0.0e+00  }
0x10f: {  	v2 =	vadd.f32 v12, v2;
	[tilespmem:s31+$0xD0] =	vst v7;
	v7 =	vld [tilespmem:s31+$0xE0]  }
0x110: {  	v11 =	vld [tilespmem:s30+$0xE0]  }
0x111: {  	v2 =	vmax.f32 v2, $0.0e+00;
	v8 =	vadd.f32 v10, v3;
	v3 =	vld [tilespmem:s31+$0xFFFFFF70]  }
0x112: {  	[tilespmem:s31+$0xFFFFFFD0] =	vst v2;
	v1 =	vadd.f32 v9, v1;
	v2 =	vld [tilespmem:s31+$0xFFFFFFF0]  }
0x113: {  	v9 =	vmax.f32 v8, $0.0e+00;
	v8 =	vld [tilespmem:s30+$0xFFFFFFE0]  }
0x114: {  	[tilespmem:s31+$0x50] =	vst v9;
	v9 =	vmax.f32 v1, $0.0e+00;
	v1 =	vld [tilespmem:s31+$0x70]  }
0x115: {  	[tilespmem:s31+$0xFFFFFF50] =	vst v9;
	v9 =	vld [tilespmem:s30+$0x60];
	v7 =	vadd.f32 v7, v11  }
0x116: {  	v10 =	vld [tilespmem:s30+$0xFFFFFF60]  }
0x117: {  	s4 =	simm.s32 $0x0;
	s25 =	simm.s32 $0x700;
	s10 =	simm.s32 $0x5500;
	v11 =	vmax.f32 v7, $0.0e+00;
	v7 =	vld [tilespmem:s31+$0xF0]  }
.LBB2_6:
0x118: {  	v12 =	vld [tilespmem:s25+$0x80];
	v5 =	vadd.f32 v5, v8;
	[tilespmem:s31+$0xE0] =	vst v11  }
0x119: {  	s31 =	sadd.s32 $0x200, s31;
	v8 =	vld [tilespmem:s30+$0xF0]  }
0x11a: {  	s4 =	sadd.s32 $0x4, s4;
	v11 =	vld [tilespmem:s31+$0x80];
	v5 =	vmax.f32 v5, $0.0e+00;
	v6 =	vadd.f32 v6, v9  }
0x11b: {  	p2 =	slt.u32 s4, $0x4C;
	v9 =	vld [tilespmem:s31+$0xFFFFFF00];
	v4 =	vadd.f32 v4, v10;
	[tilespmem:s10+$0xFFFFFFE0] =	vst v5  }
0x11c: {  	v5 =	vld [tilespmem:s25+$0xFFFFFF80];
	v6 =	vmax.f32 v6, $0.0e+00  }
0x11d: {  	v10 =	vld [tilespmem:s31+$0xFFFFFF80];
	v4 =	vmax.f32 v4, $0.0e+00;
	[tilespmem:s10+$0x60] =	vst v6  }
0x11e: {  	v6 =	vld [tilespmem:s25+$0x0];
	[tilespmem:s10+$0xFFFFFF60] =	vst v4;
	v4 =	vadd.f32 v7, v8  }
0x11f: {  	v7 =	vld [tilespmem:s31+$0x0];
	v8 =	vadd.f32 v11, v12  }
0x120: {  	v11 =	vld [tilespmem:s25+$0xFFFFFF00];
	v4 =	vmax.f32 v4, $0.0e+00  }
0x121: {  	v12 =	vld [tilespmem:s31+$0xFFFFFF10];
	v8 =	vmax.f32 v8, $0.0e+00;
	[tilespmem:s10+$0xF0] =	vst v4  }
0x122: {  	v4 =	vadd.f32 v10, v5;
	[tilespmem:s31+$0x80] =	vst v8;
	v5 =	vld [tilespmem:s31+$0x90]  }
0x123: {  	v8 =	vld [tilespmem:s25+$0x90]  }
0x124: {  	v4 =	vmax.f32 v4, $0.0e+00;
	v10 =	vld [tilespmem:s31+$0xFFFFFF90];
	v6 =	vadd.f32 v7, v6  }
0x125: {  	v7 =	vadd.f32 v9, v11;
	[tilespmem:s31+$0xFFFFFF80] =	vst v4;
	v4 =	vld [tilespmem:s31+$0x10]  }
0x126: {  	v9 =	vld [tilespmem:s25+$0xFFFFFF90];
	v6 =	vmax.f32 v6, $0.0e+00  }
0x127: {  	v7 =	vmax.f32 v7, $0.0e+00;
	v11 =	vld [tilespmem:s31+$0xFFFFFF20];
	[tilespmem:s31+$0x0] =	vst v6  }
0x128: {  	[tilespmem:s31+$0xFFFFFF00] =	vst v7;
	v6 =	vld [tilespmem:s25+$0x10];
	v5 =	vadd.f32 v5, v8  }
0x129: {  	v7 =	vld [tilespmem:s25+$0xFFFFFF10]  }
0x12a: {  	v8 =	vld [tilespmem:s31+$0xFFFFFFA0];
	v5 =	vmax.f32 v5, $0.0e+00  }
0x12b: {  	v9 =	vadd.f32 v10, v9;
	[tilespmem:s31+$0x90] =	vst v5;
	v5 =	vld [tilespmem:s31+$0xA0]  }
0x12c: {  	v10 =	vld [tilespmem:s25+$0xA0]  }
0x12d: {  	v9 =	vmax.f32 v9, $0.0e+00;
	v4 =	vadd.f32 v4, v6;
	v6 =	vld [tilespmem:s31+$0x20]  }
0x12e: {  	v7 =	vadd.f32 v12, v7;
	v12 =	vld [tilespmem:s31+$0xFFFFFF30];
	[tilespmem:s31+$0xFFFFFF90] =	vst v9  }
0x12f: {  	v9 =	vld [tilespmem:s25+$0xFFFFFFA0];
	v4 =	vmax.f32 v4, $0.0e+00  }
0x130: {  	v7 =	vmax.f32 v7, $0.0e+00;
	v13 =	vld [tilespmem:s31+$0xFFFFFFB0];
	[tilespmem:s31+$0x10] =	vst v4  }
0x131: {  	[tilespmem:s31+$0xFFFFFF10] =	vst v7;
	v4 =	vld [tilespmem:s25+$0x20];
	v5 =	vadd.f32 v5, v10  }
0x132: {  	v7 =	vld [tilespmem:s25+$0xFFFFFF20]  }
0x133: {  	v10 =	vld [tilespmem:s31+$0x30];
	v5 =	vmax.f32 v5, $0.0e+00  }
0x134: {  	v8 =	vadd.f32 v8, v9;
	[tilespmem:s31+$0xA0] =	vst v5;
	v5 =	vld [tilespmem:s31+$0xB0]  }
0x135: {  	v9 =	vld [tilespmem:s25+$0xB0]  }
0x136: {  	v14 =	vld [tilespmem:s31+$0xFFFFFF40];
	v8 =	vmax.f32 v8, $0.0e+00;
	v4 =	vadd.f32 v6, v4  }
0x137: {  	v6 =	vadd.f32 v11, v7;
	[tilespmem:s31+$0xFFFFFFA0] =	vst v8;
	v7 =	vld [tilespmem:s31+$0xFFFFFFC0]  }
0x138: {  	v8 =	vld [tilespmem:s25+$0xFFFFFFB0];
	v4 =	vmax.f32 v4, $0.0e+00  }
0x139: {  	v6 =	vmax.f32 v6, $0.0e+00;
	[tilespmem:s31+$0x20] =	vst v4;
	v11 =	vld [tilespmem:s31+$0x40]  }
0x13a: {  	[tilespmem:s31+$0xFFFFFF20] =	vst v6;
	v4 =	vld [tilespmem:s25+$0x30];
	v5 =	vadd.f32 v5, v9  }
0x13b: {  	v6 =	vld [tilespmem:s25+$0xFFFFFF30]  }
0x13c: {  	v9 =	vld [tilespmem:s31+$0xFFFFFF50];
	v5 =	vmax.f32 v5, $0.0e+00  }
0x13d: {  	v8 =	vadd.f32 v13, v8;
	[tilespmem:s31+$0xB0] =	vst v5;
	v5 =	vld [tilespmem:s31+$0xC0]  }
0x13e: {  	v13 =	vld [tilespmem:s25+$0xC0]  }
0x13f: {  	v8 =	vmax.f32 v8, $0.0e+00;
	v15 =	vld [tilespmem:s31+$0xFFFFFFD0];
	v4 =	vadd.f32 v10, v4  }
0x140: {  	v6 =	vadd.f32 v12, v6;
	[tilespmem:s31+$0xFFFFFFB0] =	vst v8;
	v8 =	vld [tilespmem:s31+$0x50]  }
0x141: {  	v10 =	vld [tilespmem:s25+$0xFFFFFFC0];
	v12 =	vmax.f32 v4, $0.0e+00  }
0x142: {  	v6 =	vmax.f32 v6, $0.0e+00;
	v4 =	vld [tilespmem:s31+$0xFFFFFF60];
	[tilespmem:s31+$0x30] =	vst v12  }
0x143: {  	[tilespmem:s31+$0xFFFFFF30] =	vst v6;
	v6 =	vld [tilespmem:s25+$0x40];
	v12 =	vadd.f32 v5, v13  }
0x144: {  	v13 =	vld [tilespmem:s25+$0xFFFFFF40]  }
0x145: {  	v5 =	vld [tilespmem:s31+$0xFFFFFFE0];
	v12 =	vmax.f32 v12, $0.0e+00  }
0x146: {  	v7 =	vadd.f32 v7, v10;
	[tilespmem:s31+$0xC0] =	vst v12;
	v10 =	vld [tilespmem:s31+$0xD0]  }
0x147: {  	v12 =	vld [tilespmem:s25+$0xD0]  }
0x148: {  	v7 =	vmax.f32 v7, $0.0e+00;
	v11 =	vadd.f32 v11, v6;
	v6 =	vld [tilespmem:s31+$0x60]  }
0x149: {  	v13 =	vadd.f32 v14, v13;
	[tilespmem:s31+$0xFFFFFFC0] =	vst v7;
	v7 =	vld [tilespmem:s30+$0xFFFFFF70]  }
0x14a: {  	v14 =	vld [tilespmem:s25+$0xFFFFFFD0];
	v11 =	vmax.f32 v11, $0.0e+00  }
0x14b: {  	v13 =	vmax.f32 v13, $0.0e+00;
	[tilespmem:s31+$0x40] =	vst v11;
	v11 =	vld [tilespmem:s30+$0xFFFFFFF0]  }
0x14c: {  	[tilespmem:s31+$0xFFFFFF40] =	vst v13;
	v13 =	vld [tilespmem:s25+$0x50];
	v10 =	vadd.f32 v10, v12  }
0x14d: {  	v12 =	vld [tilespmem:s25+$0xFFFFFF50]  }
0x14e: {  	v10 =	vmax.f32 v10, $0.0e+00;
	v3 =	vadd.f32 v3, v7;
	v7 =	vld [tilespmem:s30+$0x70];
	s30 =	smov.u32 s25  }
0x14f: {  	v14 =	vadd.f32 v15, v14;
	[tilespmem:s31+$0xD0] =	vst v10;
	v10 =	vld [tilespmem:s31+$0xE0]  }
0x150: {  	v15 =	vld [tilespmem:s25+$0xE0];
	v16 =	vmax.f32 v3, $0.0e+00;
	v11 =	vadd.f32 v2, v11  }
0x151: {  	v3 =	vld [tilespmem:s31+$0xFFFFFF70];
	v2 =	vmax.f32 v14, $0.0e+00;
	v13 =	vadd.f32 v8, v13;
	[tilespmem:s10+$0xFFFFFF70] =	vst v16  }
0x152: {  	v9 =	vadd.f32 v9, v12;
	[tilespmem:s31+$0xFFFFFFD0] =	vst v2;
	v2 =	vld [tilespmem:s31+$0xFFFFFFF0];
	v11 =	vmax.f32 v11, $0.0e+00  }
.Ltmp6:
0x153: {  	v8 =	vld [tilespmem:s25+$0xFFFFFFE0];
	v12 =	vmax.f32 v13, $0.0e+00;
	[tilespmem:s10+$0xFFFFFFF0] =	vst v11;
	v7 =	vadd.f32 v1, v7;
	(pc) =	sbr.rel @p2 .LBB2_6-.Ltmp6, $4  }
0x154: {  	v9 =	vmax.f32 v9, $0.0e+00;
	[tilespmem:s31+$0x50] =	vst v12;
	v1 =	vld [tilespmem:s31+$0x70]  }
0x155: {  	[tilespmem:s31+$0xFFFFFF50] =	vst v9;
	v9 =	vld [tilespmem:s25+$0x60];
	v11 =	vadd.f32 v10, v15;
	v7 =	vmax.f32 v7, $0.0e+00  }
0x156: {  	v10 =	vld [tilespmem:s25+$0xFFFFFF60];
	[tilespmem:s10+$0x70] =	vst v7;
	s10 =	smov.u32 s31  }
0x157: {  	s25 =	sadd.s32 $0x200, s25;
	v11 =	vmax.f32 v11, $0.0e+00;
	v7 =	vld [tilespmem:s31+$0xF0]  }
0x158: {  	_ = 	snop  }
0x159: {  	v5 =	vadd.f32 v5, v8  }
0x15a: {  	v6 =	vadd.f32 v6, v9  }
0x15b: {  	[tilespmem:s31+$0xE0] =	vst v11;
	v5 =	vmax.f32 v5, $0.0e+00;
	v4 =	vadd.f32 v4, v10  }
0x15c: {  	v58 =	vld [tilespmem:s30+$0xF0];
	[tilespmem:s10+$0xFFFFFFE0] =	vst v5;
	v59 =	vmax.f32 v6, $0.0e+00  }
0x15d: {  	v61 =	vld [tilespmem:s30+$0xFFFFFFF0];
	v4 =	vmax.f32 v4, $0.0e+00;
	[tilespmem:s10+$0x60] =	vst v59  }
0x15e: {  	[tilespmem:s10+$0xFFFFFF60] =	vst v4;
	v62 =	vld [tilespmem:s30+$0x70]  }
0x15f: {  	v60 =	vld [tilespmem:s30+$0xFFFFFF70];
	_ =	sdelay $0x1  }
0x160: {  	v7 =	vadd.f32 v7, v58  }
0x161: {  	v2 =	vadd.f32 v2, v61  }
0x162: {  	v63 =	vmax.f32 v7, $0.0e+00;
	v1 =	vadd.f32 v1, v62  }
0x163: {  	[tilespmem:s10+$0xF0] =	vst v63;
	v2 =	vmax.f32 v2, $0.0e+00;
	v3 =	vadd.f32 v3, v60  }
0x164: {  	s4 =	sadd.s32 $0xFFFFFFFF, s28;
	[tilespmem:s10+$0xFFFFFFF0] =	vst v2;
	v1 =	vmax.f32 v1, $0.0e+00  }
0x165: {  	p2 =	sgt.u32 s4, $0x7C;
	v3 =	vmax.f32 v3, $0.0e+00;
	[tilespmem:s10+$0x70] =	vst v1  }
0x166: {  	s4 =	simm.s32 @!p2 $0x8;
	[tilespmem:s10+$0xFFFFFF70] =	vst v3  }
0x167: {  	[spmem:s3] =	stream.indirect.scatter.add.f32 [tilespmem:s12], [sflag:$0x7], $0x80, s8, s11, $0xb8;
	[tilespmem:$0x1DC80] =	vst v63  }
0x168: {  	_ =	swait.ge @!p2 [sflag:s4], $0x2800  }
0x169: {  	[sflag:s4] =	ssyncset.done @!p2 $0x0  }
0x16a: {  	[sflag:s4] =	ssyncadd.s32 @!p2 $0xFFFFD800  }
.LBB2_8:
0x16b: {  	s4 =	smul.u32 @!p3 $0x50, s29;
	s10 =	sor.u32 $0x2, s28  }
0x16c: {  	p2 =	sgt.u32 s10, $0x7C  }
0x16d: {  	s4 =	sadd.s32 @!p3 s6, s4;
	s10 =	smul.u32 @!p2 $0x50, s10  }
0x16e: {  	s20 =	simm.s32 @!p3 $0x0;
	s4 =	sshll.u32 @!p3 s4, $0x4  }
0x16f: {  	s25 =	simm.s32 @!p3 $0x7C00;
	s4 =	sadd.s32 @!p3 s2, s4;
	s30 =	sadd.s32 @!p2 s6, s10  }
0x170: {  	[tilespmem:s25], [sflag:$0x6] =	stream.linear.gather @!p3 [hbm4b:s4+s20], $0x2800, $0x38;
	[tilespmem:$0x1DC80] =	vst v63  }
0x171: {  	s4 =	sshrl.u32 @!p2 s30, $0x3  }
0x172: {  	s29 =	simm.s32 @!p2 $0x0;
	s20 =	simm.s32 @!p2 $0x100;
	s10 =	sadd.s32 @!p2 s15, s4  }
0x173: {  	[tilespmem:s20], [sflag:$0x1] =	stream.linear.gather @!p2 [hbm4b:s10+s29], $0x50, $0x38;
	[tilespmem:$0x1DC80] =	vst v63  }
0x174: {  	s4 =	sadd.s32 @!p2 s1, s4;
	s10 =	simm.s32 @!p2 $0x300  }
0x175: {  	[tilespmem:s10], [sflag:$0x1] =	stream.linear.gather @!p2 [hbm4b:s4+s29], $0x50, $0x38;
	[tilespmem:$0x1DC80] =	vst v63  }
0x176: {  	s4 =	simm.s32 @!p2 $0x1  }
0x177: {  	_ =	swait.ge @!p2 [sflag:s4], $0x50  }
0x178: {  	[sflag:s4] =	ssyncset.done @!p2 $0x0  }
.Ltmp7:
0x179: {  	[sflag:s4] =	ssyncadd.s32 @!p2 $0xFFFFFFB0;
	(pc) =	sbr.rel @p3 .LBB2_12-.Ltmp7, $4  }
0x17a: {  	_ =	swait.ge @!p2 [sflag:s4], $0x50  }
0x17b: {  	[sflag:s4] =	ssyncset.done @!p2 $0x0  }
0x17c: {  	s10 =	simm.s32 @!p2 $0x400;
	[sflag:s4] =	ssyncadd.s32 @!p2 $0xFFFFFFB0;
	s4 =	simm.s32 @!p2 $0x50  }
0x17d: {  	[tilespmem:s10], [sflag:$0x3] =	stream.indirect.gather @!p2 [hbm4b:s16+s4], $0x80, s20, s4, $0xb8;
	[tilespmem:$0x1DC80] =	vst v63  }
0x17e: {  	_ =	swait.ge [sflag:s13], $0x2800  }
0x17f: {  	[sflag:s13] =	ssyncset.done $0x0  }
0x180: {  	[sflag:s13] =	ssyncadd.s32 $0xFFFFD800  }
0x181: {  	_ =	swait.ge [sflag:s14], $0x2800  }
0x182: {  	[sflag:s14] =	ssyncset.done $0x0  }
0x183: {  	s31 =	simm.s32 $0x2D00;
	[sflag:s14] =	ssyncadd.s32 $0xFFFFD800  }
0x184: {  	s10 =	simm.s32 $0x7D00;
	v1 =	vld [tilespmem:s31+$0x80]  }
0x185: {  	v2 =	vld [tilespmem:s10+$0x80]  }
0x186: {  	v3 =	vld [tilespmem:s10+$0xFFFFFF00]  }
0x187: {  	v4 =	vld [tilespmem:s31+$0xFFFFFF80]  }
0x188: {  	v5 =	vld [tilespmem:s10+$0xFFFFFF80]  }
0x189: {  	v6 =	vld [tilespmem:s10+$0x0]  }
0x18a: {  	v1 =	vadd.f32 v2, v1;
	v2 =	vld [tilespmem:s31+$0x0]  }
0x18b: {  	v7 =	vld [tilespmem:s31+$0xFFFFFF00]  }
0x18c: {  	v1 =	vmax.f32 v1, $0.0e+00  }
0x18d: {  	v4 =	vadd.f32 v5, v4;
	[tilespmem:s10+$0x80] =	vst v1;
	v1 =	vld [tilespmem:s10+$0x90]  }
0x18e: {  	v8 =	vld [tilespmem:s31+$0x90]  }
0x18f: {  	v9 =	vld [tilespmem:s10+$0xFFFFFF90];
	v4 =	vmax.f32 v4, $0.0e+00;
	v2 =	vadd.f32 v6, v2  }
0x190: {  	v5 =	vld [tilespmem:s10+$0xFFFFFF10];
	v3 =	vadd.f32 v3, v7;
	[tilespmem:s10+$0xFFFFFF80] =	vst v4  }
0x191: {  	v6 =	vld [tilespmem:s31+$0xFFFFFF90];
	v2 =	vmax.f32 v2, $0.0e+00  }
0x192: {  	v3 =	vmax.f32 v3, $0.0e+00;
	v4 =	vld [tilespmem:s10+$0x10];
	[tilespmem:s10+$0x0] =	vst v2  }
0x193: {  	[tilespmem:s10+$0xFFFFFF00] =	vst v3;
	v1 =	vadd.f32 v1, v8;
	v2 =	vld [tilespmem:s31+$0x10]  }
0x194: {  	v3 =	vld [tilespmem:s31+$0xFFFFFF10]  }
0x195: {  	v1 =	vmax.f32 v1, $0.0e+00  }
0x196: {  	v6 =	vadd.f32 v9, v6;
	[tilespmem:s10+$0x90] =	vst v1;
	v1 =	vld [tilespmem:s10+$0xA0]  }
0x197: {  	v8 =	vld [tilespmem:s31+$0xA0]  }
0x198: {  	v7 =	vld [tilespmem:s10+$0xFFFFFF20];
	v6 =	vmax.f32 v6, $0.0e+00;
	v2 =	vadd.f32 v4, v2  }
0x199: {  	v3 =	vadd.f32 v5, v3;
	v9 =	vld [tilespmem:s10+$0xFFFFFFA0];
	[tilespmem:s10+$0xFFFFFF90] =	vst v6  }
0x19a: {  	v5 =	vld [tilespmem:s31+$0xFFFFFFA0];
	v2 =	vmax.f32 v2, $0.0e+00  }
0x19b: {  	v3 =	vmax.f32 v3, $0.0e+00;
	v4 =	vld [tilespmem:s10+$0x20];
	[tilespmem:s10+$0x10] =	vst v2  }
0x19c: {  	[tilespmem:s10+$0xFFFFFF10] =	vst v3;
	v1 =	vadd.f32 v1, v8;
	v2 =	vld [tilespmem:s31+$0x20]  }
0x19d: {  	v3 =	vld [tilespmem:s31+$0xFFFFFF20]  }
0x19e: {  	v1 =	vmax.f32 v1, $0.0e+00  }
0x19f: {  	v5 =	vadd.f32 v9, v5;
	[tilespmem:s10+$0xA0] =	vst v1;
	v1 =	vld [tilespmem:s10+$0xB0]  }
0x1a0: {  	v8 =	vld [tilespmem:s31+$0xB0]  }
0x1a1: {  	v10 =	vld [tilespmem:s10+$0x30];
	v5 =	vmax.f32 v5, $0.0e+00;
	v2 =	vadd.f32 v4, v2  }
0x1a2: {  	v3 =	vadd.f32 v7, v3;
	v9 =	vld [tilespmem:s10+$0xFFFFFFB0];
	[tilespmem:s10+$0xFFFFFFA0] =	vst v5  }
0x1a3: {  	v4 =	vld [tilespmem:s31+$0xFFFFFFB0];
	v2 =	vmax.f32 v2, $0.0e+00  }
0x1a4: {  	v6 =	vld [tilespmem:s10+$0xFFFFFF30];
	[tilespmem:s10+$0x20] =	vst v2;
	v2 =	vmax.f32 v3, $0.0e+00  }
0x1a5: {  	v1 =	vadd.f32 v1, v8;
	[tilespmem:s10+$0xFFFFFF20] =	vst v2;
	v2 =	vld [tilespmem:s31+$0x30]  }
0x1a6: {  	v7 =	vld [tilespmem:s31+$0xFFFFFF30]  }
0x1a7: {  	v11 =	vld [tilespmem:s10+$0xFFFFFF40];
	v1 =	vmax.f32 v1, $0.0e+00  }
0x1a8: {  	v4 =	vadd.f32 v9, v4;
	[tilespmem:s10+$0xB0] =	vst v1;
	v1 =	vld [tilespmem:s10+$0xC0]  }
0x1a9: {  	v8 =	vld [tilespmem:s31+$0xC0]  }
0x1aa: {  	v12 =	vld [tilespmem:s10+$0xFFFFFFD0];
	v4 =	vmax.f32 v4, $0.0e+00;
	v2 =	vadd.f32 v10, v2  }
0x1ab: {  	v5 =	vld [tilespmem:s10+$0xFFFFFFC0];
	[tilespmem:s10+$0xFFFFFFB0] =	vst v4;
	v6 =	vadd.f32 v6, v7  }
0x1ac: {  	v7 =	vld [tilespmem:s31+$0xFFFFFFC0];
	v2 =	vmax.f32 v2, $0.0e+00  }
0x1ad: {  	v3 =	vld [tilespmem:s10+$0x40];
	[tilespmem:s10+$0x30] =	vst v2;
	v2 =	vmax.f32 v6, $0.0e+00  }
0x1ae: {  	v1 =	vadd.f32 v1, v8;
	v6 =	vld [tilespmem:s31+$0x40];
	[tilespmem:s10+$0xFFFFFF30] =	vst v2  }
0x1af: {  	v2 =	vld [tilespmem:s31+$0xFFFFFF40]  }
0x1b0: {  	v9 =	vld [tilespmem:s10+$0xFFFFFF50];
	v1 =	vmax.f32 v1, $0.0e+00  }
0x1b1: {  	[tilespmem:s10+$0xC0] =	vst v1;
	v1 =	vadd.f32 v5, v7;
	v7 =	vld [tilespmem:s10+$0xD0]  }
0x1b2: {  	v8 =	vld [tilespmem:s31+$0xD0]  }
0x1b3: {  	v4 =	vld [tilespmem:s10+$0xFFFFFF60];
	v1 =	vmax.f32 v1, $0.0e+00;
	v3 =	vadd.f32 v3, v6  }
0x1b4: {  	v10 =	vld [tilespmem:s10+$0x50];
	[tilespmem:s10+$0xFFFFFFC0] =	vst v1;
	v1 =	vadd.f32 v11, v2  }
0x1b5: {  	v2 =	vld [tilespmem:s31+$0xFFFFFFD0];
	v3 =	vmax.f32 v3, $0.0e+00  }
0x1b6: {  	v5 =	vld [tilespmem:s10+$0xFFFFFFE0];
	[tilespmem:s10+$0x40] =	vst v3;
	v1 =	vmax.f32 v1, $0.0e+00  }
0x1b7: {  	v3 =	vld [tilespmem:s31+$0x50];
	v7 =	vadd.f32 v7, v8;
	[tilespmem:s10+$0xFFFFFF40] =	vst v1  }
0x1b8: {  	v1 =	vld [tilespmem:s31+$0xFFFFFF50]  }
0x1b9: {  	v6 =	vld [tilespmem:s10+$0x60];
	v7 =	vmax.f32 v7, $0.0e+00  }
0x1ba: {  	v2 =	vadd.f32 v12, v2;
	[tilespmem:s10+$0xD0] =	vst v7;
	v7 =	vld [tilespmem:s10+$0xE0]  }
0x1bb: {  	v11 =	vld [tilespmem:s31+$0xE0]  }
0x1bc: {  	v2 =	vmax.f32 v2, $0.0e+00;
	v8 =	vadd.f32 v10, v3;
	v3 =	vld [tilespmem:s10+$0xFFFFFF70]  }
0x1bd: {  	[tilespmem:s10+$0xFFFFFFD0] =	vst v2;
	v1 =	vadd.f32 v9, v1;
	v2 =	vld [tilespmem:s10+$0xFFFFFFF0]  }
0x1be: {  	v9 =	vmax.f32 v8, $0.0e+00;
	v8 =	vld [tilespmem:s31+$0xFFFFFFE0]  }
0x1bf: {  	[tilespmem:s10+$0x50] =	vst v9;
	v9 =	vmax.f32 v1, $0.0e+00;
	v1 =	vld [tilespmem:s10+$0x70]  }
0x1c0: {  	[tilespmem:s10+$0xFFFFFF50] =	vst v9;
	v9 =	vld [tilespmem:s31+$0x60];
	v7 =	vadd.f32 v7, v11  }
0x1c1: {  	v10 =	vld [tilespmem:s31+$0xFFFFFF60]  }
0x1c2: {  	s25 =	simm.s32 $0x0;
	s20 =	simm.s32 $0x2F00;
	s4 =	simm.s32 $0x7D00;
	v11 =	vmax.f32 v7, $0.0e+00;
	v7 =	vld [tilespmem:s10+$0xF0]  }
.LBB2_10:
0x1c3: {  	v12 =	vld [tilespmem:s20+$0x80];
	v5 =	vadd.f32 v5, v8;
	[tilespmem:s10+$0xE0] =	vst v11  }
0x1c4: {  	s10 =	sadd.s32 $0x200, s10;
	v8 =	vld [tilespmem:s31+$0xF0]  }
0x1c5: {  	s25 =	sadd.s32 $0x4, s25;
	v11 =	vld [tilespmem:s10+$0x80];
	v5 =	vmax.f32 v5, $0.0e+00;
	v6 =	vadd.f32 v6, v9  }
0x1c6: {  	p3 =	slt.u32 s25, $0x4C;
	v9 =	vld [tilespmem:s10+$0xFFFFFF00];
	v4 =	vadd.f32 v4, v10;
	[tilespmem:s4+$0xFFFFFFE0] =	vst v5  }
0x1c7: {  	v5 =	vld [tilespmem:s20+$0xFFFFFF80];
	v6 =	vmax.f32 v6, $0.0e+00  }
0x1c8: {  	v10 =	vld [tilespmem:s10+$0xFFFFFF80];
	v4 =	vmax.f32 v4, $0.0e+00;
	[tilespmem:s4+$0x60] =	vst v6  }
0x1c9: {  	v6 =	vld [tilespmem:s20+$0x0];
	[tilespmem:s4+$0xFFFFFF60] =	vst v4;
	v4 =	vadd.f32 v7, v8  }
0x1ca: {  	v7 =	vld [tilespmem:s10+$0x0];
	v8 =	vadd.f32 v11, v12  }
0x1cb: {  	v11 =	vld [tilespmem:s20+$0xFFFFFF00];
	v4 =	vmax.f32 v4, $0.0e+00  }
0x1cc: {  	v12 =	vld [tilespmem:s10+$0xFFFFFF10];
	v8 =	vmax.f32 v8, $0.0e+00;
	[tilespmem:s4+$0xF0] =	vst v4  }
0x1cd: {  	v4 =	vadd.f32 v10, v5;
	[tilespmem:s10+$0x80] =	vst v8;
	v5 =	vld [tilespmem:s10+$0x90]  }
0x1ce: {  	v8 =	vld [tilespmem:s20+$0x90]  }
0x1cf: {  	v4 =	vmax.f32 v4, $0.0e+00;
	v10 =	vld [tilespmem:s10+$0xFFFFFF90];
	v6 =	vadd.f32 v7, v6  }
0x1d0: {  	v7 =	vadd.f32 v9, v11;
	[tilespmem:s10+$0xFFFFFF80] =	vst v4;
	v4 =	vld [tilespmem:s10+$0x10]  }
0x1d1: {  	v9 =	vld [tilespmem:s20+$0xFFFFFF90];
	v6 =	vmax.f32 v6, $0.0e+00  }
0x1d2: {  	v7 =	vmax.f32 v7, $0.0e+00;
	v11 =	vld [tilespmem:s10+$0xFFFFFF20];
	[tilespmem:s10+$0x0] =	vst v6  }
0x1d3: {  	[tilespmem:s10+$0xFFFFFF00] =	vst v7;
	v6 =	vld [tilespmem:s20+$0x10];
	v5 =	vadd.f32 v5, v8  }
0x1d4: {  	v7 =	vld [tilespmem:s20+$0xFFFFFF10]  }
0x1d5: {  	v8 =	vld [tilespmem:s10+$0xFFFFFFA0];
	v5 =	vmax.f32 v5, $0.0e+00  }
0x1d6: {  	v9 =	vadd.f32 v10, v9;
	[tilespmem:s10+$0x90] =	vst v5;
	v5 =	vld [tilespmem:s10+$0xA0]  }
0x1d7: {  	v10 =	vld [tilespmem:s20+$0xA0]  }
0x1d8: {  	v9 =	vmax.f32 v9, $0.0e+00;
	v4 =	vadd.f32 v4, v6;
	v6 =	vld [tilespmem:s10+$0x20]  }
0x1d9: {  	v7 =	vadd.f32 v12, v7;
	v12 =	vld [tilespmem:s10+$0xFFFFFF30];
	[tilespmem:s10+$0xFFFFFF90] =	vst v9  }
0x1da: {  	v9 =	vld [tilespmem:s20+$0xFFFFFFA0];
	v4 =	vmax.f32 v4, $0.0e+00  }
0x1db: {  	v7 =	vmax.f32 v7, $0.0e+00;
	v13 =	vld [tilespmem:s10+$0xFFFFFFB0];
	[tilespmem:s10+$0x10] =	vst v4  }
0x1dc: {  	[tilespmem:s10+$0xFFFFFF10] =	vst v7;
	v4 =	vld [tilespmem:s20+$0x20];
	v5 =	vadd.f32 v5, v10  }
0x1dd: {  	v7 =	vld [tilespmem:s20+$0xFFFFFF20]  }
0x1de: {  	v10 =	vld [tilespmem:s10+$0x30];
	v5 =	vmax.f32 v5, $0.0e+00  }
0x1df: {  	v8 =	vadd.f32 v8, v9;
	[tilespmem:s10+$0xA0] =	vst v5;
	v5 =	vld [tilespmem:s10+$0xB0]  }
0x1e0: {  	v9 =	vld [tilespmem:s20+$0xB0]  }
0x1e1: {  	v14 =	vld [tilespmem:s10+$0xFFFFFF40];
	v8 =	vmax.f32 v8, $0.0e+00;
	v4 =	vadd.f32 v6, v4  }
0x1e2: {  	v6 =	vadd.f32 v11, v7;
	[tilespmem:s10+$0xFFFFFFA0] =	vst v8;
	v7 =	vld [tilespmem:s10+$0xFFFFFFC0]  }
0x1e3: {  	v8 =	vld [tilespmem:s20+$0xFFFFFFB0];
	v4 =	vmax.f32 v4, $0.0e+00  }
0x1e4: {  	v6 =	vmax.f32 v6, $0.0e+00;
	[tilespmem:s10+$0x20] =	vst v4;
	v11 =	vld [tilespmem:s10+$0x40]  }
0x1e5: {  	[tilespmem:s10+$0xFFFFFF20] =	vst v6;
	v4 =	vld [tilespmem:s20+$0x30];
	v5 =	vadd.f32 v5, v9  }
0x1e6: {  	v6 =	vld [tilespmem:s20+$0xFFFFFF30]  }
0x1e7: {  	v9 =	vld [tilespmem:s10+$0xFFFFFF50];
	v5 =	vmax.f32 v5, $0.0e+00  }
0x1e8: {  	v8 =	vadd.f32 v13, v8;
	[tilespmem:s10+$0xB0] =	vst v5;
	v5 =	vld [tilespmem:s10+$0xC0]  }
0x1e9: {  	v13 =	vld [tilespmem:s20+$0xC0]  }
0x1ea: {  	v8 =	vmax.f32 v8, $0.0e+00;
	v15 =	vld [tilespmem:s10+$0xFFFFFFD0];
	v4 =	vadd.f32 v10, v4  }
0x1eb: {  	v6 =	vadd.f32 v12, v6;
	[tilespmem:s10+$0xFFFFFFB0] =	vst v8;
	v8 =	vld [tilespmem:s10+$0x50]  }
0x1ec: {  	v10 =	vld [tilespmem:s20+$0xFFFFFFC0];
	v12 =	vmax.f32 v4, $0.0e+00  }
0x1ed: {  	v6 =	vmax.f32 v6, $0.0e+00;
	v4 =	vld [tilespmem:s10+$0xFFFFFF60];
	[tilespmem:s10+$0x30] =	vst v12  }
0x1ee: {  	[tilespmem:s10+$0xFFFFFF30] =	vst v6;
	v6 =	vld [tilespmem:s20+$0x40];
	v12 =	vadd.f32 v5, v13  }
0x1ef: {  	v13 =	vld [tilespmem:s20+$0xFFFFFF40]  }
0x1f0: {  	v5 =	vld [tilespmem:s10+$0xFFFFFFE0];
	v12 =	vmax.f32 v12, $0.0e+00  }
0x1f1: {  	v7 =	vadd.f32 v7, v10;
	[tilespmem:s10+$0xC0] =	vst v12;
	v10 =	vld [tilespmem:s10+$0xD0]  }
0x1f2: {  	v12 =	vld [tilespmem:s20+$0xD0]  }
0x1f3: {  	v7 =	vmax.f32 v7, $0.0e+00;
	v11 =	vadd.f32 v11, v6;
	v6 =	vld [tilespmem:s10+$0x60]  }
0x1f4: {  	v13 =	vadd.f32 v14, v13;
	[tilespmem:s10+$0xFFFFFFC0] =	vst v7;
	v7 =	vld [tilespmem:s31+$0xFFFFFF70]  }
0x1f5: {  	v14 =	vld [tilespmem:s20+$0xFFFFFFD0];
	v11 =	vmax.f32 v11, $0.0e+00  }
0x1f6: {  	v13 =	vmax.f32 v13, $0.0e+00;
	[tilespmem:s10+$0x40] =	vst v11;
	v11 =	vld [tilespmem:s31+$0xFFFFFFF0]  }
0x1f7: {  	[tilespmem:s10+$0xFFFFFF40] =	vst v13;
	v13 =	vld [tilespmem:s20+$0x50];
	v10 =	vadd.f32 v10, v12  }
0x1f8: {  	v12 =	vld [tilespmem:s20+$0xFFFFFF50]  }
0x1f9: {  	v10 =	vmax.f32 v10, $0.0e+00;
	v3 =	vadd.f32 v3, v7;
	v7 =	vld [tilespmem:s31+$0x70];
	s31 =	smov.u32 s20  }
0x1fa: {  	v14 =	vadd.f32 v15, v14;
	[tilespmem:s10+$0xD0] =	vst v10;
	v10 =	vld [tilespmem:s10+$0xE0]  }
0x1fb: {  	v15 =	vld [tilespmem:s20+$0xE0];
	v16 =	vmax.f32 v3, $0.0e+00;
	v11 =	vadd.f32 v2, v11  }
0x1fc: {  	v3 =	vld [tilespmem:s10+$0xFFFFFF70];
	v2 =	vmax.f32 v14, $0.0e+00;
	v13 =	vadd.f32 v8, v13;
	[tilespmem:s4+$0xFFFFFF70] =	vst v16  }
0x1fd: {  	v9 =	vadd.f32 v9, v12;
	[tilespmem:s10+$0xFFFFFFD0] =	vst v2;
	v2 =	vld [tilespmem:s10+$0xFFFFFFF0];
	v11 =	vmax.f32 v11, $0.0e+00  }
.Ltmp8:
0x1fe: {  	v8 =	vld [tilespmem:s20+$0xFFFFFFE0];
	v12 =	vmax.f32 v13, $0.0e+00;
	[tilespmem:s4+$0xFFFFFFF0] =	vst v11;
	v7 =	vadd.f32 v1, v7;
	(pc) =	sbr.rel @p3 .LBB2_10-.Ltmp8, $4  }
0x1ff: {  	v9 =	vmax.f32 v9, $0.0e+00;
	[tilespmem:s10+$0x50] =	vst v12;
	v1 =	vld [tilespmem:s10+$0x70]  }
0x200: {  	[tilespmem:s10+$0xFFFFFF50] =	vst v9;
	v9 =	vld [tilespmem:s20+$0x60];
	v11 =	vadd.f32 v10, v15;
	v7 =	vmax.f32 v7, $0.0e+00  }
0x201: {  	v10 =	vld [tilespmem:s20+$0xFFFFFF60];
	[tilespmem:s4+$0x70] =	vst v7;
	s4 =	smov.u32 s10  }
0x202: {  	s20 =	sadd.s32 $0x200, s20;
	v11 =	vmax.f32 v11, $0.0e+00;
	v7 =	vld [tilespmem:s10+$0xF0]  }
0x203: {  	_ = 	snop  }
0x204: {  	v5 =	vadd.f32 v5, v8  }
0x205: {  	v6 =	vadd.f32 v6, v9  }
0x206: {  	[tilespmem:s10+$0xE0] =	vst v11;
	v5 =	vmax.f32 v5, $0.0e+00;
	v4 =	vadd.f32 v4, v10  }
0x207: {  	v58 =	vld [tilespmem:s31+$0xF0];
	[tilespmem:s4+$0xFFFFFFE0] =	vst v5;
	v59 =	vmax.f32 v6, $0.0e+00  }
0x208: {  	v61 =	vld [tilespmem:s31+$0xFFFFFFF0];
	v4 =	vmax.f32 v4, $0.0e+00;
	[tilespmem:s4+$0x60] =	vst v59  }
0x209: {  	[tilespmem:s4+$0xFFFFFF60] =	vst v4;
	v62 =	vld [tilespmem:s31+$0x70]  }
0x20a: {  	v60 =	vld [tilespmem:s31+$0xFFFFFF70];
	_ =	sdelay $0x1  }
0x20b: {  	v7 =	vadd.f32 v7, v58  }
0x20c: {  	v2 =	vadd.f32 v2, v61  }
0x20d: {  	v63 =	vmax.f32 v7, $0.0e+00;
	v1 =	vadd.f32 v1, v62  }
0x20e: {  	[tilespmem:s4+$0xF0] =	vst v63;
	v2 =	vmax.f32 v2, $0.0e+00;
	v3 =	vadd.f32 v3, v60  }
0x20f: {  	[tilespmem:s4+$0xFFFFFFF0] =	vst v2;
	v1 =	vmax.f32 v1, $0.0e+00  }
0x210: {  	v3 =	vmax.f32 v3, $0.0e+00;
	[tilespmem:s4+$0x70] =	vst v1  }
0x211: {  	[tilespmem:s4+$0xFFFFFF70] =	vst v3  }
0x212: {  	[spmem:s3] =	stream.indirect.scatter.add.f32 [tilespmem:s17], [sflag:$0x8], $0x80, s9, s11, $0xb8;
	[tilespmem:$0x1DC80] =	vst v63  }
.LBB2_12:
0x213: {  	s4 =	simm.s32 @!p1 $0x7  }
0x214: {  	_ =	swait.ge @!p1 [sflag:s4], $0x2800  }
0x215: {  	s10 =	sor.u32 $0x3, s28;
	[sflag:s4] =	ssyncset.done @!p1 $0x0  }
0x216: {  	[sflag:s4] =	ssyncadd.s32 @!p1 $0xFFFFD800;
	s4 =	sshll.u32 @!p2 s30, $0x4;
	p1 =	sgt.u32 s10, $0x7C  }
0x217: {  	s20 =	simm.s32 @!p2 $0x5400;
	s4 =	sadd.s32 @!p2 s2, s4;
	s10 =	smul.u32 @!p1 $0x50, s10  }
0x218: {  	[tilespmem:s20], [sflag:$0x5] =	stream.linear.gather @!p2 [hbm4b:s4+s29], $0x2800, $0x38;
	[tilespmem:$0x1DC80] =	vst v63  }
0x219: {  	s30 =	sadd.s32 @!p1 s6, s10  }
0x21a: {  	s4 =	sshrl.u32 @!p1 s30, $0x3  }
0x21b: {  	s29 =	simm.s32 @!p1 $0x0;
	s20 =	simm.s32 @!p1 $0x180;
	s10 =	sadd.s32 @!p1 s15, s4  }
0x21c: {  	[tilespmem:s20], [sflag:$0x2] =	stream.linear.gather @!p1 [hbm4b:s10+s29], $0x50, $0x38;
	[tilespmem:$0x1DC80] =	vst v63  }
0x21d: {  	s4 =	sadd.s32 @!p1 s1, s4;
	s10 =	simm.s32 @!p1 $0x380  }
0x21e: {  	[tilespmem:s10], [sflag:$0x2] =	stream.linear.gather @!p1 [hbm4b:s4+s29], $0x50, $0x38;
	[tilespmem:$0x1DC80] =	vst v63  }
0x21f: {  	s4 =	simm.s32 @!p1 $0x2  }
0x220: {  	_ =	swait.ge @!p1 [sflag:s4], $0x50  }
0x221: {  	[sflag:s4] =	ssyncset.done @!p1 $0x0  }
.Ltmp9:
0x222: {  	[sflag:s4] =	ssyncadd.s32 @!p1 $0xFFFFFFB0;
	(pc) =	sbr.rel @p2 .LBB2_16-.Ltmp9, $4  }
0x223: {  	_ =	swait.ge @!p1 [sflag:s4], $0x50  }
0x224: {  	[sflag:s4] =	ssyncset.done @!p1 $0x0  }
0x225: {  	s10 =	simm.s32 @!p1 $0x2C00;
	[sflag:s4] =	ssyncadd.s32 @!p1 $0xFFFFFFB0;
	s4 =	simm.s32 @!p1 $0x50  }
0x226: {  	[tilespmem:s10], [sflag:$0x4] =	stream.indirect.gather @!p1 [hbm4b:s16+s4], $0x80, s20, s4, $0xb8;
	[tilespmem:$0x1DC80] =	vst v63  }
0x227: {  	_ =	swait.ge [sflag:s18], $0x2800  }
0x228: {  	[sflag:s18] =	ssyncset.done $0x0  }
0x229: {  	[sflag:s18] =	ssyncadd.s32 $0xFFFFD800  }
0x22a: {  	_ =	swait.ge [sflag:s19], $0x2800  }
0x22b: {  	[sflag:s19] =	ssyncset.done $0x0  }
0x22c: {  	s31 =	simm.s32 $0x500;
	[sflag:s19] =	ssyncadd.s32 $0xFFFFD800  }
0x22d: {  	s10 =	simm.s32 $0x5500;
	v1 =	vld [tilespmem:s31+$0x80]  }
0x22e: {  	v2 =	vld [tilespmem:s10+$0x80]  }
0x22f: {  	v3 =	vld [tilespmem:s10+$0xFFFFFF00]  }
0x230: {  	v4 =	vld [tilespmem:s31+$0xFFFFFF80]  }
0x231: {  	v5 =	vld [tilespmem:s10+$0xFFFFFF80]  }
0x232: {  	v6 =	vld [tilespmem:s10+$0x0]  }
0x233: {  	v1 =	vadd.f32 v2, v1;
	v2 =	vld [tilespmem:s31+$0x0]  }
0x234: {  	v7 =	vld [tilespmem:s31+$0xFFFFFF00]  }
0x235: {  	v1 =	vmax.f32 v1, $0.0e+00  }
0x236: {  	v4 =	vadd.f32 v5, v4;
	[tilespmem:s10+$0x80] =	vst v1;
	v1 =	vld [tilespmem:s10+$0x90]  }
0x237: {  	v8 =	vld [tilespmem:s31+$0x90]  }
0x238: {  	v9 =	vld [tilespmem:s10+$0xFFFFFF90];
	v4 =	vmax.f32 v4, $0.0e+00;
	v2 =	vadd.f32 v6, v2  }
0x239: {  	v5 =	vld [tilespmem:s10+$0xFFFFFF10];
	v3 =	vadd.f32 v3, v7;
	[tilespmem:s10+$0xFFFFFF80] =	vst v4  }
0x23a: {  	v6 =	vld [tilespmem:s31+$0xFFFFFF90];
	v2 =	vmax.f32 v2, $0.0e+00  }
0x23b: {  	v3 =	vmax.f32 v3, $0.0e+00;
	v4 =	vld [tilespmem:s10+$0x10];
	[tilespmem:s10+$0x0] =	vst v2  }
0x23c: {  	[tilespmem:s10+$0xFFFFFF00] =	vst v3;
	v1 =	vadd.f32 v1, v8;
	v2 =	vld [tilespmem:s31+$0x10]  }
0x23d: {  	v3 =	vld [tilespmem:s31+$0xFFFFFF10]  }
0x23e: {  	v1 =	vmax.f32 v1, $0.0e+00  }
0x23f: {  	v6 =	vadd.f32 v9, v6;
	[tilespmem:s10+$0x90] =	vst v1;
	v1 =	vld [tilespmem:s10+$0xA0]  }
0x240: {  	v8 =	vld [tilespmem:s31+$0xA0]  }
0x241: {  	v7 =	vld [tilespmem:s10+$0xFFFFFF20];
	v6 =	vmax.f32 v6, $0.0e+00;
	v2 =	vadd.f32 v4, v2  }
0x242: {  	v3 =	vadd.f32 v5, v3;
	v9 =	vld [tilespmem:s10+$0xFFFFFFA0];
	[tilespmem:s10+$0xFFFFFF90] =	vst v6  }
0x243: {  	v5 =	vld [tilespmem:s31+$0xFFFFFFA0];
	v2 =	vmax.f32 v2, $0.0e+00  }
0x244: {  	v3 =	vmax.f32 v3, $0.0e+00;
	v4 =	vld [tilespmem:s10+$0x20];
	[tilespmem:s10+$0x10] =	vst v2  }
0x245: {  	[tilespmem:s10+$0xFFFFFF10] =	vst v3;
	v1 =	vadd.f32 v1, v8;
	v2 =	vld [tilespmem:s31+$0x20]  }
0x246: {  	v3 =	vld [tilespmem:s31+$0xFFFFFF20]  }
0x247: {  	v1 =	vmax.f32 v1, $0.0e+00  }
0x248: {  	v5 =	vadd.f32 v9, v5;
	[tilespmem:s10+$0xA0] =	vst v1;
	v1 =	vld [tilespmem:s10+$0xB0]  }
0x249: {  	v8 =	vld [tilespmem:s31+$0xB0]  }
0x24a: {  	v10 =	vld [tilespmem:s10+$0x30];
	v5 =	vmax.f32 v5, $0.0e+00;
	v2 =	vadd.f32 v4, v2  }
0x24b: {  	v3 =	vadd.f32 v7, v3;
	v9 =	vld [tilespmem:s10+$0xFFFFFFB0];
	[tilespmem:s10+$0xFFFFFFA0] =	vst v5  }
0x24c: {  	v4 =	vld [tilespmem:s31+$0xFFFFFFB0];
	v2 =	vmax.f32 v2, $0.0e+00  }
0x24d: {  	v6 =	vld [tilespmem:s10+$0xFFFFFF30];
	[tilespmem:s10+$0x20] =	vst v2;
	v2 =	vmax.f32 v3, $0.0e+00  }
0x24e: {  	v1 =	vadd.f32 v1, v8;
	[tilespmem:s10+$0xFFFFFF20] =	vst v2;
	v2 =	vld [tilespmem:s31+$0x30]  }
0x24f: {  	v7 =	vld [tilespmem:s31+$0xFFFFFF30]  }
0x250: {  	v11 =	vld [tilespmem:s10+$0xFFFFFF40];
	v1 =	vmax.f32 v1, $0.0e+00  }
0x251: {  	v4 =	vadd.f32 v9, v4;
	[tilespmem:s10+$0xB0] =	vst v1;
	v1 =	vld [tilespmem:s10+$0xC0]  }
0x252: {  	v8 =	vld [tilespmem:s31+$0xC0]  }
0x253: {  	v12 =	vld [tilespmem:s10+$0xFFFFFFD0];
	v4 =	vmax.f32 v4, $0.0e+00;
	v2 =	vadd.f32 v10, v2  }
0x254: {  	v5 =	vld [tilespmem:s10+$0xFFFFFFC0];
	[tilespmem:s10+$0xFFFFFFB0] =	vst v4;
	v6 =	vadd.f32 v6, v7  }
0x255: {  	v7 =	vld [tilespmem:s31+$0xFFFFFFC0];
	v2 =	vmax.f32 v2, $0.0e+00  }
0x256: {  	v3 =	vld [tilespmem:s10+$0x40];
	[tilespmem:s10+$0x30] =	vst v2;
	v2 =	vmax.f32 v6, $0.0e+00  }
0x257: {  	v1 =	vadd.f32 v1, v8;
	v6 =	vld [tilespmem:s31+$0x40];
	[tilespmem:s10+$0xFFFFFF30] =	vst v2  }
0x258: {  	v2 =	vld [tilespmem:s31+$0xFFFFFF40]  }
0x259: {  	v9 =	vld [tilespmem:s10+$0xFFFFFF50];
	v1 =	vmax.f32 v1, $0.0e+00  }
0x25a: {  	[tilespmem:s10+$0xC0] =	vst v1;
	v1 =	vadd.f32 v5, v7;
	v7 =	vld [tilespmem:s10+$0xD0]  }
0x25b: {  	v8 =	vld [tilespmem:s31+$0xD0]  }
0x25c: {  	v4 =	vld [tilespmem:s10+$0xFFFFFF60];
	v1 =	vmax.f32 v1, $0.0e+00;
	v3 =	vadd.f32 v3, v6  }
0x25d: {  	v10 =	vld [tilespmem:s10+$0x50];
	[tilespmem:s10+$0xFFFFFFC0] =	vst v1;
	v1 =	vadd.f32 v11, v2  }
0x25e: {  	v2 =	vld [tilespmem:s31+$0xFFFFFFD0];
	v3 =	vmax.f32 v3, $0.0e+00  }
0x25f: {  	v5 =	vld [tilespmem:s10+$0xFFFFFFE0];
	[tilespmem:s10+$0x40] =	vst v3;
	v1 =	vmax.f32 v1, $0.0e+00  }
0x260: {  	v3 =	vld [tilespmem:s31+$0x50];
	v7 =	vadd.f32 v7, v8;
	[tilespmem:s10+$0xFFFFFF40] =	vst v1  }
0x261: {  	v1 =	vld [tilespmem:s31+$0xFFFFFF50]  }
0x262: {  	v6 =	vld [tilespmem:s10+$0x60];
	v7 =	vmax.f32 v7, $0.0e+00  }
0x263: {  	v2 =	vadd.f32 v12, v2;
	[tilespmem:s10+$0xD0] =	vst v7;
	v7 =	vld [tilespmem:s10+$0xE0]  }
0x264: {  	v11 =	vld [tilespmem:s31+$0xE0]  }
0x265: {  	v2 =	vmax.f32 v2, $0.0e+00;
	v8 =	vadd.f32 v10, v3;
	v3 =	vld [tilespmem:s10+$0xFFFFFF70]  }
0x266: {  	[tilespmem:s10+$0xFFFFFFD0] =	vst v2;
	v1 =	vadd.f32 v9, v1;
	v2 =	vld [tilespmem:s10+$0xFFFFFFF0]  }
0x267: {  	v9 =	vmax.f32 v8, $0.0e+00;
	v8 =	vld [tilespmem:s31+$0xFFFFFFE0]  }
0x268: {  	[tilespmem:s10+$0x50] =	vst v9;
	v9 =	vmax.f32 v1, $0.0e+00;
	v1 =	vld [tilespmem:s10+$0x70]  }
0x269: {  	[tilespmem:s10+$0xFFFFFF50] =	vst v9;
	v9 =	vld [tilespmem:s31+$0x60];
	v7 =	vadd.f32 v7, v11  }
0x26a: {  	v10 =	vld [tilespmem:s31+$0xFFFFFF60]  }
0x26b: {  	s25 =	simm.s32 $0x0;
	s20 =	simm.s32 $0x700;
	s4 =	simm.s32 $0x5500;
	v11 =	vmax.f32 v7, $0.0e+00;
	v7 =	vld [tilespmem:s10+$0xF0]  }
.LBB2_14:
0x26c: {  	v12 =	vld [tilespmem:s20+$0x80];
	v5 =	vadd.f32 v5, v8;
	[tilespmem:s10+$0xE0] =	vst v11  }
0x26d: {  	s10 =	sadd.s32 $0x200, s10;
	v8 =	vld [tilespmem:s31+$0xF0]  }
0x26e: {  	s25 =	sadd.s32 $0x4, s25;
	v11 =	vld [tilespmem:s10+$0x80];
	v5 =	vmax.f32 v5, $0.0e+00;
	v6 =	vadd.f32 v6, v9  }
0x26f: {  	p2 =	slt.u32 s25, $0x4C;
	v9 =	vld [tilespmem:s10+$0xFFFFFF00];
	v4 =	vadd.f32 v4, v10;
	[tilespmem:s4+$0xFFFFFFE0] =	vst v5  }
0x270: {  	v5 =	vld [tilespmem:s20+$0xFFFFFF80];
	v6 =	vmax.f32 v6, $0.0e+00  }
0x271: {  	v10 =	vld [tilespmem:s10+$0xFFFFFF80];
	v4 =	vmax.f32 v4, $0.0e+00;
	[tilespmem:s4+$0x60] =	vst v6  }
0x272: {  	v6 =	vld [tilespmem:s20+$0x0];
	[tilespmem:s4+$0xFFFFFF60] =	vst v4;
	v4 =	vadd.f32 v7, v8  }
0x273: {  	v7 =	vld [tilespmem:s10+$0x0];
	v8 =	vadd.f32 v11, v12  }
0x274: {  	v11 =	vld [tilespmem:s20+$0xFFFFFF00];
	v4 =	vmax.f32 v4, $0.0e+00  }
0x275: {  	v12 =	vld [tilespmem:s10+$0xFFFFFF10];
	v8 =	vmax.f32 v8, $0.0e+00;
	[tilespmem:s4+$0xF0] =	vst v4  }
0x276: {  	v4 =	vadd.f32 v10, v5;
	[tilespmem:s10+$0x80] =	vst v8;
	v5 =	vld [tilespmem:s10+$0x90]  }
0x277: {  	v8 =	vld [tilespmem:s20+$0x90]  }
0x278: {  	v4 =	vmax.f32 v4, $0.0e+00;
	v10 =	vld [tilespmem:s10+$0xFFFFFF90];
	v6 =	vadd.f32 v7, v6  }
0x279: {  	v7 =	vadd.f32 v9, v11;
	[tilespmem:s10+$0xFFFFFF80] =	vst v4;
	v4 =	vld [tilespmem:s10+$0x10]  }
0x27a: {  	v9 =	vld [tilespmem:s20+$0xFFFFFF90];
	v6 =	vmax.f32 v6, $0.0e+00  }
0x27b: {  	v7 =	vmax.f32 v7, $0.0e+00;
	v11 =	vld [tilespmem:s10+$0xFFFFFF20];
	[tilespmem:s10+$0x0] =	vst v6  }
0x27c: {  	[tilespmem:s10+$0xFFFFFF00] =	vst v7;
	v6 =	vld [tilespmem:s20+$0x10];
	v5 =	vadd.f32 v5, v8  }
0x27d: {  	v7 =	vld [tilespmem:s20+$0xFFFFFF10]  }
0x27e: {  	v8 =	vld [tilespmem:s10+$0xFFFFFFA0];
	v5 =	vmax.f32 v5, $0.0e+00  }
0x27f: {  	v9 =	vadd.f32 v10, v9;
	[tilespmem:s10+$0x90] =	vst v5;
	v5 =	vld [tilespmem:s10+$0xA0]  }
0x280: {  	v10 =	vld [tilespmem:s20+$0xA0]  }
0x281: {  	v9 =	vmax.f32 v9, $0.0e+00;
	v4 =	vadd.f32 v4, v6;
	v6 =	vld [tilespmem:s10+$0x20]  }
0x282: {  	v7 =	vadd.f32 v12, v7;
	v12 =	vld [tilespmem:s10+$0xFFFFFF30];
	[tilespmem:s10+$0xFFFFFF90] =	vst v9  }
0x283: {  	v9 =	vld [tilespmem:s20+$0xFFFFFFA0];
	v4 =	vmax.f32 v4, $0.0e+00  }
0x284: {  	v7 =	vmax.f32 v7, $0.0e+00;
	v13 =	vld [tilespmem:s10+$0xFFFFFFB0];
	[tilespmem:s10+$0x10] =	vst v4  }
0x285: {  	[tilespmem:s10+$0xFFFFFF10] =	vst v7;
	v4 =	vld [tilespmem:s20+$0x20];
	v5 =	vadd.f32 v5, v10  }
0x286: {  	v7 =	vld [tilespmem:s20+$0xFFFFFF20]  }
0x287: {  	v10 =	vld [tilespmem:s10+$0x30];
	v5 =	vmax.f32 v5, $0.0e+00  }
0x288: {  	v8 =	vadd.f32 v8, v9;
	[tilespmem:s10+$0xA0] =	vst v5;
	v5 =	vld [tilespmem:s10+$0xB0]  }
0x289: {  	v9 =	vld [tilespmem:s20+$0xB0]  }
0x28a: {  	v14 =	vld [tilespmem:s10+$0xFFFFFF40];
	v8 =	vmax.f32 v8, $0.0e+00;
	v4 =	vadd.f32 v6, v4  }
0x28b: {  	v6 =	vadd.f32 v11, v7;
	[tilespmem:s10+$0xFFFFFFA0] =	vst v8;
	v7 =	vld [tilespmem:s10+$0xFFFFFFC0]  }
0x28c: {  	v8 =	vld [tilespmem:s20+$0xFFFFFFB0];
	v4 =	vmax.f32 v4, $0.0e+00  }
0x28d: {  	v6 =	vmax.f32 v6, $0.0e+00;
	[tilespmem:s10+$0x20] =	vst v4;
	v11 =	vld [tilespmem:s10+$0x40]  }
0x28e: {  	[tilespmem:s10+$0xFFFFFF20] =	vst v6;
	v4 =	vld [tilespmem:s20+$0x30];
	v5 =	vadd.f32 v5, v9  }
0x28f: {  	v6 =	vld [tilespmem:s20+$0xFFFFFF30]  }
0x290: {  	v9 =	vld [tilespmem:s10+$0xFFFFFF50];
	v5 =	vmax.f32 v5, $0.0e+00  }
0x291: {  	v8 =	vadd.f32 v13, v8;
	[tilespmem:s10+$0xB0] =	vst v5;
	v5 =	vld [tilespmem:s10+$0xC0]  }
0x292: {  	v13 =	vld [tilespmem:s20+$0xC0]  }
0x293: {  	v8 =	vmax.f32 v8, $0.0e+00;
	v15 =	vld [tilespmem:s10+$0xFFFFFFD0];
	v4 =	vadd.f32 v10, v4  }
0x294: {  	v6 =	vadd.f32 v12, v6;
	[tilespmem:s10+$0xFFFFFFB0] =	vst v8;
	v8 =	vld [tilespmem:s10+$0x50]  }
0x295: {  	v10 =	vld [tilespmem:s20+$0xFFFFFFC0];
	v12 =	vmax.f32 v4, $0.0e+00  }
0x296: {  	v6 =	vmax.f32 v6, $0.0e+00;
	v4 =	vld [tilespmem:s10+$0xFFFFFF60];
	[tilespmem:s10+$0x30] =	vst v12  }
0x297: {  	[tilespmem:s10+$0xFFFFFF30] =	vst v6;
	v6 =	vld [tilespmem:s20+$0x40];
	v12 =	vadd.f32 v5, v13  }
0x298: {  	v13 =	vld [tilespmem:s20+$0xFFFFFF40]  }
0x299: {  	v5 =	vld [tilespmem:s10+$0xFFFFFFE0];
	v12 =	vmax.f32 v12, $0.0e+00  }
0x29a: {  	v7 =	vadd.f32 v7, v10;
	[tilespmem:s10+$0xC0] =	vst v12;
	v10 =	vld [tilespmem:s10+$0xD0]  }
0x29b: {  	v12 =	vld [tilespmem:s20+$0xD0]  }
0x29c: {  	v7 =	vmax.f32 v7, $0.0e+00;
	v11 =	vadd.f32 v11, v6;
	v6 =	vld [tilespmem:s10+$0x60]  }
0x29d: {  	v13 =	vadd.f32 v14, v13;
	[tilespmem:s10+$0xFFFFFFC0] =	vst v7;
	v7 =	vld [tilespmem:s31+$0xFFFFFF70]  }
0x29e: {  	v14 =	vld [tilespmem:s20+$0xFFFFFFD0];
	v11 =	vmax.f32 v11, $0.0e+00  }
0x29f: {  	v13 =	vmax.f32 v13, $0.0e+00;
	[tilespmem:s10+$0x40] =	vst v11;
	v11 =	vld [tilespmem:s31+$0xFFFFFFF0]  }
0x2a0: {  	[tilespmem:s10+$0xFFFFFF40] =	vst v13;
	v13 =	vld [tilespmem:s20+$0x50];
	v10 =	vadd.f32 v10, v12  }
0x2a1: {  	v12 =	vld [tilespmem:s20+$0xFFFFFF50]  }
0x2a2: {  	v10 =	vmax.f32 v10, $0.0e+00;
	v3 =	vadd.f32 v3, v7;
	v7 =	vld [tilespmem:s31+$0x70];
	s31 =	smov.u32 s20  }
0x2a3: {  	v14 =	vadd.f32 v15, v14;
	[tilespmem:s10+$0xD0] =	vst v10;
	v10 =	vld [tilespmem:s10+$0xE0]  }
0x2a4: {  	v15 =	vld [tilespmem:s20+$0xE0];
	v16 =	vmax.f32 v3, $0.0e+00;
	v11 =	vadd.f32 v2, v11  }
0x2a5: {  	v3 =	vld [tilespmem:s10+$0xFFFFFF70];
	v2 =	vmax.f32 v14, $0.0e+00;
	v13 =	vadd.f32 v8, v13;
	[tilespmem:s4+$0xFFFFFF70] =	vst v16  }
0x2a6: {  	v9 =	vadd.f32 v9, v12;
	[tilespmem:s10+$0xFFFFFFD0] =	vst v2;
	v2 =	vld [tilespmem:s10+$0xFFFFFFF0];
	v11 =	vmax.f32 v11, $0.0e+00  }
.Ltmp10:
0x2a7: {  	v8 =	vld [tilespmem:s20+$0xFFFFFFE0];
	v12 =	vmax.f32 v13, $0.0e+00;
	[tilespmem:s4+$0xFFFFFFF0] =	vst v11;
	v7 =	vadd.f32 v1, v7;
	(pc) =	sbr.rel @p2 .LBB2_14-.Ltmp10, $4  }
0x2a8: {  	v9 =	vmax.f32 v9, $0.0e+00;
	[tilespmem:s10+$0x50] =	vst v12;
	v1 =	vld [tilespmem:s10+$0x70]  }
0x2a9: {  	[tilespmem:s10+$0xFFFFFF50] =	vst v9;
	v9 =	vld [tilespmem:s20+$0x60];
	v11 =	vadd.f32 v10, v15;
	v7 =	vmax.f32 v7, $0.0e+00  }
0x2aa: {  	v10 =	vld [tilespmem:s20+$0xFFFFFF60];
	[tilespmem:s4+$0x70] =	vst v7;
	s4 =	smov.u32 s10  }
0x2ab: {  	s20 =	sadd.s32 $0x200, s20;
	v11 =	vmax.f32 v11, $0.0e+00;
	v7 =	vld [tilespmem:s10+$0xF0]  }
0x2ac: {  	_ = 	snop  }
0x2ad: {  	v5 =	vadd.f32 v5, v8  }
0x2ae: {  	v6 =	vadd.f32 v6, v9  }
0x2af: {  	[tilespmem:s10+$0xE0] =	vst v11;
	v5 =	vmax.f32 v5, $0.0e+00;
	v4 =	vadd.f32 v4, v10  }
0x2b0: {  	v58 =	vld [tilespmem:s31+$0xF0];
	[tilespmem:s4+$0xFFFFFFE0] =	vst v5;
	v59 =	vmax.f32 v6, $0.0e+00  }
0x2b1: {  	v61 =	vld [tilespmem:s31+$0xFFFFFFF0];
	v4 =	vmax.f32 v4, $0.0e+00;
	[tilespmem:s4+$0x60] =	vst v59  }
0x2b2: {  	[tilespmem:s4+$0xFFFFFF60] =	vst v4;
	v62 =	vld [tilespmem:s31+$0x70]  }
0x2b3: {  	v60 =	vld [tilespmem:s31+$0xFFFFFF70];
	_ =	sdelay $0x1  }
0x2b4: {  	v7 =	vadd.f32 v7, v58  }
0x2b5: {  	v2 =	vadd.f32 v2, v61  }
0x2b6: {  	v63 =	vmax.f32 v7, $0.0e+00;
	v1 =	vadd.f32 v1, v62  }
0x2b7: {  	[tilespmem:s4+$0xF0] =	vst v63;
	v2 =	vmax.f32 v2, $0.0e+00;
	v3 =	vadd.f32 v3, v60  }
0x2b8: {  	[tilespmem:s4+$0xFFFFFFF0] =	vst v2;
	v1 =	vmax.f32 v1, $0.0e+00  }
0x2b9: {  	v3 =	vmax.f32 v3, $0.0e+00;
	[tilespmem:s4+$0x70] =	vst v1  }
0x2ba: {  	s31 =	simm.s32 $0x300;
	[tilespmem:s4+$0xFFFFFF70] =	vst v3  }
0x2bb: {  	[spmem:s3] =	stream.indirect.scatter.add.f32 [tilespmem:s12], [sflag:$0x7], $0x80, s31, s11, $0xb8;
	[tilespmem:$0x1DC80] =	vst v63  }
0x2bc: {  	_ =	swait.ge [sflag:s21], $0x2800  }
0x2bd: {  	[sflag:s21] =	ssyncset.done $0x0  }
0x2be: {  	[sflag:s21] =	ssyncadd.s32 $0xFFFFD800  }
.LBB2_16:
0x2bf: {  	s4 =	sshll.u32 @!p1 s30, $0x4;
	s10 =	sadd.s32 $0x4, s28;
	p2 =	sgt.u32 s26, $0x1E  }
0x2c0: {  	s20 =	simm.s32 @!p1 $0x7C00;
	s4 =	sadd.s32 @!p1 s2, s4;
	s10 =	smul.u32 @!p2 $0x50, s10  }
0x2c1: {  	[tilespmem:s20], [sflag:$0x6] =	stream.linear.gather @!p1 [hbm4b:s4+s29], $0x2800, $0x38;
	[tilespmem:$0x1DC80] =	vst v63  }
0x2c2: {  	s29 =	sadd.s32 @!p2 s6, s10  }
0x2c3: {  	s4 =	sshrl.u32 @!p2 s29, $0x3  }
0x2c4: {  	s28 =	simm.s32 @!p2 $0x0;
	s10 =	sadd.s32 @!p2 s15, s4  }
0x2c5: {  	[tilespmem:s28], [sflag:$0x1] =	stream.linear.gather @!p2 [hbm4b:s10+s28], $0x50, $0x38;
	[tilespmem:$0x1DC80] =	vst v63  }
0x2c6: {  	s4 =	sadd.s32 @!p2 s1, s4;
	s10 =	simm.s32 @!p2 $0x200  }
0x2c7: {  	[tilespmem:s10], [sflag:$0x1] =	stream.linear.gather @!p2 [hbm4b:s4+s28], $0x50, $0x38;
	[tilespmem:$0x1DC80] =	vst v63  }
0x2c8: {  	s4 =	simm.s32 @!p2 $0x1  }
0x2c9: {  	_ =	swait.ge @!p2 [sflag:s4], $0x50  }
0x2ca: {  	[sflag:s4] =	ssyncset.done @!p2 $0x0  }
.Ltmp11:
0x2cb: {  	[sflag:s4] =	ssyncadd.s32 @!p2 $0xFFFFFFB0;
	(pc) =	sbr.rel @p1 .LBB2_20-.Ltmp11, $4  }
0x2cc: {  	_ =	swait.ge @!p2 [sflag:s4], $0x50  }
0x2cd: {  	[sflag:s4] =	ssyncset.done @!p2 $0x0  }
0x2ce: {  	s10 =	simm.s32 @!p2 $0x400;
	[sflag:s4] =	ssyncadd.s32 @!p2 $0xFFFFFFB0;
	s4 =	simm.s32 @!p2 $0x50  }
0x2cf: {  	[tilespmem:s10], [sflag:$0x3] =	stream.indirect.gather @!p2 [hbm4b:s16+s4], $0x80, s28, s4, $0xb8;
	[tilespmem:$0x1DC80] =	vst v63  }
0x2d0: {  	_ =	swait.ge [sflag:s13], $0x2800  }
0x2d1: {  	[sflag:s13] =	ssyncset.done $0x0  }
0x2d2: {  	[sflag:s13] =	ssyncadd.s32 $0xFFFFD800  }
0x2d3: {  	_ =	swait.ge [sflag:s14], $0x2800  }
0x2d4: {  	[sflag:s14] =	ssyncset.done $0x0  }
0x2d5: {  	s30 =	simm.s32 $0x2D00;
	[sflag:s14] =	ssyncadd.s32 $0xFFFFD800  }
0x2d6: {  	s10 =	simm.s32 $0x7D00;
	v1 =	vld [tilespmem:s30+$0x80]  }
0x2d7: {  	v2 =	vld [tilespmem:s10+$0x80]  }
0x2d8: {  	v3 =	vld [tilespmem:s10+$0xFFFFFF00]  }
0x2d9: {  	v4 =	vld [tilespmem:s30+$0xFFFFFF80]  }
0x2da: {  	v5 =	vld [tilespmem:s10+$0xFFFFFF80]  }
0x2db: {  	v6 =	vld [tilespmem:s10+$0x0]  }
0x2dc: {  	v1 =	vadd.f32 v2, v1;
	v2 =	vld [tilespmem:s30+$0x0]  }
0x2dd: {  	v7 =	vld [tilespmem:s30+$0xFFFFFF00]  }
0x2de: {  	v1 =	vmax.f32 v1, $0.0e+00  }
0x2df: {  	v4 =	vadd.f32 v5, v4;
	[tilespmem:s10+$0x80] =	vst v1;
	v1 =	vld [tilespmem:s10+$0x90]  }
0x2e0: {  	v8 =	vld [tilespmem:s30+$0x90]  }
0x2e1: {  	v9 =	vld [tilespmem:s10+$0xFFFFFF90];
	v4 =	vmax.f32 v4, $0.0e+00;
	v2 =	vadd.f32 v6, v2  }
0x2e2: {  	v5 =	vld [tilespmem:s10+$0xFFFFFF10];
	v3 =	vadd.f32 v3, v7;
	[tilespmem:s10+$0xFFFFFF80] =	vst v4  }
0x2e3: {  	v6 =	vld [tilespmem:s30+$0xFFFFFF90];
	v2 =	vmax.f32 v2, $0.0e+00  }
0x2e4: {  	v3 =	vmax.f32 v3, $0.0e+00;
	v4 =	vld [tilespmem:s10+$0x10];
	[tilespmem:s10+$0x0] =	vst v2  }
0x2e5: {  	[tilespmem:s10+$0xFFFFFF00] =	vst v3;
	v1 =	vadd.f32 v1, v8;
	v2 =	vld [tilespmem:s30+$0x10]  }
0x2e6: {  	v3 =	vld [tilespmem:s30+$0xFFFFFF10]  }
0x2e7: {  	v1 =	vmax.f32 v1, $0.0e+00  }
0x2e8: {  	v6 =	vadd.f32 v9, v6;
	[tilespmem:s10+$0x90] =	vst v1;
	v1 =	vld [tilespmem:s10+$0xA0]  }
0x2e9: {  	v8 =	vld [tilespmem:s30+$0xA0]  }
0x2ea: {  	v7 =	vld [tilespmem:s10+$0xFFFFFF20];
	v6 =	vmax.f32 v6, $0.0e+00;
	v2 =	vadd.f32 v4, v2  }
0x2eb: {  	v3 =	vadd.f32 v5, v3;
	v9 =	vld [tilespmem:s10+$0xFFFFFFA0];
	[tilespmem:s10+$0xFFFFFF90] =	vst v6  }
0x2ec: {  	v5 =	vld [tilespmem:s30+$0xFFFFFFA0];
	v2 =	vmax.f32 v2, $0.0e+00  }
0x2ed: {  	v3 =	vmax.f32 v3, $0.0e+00;
	v4 =	vld [tilespmem:s10+$0x20];
	[tilespmem:s10+$0x10] =	vst v2  }
0x2ee: {  	[tilespmem:s10+$0xFFFFFF10] =	vst v3;
	v1 =	vadd.f32 v1, v8;
	v2 =	vld [tilespmem:s30+$0x20]  }
0x2ef: {  	v3 =	vld [tilespmem:s30+$0xFFFFFF20]  }
0x2f0: {  	v1 =	vmax.f32 v1, $0.0e+00  }
0x2f1: {  	v5 =	vadd.f32 v9, v5;
	[tilespmem:s10+$0xA0] =	vst v1;
	v1 =	vld [tilespmem:s10+$0xB0]  }
0x2f2: {  	v8 =	vld [tilespmem:s30+$0xB0]  }
0x2f3: {  	v10 =	vld [tilespmem:s10+$0x30];
	v5 =	vmax.f32 v5, $0.0e+00;
	v2 =	vadd.f32 v4, v2  }
0x2f4: {  	v3 =	vadd.f32 v7, v3;
	v9 =	vld [tilespmem:s10+$0xFFFFFFB0];
	[tilespmem:s10+$0xFFFFFFA0] =	vst v5  }
0x2f5: {  	v4 =	vld [tilespmem:s30+$0xFFFFFFB0];
	v2 =	vmax.f32 v2, $0.0e+00  }
0x2f6: {  	v6 =	vld [tilespmem:s10+$0xFFFFFF30];
	[tilespmem:s10+$0x20] =	vst v2;
	v2 =	vmax.f32 v3, $0.0e+00  }
0x2f7: {  	v1 =	vadd.f32 v1, v8;
	[tilespmem:s10+$0xFFFFFF20] =	vst v2;
	v2 =	vld [tilespmem:s30+$0x30]  }
0x2f8: {  	v7 =	vld [tilespmem:s30+$0xFFFFFF30]  }
0x2f9: {  	v11 =	vld [tilespmem:s10+$0xFFFFFF40];
	v1 =	vmax.f32 v1, $0.0e+00  }
0x2fa: {  	v4 =	vadd.f32 v9, v4;
	[tilespmem:s10+$0xB0] =	vst v1;
	v1 =	vld [tilespmem:s10+$0xC0]  }
0x2fb: {  	v8 =	vld [tilespmem:s30+$0xC0]  }
0x2fc: {  	v12 =	vld [tilespmem:s10+$0xFFFFFFD0];
	v4 =	vmax.f32 v4, $0.0e+00;
	v2 =	vadd.f32 v10, v2  }
0x2fd: {  	v5 =	vld [tilespmem:s10+$0xFFFFFFC0];
	[tilespmem:s10+$0xFFFFFFB0] =	vst v4;
	v6 =	vadd.f32 v6, v7  }
0x2fe: {  	v7 =	vld [tilespmem:s30+$0xFFFFFFC0];
	v2 =	vmax.f32 v2, $0.0e+00  }
0x2ff: {  	v3 =	vld [tilespmem:s10+$0x40];
	[tilespmem:s10+$0x30] =	vst v2;
	v2 =	vmax.f32 v6, $0.0e+00  }
0x300: {  	v1 =	vadd.f32 v1, v8;
	v6 =	vld [tilespmem:s30+$0x40];
	[tilespmem:s10+$0xFFFFFF30] =	vst v2  }
0x301: {  	v2 =	vld [tilespmem:s30+$0xFFFFFF40]  }
0x302: {  	v9 =	vld [tilespmem:s10+$0xFFFFFF50];
	v1 =	vmax.f32 v1, $0.0e+00  }
0x303: {  	[tilespmem:s10+$0xC0] =	vst v1;
	v1 =	vadd.f32 v5, v7;
	v7 =	vld [tilespmem:s10+$0xD0]  }
0x304: {  	v8 =	vld [tilespmem:s30+$0xD0]  }
0x305: {  	v4 =	vld [tilespmem:s10+$0xFFFFFF60];
	v1 =	vmax.f32 v1, $0.0e+00;
	v3 =	vadd.f32 v3, v6  }
0x306: {  	v10 =	vld [tilespmem:s10+$0x50];
	[tilespmem:s10+$0xFFFFFFC0] =	vst v1;
	v1 =	vadd.f32 v11, v2  }
0x307: {  	v2 =	vld [tilespmem:s30+$0xFFFFFFD0];
	v3 =	vmax.f32 v3, $0.0e+00  }
0x308: {  	v5 =	vld [tilespmem:s10+$0xFFFFFFE0];
	[tilespmem:s10+$0x40] =	vst v3;
	v1 =	vmax.f32 v1, $0.0e+00  }
0x309: {  	v3 =	vld [tilespmem:s30+$0x50];
	v7 =	vadd.f32 v7, v8;
	[tilespmem:s10+$0xFFFFFF40] =	vst v1  }
0x30a: {  	v1 =	vld [tilespmem:s30+$0xFFFFFF50]  }
0x30b: {  	v6 =	vld [tilespmem:s10+$0x60];
	v7 =	vmax.f32 v7, $0.0e+00  }
0x30c: {  	v2 =	vadd.f32 v12, v2;
	[tilespmem:s10+$0xD0] =	vst v7;
	v7 =	vld [tilespmem:s10+$0xE0]  }
0x30d: {  	v11 =	vld [tilespmem:s30+$0xE0]  }
0x30e: {  	v2 =	vmax.f32 v2, $0.0e+00;
	v8 =	vadd.f32 v10, v3;
	v3 =	vld [tilespmem:s10+$0xFFFFFF70]  }
0x30f: {  	[tilespmem:s10+$0xFFFFFFD0] =	vst v2;
	v1 =	vadd.f32 v9, v1;
	v2 =	vld [tilespmem:s10+$0xFFFFFFF0]  }
0x310: {  	v9 =	vmax.f32 v8, $0.0e+00;
	v8 =	vld [tilespmem:s30+$0xFFFFFFE0]  }
0x311: {  	[tilespmem:s10+$0x50] =	vst v9;
	v9 =	vmax.f32 v1, $0.0e+00;
	v1 =	vld [tilespmem:s10+$0x70]  }
0x312: {  	[tilespmem:s10+$0xFFFFFF50] =	vst v9;
	v9 =	vld [tilespmem:s30+$0x60];
	v7 =	vadd.f32 v7, v11  }
0x313: {  	v10 =	vld [tilespmem:s30+$0xFFFFFF60]  }
0x314: {  	s25 =	simm.s32 $0x0;
	s20 =	simm.s32 $0x2F00;
	s4 =	simm.s32 $0x7D00;
	v11 =	vmax.f32 v7, $0.0e+00;
	v7 =	vld [tilespmem:s10+$0xF0]  }
.LBB2_18:
0x315: {  	v12 =	vld [tilespmem:s20+$0x80];
	v5 =	vadd.f32 v5, v8;
	[tilespmem:s10+$0xE0] =	vst v11  }
0x316: {  	s10 =	sadd.s32 $0x200, s10;
	v8 =	vld [tilespmem:s30+$0xF0]  }
0x317: {  	s25 =	sadd.s32 $0x4, s25;
	v11 =	vld [tilespmem:s10+$0x80];
	v5 =	vmax.f32 v5, $0.0e+00;
	v6 =	vadd.f32 v6, v9  }
0x318: {  	p1 =	slt.u32 s25, $0x4C;
	v9 =	vld [tilespmem:s10+$0xFFFFFF00];
	v4 =	vadd.f32 v4, v10;
	[tilespmem:s4+$0xFFFFFFE0] =	vst v5  }
0x319: {  	v5 =	vld [tilespmem:s20+$0xFFFFFF80];
	v6 =	vmax.f32 v6, $0.0e+00  }
0x31a: {  	v10 =	vld [tilespmem:s10+$0xFFFFFF80];
	v4 =	vmax.f32 v4, $0.0e+00;
	[tilespmem:s4+$0x60] =	vst v6  }
0x31b: {  	v6 =	vld [tilespmem:s20+$0x0];
	[tilespmem:s4+$0xFFFFFF60] =	vst v4;
	v4 =	vadd.f32 v7, v8  }
0x31c: {  	v7 =	vld [tilespmem:s10+$0x0];
	v8 =	vadd.f32 v11, v12  }
0x31d: {  	v11 =	vld [tilespmem:s20+$0xFFFFFF00];
	v4 =	vmax.f32 v4, $0.0e+00  }
0x31e: {  	v12 =	vld [tilespmem:s10+$0xFFFFFF10];
	v8 =	vmax.f32 v8, $0.0e+00;
	[tilespmem:s4+$0xF0] =	vst v4  }
0x31f: {  	v4 =	vadd.f32 v10, v5;
	[tilespmem:s10+$0x80] =	vst v8;
	v5 =	vld [tilespmem:s10+$0x90]  }
0x320: {  	v8 =	vld [tilespmem:s20+$0x90]  }
0x321: {  	v4 =	vmax.f32 v4, $0.0e+00;
	v10 =	vld [tilespmem:s10+$0xFFFFFF90];
	v6 =	vadd.f32 v7, v6  }
0x322: {  	v7 =	vadd.f32 v9, v11;
	[tilespmem:s10+$0xFFFFFF80] =	vst v4;
	v4 =	vld [tilespmem:s10+$0x10]  }
0x323: {  	v9 =	vld [tilespmem:s20+$0xFFFFFF90];
	v6 =	vmax.f32 v6, $0.0e+00  }
0x324: {  	v7 =	vmax.f32 v7, $0.0e+00;
	v11 =	vld [tilespmem:s10+$0xFFFFFF20];
	[tilespmem:s10+$0x0] =	vst v6  }
0x325: {  	[tilespmem:s10+$0xFFFFFF00] =	vst v7;
	v6 =	vld [tilespmem:s20+$0x10];
	v5 =	vadd.f32 v5, v8  }
0x326: {  	v7 =	vld [tilespmem:s20+$0xFFFFFF10]  }
0x327: {  	v8 =	vld [tilespmem:s10+$0xFFFFFFA0];
	v5 =	vmax.f32 v5, $0.0e+00  }
0x328: {  	v9 =	vadd.f32 v10, v9;
	[tilespmem:s10+$0x90] =	vst v5;
	v5 =	vld [tilespmem:s10+$0xA0]  }
0x329: {  	v10 =	vld [tilespmem:s20+$0xA0]  }
0x32a: {  	v9 =	vmax.f32 v9, $0.0e+00;
	v4 =	vadd.f32 v4, v6;
	v6 =	vld [tilespmem:s10+$0x20]  }
0x32b: {  	v7 =	vadd.f32 v12, v7;
	v12 =	vld [tilespmem:s10+$0xFFFFFF30];
	[tilespmem:s10+$0xFFFFFF90] =	vst v9  }
0x32c: {  	v9 =	vld [tilespmem:s20+$0xFFFFFFA0];
	v4 =	vmax.f32 v4, $0.0e+00  }
0x32d: {  	v7 =	vmax.f32 v7, $0.0e+00;
	v13 =	vld [tilespmem:s10+$0xFFFFFFB0];
	[tilespmem:s10+$0x10] =	vst v4  }
0x32e: {  	[tilespmem:s10+$0xFFFFFF10] =	vst v7;
	v4 =	vld [tilespmem:s20+$0x20];
	v5 =	vadd.f32 v5, v10  }
0x32f: {  	v7 =	vld [tilespmem:s20+$0xFFFFFF20]  }
0x330: {  	v10 =	vld [tilespmem:s10+$0x30];
	v5 =	vmax.f32 v5, $0.0e+00  }
0x331: {  	v8 =	vadd.f32 v8, v9;
	[tilespmem:s10+$0xA0] =	vst v5;
	v5 =	vld [tilespmem:s10+$0xB0]  }
0x332: {  	v9 =	vld [tilespmem:s20+$0xB0]  }
0x333: {  	v14 =	vld [tilespmem:s10+$0xFFFFFF40];
	v8 =	vmax.f32 v8, $0.0e+00;
	v4 =	vadd.f32 v6, v4  }
0x334: {  	v6 =	vadd.f32 v11, v7;
	[tilespmem:s10+$0xFFFFFFA0] =	vst v8;
	v7 =	vld [tilespmem:s10+$0xFFFFFFC0]  }
0x335: {  	v8 =	vld [tilespmem:s20+$0xFFFFFFB0];
	v4 =	vmax.f32 v4, $0.0e+00  }
0x336: {  	v6 =	vmax.f32 v6, $0.0e+00;
	[tilespmem:s10+$0x20] =	vst v4;
	v11 =	vld [tilespmem:s10+$0x40]  }
0x337: {  	[tilespmem:s10+$0xFFFFFF20] =	vst v6;
	v4 =	vld [tilespmem:s20+$0x30];
	v5 =	vadd.f32 v5, v9  }
0x338: {  	v6 =	vld [tilespmem:s20+$0xFFFFFF30]  }
0x339: {  	v9 =	vld [tilespmem:s10+$0xFFFFFF50];
	v5 =	vmax.f32 v5, $0.0e+00  }
0x33a: {  	v8 =	vadd.f32 v13, v8;
	[tilespmem:s10+$0xB0] =	vst v5;
	v5 =	vld [tilespmem:s10+$0xC0]  }
0x33b: {  	v13 =	vld [tilespmem:s20+$0xC0]  }
0x33c: {  	v8 =	vmax.f32 v8, $0.0e+00;
	v15 =	vld [tilespmem:s10+$0xFFFFFFD0];
	v4 =	vadd.f32 v10, v4  }
0x33d: {  	v6 =	vadd.f32 v12, v6;
	[tilespmem:s10+$0xFFFFFFB0] =	vst v8;
	v8 =	vld [tilespmem:s10+$0x50]  }
0x33e: {  	v10 =	vld [tilespmem:s20+$0xFFFFFFC0];
	v12 =	vmax.f32 v4, $0.0e+00  }
0x33f: {  	v6 =	vmax.f32 v6, $0.0e+00;
	v4 =	vld [tilespmem:s10+$0xFFFFFF60];
	[tilespmem:s10+$0x30] =	vst v12  }
0x340: {  	[tilespmem:s10+$0xFFFFFF30] =	vst v6;
	v6 =	vld [tilespmem:s20+$0x40];
	v12 =	vadd.f32 v5, v13  }
0x341: {  	v13 =	vld [tilespmem:s20+$0xFFFFFF40]  }
0x342: {  	v5 =	vld [tilespmem:s10+$0xFFFFFFE0];
	v12 =	vmax.f32 v12, $0.0e+00  }
0x343: {  	v7 =	vadd.f32 v7, v10;
	[tilespmem:s10+$0xC0] =	vst v12;
	v10 =	vld [tilespmem:s10+$0xD0]  }
0x344: {  	v12 =	vld [tilespmem:s20+$0xD0]  }
0x345: {  	v7 =	vmax.f32 v7, $0.0e+00;
	v11 =	vadd.f32 v11, v6;
	v6 =	vld [tilespmem:s10+$0x60]  }
0x346: {  	v13 =	vadd.f32 v14, v13;
	[tilespmem:s10+$0xFFFFFFC0] =	vst v7;
	v7 =	vld [tilespmem:s30+$0xFFFFFF70]  }
0x347: {  	v14 =	vld [tilespmem:s20+$0xFFFFFFD0];
	v11 =	vmax.f32 v11, $0.0e+00  }
0x348: {  	v13 =	vmax.f32 v13, $0.0e+00;
	[tilespmem:s10+$0x40] =	vst v11;
	v11 =	vld [tilespmem:s30+$0xFFFFFFF0]  }
0x349: {  	[tilespmem:s10+$0xFFFFFF40] =	vst v13;
	v13 =	vld [tilespmem:s20+$0x50];
	v10 =	vadd.f32 v10, v12  }
0x34a: {  	v12 =	vld [tilespmem:s20+$0xFFFFFF50]  }
0x34b: {  	v10 =	vmax.f32 v10, $0.0e+00;
	v3 =	vadd.f32 v3, v7;
	v7 =	vld [tilespmem:s30+$0x70];
	s30 =	smov.u32 s20  }
0x34c: {  	v14 =	vadd.f32 v15, v14;
	[tilespmem:s10+$0xD0] =	vst v10;
	v10 =	vld [tilespmem:s10+$0xE0]  }
0x34d: {  	v15 =	vld [tilespmem:s20+$0xE0];
	v16 =	vmax.f32 v3, $0.0e+00;
	v11 =	vadd.f32 v2, v11  }
0x34e: {  	v3 =	vld [tilespmem:s10+$0xFFFFFF70];
	v2 =	vmax.f32 v14, $0.0e+00;
	v13 =	vadd.f32 v8, v13;
	[tilespmem:s4+$0xFFFFFF70] =	vst v16  }
0x34f: {  	v9 =	vadd.f32 v9, v12;
	[tilespmem:s10+$0xFFFFFFD0] =	vst v2;
	v2 =	vld [tilespmem:s10+$0xFFFFFFF0];
	v11 =	vmax.f32 v11, $0.0e+00  }
.Ltmp12:
0x350: {  	v8 =	vld [tilespmem:s20+$0xFFFFFFE0];
	v12 =	vmax.f32 v13, $0.0e+00;
	[tilespmem:s4+$0xFFFFFFF0] =	vst v11;
	v7 =	vadd.f32 v1, v7;
	(pc) =	sbr.rel @p1 .LBB2_18-.Ltmp12, $4  }
0x351: {  	v9 =	vmax.f32 v9, $0.0e+00;
	[tilespmem:s10+$0x50] =	vst v12;
	v1 =	vld [tilespmem:s10+$0x70]  }
0x352: {  	[tilespmem:s10+$0xFFFFFF50] =	vst v9;
	v9 =	vld [tilespmem:s20+$0x60];
	v11 =	vadd.f32 v10, v15;
	v7 =	vmax.f32 v7, $0.0e+00  }
0x353: {  	v10 =	vld [tilespmem:s20+$0xFFFFFF60];
	[tilespmem:s4+$0x70] =	vst v7;
	s4 =	smov.u32 s10  }
0x354: {  	s20 =	sadd.s32 $0x200, s20;
	v11 =	vmax.f32 v11, $0.0e+00;
	v7 =	vld [tilespmem:s10+$0xF0]  }
0x355: {  	_ = 	snop  }
0x356: {  	v5 =	vadd.f32 v5, v8  }
0x357: {  	v6 =	vadd.f32 v6, v9  }
0x358: {  	[tilespmem:s10+$0xE0] =	vst v11;
	v5 =	vmax.f32 v5, $0.0e+00;
	v4 =	vadd.f32 v4, v10  }
0x359: {  	v58 =	vld [tilespmem:s30+$0xF0];
	[tilespmem:s4+$0xFFFFFFE0] =	vst v5;
	v59 =	vmax.f32 v6, $0.0e+00  }
0x35a: {  	v61 =	vld [tilespmem:s30+$0xFFFFFFF0];
	v4 =	vmax.f32 v4, $0.0e+00;
	[tilespmem:s4+$0x60] =	vst v59  }
0x35b: {  	[tilespmem:s4+$0xFFFFFF60] =	vst v4;
	v62 =	vld [tilespmem:s30+$0x70]  }
0x35c: {  	v60 =	vld [tilespmem:s30+$0xFFFFFF70];
	_ =	sdelay $0x1  }
0x35d: {  	v7 =	vadd.f32 v7, v58  }
0x35e: {  	v2 =	vadd.f32 v2, v61  }
0x35f: {  	v63 =	vmax.f32 v7, $0.0e+00;
	v1 =	vadd.f32 v1, v62  }
0x360: {  	[tilespmem:s4+$0xF0] =	vst v63;
	v2 =	vmax.f32 v2, $0.0e+00;
	v3 =	vadd.f32 v3, v60  }
0x361: {  	[tilespmem:s4+$0xFFFFFFF0] =	vst v2;
	v1 =	vmax.f32 v1, $0.0e+00  }
0x362: {  	v3 =	vmax.f32 v3, $0.0e+00;
	[tilespmem:s4+$0x70] =	vst v1  }
.Ltmp13:
0x363: {  	[tilespmem:s4+$0xFFFFFF70] =	vst v3;
	(pc) =	sbr.rel .LBB2_20-.Ltmp13, $4  }
0x364: {  	[spmem:s3] =	stream.indirect.scatter.add.f32 [tilespmem:s17], [sflag:$0x8], $0x80, s22, s11, $0xb8;
	[tilespmem:$0x1DC80] =	vst v63  }
0x365: {  	_ =	swait.ge [sflag:s23], $0x2800  }
0x366: {  	[sflag:s23] =	ssyncset.done $0x0  }
0x367: {  	[sflag:s23] =	ssyncadd.s32 $0xFFFFD800  }
.LBB2_22:
0x368: {  	_ =	sfence.sel $0x180000  }
0x369: {  	[bflag:$0x0] =	sbarrier.arrive $0xFFFF  }
0x36a: {  	_ =	strace $0x9000004D  }
0x36b: {  	s0 =	stileid.u32;
	[bflag:$0x2] =	sbarrier.arrive $0xFFFF  }
0x36c: {  	p0 =	sne.s32 s0, $0x0;
	s0 =	rddreg [dreg:$0x4]  }
0x36d: {  	s0 =	sadd.s32 @!p0 $0x100000, s0  }
0x36e: {  	[sflag:s0] =	ssyncadd.tile.s32 @!p0 $0x1;
	_ =	shalt  }
.Lfunc_end2:
_tile_overlayer_lowered:
.L_overlay_start_2:
0x36f: {  	(tag) =	ssettag $0x2  }
0x370: {  	s0 =	rddreg [dreg:$0x0];
	s2 =	stileid.u32  }
0x371: {  	s1 =	rddreg [dreg:$0x1];
	p0 =	sne.s32 s2, $0x0  }
0x372: {  	s3 =	rddreg [dreg:$0x2];
	[bflag:$0x3] =	sbarrier.arrive $0xFFFF;
	s2 =	simm.s32 @!p0 $0x1C09  }
0x373: {  	[timem:s3], [sflag:s2] =	dma.local @!p0 [hbm:s0], s1  }
0x374: {  	s0 =	simm.s32 @!p0 $0x9  }
0x375: {  	_ =	swait.ge @!p0 [sflag:s0], s1  }
0x376: {  	s1 =	ssub.s32 @!p0 $0x0, s1;
	[sflag:s0] =	ssyncset.done @!p0 $0x0  }
0x377: {  	[sflag:s0] =	ssyncadd.s32 @!p0 s1  }
0x378: {  	[bflag:$0x3] =	sbarrier.arrive $0xFFFF  }
0x379: {  	_ =	shalt  }

// kernel: kernel.7.cloned.1.call-start
scs
__scs_entry_jumppad:
0x0: {  	(pc) =	sbr.rel $0x88, $3  }
0x1: {  	(tag) =	ssettag $0x0;
	lr =	simm.s32 $0x1  }
0x2: {  	[smem:$0x3F96] =	sst lr;
	_ =	strace $0xD0000000  }
0x3: {  	_ = 	snop  }
0x4: {  	_ = 	snop  }
0x5: {  	_ = 	snop  }
0x6: {  	_ = 	snop  }
0x7: {  	_ = 	snop  }
__scs_overlays_trampoline_lowered:
0x8: {  	[smem:$0x3FA5] =	sst s0  }
0x9: {  	[smem:$0x3FA6] =	sst s1  }
0xa: {  	[smem:$0x3FA7] =	sst s2  }
0xb: {  	[smem:$0x3FA8] =	sst s3  }
0xc: {  	[smem:$0x3FA9] =	sst s4  }
0xd: {  	[smem:$0x3FAA] =	sst s5  }
0xe: {  	[smem:$0x3FAB] =	sst s6  }
0xf: {  	[smem:$0x3FAC] =	sst s7  }
0x10: {  	[smem:$0x3FAD] =	sst s8  }
0x11: {  	[smem:$0x3FAE] =	sst s9;
	s0 =	simm.s32 @!p0 $0x0  }
0x12: {  	s1 =	sld [smem:$0x3F94];
	s0 =	simm.s32 @p0 $0x1  }
0x13: {  	[smem:$0x3FAF] =	sst s0;
	s0 =	simm.s32 @!p1 $0x0  }
0x14: {  	s2 =	sld [smem:$0x3F93];
	s0 =	simm.s32 @p1 $0x1  }
0x15: {  	[smem:$0x3FB0] =	sst s0;
	s0 =	simm.s32 @!p2 $0x0  }
0x16: {  	s3 =	sld [smem:$0x3FDB];
	s0 =	simm.s32 @p2 $0x1  }
0x17: {  	s4 =	simm.s32 $0x1BF5;
	[smem:$0x3FB2] =	sst s0  }
0x18: {  	s0 =	sld [smem:$0x3F95];
	_ =	swait.ge [sflag:s4], $0x0  }
0x19: {  	s7 =	sld [smem:$0x3F96]  }
0x1a: {  	s8 =	sadd.s32 $0xFFFFE003, lr  }
0x1b: {  	s9 =	sadd.s32 $0xFFFFFEF7, lr;
	s5 =	simm.s32 $0xFFFFFFFF;
	p2 =	slt.u32 s8, $0xFFFFF086  }
0x1c: {  	p1 =	slt.u32 s9, $0xF7A;
	s5 =	simm.s32 @!p2 $0x0  }
0x1d: {  	s5 =	simm.s32 @p1 $0x1;
	p0 =	seq.s32 s7, s2  }
0x1e: {  	s7 =	smul.u32 @!p0 $0xF7A, s2;
	p2 =	seq.s32 @!p0 s5, $0x0  }
0x1f: {  	s9 =	smul.u32 $0xF7A, s1;
	s8 =	simm.s32 @!p0 $0x1BF5;
	p2 =	por !p2, p0  }
0x20: {  	[sflag:s8] =	ssyncset.s32 @!p0 $0xFFFFF086;
	s6 =	sadd.s32 @!p0 s3, s7;
	s7 =	simm.s32 @!p0 $0x108  }
0x21: {  	s3 =	sadd.s32 s3, s9;
	s6 =	sadd.s32 @!p0 $0x88, s6;
	s7 =	simm.s32 @p2 $0x1082  }
0x22: {  	[simem:s7], [sflag:s8] =	dma.local @!p0 [hbm:s6], $0xF7A  }
0x23: {  	s9 =	sor.u32 $0xD0000000, s2;
	s6 =	simm.s32 $0x108;
	_ =	swait.ge @!p0 [sflag:s8], $0x0  }
0x24: {  	s3 =	sadd.s32 $0x88, s3;
	s6 =	simm.s32 @!p1 $0x1082;
	[sflag:s4] =	ssyncset.s32 $0xFFFFF086  }
0x25: {  	[simem:s6], [sflag:s4] =	dma.local [hbm:s3], $0xF7A  }
0x26: {  	[smem:$0x3F96] =	sst s1;
	(tag) =	ssettag s2;
	_ =	strace s9  }
0x27: {  	s1 =	sld [smem:$0x3FA6]  }
0x28: {  	s2 =	sld [smem:$0x3FA7]  }
0x29: {  	s4 =	sld [smem:$0x3FA9]  }
0x2a: {  	p0 =	seq.s32 s5, $0x0;
	s5 =	sld [smem:$0x3FAA]  }
0x2b: {  	s6 =	sld [smem:$0x3FAB]  }
0x2c: {  	s7 =	sld [smem:$0x3FAC]  }
0x2d: {  	s3 =	simm.s32 $0x108;
	s8 =	sld [smem:$0x3FAD]  }
0x2e: {  	s3 =	simm.s32 @!p0 $0x1082;
	s9 =	sld [smem:$0x3FAE]  }
0x2f: {  	lr =	sadd.s32 s0, s3;
	s0 =	sld [smem:$0x3FA5]  }
0x30: {  	s3 =	sld [smem:$0x3FA8]  }
0x31: {  	[smem:$0x3FB1] =	sst s10  }
0x32: {  	s10 =	sld [smem:$0x3FAF];
	_ =	sdelay $0x3  }
0x33: {  	p0 =	seq.s32 s10, $0x1;
	s10 =	sld [smem:$0x3FB1];
	_ =	sdelay $0x3  }
0x34: {  	[smem:$0x3FB1] =	sst s10  }
0x35: {  	s10 =	sld [smem:$0x3FB0];
	_ =	sdelay $0x3  }
0x36: {  	p1 =	seq.s32 s10, $0x1;
	s10 =	sld [smem:$0x3FB1];
	_ =	sdelay $0x3  }
0x37: {  	[smem:$0x3FB1] =	sst s10  }
0x38: {  	s10 =	sld [smem:$0x3FB2]  }
0x39: {  	_ = 	snop;
	(pc) =	sbr.ind lr, $3  }
0x3a: {  	_ = 	snop  }
0x3b: {  	_ = 	snop  }
0x3c: {  	p2 =	seq.s32 s10, $0x1;
	s10 =	sld [smem:$0x3FB1]  }
0x3d: {  	_ =	shalt  }
0x3e: {  	_ =	shalt  }
0x3f: {  	_ =	shalt  }
0x40: {  	_ =	shalt  }
0x41: {  	_ =	shalt  }
0x42: {  	_ =	shalt  }
0x43: {  	_ =	shalt  }
0x44: {  	_ =	shalt  }
0x45: {  	_ =	shalt  }
0x46: {  	_ =	shalt  }
0x47: {  	_ =	shalt  }
0x48: {  	_ =	shalt  }
0x49: {  	_ =	shalt  }
0x4a: {  	_ =	shalt  }
0x4b: {  	_ =	shalt  }
0x4c: {  	_ =	shalt  }
0x4d: {  	_ =	shalt  }
0x4e: {  	_ =	shalt  }
0x4f: {  	_ =	shalt  }
0x50: {  	_ =	shalt  }
0x51: {  	_ =	shalt  }
0x52: {  	_ =	shalt  }
0x53: {  	_ =	shalt  }
0x54: {  	_ =	shalt  }
0x55: {  	_ =	shalt  }
0x56: {  	_ =	shalt  }
0x57: {  	_ =	shalt  }
0x58: {  	_ =	shalt  }
0x59: {  	_ =	shalt  }
0x5a: {  	_ =	shalt  }
0x5b: {  	_ =	shalt  }
0x5c: {  	_ =	shalt  }
0x5d: {  	_ =	shalt  }
0x5e: {  	_ =	shalt  }
0x5f: {  	_ =	shalt  }
0x60: {  	_ =	shalt  }
0x61: {  	_ =	shalt  }
0x62: {  	_ =	shalt  }
0x63: {  	_ =	shalt  }
0x64: {  	_ =	shalt  }
0x65: {  	_ =	shalt  }
0x66: {  	_ =	shalt  }
0x67: {  	_ =	shalt  }
0x68: {  	_ =	shalt  }
0x69: {  	_ =	shalt  }
0x6a: {  	_ =	shalt  }
0x6b: {  	_ =	shalt  }
0x6c: {  	_ =	shalt  }
0x6d: {  	_ =	shalt  }
0x6e: {  	_ =	shalt  }
0x6f: {  	_ =	shalt  }
0x70: {  	_ =	shalt  }
0x71: {  	_ =	shalt  }
0x72: {  	_ =	shalt  }
0x73: {  	_ =	shalt  }
0x74: {  	_ =	shalt  }
0x75: {  	_ =	shalt  }
0x76: {  	_ =	shalt  }
0x77: {  	_ =	shalt  }
0x78: {  	_ =	shalt  }
0x79: {  	_ =	shalt  }
0x7a: {  	_ =	shalt  }
0x7b: {  	_ =	shalt  }
0x7c: {  	_ =	shalt  }
0x7d: {  	_ =	shalt  }
0x7e: {  	_ =	shalt  }
0x7f: {  	_ =	shalt  }
0x80: {  	_ =	shalt  }
0x81: {  	_ =	shalt  }
0x82: {  	_ =	shalt  }
0x83: {  	_ =	shalt  }
0x84: {  	_ =	shalt  }
0x85: {  	_ =	shalt  }
0x86: {  	_ =	shalt  }
0x87: {  	_ =	shalt  }
.Lfunc_end0:
.L_simem_size_0:
called_computation_lowered:
.L_overlay_start_0:
0x88: {  	s2 =	sld [smem:$0x3FD9]  }
0x89: {  	s3 =	sld [smem:$0x3FFE];
	_ =	sdelay $0x1  }
0x8a: {  	s1 =	srdreg.scid  }
0x8b: {  	s0 =	sand.u32 $0x1, s1  }
0x8c: {  	s15 =	sshll.u32 s0, $0xA;
	s2 =	sadd.s32 s3, s2  }
0x8d: {  	s2 =	sadd.s32 s2, s15  }
0x8e: {  	[smem:$0x3FBD] =	sst s2  }
0x8f: {  	_ = 	snop  }
0x90: {  	s2 =	sld [smem:$0x3FD0];
	_ =	sdelay $0x2  }
0x91: {  	s16 =	simm.s32 $0xB;
	s4 =	simm.s32 $0x10  }
0x92: {  	[smem:s4], [sflag:s16] =	dma.local [hbm:s2], $0x1  }
0x93: {  	_ =	swait.eq [sflag:s16], $0x1  }
0x94: {  	[sflag:s16] =	ssyncset.done $0x0  }
0x95: {  	[sflag:s16] =	ssyncadd.s32 $0xFFFFFFFF  }
0x96: {  	s17 =	sld [smem:$0x10];
	(tm) =	ssettm $0x1  }
0x97: {  	s18 =	sld [smem:$0x3FFB];
	_ =	sdelay $0x3  }
0x98: {  	_ =	strace s18  }
0x99: {  	s2 =	sld [smem:$0x3FFC];
	_ =	sdelay $0x3  }
0x9a: {  	_ =	strace s2  }
0x9b: {  	s2 =	sld [smem:$0x3FFD];
	_ =	sdelay $0x3  }
0x9c: {  	_ =	strace s2  }
0x9d: {  	_ =	strace $0x8FFFFFFF  }
0x9e: {  	s19 =	sld [smem:$0x3FDB];
	_ =	sdelay $0x1  }
0x9f: {  	s20 =	simm.s32 $_scs_section_size  }
0xa0: {  	s5 =	simm.s32 $_size__tile_overlayer_lowered;
	s6 =	simm.s32 $_tile_overlayer_lowered  }
0xa1: {  	s7 =	simm.s32 $0x1BFF;
	s21 =	sshll.u32 s6, $0x1;
	s4 =	sadd.s32 s20, s19  }
0xa2: {  	s22 =	simm.s32 $0x0;
	s5 =	sshll.u32 s5, $0x1;
	s6 =	sadd.s32 s21, s4  }
0xa3: {  	[timem:s22], [sflag:s7] =	dma.local [hbm:s6], s5  }
0xa4: {  	_ =	swait.ge [sflag:s7], s5  }
0xa5: {  	s5 =	ssub.s32 $0x0, s5;
	[sflag:s7] =	ssyncset.done $0x0  }
0xa6: {  	[sflag:s7] =	ssyncadd.s32 s5;
	_ =	sdelay $0x1  }
0xa7: {  	s23 =	simm.s32 $0x1B8B  }
0xa8: {  	_ =	swait.ge [sflag:s23], $0x1  }
0xa9: {  	[sflag:s23] =	ssyncset.done $0x0  }
0xaa: {  	[sflag:s23] =	ssyncadd.s32 $0xFFFFFFFF  }
0xab: {  	s5 =	sld [smem:$0x0]  }
0xac: {  	s6 =	sand.u32 $0xFFFFFFFE, s1  }
0xad: {  	p0 =	sne.s32 s1, s6  }
0xae: {  	s6 =	sshll.u32 @p0 s6, $0xE  }
0xaf: {  	s6 =	sadd.s32 @p0 $0x11B8D, s6;
	s7 =	sshll.u32 @p0 s5, $0x11  }
0xb0: {  	s6 =	sor.u32 @p0 s7, s6  }
0xb1: {  	[sflag:s6] =	ssyncadd.remote.s32 @p0 $0x1;
	_ =	sdelay $0x1  }
0xb2: {  	s6 =	simm.s32 @p0 $0x1B8D  }
0xb3: {  	_ =	swait.eq @p0 [sflag:s6], $0x1  }
0xb4: {  	[sflag:s6] =	ssyncadd.s32 @p0 $0xFFFFFFFF  }
0xb5: {  	s7 =	sshll.u32 @!p0 s1, $0xE  }
0xb6: {  	s7 =	sor.u32 @!p0 $0x4000, s7;
	s6 =	simm.s32 @!p0 $0x1B8D  }
0xb7: {  	s5 =	sshll.u32 @!p0 s5, $0x11;
	s7 =	sadd.s32 @!p0 $0x11B8D, s7;
	_ =	swait.eq @!p0 [sflag:s6], $0x1  }
0xb8: {  	s5 =	sor.u32 @!p0 s5, s7;
	[sflag:s6] =	ssyncadd.s32 @!p0 $0xFFFFFFFF  }
0xb9: {  	s25 =	simm.s32 $0x1B8E;
	s24 =	sld [smem:$0x3FFE];
	[sflag:s5] =	ssyncadd.remote.s32 @!p0 $0x1  }
0xba: {  	s26 =	simm.s32 $execute0_lowered;
	[smem:$0x3FD2] =	sst s25  }
0xbb: {  	s6 =	sshll.u32 s26, $0x1;
	_ =	strace $0x80000049;
	[dreg:$0x1] =	wrdreg $0xFFFFFFFF  }
0xbc: {  	s28 =	simm.s32 $_size_execute0_lowered;
	s4 =	sadd.s32 s4, s6;
	[dreg:$0x0] =	wrdreg $0x0  }
0xbd: {  	s6 =	sshll.u32 s28, $0x1;
	[dreg:$0x2] =	wrdreg s4  }
0xbe: {  	[dreg:$0x3] =	wrdreg s6  }
0xbf: {  	[dreg:$0x4] =	wrdreg $0xC0  }
0xc0: {  	_ =	task [dreg:s22], $0x5FFFF  }
0xc1: {  	[dreg:$0x1] =	wrdreg $0xFFFFFFFF  }
0xc2: {  	[dreg:$0x0] =	wrdreg $0x60  }
0xc3: {  	[dreg:$0x2] =	wrdreg s17  }
0xc4: {  	[dreg:$0x3] =	wrdreg s24  }
0xc5: {  	[dreg:$0x4] =	wrdreg $0x2A000  }
0xc6: {  	[dreg:$0x5] =	wrdreg $0x9  }
0xc7: {  	_ =	task.clear_ibuf [dreg:s22], $0x6FFFF;
	_ =	strace $0x90000049  }
0xc8: {  	s29 =	simm.s32 $0x9;
	_ =	strace $0x8000004B  }
0xc9: {  	_ =	swait.ge [sflag:s29], $0x1  }
0xca: {  	[sflag:s29] =	ssyncadd.s32 $0xFFFFFFFF  }
0xcb: {  	_ =	strace $0x9000004B  }
0xcc: {  	_ =	sfence  }
0xcd: {  	s30 =	sld [smem:$0x0];
	_ =	sdelay $0x2  }
0xce: {  	s31 =	sshll.u32 s1, $0xD;
	s1 =	sshrl.u32 s1, $0x2  }
0xcf: {  	s4 =	sand.u32 $0x4000, s31;
	s1 =	sadd.s32 s1, s30  }
0xd0: {  	s0 =	sor.u32 s4, s0;
	s1 =	sshll.u32 s1, $0x11  }
0xd1: {  	s0 =	sor.u32 s1, s0  }
0xd2: {  	s0 =	sadd.s32 $0x8F2B, s0  }
0xd3: {  	[sflag:s0] =	ssyncadd.remote.s32 $0x1  }
0xd4: {  	_ =	sfence.sel $0xFFFF  }
0xd5: {  	[dreg:$0x0] =	wrdreg $0xFFFFFFFF;
	(pc) =	sbr.abs _section_cstart, $3  }
0xd6: {  	[dreg:$0x1] =	wrdreg $0xFFFFFFFF  }
0xd7: {  	_ =	task.clear_ibuf [dreg:s22], $0x2FFFF;
	_ =	strace $0x9FFFFFFF  }
0xd8: {  	(tm) =	ssettm $0x7FFFFFFF  }
0xd9: {  	_ =	shalt  }
tec
execute0_lowered:
.L_overlay_start_1:
0x0: {  	(tag) =	ssettag $0x1  }
0x1: {  	s0 =	srdreg.scid;
	s24 =	stileid.u32  }
0x2: {  	s2 =	sand.u32 $0x1, s0;
	s7 =	smul.u32 $0xA000, s24  }
0x3: {  	s8 =	sor.u32 $0x10, s24;
	s10 =	smul.u32 $0x138800, s2  }
0x4: {  	s11 =	sor.u32 $0x20, s24;
	s9 =	smul.u32 $0xA000, s8  }
0x5: {  	s13 =	sor.u32 $0x30, s24;
	s12 =	smul.u32 $0xA000, s11  }
0x6: {  	s14 =	sor.u32 $0x40, s24;
	s26 =	smul.u32 $0xA000, s13  }
0x7: {  	s1 =	rddreg [dreg:$0x0];
	s17 =	sor.u32 $0x50, s24;
	s16 =	smul.u32 $0xA000, s14  }
0x8: {  	s5 =	rddreg [dreg:$0x1];
	s19 =	smul.u32 $0xA000, s17  }
0x9: {  	s3 =	rddreg [dreg:$0x2];
	s28 =	smul.u32 $0x2800, s8  }
0xa: {  	s4 =	simm.s32 $0x0;
	s29 =	simm.s32 $0x200;
	s11 =	smul.u32 $0x2800, s11  }
0xb: {  	s30 =	simm.s32 $0x5;
	s31 =	simm.s32 $0x50;
	s22 =	smul.u32 $0x2800, s13  }
0xc: {  	[smem:$0x7FF] =	sst s4;
	s0 =	sshll.u32 s2, $0x4;
	s23 =	smul.u32 $0x2800, s14  }
0xd: {  	_ =	strace $0x8000004A;
	s15 =	ssub.s32 $0x2, s2;
	s17 =	smul.u32 $0x2800, s17  }
0xe: {  	s2 =	smul.u32 $0x27100, s2;
	s0 =	sor.u32 s24, s0;
	s18 =	sshrl.u32 s15, $0x1  }
0xf: {  	s7 =	sshrl.u32 s7, $0x2;
	s6 =	smul.u32 $0x2710, s0;
	s0 =	sadd.s32 $0x5A600, s5  }
0x10: {  	s15 =	ssub.s32 s15, s18;
	s7 =	sadd.s32 s7, s3;
	s20 =	sshrl.u32 s9, $0x2  }
0x11: {  	s21 =	sshrl.u32 s12, $0x2;
	s5 =	sshrl.u32 s26, $0x2;
	s26 =	sor.u32 $0x60, s24  }
0x12: {  	s18 =	sor.u32 $0x70, s24;
	s22 =	sadd.s32 s10, s22;
	s13 =	sadd.s32 s10, s23  }
0x13: {  	s17 =	sadd.s32 s10, s17;
	s12 =	smul.u32 $0x2710, s24;
	s15 =	smax.u32 s15, $0x1  }
0x14: {  	s8 =	sadd.s32 s20, s3;
	s9 =	sadd.s32 s21, s3;
	s20 =	smul.u32 $0x2800, s26  }
0x15: {  	s21 =	sadd.s32 s10, s11;
	s14 =	smul.u32 $0xA000, s26;
	s26 =	sshrl.u32 s19, $0x2  }
0x16: {  	s13 =	sshrl.u32 s13, $0x3;
	p0 =	sgt.u32 s18, $0x7C;
	s6 =	sshrl.u32 s6, $0x3  }
0x17: {  	[dreg:$0x5] =	wrdreg s15;
	s15 =	sadd.s32 s10, s28;
	s28 =	smul.u32 $0x2800, s18  }
0x18: {  	s2 =	sadd.s32 s12, s2;
	s12 =	sadd.s32 s26, s3;
	s26 =	sshrl.u32 s22, $0x3  }
0x19: {  	s25 =	sadd.s32 s1, s6;
	s6 =	smul.u32 $0x2800, s24;
	s20 =	sadd.s32 s10, s20  }
0x1a: {  	s24 =	sshrl.u32 s16, $0x2;
	s15 =	sshrl.u32 s15, $0x3;
	s23 =	sadd.s32 s10, s28  }
0x1b: {  	s28 =	smul.u32 $0xA000, s18;
	s11 =	sadd.s32 s24, s3;
	s19 =	sadd.s32 s0, s15  }
0x1c: {  	s15 =	sshrl.u32 s20, $0x3;
	s20 =	sadd.s32 $0xA0, s2;
	[dreg:$0x4] =	wrdreg s25  }
0x1d: {  	s6 =	sadd.s32 s10, s6;
	s10 =	sadd.s32 s5, s3;
	s5 =	sshrl.u32 s14, $0x2  }
0x1e: {  	[dreg:$0x7] =	wrdreg s19;
	s19 =	sadd.s32 $0xF0, s2;
	s14 =	sshrl.u32 s28, $0x2  }
0x1f: {  	s6 =	sshrl.u32 s6, $0x3;
	s28 =	sadd.s32 s0, s13;
	s13 =	sshrl.u32 s17, $0x3  }
0x20: {  	s17 =	sadd.s32 $0x190, s2;
	s2 =	sadd.s32 $0x140, s2;
	[dreg:$0xa] =	wrdreg s28  }
0x21: {  	s24 =	sshrl.u32 s21, $0x3;
	s6 =	sadd.s32 s0, s6;
	[dreg:$0xf] =	wrdreg s2  }
0x22: {  	s16 =	sshrl.u32 s23, $0x3;
	s28 =	sadd.s32 $0xA, s25;
	[dreg:$0x6] =	wrdreg s6  }
0x23: {  	s21 =	sadd.s32 s5, s3;
	s6 =	sadd.s32 s0, s24;
	[dreg:$0x12] =	wrdreg s28  }
0x24: {  	s24 =	sshrl.u32 s20, $0x3;
	[dreg:$0x8] =	wrdreg s6;
	s6 =	sadd.s32 s0, s26  }
0x25: {  	s23 =	sshrl.u32 s19, $0x3;
	s26 =	sadd.s32 s24, s1;
	[dreg:$0x9] =	wrdreg s6  }
0x26: {  	s5 =	simm.s32 $0x180;
	s6 =	sadd.s32 s0, s13;
	[dreg:$0x11] =	wrdreg s26  }
0x27: {  	s22 =	sadd.s32 s14, s3;
	s2 =	simm.s32 $0x6;
	[dreg:$0xb] =	wrdreg s6  }
.Ltmp0:
0x28: {  	s6 =	sadd.s32 s0, s15;
	s0 =	sadd.s32 s0, s16;
	(pc) =	sbr.rel .LBB2_1-.Ltmp0, $4  }
0x29: {  	s14 =	simm.s32 $0x2;
	[dreg:$0xd] =	wrdreg s0;
	s0 =	sshrl.u32 s17, $0x3  }
0x2a: {  	s13 =	simm.s32 $0x100;
	[dreg:$0xc] =	wrdreg s6;
	s0 =	sadd.s32 s0, s1  }
0x2b: {  	v0 =	vimm.f32 $0.0e+00;
	vm0 =	vcmask $0x300;
	s15 =	simm.s32 $0x0;
	[dreg:$0xe] =	wrdreg s0;
	s0 =	sadd.s32 s23, s1  }
0x2c: {  	v1 =	vsel vm0, $0x3F800000, v0;
	s6 =	simm.s32 $0x3;
	[dreg:$0x10] =	wrdreg s0;
	s0 =	simm.s32 $0x1  }
.LBB2_16:
0x2d: {  	[bflag:$0x0] =	sbarrier.arrive $0xFFFF  }
0x2e: {  	[tilespmem:s29], [sflag:$0x6] =	stream.linear.gather [spmem:s7], $0x2800, $0x38;
	[tilespmem:$0x16280] =	vst v63  }
0x2f: {  	_ =	swait.ge [sflag:s2], $0x2800  }
0x30: {  	[sflag:s2] =	ssyncset.done $0x0  }
0x31: {  	s16 =	rddreg [dreg:$0x6];
	[sflag:s2] =	ssyncadd.s32 $0xFFFFD800  }
0x32: {  	[hbm4b:s16+s4] =	stream.linear.scatter [tilespmem:s29], [sflag:$0x5], $0x2800, $0x38;
	[tilespmem:$0x16280] =	vst v63  }
0x33: {  	_ =	swait.ge [sflag:s30], $0x2800  }
0x34: {  	[sflag:s30] =	ssyncset.done $0x0  }
0x35: {  	[sflag:s30] =	ssyncadd.s32 $0xFFFFD800  }
0x36: {  	[tilespmem:s29], [sflag:$0x6] =	stream.linear.gather [spmem:s8], $0x2800, $0x38;
	[tilespmem:$0x16280] =	vst v63  }
0x37: {  	_ =	swait.ge [sflag:s2], $0x2800  }
0x38: {  	[sflag:s2] =	ssyncset.done $0x0  }
0x39: {  	s19 =	rddreg [dreg:$0x7];
	[sflag:s2] =	ssyncadd.s32 $0xFFFFD800  }
0x3a: {  	[hbm4b:s19+s4] =	stream.linear.scatter [tilespmem:s29], [sflag:$0x5], $0x2800, $0x38;
	[tilespmem:$0x16280] =	vst v63  }
0x3b: {  	_ =	swait.ge [sflag:s30], $0x2800  }
0x3c: {  	[sflag:s30] =	ssyncset.done $0x0  }
0x3d: {  	[sflag:s30] =	ssyncadd.s32 $0xFFFFD800  }
0x3e: {  	[tilespmem:s29], [sflag:$0x6] =	stream.linear.gather [spmem:s9], $0x2800, $0x38;
	[tilespmem:$0x16280] =	vst v63  }
0x3f: {  	_ =	swait.ge [sflag:s2], $0x2800  }
0x40: {  	[sflag:s2] =	ssyncset.done $0x0  }
0x41: {  	s20 =	rddreg [dreg:$0x8];
	[sflag:s2] =	ssyncadd.s32 $0xFFFFD800  }
0x42: {  	[hbm4b:s20+s4] =	stream.linear.scatter [tilespmem:s29], [sflag:$0x5], $0x2800, $0x38;
	[tilespmem:$0x16280] =	vst v63  }
0x43: {  	_ =	swait.ge [sflag:s30], $0x2800  }
0x44: {  	[sflag:s30] =	ssyncset.done $0x0  }
0x45: {  	[sflag:s30] =	ssyncadd.s32 $0xFFFFD800  }
0x46: {  	[tilespmem:s29], [sflag:$0x6] =	stream.linear.gather [spmem:s10], $0x2800, $0x38;
	[tilespmem:$0x16280] =	vst v63  }
0x47: {  	_ =	swait.ge [sflag:s2], $0x2800  }
0x48: {  	[sflag:s2] =	ssyncset.done $0x0  }
0x49: {  	s23 =	rddreg [dreg:$0x9];
	[sflag:s2] =	ssyncadd.s32 $0xFFFFD800  }
0x4a: {  	[hbm4b:s23+s4] =	stream.linear.scatter [tilespmem:s29], [sflag:$0x5], $0x2800, $0x38;
	[tilespmem:$0x16280] =	vst v63  }
0x4b: {  	_ =	swait.ge [sflag:s30], $0x2800  }
0x4c: {  	[sflag:s30] =	ssyncset.done $0x0  }
0x4d: {  	[sflag:s30] =	ssyncadd.s32 $0xFFFFD800  }
0x4e: {  	[tilespmem:s29], [sflag:$0x6] =	stream.linear.gather [spmem:s11], $0x2800, $0x38;
	[tilespmem:$0x16280] =	vst v63  }
0x4f: {  	_ =	swait.ge [sflag:s2], $0x2800  }
0x50: {  	[sflag:s2] =	ssyncset.done $0x0  }
0x51: {  	s24 =	rddreg [dreg:$0xa];
	[sflag:s2] =	ssyncadd.s32 $0xFFFFD800  }
0x52: {  	[hbm4b:s24+s4] =	stream.linear.scatter [tilespmem:s29], [sflag:$0x5], $0x2800, $0x38;
	[tilespmem:$0x16280] =	vst v63  }
0x53: {  	_ =	swait.ge [sflag:s30], $0x2800  }
0x54: {  	[sflag:s30] =	ssyncset.done $0x0  }
0x55: {  	[sflag:s30] =	ssyncadd.s32 $0xFFFFD800  }
0x56: {  	[tilespmem:s29], [sflag:$0x6] =	stream.linear.gather [spmem:s12], $0x2800, $0x38;
	[tilespmem:$0x16280] =	vst v63  }
0x57: {  	_ =	swait.ge [sflag:s2], $0x2800  }
0x58: {  	[sflag:s2] =	ssyncset.done $0x0  }
0x59: {  	s25 =	rddreg [dreg:$0xb];
	[sflag:s2] =	ssyncadd.s32 $0xFFFFD800  }
0x5a: {  	[hbm4b:s25+s4] =	stream.linear.scatter [tilespmem:s29], [sflag:$0x5], $0x2800, $0x38;
	[tilespmem:$0x16280] =	vst v63  }
0x5b: {  	_ =	swait.ge [sflag:s30], $0x2800  }
0x5c: {  	[sflag:s30] =	ssyncset.done $0x0  }
0x5d: {  	[sflag:s30] =	ssyncadd.s32 $0xFFFFD800  }
0x5e: {  	[tilespmem:s29], [sflag:$0x6] =	stream.linear.gather [spmem:s21], $0x2800, $0x38;
	[tilespmem:$0x16280] =	vst v63  }
0x5f: {  	_ =	swait.ge [sflag:s2], $0x2800  }
0x60: {  	[sflag:s2] =	ssyncset.done $0x0  }
0x61: {  	s26 =	rddreg [dreg:$0xc];
	[sflag:s2] =	ssyncadd.s32 $0xFFFFD800  }
0x62: {  	[hbm4b:s26+s4] =	stream.linear.scatter [tilespmem:s29], [sflag:$0x5], $0x2800, $0x38;
	[tilespmem:$0x16280] =	vst v63  }
0x63: {  	_ =	swait.ge [sflag:s30], $0x2800  }
0x64: {  	[sflag:s30] =	ssyncset.done $0x0  }
0x65: {  	s17 =	simm.s32 @!p0 $0x6;
	s16 =	simm.s32 @!p0 $0x200;
	[sflag:s30] =	ssyncadd.s32 $0xFFFFD800  }
0x66: {  	[tilespmem:s16], [sflag:$0x6] =	stream.linear.gather @!p0 [spmem:s22], $0x2800, $0x38;
	[tilespmem:$0x16280] =	vst v63  }
0x67: {  	_ =	swait.ge @!p0 [sflag:s17], $0x2800  }
0x68: {  	[sflag:s17] =	ssyncset.done @!p0 $0x0  }
0x69: {  	s18 =	rddreg [dreg:$0xd];
	[sflag:s17] =	ssyncadd.s32 @!p0 $0xFFFFD800;
	s17 =	simm.s32 @!p0 $0x0  }
0x6a: {  	[hbm4b:s18+s17] =	stream.linear.scatter @!p0 [tilespmem:s16], [sflag:$0x5], $0x2800, $0x38;
	[tilespmem:$0x16280] =	vst v63  }
0x6b: {  	s16 =	simm.s32 @!p0 $0x5  }
0x6c: {  	_ =	swait.ge @!p0 [sflag:s16], $0x2800  }
0x6d: {  	s15 =	sadd.s32 $0x1, s15;
	s28 =	rddreg [dreg:$0x5]  }
0x6e: {  	p1 =	sne.s32 s15, s28  }
.Ltmp1:
0x6f: {  	_ = 	snop;
	(pc) =	sbr.rel @!p1 .LBB2_17-.Ltmp1, $3  }
0x70: {  	_ =	sdelay $0x1  }
0x71: {  	[sflag:s16] =	ssyncset.done @!p0 $0x0  }
0x72: {  	[sflag:s16] =	ssyncadd.s32 @!p0 $0xFFFFD800  }
.LBB2_1:
0x73: {  	s16 =	simm.s32 $0x0;
	s17 =	simm.s32 $0x200  }
.LBB2_2:
0x74: {  	p1 =	sne.s32 s17, $0x9E00;
	[tilespmem:s16+$0x270] =	vst v0  }
0x75: {  	[tilespmem:s16+$0x200] =	vst v0  }
0x76: {  	[tilespmem:s16+$0x210] =	vst v0  }
.Ltmp2:
0x77: {  	[tilespmem:s16+$0x220] =	vst v0;
	(pc) =	sbr.rel @p1 .LBB2_2-.Ltmp2, $4  }
0x78: {  	[tilespmem:s16+$0x230] =	vst v0  }
0x79: {  	[tilespmem:s16+$0x240] =	vst v0  }
0x7a: {  	[tilespmem:s16+$0x250] =	vst v0  }
0x7b: {  	[tilespmem:s16+$0x260] =	vst v0;
	s16 =	sshra.s32 s17, $0x2;
	s17 =	sadd.s32 $0x200, s17  }
0x7c: {  	[tilespmem:s16+$0x270] =	vst v0  }
0x7d: {  	[tilespmem:s16+$0x200] =	vst v0  }
0x7e: {  	[tilespmem:s16+$0x210] =	vst v0  }
0x7f: {  	[tilespmem:s16+$0x220] =	vst v0  }
0x80: {  	[tilespmem:s16+$0x230] =	vst v0  }
0x81: {  	[tilespmem:s16+$0x240] =	vst v0  }
0x82: {  	[tilespmem:s16+$0x250] =	vst v0  }
0x83: {  	[tilespmem:s16+$0x260] =	vst v0  }
0x84: {  	[spmem:s7] =	stream.linear.scatter [tilespmem:s29], [sflag:$0x5], $0x2800, $0x38;
	[tilespmem:$0x16280] =	vst v63  }
0x85: {  	_ =	swait.ge [sflag:s30], $0x2800  }
0x86: {  	[sflag:s30] =	ssyncset.done $0x0  }
0x87: {  	[sflag:s30] =	ssyncadd.s32 $0xFFFFD800  }
0x88: {  	[spmem:s8] =	stream.linear.scatter [tilespmem:s29], [sflag:$0x5], $0x2800, $0x38;
	[tilespmem:$0x16280] =	vst v63  }
0x89: {  	_ =	swait.ge [sflag:s30], $0x2800  }
0x8a: {  	[sflag:s30] =	ssyncset.done $0x0  }
0x8b: {  	[sflag:s30] =	ssyncadd.s32 $0xFFFFD800  }
0x8c: {  	[spmem:s9] =	stream.linear.scatter [tilespmem:s29], [sflag:$0x5], $0x2800, $0x38;
	[tilespmem:$0x16280] =	vst v63  }
0x8d: {  	_ =	swait.ge [sflag:s30], $0x2800  }
0x8e: {  	[sflag:s30] =	ssyncset.done $0x0  }
0x8f: {  	[sflag:s30] =	ssyncadd.s32 $0xFFFFD800  }
0x90: {  	[spmem:s10] =	stream.linear.scatter [tilespmem:s29], [sflag:$0x5], $0x2800, $0x38;
	[tilespmem:$0x16280] =	vst v63  }
0x91: {  	_ =	swait.ge [sflag:s30], $0x2800  }
0x92: {  	[sflag:s30] =	ssyncset.done $0x0  }
0x93: {  	[sflag:s30] =	ssyncadd.s32 $0xFFFFD800  }
0x94: {  	[spmem:s11] =	stream.linear.scatter [tilespmem:s29], [sflag:$0x5], $0x2800, $0x38;
	[tilespmem:$0x16280] =	vst v63  }
0x95: {  	_ =	swait.ge [sflag:s30], $0x2800  }
0x96: {  	[sflag:s30] =	ssyncset.done $0x0  }
0x97: {  	[sflag:s30] =	ssyncadd.s32 $0xFFFFD800  }
0x98: {  	[spmem:s12] =	stream.linear.scatter [tilespmem:s29], [sflag:$0x5], $0x2800, $0x38;
	[tilespmem:$0x16280] =	vst v63  }
0x99: {  	_ =	swait.ge [sflag:s30], $0x2800  }
0x9a: {  	[sflag:s30] =	ssyncset.done $0x0  }
0x9b: {  	[sflag:s30] =	ssyncadd.s32 $0xFFFFD800  }
0x9c: {  	[spmem:s21] =	stream.linear.scatter [tilespmem:s29], [sflag:$0x5], $0x2800, $0x38;
	[tilespmem:$0x16280] =	vst v63  }
0x9d: {  	_ =	swait.ge [sflag:s30], $0x2800  }
0x9e: {  	[sflag:s30] =	ssyncset.done $0x0  }
0x9f: {  	s16 =	simm.s32 @!p0 $0x200;
	[sflag:s30] =	ssyncadd.s32 $0xFFFFD800  }
0xa0: {  	[spmem:s22] =	stream.linear.scatter @!p0 [tilespmem:s16], [sflag:$0x5], $0x2800, $0x38;
	[tilespmem:$0x16280] =	vst v63  }
0xa1: {  	s16 =	simm.s32 @!p0 $0x5  }
0xa2: {  	_ =	swait.ge @!p0 [sflag:s16], $0x2800  }
0xa3: {  	[sflag:s16] =	ssyncset.done @!p0 $0x0  }
0xa4: {  	s17 =	simm.s32 $0x0;
	[sflag:s16] =	ssyncadd.s32 @!p0 $0xFFFFD800;
	s16 =	simm.s32 $0x200  }
.LBB2_4:
0xa5: {  	p1 =	sne.s32 s16, $0x9E00;
	[tilespmem:s17+$0x200] =	vst v1;
	s17 =	smov.u32 s16;
	s16 =	sadd.s32 $0x200, s16  }
.Ltmp3:
0xa6: {  	(pc) =	sbr.rel @p1 .LBB2_4-.Ltmp3, $2  }
0xa7: {  	_ =	sdelay $0x2  }
0xa8: {  	s17 =	sshra.s32 s17, $0x2  }
0xa9: {  	[tilespmem:s17+$0x200] =	vst v1  }
0xaa: {  	[bflag:$0x0] =	sbarrier.arrive $0xFFFF  }
0xab: {  	s26 =	rddreg [dreg:$0x4]  }
0xac: {  	s28 =	rddreg [dreg:$0x12]  }
0xad: {  	s25 =	rddreg [dreg:$0x10]  }
.Ltmp4:
0xae: {  	s24 =	rddreg [dreg:$0xf];
	(pc) =	sbr.rel .LBB2_6-.Ltmp4, $4  }
0xaf: {  	s16 =	simm.s32 $0x0;
	s23 =	rddreg [dreg:$0xe]  }
0xb0: {  	[tilespmem:s16], [sflag:$0x1] =	stream.linear.gather [hbm4b:s26+s16], $0x50, $0x38;
	[tilespmem:$0x16280] =	vst v63  }
0xb1: {  	s18 =	simm.s32 $0x80;
	s17 =	simm.s32 $0x3;
	s26 =	rddreg [dreg:$0x11]  }
0xb2: {  	[tilespmem:s18], [sflag:$0x2] =	stream.linear.gather [hbm4b:s28+s16], $0x50, $0x38;
	[tilespmem:$0x16280] =	vst v63  }
.LBB2_14:
0xb3: {  	_ =	swait.ge [sflag:s14], $0x50  }
0xb4: {  	[sflag:s14] =	ssyncset.done $0x0  }
0xb5: {  	[sflag:s14] =	ssyncadd.s32 $0xFFFFFFB0  }
0xb6: {  	[spmem:s3] =	stream.indirect.scatter.add.f32 [tilespmem:s29], [sflag:$0x4], $0x80, s5, s31, $0xb8;
	[tilespmem:$0x16280] =	vst v63  }
.LBB2_15:
0xb7: {  	p1 =	sgt.u32 s17, $0x7D  }
0xb8: {  	s18 =	simm.s32 @!p1 $0x3  }
0xb9: {  	_ =	swait.ge @!p1 [sflag:s18], $0x2800  }
0xba: {  	s17 =	sadd.s32 $0x4, s17;
	[sflag:s18] =	ssyncset.done @!p1 $0x0  }
0xbb: {  	[sflag:s18] =	ssyncadd.s32 @!p1 $0xFFFFD800;
	p1 =	sne.s32 s17, $0x87  }
.Ltmp5:
0xbc: {  	_ = 	snop;
	(pc) =	sbr.rel @!p1 .LBB2_16-.Ltmp5, $4  }
0xbd: {  	p2 =	sgt.u32 s16, $0x1D;
	s16 =	sadd.s32 $0x1, s16  }
0xbe: {  	s24 =	sadd.s32 $0x140, s24;
	s19 =	simm.s32 @!p2 $0x80;
	s18 =	simm.s32 @!p2 $0x0  }
0xbf: {  	[tilespmem:s19], [sflag:$0x2] =	stream.linear.gather @!p2 [hbm4b:s23+s18], $0x50, $0x38;
	[tilespmem:$0x16280] =	vst v63  }
0xc0: {  	s25 =	sadd.s32 $0x28, s25;
	s26 =	sadd.s32 $0x28, s26;
	s23 =	sadd.s32 $0x28, s23  }
.LBB2_6:
0xc1: {  	p1 =	seq.s32 s17, $0x83  }
.Ltmp6:
0xc2: {  	_ = 	snop;
	(pc) =	sbr.rel @p1 .LBB2_16-.Ltmp6, $1  }
0xc3: {  	_ =	sdelay $0x3  }
0xc4: {  	_ =	swait.ge [sflag:s0], $0x50;
	s20 =	sadd.s32 $0xFFFFFFFC, s17  }
0xc5: {  	[sflag:s0] =	ssyncset.done $0x0;
	p1 =	sgt.u32 s20, $0x7C  }
0xc6: {  	s20 =	sadd.s32 $0xFFFFFFFF, s17;
	[sflag:s0] =	ssyncadd.s32 $0xFFFFFFB0;
	s28 =	simm.s32 @!p1 $0x4  }
0xc7: {  	[spmem:s3] =	stream.indirect.scatter.add.f32 [tilespmem:s29], [sflag:$0x3], $0x80, s4, s31, $0xb8;
	[tilespmem:$0x16280] =	vst v63  }
0xc8: {  	p3 =	sgt.u32 s20, $0x7C;
	_ =	swait.ge @!p1 [sflag:s28], $0x2800  }
0xc9: {  	s19 =	simm.s32 @!p3 $0x100;
	[sflag:s28] =	ssyncset.done @!p1 $0x0  }
0xca: {  	[sflag:s28] =	ssyncadd.s32 @!p1 $0xFFFFD800;
	s28 =	simm.s32 @!p3 $0x0;
	p1 =	sgt.u32 s16, $0x1E  }
0xcb: {  	[tilespmem:s19], [sflag:$0x1] =	stream.linear.gather @!p3 [hbm4b:s26+s28], $0x50, $0x38;
	[tilespmem:$0x16280] =	vst v63  }
0xcc: {  	s19 =	simm.s32 @!p1 $0x2  }
0xcd: {  	p2 =	sgt.u32 s17, $0x7C;
	_ =	swait.ge @!p1 [sflag:s19], $0x50  }
0xce: {  	s28 =	simm.s32 @!p1 $0x80;
	s18 =	simm.s32 @!p1 $0x200;
	[sflag:s19] =	ssyncset.done @!p1 $0x0  }
.Ltmp7:
0xcf: {  	[sflag:s19] =	ssyncadd.s32 @!p1 $0xFFFFFFB0;
	s19 =	simm.s32 @!p1 $0x50;
	(pc) =	sbr.rel @p2 .LBB2_9-.Ltmp7, $4  }
0xd0: {  	[spmem:s3] =	stream.indirect.scatter.add.f32 @!p1 [tilespmem:s18], [sflag:$0x4], $0x80, s28, s19, $0xb8;
	[tilespmem:$0x16280] =	vst v63  }
0xd1: {  	_ =	swait.ge [sflag:s6], $0x2800  }
0xd2: {  	[sflag:s6] =	ssyncset.done $0x0  }
0xd3: {  	[sflag:s6] =	ssyncadd.s32 $0xFFFFD800  }
.Ltmp8:
0xd4: {  	(pc) =	sbr.rel .LBB2_10-.Ltmp8, $2  }
0xd5: {  	_ =	sdelay $0x2  }
0xd6: {  	[tilespmem:s5], [sflag:$0x2] =	stream.linear.gather [hbm4b:s25+s4], $0x50, $0x38;
	[tilespmem:$0x16280] =	vst v63  }
.LBB2_9:
.Ltmp9:
0xd7: {  	(pc) =	sbr.rel @p3 .LBB2_11-.Ltmp9, $1  }
0xd8: {  	_ =	sdelay $0x3  }
.LBB2_10:
0xd9: {  	_ =	swait.ge [sflag:s0], $0x50  }
0xda: {  	[sflag:s0] =	ssyncset.done $0x0  }
0xdb: {  	[sflag:s0] =	ssyncadd.s32 $0xFFFFFFB0  }
0xdc: {  	[spmem:s3] =	stream.indirect.scatter.add.f32 [tilespmem:s29], [sflag:$0x3], $0x80, s13, s31, $0xb8;
	[tilespmem:$0x16280] =	vst v63  }
.LBB2_11:
.Ltmp10:
0xdd: {  	p3 =	sgt.u32 s20, $0x7D;
	(pc) =	sbr.rel @p1 .LBB2_13-.Ltmp10, $4  }
0xde: {  	s18 =	simm.s32 @!p3 $0x4  }
0xdf: {  	_ =	swait.ge @!p3 [sflag:s18], $0x2800  }
0xe0: {  	[sflag:s18] =	ssyncset.done @!p3 $0x0  }
0xe1: {  	[sflag:s18] =	ssyncadd.s32 @!p3 $0xFFFFD800  }
0xe2: {  	p1 =	slt.u32 s17, $0x7D  }
.Ltmp11:
0xe3: {  	_ = 	snop;
	(pc) =	sbr.rel @p1 .LBB2_14-.Ltmp11, $4  }
.Ltmp12:
0xe4: {  	_ = 	snop;
	(pc) =	sbr.rel @!p1 .LBB2_15-.Ltmp12, $4  }
0xe5: {  	s18 =	sshrl.u32 s24, $0x3  }
0xe6: {  	s18 =	sadd.s32 s1, s18  }
0xe7: {  	[tilespmem:s4], [sflag:$0x1] =	stream.linear.gather [hbm4b:s18+s4], $0x50, $0x38;
	[tilespmem:$0x16280] =	vst v63  }
0xe8: {  	_ = 	snop  }
.LBB2_13:
.Ltmp13:
0xe9: {  	(pc) =	sbr.rel @p2 .LBB2_15-.Ltmp13, $4  }
.Ltmp14:
0xea: {  	(pc) =	sbr.rel @!p2 .LBB2_14-.Ltmp14, $4  }
0xeb: {  	_ = 	snop  }
0xec: {  	_ = 	snop  }
0xed: {  	_ = 	snop  }
0xee: {  	_ = 	snop  }
.LBB2_17:
0xef: {  	_ =	sfence.sel $0x180000  }
0xf0: {  	[bflag:$0x0] =	sbarrier.arrive $0xFFFF  }
0xf1: {  	_ =	strace $0x9000004A  }
0xf2: {  	s0 =	stileid.u32;
	[bflag:$0x2] =	sbarrier.arrive $0xFFFF  }
0xf3: {  	p0 =	sne.s32 s0, $0x0;
	s0 =	rddreg [dreg:$0x3]  }
0xf4: {  	s0 =	sadd.s32 @!p0 $0x100000, s0  }
0xf5: {  	[sflag:s0] =	ssyncadd.tile.s32 @!p0 $0x1;
	_ =	shalt  }
.Lfunc_end2:
_tile_overlayer_lowered:
.L_overlay_start_2:
0xf6: {  	(tag) =	ssettag $0x2  }
0xf7: {  	s0 =	rddreg [dreg:$0x0];
	s2 =	stileid.u32  }
0xf8: {  	s1 =	rddreg [dreg:$0x1];
	p0 =	sne.s32 s2, $0x0  }
0xf9: {  	s3 =	rddreg [dreg:$0x2];
	[bflag:$0x3] =	sbarrier.arrive $0xFFFF;
	s2 =	simm.s32 @!p0 $0x1C05  }
0xfa: {  	[timem:s3], [sflag:s2] =	dma.local @!p0 [hbm:s0], s1  }
0xfb: {  	s0 =	simm.s32 @!p0 $0x5  }
0xfc: {  	_ =	swait.ge @!p0 [sflag:s0], s1  }
0xfd: {  	s1 =	ssub.s32 @!p0 $0x0, s1;
	[sflag:s0] =	ssyncset.done @!p0 $0x0  }
0xfe: {  	[sflag:s0] =	ssyncadd.s32 @!p0 s1  }
0xff: {  	[bflag:$0x3] =	sbarrier.arrive $0xFFFF  }
0x100: {  	_ =	shalt  }

</sc_bundles>
